<compile_context>
chip_gen: v7x
topology: tpu7x:2x2x1
jax: 0.10.2.dev20260603
libtpu: 0.0.44.dev20260713+nightly
codegen_flags: <defaults>
</compile_context>

<pallas_src>
import functools

import jax
import jax.numpy as jnp
from jax import lax
from jax.experimental import pallas as pl
from jax.experimental.pallas import tpu as pltpu
from jax.experimental.pallas import tpu_sc as plsc

_VOCAB = 1000000
_B = 4096
_L = 200
_D = 64
_NW = 32
_BPW = _B // _NW
_NG = _L // 16

_GATHER_DNUMS = lax.GatherDimensionNumbers(
    offset_dims=(), collapsed_slice_dims=(0,), start_index_map=(0,)
)


def _vgather(x, idx):
    return lax.gather(
        x,
        idx[:, None],
        _GATHER_DNUMS,
        slice_sizes=(1,),
        mode=lax.GatherScatterMode.PROMISE_IN_BOUNDS,
    )


def _make_sc_call():
    mesh = plsc.VectorSubcoreMesh(core_axis_name="c", subcore_axis_name="s")

    @functools.partial(
        pl.kernel,
        out_type=jax.ShapeDtypeStruct((_B, _L, _D), jnp.float32),
        mesh=mesh,
        scratch_types=[
            pltpu.VMEM((_BPW, _L), jnp.int32),
            pltpu.VMEM((_L, _D // 4), jnp.int32),
            pltpu.VMEM((_L, _D // 4), jnp.int32),
            pltpu.VMEM((_L,), jnp.float32),
            pltpu.VMEM((_L,), jnp.float32),
            pltpu.VMEM((_L, _D), jnp.float32),
            pltpu.VMEM((_L, _D), jnp.float32),
            pltpu.SemaphoreType.DMA,
            pltpu.SemaphoreType.DMA,
            pltpu.SemaphoreType.DMA,
            pltpu.SemaphoreType.DMA,
        ],
        compiler_params=pltpu.CompilerParams(
            needs_layout_passes=False, use_tc_tiling_on_sc=False
        ),
    )
    def sc_kernel(
        idx_hbm, tab_hbm, scl_hbm, out_hbm,
        idx_v, rows0, rows1, scl0, scl1, outv0, outv1,
        gsem0, gsem1, osem0, osem1,
    ):
        rows_b = (rows0, rows1)
        scl_b = (scl0, scl1)
        outv_b = (outv0, outv1)
        gsem_b = (gsem0, gsem1)
        osem_b = (osem0, osem1)


        wid = lax.axis_index("s") * 2 + lax.axis_index("c")
        lane = lax.iota(jnp.int32, 16)
        shl = (3 - (lane & 3)) << 3
        lane24 = jnp.full((16,), 24, jnp.int32)
        word_sel_k = [(lane >> 2) + 4 * k for k in range(4)]
        splat_const = [jnp.full((16,), ri, jnp.int32) for ri in range(16)]
        gcols = [16 * j for j in range(_NG)] + [_L - 16]

        pltpu.sync_copy(
            idx_hbm.at[pl.ds(pl.multiple_of(wid * _BPW, 8), _BPW)], idx_v
        )

        def fire(c, b):
            for lo, n in ((0, 128), (128, _L - 128)):
                pltpu.async_copy(
                    tab_hbm.at[idx_v.at[c, pl.ds(lo, n)]],
                    rows_b[b].at[pl.ds(lo, n)],
                    gsem_b[b],
                )
                pltpu.async_copy(
                    scl_hbm.at[idx_v.at[c, pl.ds(lo, n)]],
                    scl_b[b].at[pl.ds(lo, n)],
                    gsem_b[b],
                )

        def drain_gathers(b):
            pltpu.make_async_copy(
                tab_hbm.at[pl.ds(0, _L)], rows_b[b], gsem_b[b]
            ).wait()
            pltpu.make_async_copy(
                scl_hbm.at[pl.ds(0, _L)], scl_b[b], gsem_b[b]
            ).wait()

        def compute(c, b):
            rows_v, scl_v, out_v = rows_b[b], scl_b[b], outv_b[b]

            def do_rows(col, ri_lo):
                s16 = scl_v[pl.ds(col, 16)]
                for ri in range(ri_lo, 16):
                    rr = col + ri
                    s = _vgather(s16, splat_const[ri])
                    w = rows_v[rr]
                    for k in range(4):
                        wk = _vgather(w, word_sel_k[k])
                        bts = lax.shift_right_arithmetic(
                            lax.shift_left(wk, shl), lane24
                        )
                        out_v[rr, pl.ds(16 * k, 16)] = (
                            bts.astype(jnp.float32) * s
                        )

            def group_body(g, _):
                do_rows(g * 16, 0)
                return 0

            lax.fori_loop(0, _NG, group_body, 0)
            do_rows(_L - 16, 8)

        def fire_out(c, b):
            pltpu.async_copy(
                outv_b[b], out_hbm.at[wid * _BPW + c], osem_b[b]
            )

        def drain_out(b):
            pltpu.make_async_copy(
                outv_b[b], out_hbm.at[0], osem_b[b]
            ).wait()

        fire(0, 0)

        def pipe_body(i, _):
            for b in range(2):
                c = 2 * i + b
                drain_gathers(b)

                @pl.when(c + 1 < _BPW)
                def _():
                    fire(c + 1, b ^ 1)

                @pl.when(c >= 2)
                def _():
                    drain_out(b)

                compute(c, b)
                fire_out(c, b)
            return 0

        lax.fori_loop(0, _BPW // 2, pipe_body, 0)
        drain_out(0)
        drain_out(1)

    return sc_kernel


_SC_CALL = _make_sc_call()

def _make_repack_call():
    mesh = plsc.VectorSubcoreMesh(core_axis_name="c", subcore_axis_name="s")
    rows_per_worker = _VOCAB // _NW
    chunk = 1250

    @functools.partial(
        pl.kernel,
        out_type=jax.ShapeDtypeStruct((_VOCAB, _D // 4), jnp.int32),
        mesh=mesh,
        scratch_types=[
            pltpu.VMEM((chunk, _D), jnp.int8),
            pltpu.VMEM((chunk, _D // 4), jnp.int32),
            pltpu.SemaphoreType.DMA,
        ],
        compiler_params=pltpu.CompilerParams(
            needs_layout_passes=False, use_tc_tiling_on_sc=False
        ),
    )
    def repack(tab8_hbm, tab32_hbm, v8, v32, sem):
        wid = lax.axis_index("s") * 2 + lax.axis_index("c")
        base = wid * rows_per_worker

        def chunk_body(cc, _):
            lo = base + cc * chunk
            pltpu.sync_copy(tab8_hbm.at[pl.ds(lo, chunk)], v8)

            def row_body(r, _):
                v32[r] = plsc.bitcast(v8[r], jnp.int32)
                return 0

            lax.fori_loop(0, chunk, row_body, 0, unroll=4)
            pltpu.sync_copy(v32, tab32_hbm.at[pl.ds(lo, chunk)])
            return 0

        lax.fori_loop(0, rows_per_worker // chunk, chunk_body, 0)

    return repack


_REPACK = _make_repack_call()



def kernel(indices, weight, scales):
    tab32 = _REPACK(weight)
    return _SC_CALL(indices, tab32, scales)

# --- scband reference (transcript-rebuilt; emitter-appended) ---
"""Pipeline reference for scband-quantized-embedding-30691836297604 (READ-ONLY COPY).

The authoritative reference and input builder live on the scoring server;
editing this copy changes nothing except your own understanding.
"""

import jax, jax.numpy as jnp
import numpy as np

VOCAB = 1000000
EMBED_DIM = 64
BATCH = 4096
HIST = 200


def setup_inputs(seed: int = 0) -> dict:
    key = jax.random.key(seed)
    k1, k2, k3 = jax.random.split(key, 3)
    indices = jax.random.randint(k1, (BATCH, HIST), 0, VOCAB, dtype=jnp.int32)
    # int8 per-row quantized weight table (buffer 'weight' in the module)
    weight = jax.random.randint(k2, (VOCAB, EMBED_DIM), -128, 128, dtype=jnp.int8)
    # per-channel (per-row) scales (buffer 'scales')
    scales = jax.random.uniform(k3, (VOCAB,), dtype=jnp.float32) * 0.01 + 1e-4
    return {"indices": indices, "weight": weight, "scales": scales}


def reference(indices, weight, scales):
    # quantized_decomposed::embedding_byte.dtype with zero_points=None:
    # gather int8 rows, dequantize: (q - 0) * scale_per_row, output in float32.
    rows = jnp.take(weight, indices, axis=0).astype(jnp.float32)  # [B, L, D]
    s = jnp.take(scales, indices, axis=0)  # [B, L]
    return rows * s[..., None]

if __name__ == "__main__":
    import jax
    _d = setup_inputs()
    print(jax.jit(kernel)(*tuple(_d.values())))

</pallas_src>

<mosaic_0001>
#map = affine_map<(d0, d1) -> (0, 0)>
module attributes {stable_mosaic.version = 14 : i64} {
  func.func @repack(%arg0: i32, %arg1: i32, %arg2: memref<1000000x64xi8, #tpu.memory_space<hbm>>, %arg3: memref<1000000x16xi32, #tpu.memory_space<hbm>>, %arg4: memref<1250x64xi8, #tpu.memory_space<vmem>>, %arg5: memref<1250x16xi32, #tpu.memory_space<vmem>>, %arg6: memref<!tpu.dma_semaphore, #tpu.memory_space<semaphore_mem>>) attributes {dimension_semantics = [#tpu.dimension_semantics<core_parallel>, #tpu.dimension_semantics<subcore_parallel>], iteration_bounds = array<i64: 2, 16>, scalar_prefetch = 0 : i64, scratch_operands = 3 : i64, tpu.core_type = #tpu.core_type<sc_vector_subcore>, window_params = [{transform_indices = #map}, {transform_indices = #map}]} {
    %mul3A = arith.constant 2 : i32
    %mul3A_0 = arith.muli %arg1, %mul3A : i32
    %add3A = arith.addi %mul3A_0, %arg0 : i32
    %mul3A_1 = arith.constant 31250 : i32
    %mul3A_2 = arith.muli %add3A, %mul3A_1 : i32
    %scan3A = arith.constant 0 : i32
    %scan3A_3 = arith.constant 0 : i32
    %scan3A_4 = arith.constant 25 : i32
    %scan3A_5 = arith.addi %scan3A_3, %scan3A_4 : i32
    %scan3A_6 = arith.constant 1 : i32
    %scan3A_7 = scf.for %scan3A_9 = %scan3A_3 to %scan3A_5 step %scan3A_6 iter_args(%scan3A_10 = %scan3A) -> (i32)  : i32 {
      %mul3A_11 = arith.constant 1250 : i32
      %mul3A_12 = arith.muli %scan3A_9, %mul3A_11 : i32
      %add3A_13 = arith.addi %mul3A_2, %mul3A_12 : i32
      "tpu.region"() ({
        %run_scoped3A = tpu.sem_alloc : memref<!tpu.dma_semaphore, #tpu.memory_space<semaphore_mem>>
        %dma_start3A = arith.constant 0 : i32
        %dma_start3A_39 = tpu.memref_slice %arg2[%add3A_13, %dma_start3A] : memref<1000000x64xi8, #tpu.memory_space<hbm>> -> memref<1250x64xi8, #tpu.memory_space<hbm>>
        %dma_start3A_40 = arith.constant 0 : i32
        %dma_start3A_41 = tpu.memref_slice %arg2[%add3A_13, %dma_start3A_40] : memref<1000000x64xi8, #tpu.memory_space<hbm>> -> memref<1250x64xi8, #tpu.memory_space<hbm>>
        tpu.enqueue_dma source(%dma_start3A_41 : memref<1250x64xi8, #tpu.memory_space<hbm>>) target(%arg4 : memref<1250x64xi8, #tpu.memory_space<vmem>>) target_semaphore(%run_scoped3A : memref<!tpu.dma_semaphore, #tpu.memory_space<semaphore_mem>>)
        %dma_wait3A = arith.constant 0 : i32
        %dma_wait3A_42 = tpu.memref_slice %arg2[%add3A_13, %dma_wait3A] : memref<1000000x64xi8, #tpu.memory_space<hbm>> -> memref<1250x64xi8, #tpu.memory_space<hbm>>
        %dma_wait3A_43 = arith.constant 0 : i32
        %dma_wait3A_44 = tpu.memref_slice %arg2[%add3A_13, %dma_wait3A_43] : memref<1000000x64xi8, #tpu.memory_space<hbm>> -> memref<1250x64xi8, #tpu.memory_space<hbm>>
        tpu.wait_dma2 semaphore(%run_scoped3A : memref<!tpu.dma_semaphore, #tpu.memory_space<semaphore_mem>>) src(%dma_wait3A_44 : memref<1250x64xi8, #tpu.memory_space<hbm>>) dst(%arg4 : memref<1250x64xi8, #tpu.memory_space<vmem>>)
        tpu.yield
      }) : () -> ()
      %scan3A_14 = arith.constant 0 : i32
      %scan3A_15 = arith.constant 0 : i32
      %scan3A_16 = arith.constant 1248 : i32
      %scan3A_17 = arith.addi %scan3A_15, %scan3A_16 : i32
      %scan3A_18 = arith.constant 4 : i32
      %scan3A_19 = scf.for %scan3A_39 = %scan3A_15 to %scan3A_17 step %scan3A_18 iter_args(%scan3A_40 = %scan3A_14) -> (i32)  : i32 {
        %get3A_41 = arith.index_cast %scan3A_39 : i32 to index
        %get3A_42 = arith.constant 0 : index
        %get3A_43 = tpu.vector_load %arg4[%get3A_41, %get3A_42] {strides = array<i32>} : memref<1250x64xi8, #tpu.memory_space<vmem>>, vector<64xi8>,
        %bitcast3A_44 = vector.bitcast %get3A_43 : vector<64xi8> to vector<16xi32>
        %swap3A_45 = arith.index_cast %scan3A_39 : i32 to index
        %swap3A_46 = arith.constant 0 : index
        %swap3A_47 = tpu.vector_load %arg5[%swap3A_45, %swap3A_46] {strides = array<i32>} : memref<1250x16xi32, #tpu.memory_space<vmem>>, vector<16xi32>,
        tpu.vector_store %arg5[%swap3A_45, %swap3A_46], %bitcast3A_44 {strides = array<i32>} : memref<1250x16xi32, #tpu.memory_space<vmem>>, vector<16xi32>,
        %scan3A_48 = arith.constant 0 : i32
        %scan3A_49 = arith.constant 1 : i32
        %scan3A_50 = arith.addi %scan3A_39, %scan3A_49 : i32
        %get3A_51 = arith.index_cast %scan3A_50 : i32 to index
        %get3A_52 = arith.constant 0 : index
        %get3A_53 = tpu.vector_load %arg4[%get3A_51, %get3A_52] {strides = array<i32>} : memref<1250x64xi8, #tpu.memory_space<vmem>>, vector<64xi8>,
        %bitcast3A_54 = vector.bitcast %get3A_53 : vector<64xi8> to vector<16xi32>
        %swap3A_55 = arith.index_cast %scan3A_50 : i32 to index
        %swap3A_56 = arith.constant 0 : index
        %swap3A_57 = tpu.vector_load %arg5[%swap3A_55, %swap3A_56] {strides = array<i32>} : memref<1250x16xi32, #tpu.memory_space<vmem>>, vector<16xi32>,
        tpu.vector_store %arg5[%swap3A_55, %swap3A_56], %bitcast3A_54 {strides = array<i32>} : memref<1250x16xi32, #tpu.memory_space<vmem>>, vector<16xi32>,
        %scan3A_58 = arith.constant 0 : i32
        %scan3A_59 = arith.constant 2 : i32
        %scan3A_60 = arith.addi %scan3A_39, %scan3A_59 : i32
        %get3A_61 = arith.index_cast %scan3A_60 : i32 to index
        %get3A_62 = arith.constant 0 : index
        %get3A_63 = tpu.vector_load %arg4[%get3A_61, %get3A_62] {strides = array<i32>} : memref<1250x64xi8, #tpu.memory_space<vmem>>, vector<64xi8>,
        %bitcast3A_64 = vector.bitcast %get3A_63 : vector<64xi8> to vector<16xi32>
        %swap3A_65 = arith.index_cast %scan3A_60 : i32 to index
        %swap3A_66 = arith.constant 0 : index
        %swap3A_67 = tpu.vector_load %arg5[%swap3A_65, %swap3A_66] {strides = array<i32>} : memref<1250x16xi32, #tpu.memory_space<vmem>>, vector<16xi32>,
        tpu.vector_store %arg5[%swap3A_65, %swap3A_66], %bitcast3A_64 {strides = array<i32>} : memref<1250x16xi32, #tpu.memory_space<vmem>>, vector<16xi32>,
        %scan3A_68 = arith.constant 0 : i32
        %scan3A_69 = arith.constant 3 : i32
        %scan3A_70 = arith.addi %scan3A_39, %scan3A_69 : i32
        %get3A_71 = arith.index_cast %scan3A_70 : i32 to index
        %get3A_72 = arith.constant 0 : index
        %get3A_73 = tpu.vector_load %arg4[%get3A_71, %get3A_72] {strides = array<i32>} : memref<1250x64xi8, #tpu.memory_space<vmem>>, vector<64xi8>,
        %bitcast3A_74 = vector.bitcast %get3A_73 : vector<64xi8> to vector<16xi32>
        %swap3A_75 = arith.index_cast %scan3A_70 : i32 to index
        %swap3A_76 = arith.constant 0 : index
        %swap3A_77 = tpu.vector_load %arg5[%swap3A_75, %swap3A_76] {strides = array<i32>} : memref<1250x16xi32, #tpu.memory_space<vmem>>, vector<16xi32>,
        tpu.vector_store %arg5[%swap3A_75, %swap3A_76], %bitcast3A_74 {strides = array<i32>} : memref<1250x16xi32, #tpu.memory_space<vmem>>, vector<16xi32>,
        %scan3A_78 = arith.constant 0 : i32
        scf.yield %scan3A_78 : i32
      }
      %scan3A_20 = arith.constant 1248 : i32
      %scan3A_21 = arith.addi %scan3A_15, %scan3A_20 : i32
      %get3A = arith.index_cast %scan3A_21 : i32 to index
      %get3A_22 = arith.constant 0 : index
      %get3A_23 = tpu.vector_load %arg4[%get3A, %get3A_22] {strides = array<i32>} : memref<1250x64xi8, #tpu.memory_space<vmem>>, vector<64xi8>,
      %bitcast3A = vector.bitcast %get3A_23 : vector<64xi8> to vector<16xi32>
      %swap3A = arith.index_cast %scan3A_21 : i32 to index
      %swap3A_24 = arith.constant 0 : index
      %swap3A_25 = tpu.vector_load %arg5[%swap3A, %swap3A_24] {strides = array<i32>} : memref<1250x16xi32, #tpu.memory_space<vmem>>, vector<16xi32>,
      tpu.vector_store %arg5[%swap3A, %swap3A_24], %bitcast3A {strides = array<i32>} : memref<1250x16xi32, #tpu.memory_space<vmem>>, vector<16xi32>,
      %scan3A_26 = arith.constant 0 : i32
      %scan3A_27 = arith.constant 1249 : i32
      %scan3A_28 = arith.addi %scan3A_15, %scan3A_27 : i32
      %get3A_29 = arith.index_cast %scan3A_28 : i32 to index
      %get3A_30 = arith.constant 0 : index
      %get3A_31 = tpu.vector_load %arg4[%get3A_29, %get3A_30] {strides = array<i32>} : memref<1250x64xi8, #tpu.memory_space<vmem>>, vector<64xi8>,
      %bitcast3A_32 = vector.bitcast %get3A_31 : vector<64xi8> to vector<16xi32>
      %swap3A_33 = arith.index_cast %scan3A_28 : i32 to index
      %swap3A_34 = arith.constant 0 : index
      %swap3A_35 = tpu.vector_load %arg5[%swap3A_33, %swap3A_34] {strides = array<i32>} : memref<1250x16xi32, #tpu.memory_space<vmem>>, vector<16xi32>,
      tpu.vector_store %arg5[%swap3A_33, %swap3A_34], %bitcast3A_32 {strides = array<i32>} : memref<1250x16xi32, #tpu.memory_space<vmem>>, vector<16xi32>,
      %scan3A_36 = arith.constant 0 : i32
      %scan3A_37 = arith.constant 1250 : i32
      "tpu.region"() ({
        %run_scoped3A = tpu.sem_alloc : memref<!tpu.dma_semaphore, #tpu.memory_space<semaphore_mem>>
        %dma_start3A = arith.constant 0 : i32
        %dma_start3A_39 = tpu.memref_slice %arg3[%add3A_13, %dma_start3A] : memref<1000000x16xi32, #tpu.memory_space<hbm>> -> memref<1250x16xi32, #tpu.memory_space<hbm>>
        %dma_start3A_40 = arith.constant 0 : i32
        %dma_start3A_41 = tpu.memref_slice %arg3[%add3A_13, %dma_start3A_40] : memref<1000000x16xi32, #tpu.memory_space<hbm>> -> memref<1250x16xi32, #tpu.memory_space<hbm>>
        tpu.enqueue_dma source(%arg5 : memref<1250x16xi32, #tpu.memory_space<vmem>>) target(%dma_start3A_41 : memref<1250x16xi32, #tpu.memory_space<hbm>>) target_semaphore(%run_scoped3A : memref<!tpu.dma_semaphore, #tpu.memory_space<semaphore_mem>>)
        %dma_wait3A = arith.constant 0 : i32
        %dma_wait3A_42 = tpu.memref_slice %arg3[%add3A_13, %dma_wait3A] : memref<1000000x16xi32, #tpu.memory_space<hbm>> -> memref<1250x16xi32, #tpu.memory_space<hbm>>
        %dma_wait3A_43 = arith.constant 0 : i32
        %dma_wait3A_44 = tpu.memref_slice %arg3[%add3A_13, %dma_wait3A_43] : memref<1000000x16xi32, #tpu.memory_space<hbm>> -> memref<1250x16xi32, #tpu.memory_space<hbm>>
        tpu.wait_dma2 semaphore(%run_scoped3A : memref<!tpu.dma_semaphore, #tpu.memory_space<semaphore_mem>>) src(%arg5 : memref<1250x16xi32, #tpu.memory_space<vmem>>) dst(%dma_wait3A_44 : memref<1250x16xi32, #tpu.memory_space<hbm>>)
        tpu.yield
      }) : () -> ()
      %scan3A_38 = arith.constant 0 : i32
      scf.yield %scan3A_38 : i32
    }
    %scan3A_8 = arith.constant 25 : i32
    return
  }
}

#map = affine_map<(d0, d1) -> (0, 0)>
#map1 = affine_map<(d0, d1) -> (0)>
#map2 = affine_map<(d0, d1) -> (0, 0, 0)>
module attributes {stable_mosaic.version = 14 : i64} {
  func.func @sc_kernel(%arg0: i32, %arg1: i32, %arg2: memref<4096x200xi32, #tpu.memory_space<hbm>>, %arg3: memref<1000000x16xi32, #tpu.memory_space<hbm>>, %arg4: memref<1000000xf32, #tpu.memory_space<hbm>>, %arg5: memref<4096x200x64xf32, #tpu.memory_space<hbm>>, %arg6: memref<128x200xi32, #tpu.memory_space<vmem>>, %arg7: memref<200x16xi32, #tpu.memory_space<vmem>>, %arg8: memref<200x16xi32, #tpu.memory_space<vmem>>, %arg9: memref<200xf32, #tpu.memory_space<vmem>>, %arg10: memref<200xf32, #tpu.memory_space<vmem>>, %arg11: memref<200x64xf32, #tpu.memory_space<vmem>>, %arg12: memref<200x64xf32, #tpu.memory_space<vmem>>, %arg13: memref<!tpu.dma_semaphore, #tpu.memory_space<semaphore_mem>>, %arg14: memref<!tpu.dma_semaphore, #tpu.memory_space<semaphore_mem>>, %arg15: memref<!tpu.dma_semaphore, #tpu.memory_space<semaphore_mem>>, %arg16: memref<!tpu.dma_semaphore, #tpu.memory_space<semaphore_mem>>) attributes {dimension_semantics = [#tpu.dimension_semantics<core_parallel>, #tpu.dimension_semantics<subcore_parallel>], iteration_bounds = array<i64: 2, 16>, scalar_prefetch = 0 : i64, scratch_operands = 11 : i64, tpu.core_type = #tpu.core_type<sc_vector_subcore>, window_params = [{transform_indices = #map}, {transform_indices = #map}, {transform_indices = #map1}, {transform_indices = #map2}]} {
    %mul3A = arith.constant 2 : i32
    %mul3A_0 = arith.muli %arg1, %mul3A : i32
    %add3A = arith.addi %mul3A_0, %arg0 : i32
    %iota3A = tpu.iota {dimensions = array<i32: 0>} : vector<16xi32>
    %and3A = arith.constant 3 : i32
    %and3A_1 = vector.broadcast %and3A : i32 to vector<16xi32>
    %and3A_2 = arith.andi %iota3A, %and3A_1 : vector<16xi32>
    %sub3A = arith.constant 3 : i32
    %sub3A_3 = vector.broadcast %sub3A : i32 to vector<16xi32>
    %sub3A_4 = arith.subi %sub3A_3, %and3A_2 : vector<16xi32>
    %shift_left3A = arith.constant 3 : i32
    %shift_left3A_5 = vector.broadcast %shift_left3A : i32 to vector<16xi32>
    %shift_left3A_6 = arith.shli %sub3A_4, %shift_left3A_5 : vector<16xi32>
    %broadcast_in_dim3A = arith.constant 24 : i32
    %broadcast_in_dim3A_7 = vector.broadcast %broadcast_in_dim3A : i32 to vector<16xi32>
    %shift_right_arithmetic3A = arith.constant 2 : i32
    %shift_right_arithmetic3A_8 = vector.broadcast %shift_right_arithmetic3A : i32 to vector<16xi32>
    %shift_right_arithmetic3A_9 = arith.shrsi %iota3A, %shift_right_arithmetic3A_8 : vector<16xi32>
    %add3A_10 = arith.constant 0 : i32
    %add3A_11 = vector.broadcast %add3A_10 : i32 to vector<16xi32>
    %add3A_12 = arith.addi %shift_right_arithmetic3A_9, %add3A_11 : vector<16xi32>
    %shift_right_arithmetic3A_13 = arith.constant 2 : i32
    %shift_right_arithmetic3A_14 = vector.broadcast %shift_right_arithmetic3A_13 : i32 to vector<16xi32>
    %shift_right_arithmetic3A_15 = arith.shrsi %iota3A, %shift_right_arithmetic3A_14 : vector<16xi32>
    %add3A_16 = arith.constant 4 : i32
    %add3A_17 = vector.broadcast %add3A_16 : i32 to vector<16xi32>
    %add3A_18 = arith.addi %shift_right_arithmetic3A_15, %add3A_17 : vector<16xi32>
    %shift_right_arithmetic3A_19 = arith.constant 2 : i32
    %shift_right_arithmetic3A_20 = vector.broadcast %shift_right_arithmetic3A_19 : i32 to vector<16xi32>
    %shift_right_arithmetic3A_21 = arith.shrsi %iota3A, %shift_right_arithmetic3A_20 : vector<16xi32>
    %add3A_22 = arith.constant 8 : i32
    %add3A_23 = vector.broadcast %add3A_22 : i32 to vector<16xi32>
    %add3A_24 = arith.addi %shift_right_arithmetic3A_21, %add3A_23 : vector<16xi32>
    %shift_right_arithmetic3A_25 = arith.constant 2 : i32
    %shift_right_arithmetic3A_26 = vector.broadcast %shift_right_arithmetic3A_25 : i32 to vector<16xi32>
    %shift_right_arithmetic3A_27 = arith.shrsi %iota3A, %shift_right_arithmetic3A_26 : vector<16xi32>
    %add3A_28 = arith.constant 12 : i32
    %add3A_29 = vector.broadcast %add3A_28 : i32 to vector<16xi32>
    %add3A_30 = arith.addi %shift_right_arithmetic3A_27, %add3A_29 : vector<16xi32>
    %broadcast_in_dim3A_31 = arith.constant 0 : i32
    %broadcast_in_dim3A_32 = vector.broadcast %broadcast_in_dim3A_31 : i32 to vector<16xi32>
    %broadcast_in_dim3A_33 = arith.constant 1 : i32
    %broadcast_in_dim3A_34 = vector.broadcast %broadcast_in_dim3A_33 : i32 to vector<16xi32>
    %broadcast_in_dim3A_35 = arith.constant 2 : i32
    %broadcast_in_dim3A_36 = vector.broadcast %broadcast_in_dim3A_35 : i32 to vector<16xi32>
    %broadcast_in_dim3A_37 = arith.constant 3 : i32
    %broadcast_in_dim3A_38 = vector.broadcast %broadcast_in_dim3A_37 : i32 to vector<16xi32>
    %broadcast_in_dim3A_39 = arith.constant 4 : i32
    %broadcast_in_dim3A_40 = vector.broadcast %broadcast_in_dim3A_39 : i32 to vector<16xi32>
    %broadcast_in_dim3A_41 = arith.constant 5 : i32
    %broadcast_in_dim3A_42 = vector.broadcast %broadcast_in_dim3A_41 : i32 to vector<16xi32>
    %broadcast_in_dim3A_43 = arith.constant 6 : i32
    %broadcast_in_dim3A_44 = vector.broadcast %broadcast_in_dim3A_43 : i32 to vector<16xi32>
    %broadcast_in_dim3A_45 = arith.constant 7 : i32
    %broadcast_in_dim3A_46 = vector.broadcast %broadcast_in_dim3A_45 : i32 to vector<16xi32>
    %broadcast_in_dim3A_47 = arith.constant 8 : i32
    %broadcast_in_dim3A_48 = vector.broadcast %broadcast_in_dim3A_47 : i32 to vector<16xi32>
    %broadcast_in_dim3A_49 = arith.constant 9 : i32
    %broadcast_in_dim3A_50 = vector.broadcast %broadcast_in_dim3A_49 : i32 to vector<16xi32>
    %broadcast_in_dim3A_51 = arith.constant 10 : i32
    %broadcast_in_dim3A_52 = vector.broadcast %broadcast_in_dim3A_51 : i32 to vector<16xi32>
    %broadcast_in_dim3A_53 = arith.constant 11 : i32
    %broadcast_in_dim3A_54 = vector.broadcast %broadcast_in_dim3A_53 : i32 to vector<16xi32>
    %broadcast_in_dim3A_55 = arith.constant 12 : i32
    %broadcast_in_dim3A_56 = vector.broadcast %broadcast_in_dim3A_55 : i32 to vector<16xi32>
    %broadcast_in_dim3A_57 = arith.constant 13 : i32
    %broadcast_in_dim3A_58 = vector.broadcast %broadcast_in_dim3A_57 : i32 to vector<16xi32>
    %broadcast_in_dim3A_59 = arith.constant 14 : i32
    %broadcast_in_dim3A_60 = vector.broadcast %broadcast_in_dim3A_59 : i32 to vector<16xi32>
    %broadcast_in_dim3A_61 = arith.constant 15 : i32
    %broadcast_in_dim3A_62 = vector.broadcast %broadcast_in_dim3A_61 : i32 to vector<16xi32>
    %mul3A_63 = arith.constant 128 : i32
    %mul3A_64 = arith.muli %add3A, %mul3A_63 : i32
    %multiple_of3A = tpu.assume_multiple %mul3A_64, 8 : i32
    "tpu.region"() ({
      %run_scoped3A = tpu.sem_alloc : memref<!tpu.dma_semaphore, #tpu.memory_space<semaphore_mem>>
      %dma_start3A_123 = arith.constant 0 : i32
      %dma_start3A_124 = tpu.memref_slice %arg2[%multiple_of3A, %dma_start3A_123] : memref<4096x200xi32, #tpu.memory_space<hbm>> -> memref<128x200xi32, #tpu.memory_space<hbm>>
      %dma_start3A_125 = arith.constant 0 : i32
      %dma_start3A_126 = tpu.memref_slice %arg2[%multiple_of3A, %dma_start3A_125] : memref<4096x200xi32, #tpu.memory_space<hbm>> -> memref<128x200xi32, #tpu.memory_space<hbm>>
      tpu.enqueue_dma source(%dma_start3A_126 : memref<128x200xi32, #tpu.memory_space<hbm>>) target(%arg6 : memref<128x200xi32, #tpu.memory_space<vmem>>) target_semaphore(%run_scoped3A : memref<!tpu.dma_semaphore, #tpu.memory_space<semaphore_mem>>)
      %dma_wait3A_127 = arith.constant 0 : i32
      %dma_wait3A_128 = tpu.memref_slice %arg2[%multiple_of3A, %dma_wait3A_127] : memref<4096x200xi32, #tpu.memory_space<hbm>> -> memref<128x200xi32, #tpu.memory_space<hbm>>
      %dma_wait3A_129 = arith.constant 0 : i32
      %dma_wait3A_130 = tpu.memref_slice %arg2[%multiple_of3A, %dma_wait3A_129] : memref<4096x200xi32, #tpu.memory_space<hbm>> -> memref<128x200xi32, #tpu.memory_space<hbm>>
      tpu.wait_dma2 semaphore(%run_scoped3A : memref<!tpu.dma_semaphore, #tpu.memory_space<semaphore_mem>>) src(%dma_wait3A_130 : memref<128x200xi32, #tpu.memory_space<hbm>>) dst(%arg6 : memref<128x200xi32, #tpu.memory_space<vmem>>)
      tpu.yield
    }) : () -> ()
    %dma_start3A = arith.constant 0 : i32
    %dma_start3A_65 = arith.constant 0 : i32
    %dma_start3A_66 = arith.constant 0 : i32
    %dma_start3A_67 = tpu.memref_slice %arg7[%dma_start3A_65, %dma_start3A_66] : memref<200x16xi32, #tpu.memory_space<vmem>> -> memref<128x16xi32, #tpu.memory_space<vmem>>
    %dma_start3A_68 = arith.constant 0 : i32
    %dma_start3A_69 = tpu.memref_slice %arg6[%dma_start3A, %dma_start3A_68] : memref<128x200xi32, #tpu.memory_space<vmem>> -> memref<1x128xi32, #tpu.memory_space<vmem>>
    %dma_start3A_70 = tpu.memref_squeeze %dma_start3A_69 : memref<1x128xi32, #tpu.memory_space<vmem>> -> memref<128xi32, #tpu.memory_space<vmem>>
    %dma_start3A_71 = arith.constant 0 : i32
    %dma_start3A_72 = arith.constant 0 : i32
    %dma_start3A_73 = tpu.memref_slice %arg3[%dma_start3A_71, %dma_start3A_72] : memref<1000000x16xi32, #tpu.memory_space<hbm>> -> memref<1000000x16xi32, #tpu.memory_space<hbm>>
    tpu.enqueue_indirect_dma source(%dma_start3A_73 : memref<1000000x16xi32, #tpu.memory_space<hbm>>) target(%dma_start3A_67 : memref<128x16xi32, #tpu.memory_space<vmem>>) offsets(%dma_start3A_70 : memref<128xi32, #tpu.memory_space<vmem>>) semaphore(%arg13 : memref<!tpu.dma_semaphore, #tpu.memory_space<semaphore_mem>>)
    %dma_start3A_74 = arith.constant 0 : i32
    %dma_start3A_75 = arith.constant 0 : i32
    %dma_start3A_76 = tpu.memref_slice %arg9[%dma_start3A_75] : memref<200xf32, #tpu.memory_space<vmem>> -> memref<128xf32, #tpu.memory_space<vmem>>
    %dma_start3A_77 = arith.constant 0 : i32
    %dma_start3A_78 = tpu.memref_slice %arg6[%dma_start3A_74, %dma_start3A_77] : memref<128x200xi32, #tpu.memory_space<vmem>> -> memref<1x128xi32, #tpu.memory_space<vmem>>
    %dma_start3A_79 = tpu.memref_squeeze %dma_start3A_78 : memref<1x128xi32, #tpu.memory_space<vmem>> -> memref<128xi32, #tpu.memory_space<vmem>>
    %dma_start3A_80 = arith.constant 0 : i32
    %dma_start3A_81 = tpu.memref_slice %arg4[%dma_start3A_80] : memref<1000000xf32, #tpu.memory_space<hbm>> -> memref<1000000xf32, #tpu.memory_space<hbm>>
    tpu.enqueue_indirect_dma source(%dma_start3A_81 : memref<1000000xf32, #tpu.memory_space<hbm>>) target(%dma_start3A_76 : memref<128xf32, #tpu.memory_space<vmem>>) offsets(%dma_start3A_79 : memref<128xi32, #tpu.memory_space<vmem>>) semaphore(%arg13 : memref<!tpu.dma_semaphore, #tpu.memory_space<semaphore_mem>>)
    %dma_start3A_82 = arith.constant 0 : i32
    %dma_start3A_83 = arith.constant 128 : i32
    %dma_start3A_84 = arith.constant 0 : i32
    %dma_start3A_85 = tpu.memref_slice %arg7[%dma_start3A_83, %dma_start3A_84] : memref<200x16xi32, #tpu.memory_space<vmem>> -> memref<72x16xi32, #tpu.memory_space<vmem>>
    %dma_start3A_86 = arith.constant 128 : i32
    %dma_start3A_87 = tpu.memref_slice %arg6[%dma_start3A_82, %dma_start3A_86] : memref<128x200xi32, #tpu.memory_space<vmem>> -> memref<1x72xi32, #tpu.memory_space<vmem>>
    %dma_start3A_88 = tpu.memref_squeeze %dma_start3A_87 : memref<1x72xi32, #tpu.memory_space<vmem>> -> memref<72xi32, #tpu.memory_space<vmem>>
    %dma_start3A_89 = arith.constant 0 : i32
    %dma_start3A_90 = arith.constant 0 : i32
    %dma_start3A_91 = tpu.memref_slice %arg3[%dma_start3A_89, %dma_start3A_90] : memref<1000000x16xi32, #tpu.memory_space<hbm>> -> memref<1000000x16xi32, #tpu.memory_space<hbm>>
    tpu.enqueue_indirect_dma source(%dma_start3A_91 : memref<1000000x16xi32, #tpu.memory_space<hbm>>) target(%dma_start3A_85 : memref<72x16xi32, #tpu.memory_space<vmem>>) offsets(%dma_start3A_88 : memref<72xi32, #tpu.memory_space<vmem>>) semaphore(%arg13 : memref<!tpu.dma_semaphore, #tpu.memory_space<semaphore_mem>>)
    %dma_start3A_92 = arith.constant 0 : i32
    %dma_start3A_93 = arith.constant 128 : i32
    %dma_start3A_94 = tpu.memref_slice %arg9[%dma_start3A_93] : memref<200xf32, #tpu.memory_space<vmem>> -> memref<72xf32, #tpu.memory_space<vmem>>
    %dma_start3A_95 = arith.constant 128 : i32
    %dma_start3A_96 = tpu.memref_slice %arg6[%dma_start3A_92, %dma_start3A_95] : memref<128x200xi32, #tpu.memory_space<vmem>> -> memref<1x72xi32, #tpu.memory_space<vmem>>
    %dma_start3A_97 = tpu.memref_squeeze %dma_start3A_96 : memref<1x72xi32, #tpu.memory_space<vmem>> -> memref<72xi32, #tpu.memory_space<vmem>>
    %dma_start3A_98 = arith.constant 0 : i32
    %dma_start3A_99 = tpu.memref_slice %arg4[%dma_start3A_98] : memref<1000000xf32, #tpu.memory_space<hbm>> -> memref<1000000xf32, #tpu.memory_space<hbm>>
    tpu.enqueue_indirect_dma source(%dma_start3A_99 : memref<1000000xf32, #tpu.memory_space<hbm>>) target(%dma_start3A_94 : memref<72xf32, #tpu.memory_space<vmem>>) offsets(%dma_start3A_97 : memref<72xi32, #tpu.memory_space<vmem>>) semaphore(%arg13 : memref<!tpu.dma_semaphore, #tpu.memory_space<semaphore_mem>>)
    %scan3A = arith.constant 0 : i32
    %scan3A_100 = arith.constant 0 : i32
    %scan3A_101 = arith.constant 64 : i32
    %scan3A_102 = arith.addi %scan3A_100, %scan3A_101 : i32
    %scan3A_103 = arith.constant 1 : i32
    %scan3A_104 = scf.for %scan3A_123 = %scan3A_100 to %scan3A_102 step %scan3A_103 iter_args(%scan3A_124 = %scan3A) -> (i32)  : i32 {
      %mul3A_125 = arith.constant 2 : i32
      %mul3A_126 = arith.muli %mul3A_125, %scan3A_123 : i32
      %add3A_127 = arith.constant 0 : i32
      %add3A_128 = arith.addi %mul3A_126, %add3A_127 : i32
      %dma_wait3A_129 = arith.constant 0 : i32
      %dma_wait3A_130 = arith.constant 0 : i32
      %dma_wait3A_131 = tpu.memref_slice %arg3[%dma_wait3A_129, %dma_wait3A_130] : memref<1000000x16xi32, #tpu.memory_space<hbm>> -> memref<200x16xi32, #tpu.memory_space<hbm>>
      %dma_wait3A_132 = arith.constant 0 : i32
      %dma_wait3A_133 = arith.constant 0 : i32
      %dma_wait3A_134 = tpu.memref_slice %arg3[%dma_wait3A_132, %dma_wait3A_133] : memref<1000000x16xi32, #tpu.memory_space<hbm>> -> memref<200x16xi32, #tpu.memory_space<hbm>>
      tpu.wait_dma2 semaphore(%arg13 : memref<!tpu.dma_semaphore, #tpu.memory_space<semaphore_mem>>) src(%dma_wait3A_134 : memref<200x16xi32, #tpu.memory_space<hbm>>) dst(%arg7 : memref<200x16xi32, #tpu.memory_space<vmem>>)
      %dma_wait3A_135 = arith.constant 0 : i32
      %dma_wait3A_136 = tpu.memref_slice %arg4[%dma_wait3A_135] : memref<1000000xf32, #tpu.memory_space<hbm>> -> memref<200xf32, #tpu.memory_space<hbm>>
      %dma_wait3A_137 = arith.constant 0 : i32
      %dma_wait3A_138 = tpu.memref_slice %arg4[%dma_wait3A_137] : memref<1000000xf32, #tpu.memory_space<hbm>> -> memref<200xf32, #tpu.memory_space<hbm>>
      tpu.wait_dma2 semaphore(%arg13 : memref<!tpu.dma_semaphore, #tpu.memory_space<semaphore_mem>>) src(%dma_wait3A_138 : memref<200xf32, #tpu.memory_space<hbm>>) dst(%arg9 : memref<200xf32, #tpu.memory_space<vmem>>)
      %add3A_139 = arith.constant 1 : i32
      %add3A_140 = arith.addi %add3A_128, %add3A_139 : i32
      %lt3A = arith.constant 128 : i32
      %lt3A_141 = arith.cmpi slt, %add3A_140, %lt3A : i32
      %convert_element_type3A = arith.extui %lt3A_141 : i1 to i32
      %cond3A = arith.constant 0 : i32
      %cond3A_142 = arith.cmpi ne, %convert_element_type3A, %cond3A : i32
      scf.if %cond3A_142 {
        %add3A_1027 = arith.constant 1 : i32
        %add3A_1028 = arith.addi %add3A_128, %add3A_1027 : i32
        %dma_start3A_1029 = arith.constant 0 : i32
        %dma_start3A_1030 = arith.constant 0 : i32
        %dma_start3A_1031 = tpu.memref_slice %arg8[%dma_start3A_1029, %dma_start3A_1030] : memref<200x16xi32, #tpu.memory_space<vmem>> -> memref<128x16xi32, #tpu.memory_space<vmem>>
        %dma_start3A_1032 = arith.constant 0 : i32
        %dma_start3A_1033 = tpu.memref_slice %arg6[%add3A_1028, %dma_start3A_1032] : memref<128x200xi32, #tpu.memory_space<vmem>> -> memref<1x128xi32, #tpu.memory_space<vmem>>
        %dma_start3A_1034 = tpu.memref_squeeze %dma_start3A_1033 : memref<1x128xi32, #tpu.memory_space<vmem>> -> memref<128xi32, #tpu.memory_space<vmem>>
        %dma_start3A_1035 = arith.constant 0 : i32
        %dma_start3A_1036 = arith.constant 0 : i32
        %dma_start3A_1037 = tpu.memref_slice %arg3[%dma_start3A_1035, %dma_start3A_1036] : memref<1000000x16xi32, #tpu.memory_space<hbm>> -> memref<1000000x16xi32, #tpu.memory_space<hbm>>
        tpu.enqueue_indirect_dma source(%dma_start3A_1037 : memref<1000000x16xi32, #tpu.memory_space<hbm>>) target(%dma_start3A_1031 : memref<128x16xi32, #tpu.memory_space<vmem>>) offsets(%dma_start3A_1034 : memref<128xi32, #tpu.memory_space<vmem>>) semaphore(%arg14 : memref<!tpu.dma_semaphore, #tpu.memory_space<semaphore_mem>>)
        %dma_start3A_1038 = arith.constant 0 : i32
        %dma_start3A_1039 = tpu.memref_slice %arg10[%dma_start3A_1038] : memref<200xf32, #tpu.memory_space<vmem>> -> memref<128xf32, #tpu.memory_space<vmem>>
        %dma_start3A_1040 = arith.constant 0 : i32
        %dma_start3A_1041 = tpu.memref_slice %arg6[%add3A_1028, %dma_start3A_1040] : memref<128x200xi32, #tpu.memory_space<vmem>> -> memref<1x128xi32, #tpu.memory_space<vmem>>
        %dma_start3A_1042 = tpu.memref_squeeze %dma_start3A_1041 : memref<1x128xi32, #tpu.memory_space<vmem>> -> memref<128xi32, #tpu.memory_space<vmem>>
        %dma_start3A_1043 = arith.constant 0 : i32
        %dma_start3A_1044 = tpu.memref_slice %arg4[%dma_start3A_1043] : memref<1000000xf32, #tpu.memory_space<hbm>> -> memref<1000000xf32, #tpu.memory_space<hbm>>
        tpu.enqueue_indirect_dma source(%dma_start3A_1044 : memref<1000000xf32, #tpu.memory_space<hbm>>) target(%dma_start3A_1039 : memref<128xf32, #tpu.memory_space<vmem>>) offsets(%dma_start3A_1042 : memref<128xi32, #tpu.memory_space<vmem>>) semaphore(%arg14 : memref<!tpu.dma_semaphore, #tpu.memory_space<semaphore_mem>>)
        %dma_start3A_1045 = arith.constant 128 : i32
        %dma_start3A_1046 = arith.constant 0 : i32
        %dma_start3A_1047 = tpu.memref_slice %arg8[%dma_start3A_1045, %dma_start3A_1046] : memref<200x16xi32, #tpu.memory_space<vmem>> -> memref<72x16xi32, #tpu.memory_space<vmem>>
        %dma_start3A_1048 = arith.constant 128 : i32
        %dma_start3A_1049 = tpu.memref_slice %arg6[%add3A_1028, %dma_start3A_1048] : memref<128x200xi32, #tpu.memory_space<vmem>> -> memref<1x72xi32, #tpu.memory_space<vmem>>
        %dma_start3A_1050 = tpu.memref_squeeze %dma_start3A_1049 : memref<1x72xi32, #tpu.memory_space<vmem>> -> memref<72xi32, #tpu.memory_space<vmem>>
        %dma_start3A_1051 = arith.constant 0 : i32
        %dma_start3A_1052 = arith.constant 0 : i32
        %dma_start3A_1053 = tpu.memref_slice %arg3[%dma_start3A_1051, %dma_start3A_1052] : memref<1000000x16xi32, #tpu.memory_space<hbm>> -> memref<1000000x16xi32, #tpu.memory_space<hbm>>
        tpu.enqueue_indirect_dma source(%dma_start3A_1053 : memref<1000000x16xi32, #tpu.memory_space<hbm>>) target(%dma_start3A_1047 : memref<72x16xi32, #tpu.memory_space<vmem>>) offsets(%dma_start3A_1050 : memref<72xi32, #tpu.memory_space<vmem>>) semaphore(%arg14 : memref<!tpu.dma_semaphore, #tpu.memory_space<semaphore_mem>>)
        %dma_start3A_1054 = arith.constant 128 : i32
        %dma_start3A_1055 = tpu.memref_slice %arg10[%dma_start3A_1054] : memref<200xf32, #tpu.memory_space<vmem>> -> memref<72xf32, #tpu.memory_space<vmem>>
        %dma_start3A_1056 = arith.constant 128 : i32
        %dma_start3A_1057 = tpu.memref_slice %arg6[%add3A_1028, %dma_start3A_1056] : memref<128x200xi32, #tpu.memory_space<vmem>> -> memref<1x72xi32, #tpu.memory_space<vmem>>
        %dma_start3A_1058 = tpu.memref_squeeze %dma_start3A_1057 : memref<1x72xi32, #tpu.memory_space<vmem>> -> memref<72xi32, #tpu.memory_space<vmem>>
        %dma_start3A_1059 = arith.constant 0 : i32
        %dma_start3A_1060 = tpu.memref_slice %arg4[%dma_start3A_1059] : memref<1000000xf32, #tpu.memory_space<hbm>> -> memref<1000000xf32, #tpu.memory_space<hbm>>
        tpu.enqueue_indirect_dma source(%dma_start3A_1060 : memref<1000000xf32, #tpu.memory_space<hbm>>) target(%dma_start3A_1055 : memref<72xf32, #tpu.memory_space<vmem>>) offsets(%dma_start3A_1058 : memref<72xi32, #tpu.memory_space<vmem>>) semaphore(%arg14 : memref<!tpu.dma_semaphore, #tpu.memory_space<semaphore_mem>>)
      } else {
      }
      %ge3A = arith.constant 2 : i32
      %ge3A_143 = arith.cmpi sge, %add3A_128, %ge3A : i32
      %convert_element_type3A_144 = arith.extui %ge3A_143 : i1 to i32
      %cond3A_145 = arith.constant 0 : i32
      %cond3A_146 = arith.cmpi ne, %convert_element_type3A_144, %cond3A_145 : i32
      scf.if %cond3A_146 {
        %dma_wait3A_1027 = arith.constant 0 : i32
        %dma_wait3A_1028 = arith.constant 0 : i32
        %dma_wait3A_1029 = arith.constant 0 : i32
        %dma_wait3A_1030 = tpu.memref_slice %arg5[%dma_wait3A_1027, %dma_wait3A_1028, %dma_wait3A_1029] : memref<4096x200x64xf32, #tpu.memory_space<hbm>> -> memref<1x200x64xf32, #tpu.memory_space<hbm>>
        %dma_wait3A_1031 = tpu.memref_squeeze %dma_wait3A_1030 : memref<1x200x64xf32, #tpu.memory_space<hbm>> -> memref<200x64xf32, #tpu.memory_space<hbm>>
        %dma_wait3A_1032 = arith.constant 0 : i32
        %dma_wait3A_1033 = arith.constant 0 : i32
        %dma_wait3A_1034 = tpu.memref_slice %arg5[%dma_wait3A_1027, %dma_wait3A_1032, %dma_wait3A_1033] : memref<4096x200x64xf32, #tpu.memory_space<hbm>> -> memref<1x200x64xf32, #tpu.memory_space<hbm>>
        %dma_wait3A_1035 = tpu.memref_squeeze %dma_wait3A_1034 : memref<1x200x64xf32, #tpu.memory_space<hbm>> -> memref<200x64xf32, #tpu.memory_space<hbm>>
        tpu.wait_dma2 semaphore(%arg15 : memref<!tpu.dma_semaphore, #tpu.memory_space<semaphore_mem>>) src(%arg11 : memref<200x64xf32, #tpu.memory_space<vmem>>) dst(%dma_wait3A_1035 : memref<200x64xf32, #tpu.memory_space<hbm>>)
      } else {
      }
      %scan3A_147 = arith.constant 0 : i32
      %scan3A_148 = arith.constant 0 : i32
      %scan3A_149 = arith.constant 12 : i32
      %scan3A_150 = arith.addi %scan3A_148, %scan3A_149 : i32
      %scan3A_151 = arith.constant 1 : i32
      %scan3A_152 = scf.for %scan3A_1027 = %scan3A_148 to %scan3A_150 step %scan3A_151 iter_args(%scan3A_1028 = %scan3A_147) -> (i32)  : i32 {
        %mul3A_1029 = arith.constant 16 : i32
        %mul3A_1030 = arith.muli %scan3A_1027, %mul3A_1029 : i32
        %get3A_1031 = arith.index_cast %mul3A_1030 : i32 to index
        %get3A_1032 = tpu.vector_load %arg9[%get3A_1031] {strides = array<i32>} : memref<200xf32, #tpu.memory_space<vmem>>, vector<16xf32>,
        %add3A_1033 = arith.constant 0 : i32
        %add3A_1034 = arith.addi %mul3A_1030, %add3A_1033 : i32
        %broadcast_in_dim3A_1035 = vector.shape_cast %broadcast_in_dim3A_32 : vector<16xi32> to vector<16x1xi32>
        %gather3A_1036 = vector.shape_cast %broadcast_in_dim3A_1035 : vector<16x1xi32> to vector<16xi32>
        %gather3A_1037 = tpu.dynamic_gather %get3A_1032[%gather3A_1036] in [0] : vector<16xf32>, vector<16xi32> -> vector<16xf32>
        %get3A_1038 = arith.index_cast %add3A_1034 : i32 to index
        %get3A_1039 = arith.constant 0 : index
        %get3A_1040 = tpu.vector_load %arg7[%get3A_1038, %get3A_1039] {strides = array<i32>} : memref<200x16xi32, #tpu.memory_space<vmem>>, vector<16xi32>,
        %broadcast_in_dim3A_1041 = vector.shape_cast %add3A_12 : vector<16xi32> to vector<16x1xi32>
        %gather3A_1042 = vector.shape_cast %broadcast_in_dim3A_1041 : vector<16x1xi32> to vector<16xi32>
        %gather3A_1043 = tpu.dynamic_gather %get3A_1040[%gather3A_1042] in [0] : vector<16xi32>, vector<16xi32> -> vector<16xi32>
        %shift_left3A_1044 = arith.shli %gather3A_1043, %shift_left3A_6 : vector<16xi32>
        %shift_right_arithmetic3A_1045 = arith.shrsi %shift_left3A_1044, %broadcast_in_dim3A_7 : vector<16xi32>
        %convert_element_type3A_1046 = arith.sitofp %shift_right_arithmetic3A_1045 : vector<16xi32> to vector<16xf32>
        %mul3A_1047 = arith.mulf %convert_element_type3A_1046, %gather3A_1037 : vector<16xf32>
        %swap3A_1048 = arith.index_cast %add3A_1034 : i32 to index
        %swap3A_1049 = arith.constant 0 : index
        %swap3A_1050 = tpu.vector_load %arg11[%swap3A_1048, %swap3A_1049] {strides = array<i32>} : memref<200x64xf32, #tpu.memory_space<vmem>>, vector<16xf32>,
        tpu.vector_store %arg11[%swap3A_1048, %swap3A_1049], %mul3A_1047 {strides = array<i32>} : memref<200x64xf32, #tpu.memory_space<vmem>>, vector<16xf32>,
        %broadcast_in_dim3A_1051 = vector.shape_cast %add3A_18 : vector<16xi32> to vector<16x1xi32>
        %gather3A_1052 = vector.shape_cast %broadcast_in_dim3A_1051 : vector<16x1xi32> to vector<16xi32>
        %gather3A_1053 = tpu.dynamic_gather %get3A_1040[%gather3A_1052] in [0] : vector<16xi32>, vector<16xi32> -> vector<16xi32>
        %shift_left3A_1054 = arith.shli %gather3A_1053, %shift_left3A_6 : vector<16xi32>
        %shift_right_arithmetic3A_1055 = arith.shrsi %shift_left3A_1054, %broadcast_in_dim3A_7 : vector<16xi32>
        %convert_element_type3A_1056 = arith.sitofp %shift_right_arithmetic3A_1055 : vector<16xi32> to vector<16xf32>
        %mul3A_1057 = arith.mulf %convert_element_type3A_1056, %gather3A_1037 : vector<16xf32>
        %swap3A_1058 = arith.index_cast %add3A_1034 : i32 to index
        %swap3A_1059 = arith.constant 16 : index
        %swap3A_1060 = tpu.vector_load %arg11[%swap3A_1058, %swap3A_1059] {strides = array<i32>} : memref<200x64xf32, #tpu.memory_space<vmem>>, vector<16xf32>,
        tpu.vector_store %arg11[%swap3A_1058, %swap3A_1059], %mul3A_1057 {strides = array<i32>} : memref<200x64xf32, #tpu.memory_space<vmem>>, vector<16xf32>,
        %broadcast_in_dim3A_1061 = vector.shape_cast %add3A_24 : vector<16xi32> to vector<16x1xi32>
        %gather3A_1062 = vector.shape_cast %broadcast_in_dim3A_1061 : vector<16x1xi32> to vector<16xi32>
        %gather3A_1063 = tpu.dynamic_gather %get3A_1040[%gather3A_1062] in [0] : vector<16xi32>, vector<16xi32> -> vector<16xi32>
        %shift_left3A_1064 = arith.shli %gather3A_1063, %shift_left3A_6 : vector<16xi32>
        %shift_right_arithmetic3A_1065 = arith.shrsi %shift_left3A_1064, %broadcast_in_dim3A_7 : vector<16xi32>
        %convert_element_type3A_1066 = arith.sitofp %shift_right_arithmetic3A_1065 : vector<16xi32> to vector<16xf32>
        %mul3A_1067 = arith.mulf %convert_element_type3A_1066, %gather3A_1037 : vector<16xf32>
        %swap3A_1068 = arith.index_cast %add3A_1034 : i32 to index
        %swap3A_1069 = arith.constant 32 : index
        %swap3A_1070 = tpu.vector_load %arg11[%swap3A_1068, %swap3A_1069] {strides = array<i32>} : memref<200x64xf32, #tpu.memory_space<vmem>>, vector<16xf32>,
        tpu.vector_store %arg11[%swap3A_1068, %swap3A_1069], %mul3A_1067 {strides = array<i32>} : memref<200x64xf32, #tpu.memory_space<vmem>>, vector<16xf32>,
        %broadcast_in_dim3A_1071 = vector.shape_cast %add3A_30 : vector<16xi32> to vector<16x1xi32>
        %gather3A_1072 = vector.shape_cast %broadcast_in_dim3A_1071 : vector<16x1xi32> to vector<16xi32>
        %gather3A_1073 = tpu.dynamic_gather %get3A_1040[%gather3A_1072] in [0] : vector<16xi32>, vector<16xi32> -> vector<16xi32>
        %shift_left3A_1074 = arith.shli %gather3A_1073, %shift_left3A_6 : vector<16xi32>
        %shift_right_arithmetic3A_1075 = arith.shrsi %shift_left3A_1074, %broadcast_in_dim3A_7 : vector<16xi32>
        %convert_element_type3A_1076 = arith.sitofp %shift_right_arithmetic3A_1075 : vector<16xi32> to vector<16xf32>
        %mul3A_1077 = arith.mulf %convert_element_type3A_1076, %gather3A_1037 : vector<16xf32>
        %swap3A_1078 = arith.index_cast %add3A_1034 : i32 to index
        %swap3A_1079 = arith.constant 48 : index
        %swap3A_1080 = tpu.vector_load %arg11[%swap3A_1078, %swap3A_1079] {strides = array<i32>} : memref<200x64xf32, #tpu.memory_space<vmem>>, vector<16xf32>,
        tpu.vector_store %arg11[%swap3A_1078, %swap3A_1079], %mul3A_1077 {strides = array<i32>} : memref<200x64xf32, #tpu.memory_space<vmem>>, vector<16xf32>,
        %add3A_1081 = arith.constant 1 : i32
        %add3A_1082 = arith.addi %mul3A_1030, %add3A_1081 : i32
        %broadcast_in_dim3A_1083 = vector.shape_cast %broadcast_in_dim3A_34 : vector<16xi32> to vector<16x1xi32>
        %gather3A_1084 = vector.shape_cast %broadcast_in_dim3A_1083 : vector<16x1xi32> to vector<16xi32>
        %gather3A_1085 = tpu.dynamic_gather %get3A_1032[%gather3A_1084] in [0] : vector<16xf32>, vector<16xi32> -> vector<16xf32>
        %get3A_1086 = arith.index_cast %add3A_1082 : i32 to index
        %get3A_1087 = arith.constant 0 : index
        %get3A_1088 = tpu.vector_load %arg7[%get3A_1086, %get3A_1087] {strides = array<i32>} : memref<200x16xi32, #tpu.memory_space<vmem>>, vector<16xi32>,
        %broadcast_in_dim3A_1089 = vector.shape_cast %add3A_12 : vector<16xi32> to vector<16x1xi32>
        %gather3A_1090 = vector.shape_cast %broadcast_in_dim3A_1089 : vector<16x1xi32> to vector<16xi32>
        %gather3A_1091 = tpu.dynamic_gather %get3A_1088[%gather3A_1090] in [0] : vector<16xi32>, vector<16xi32> -> vector<16xi32>
        %shift_left3A_1092 = arith.shli %gather3A_1091, %shift_left3A_6 : vector<16xi32>
        %shift_right_arithmetic3A_1093 = arith.shrsi %shift_left3A_1092, %broadcast_in_dim3A_7 : vector<16xi32>
        %convert_element_type3A_1094 = arith.sitofp %shift_right_arithmetic3A_1093 : vector<16xi32> to vector<16xf32>
        %mul3A_1095 = arith.mulf %convert_element_type3A_1094, %gather3A_1085 : vector<16xf32>
        %swap3A_1096 = arith.index_cast %add3A_1082 : i32 to index
        %swap3A_1097 = arith.constant 0 : index
        %swap3A_1098 = tpu.vector_load %arg11[%swap3A_1096, %swap3A_1097] {strides = array<i32>} : memref<200x64xf32, #tpu.memory_space<vmem>>, vector<16xf32>,
        tpu.vector_store %arg11[%swap3A_1096, %swap3A_1097], %mul3A_1095 {strides = array<i32>} : memref<200x64xf32, #tpu.memory_space<vmem>>, vector<16xf32>,
        %broadcast_in_dim3A_1099 = vector.shape_cast %add3A_18 : vector<16xi32> to vector<16x1xi32>
        %gather3A_1100 = vector.shape_cast %broadcast_in_dim3A_1099 : vector<16x1xi32> to vector<16xi32>
        %gather3A_1101 = tpu.dynamic_gather %get3A_1088[%gather3A_1100] in [0] : vector<16xi32>, vector<16xi32> -> vector<16xi32>
        %shift_left3A_1102 = arith.shli %gather3A_1101, %shift_left3A_6 : vector<16xi32>
        %shift_right_arithmetic3A_1103 = arith.shrsi %shift_left3A_1102, %broadcast_in_dim3A_7 : vector<16xi32>
        %convert_element_type3A_1104 = arith.sitofp %shift_right_arithmetic3A_1103 : vector<16xi32> to vector<16xf32>
        %mul3A_1105 = arith.mulf %convert_element_type3A_1104, %gather3A_1085 : vector<16xf32>
        %swap3A_1106 = arith.index_cast %add3A_1082 : i32 to index
        %swap3A_1107 = arith.constant 16 : index
        %swap3A_1108 = tpu.vector_load %arg11[%swap3A_1106, %swap3A_1107] {strides = array<i32>} : memref<200x64xf32, #tpu.memory_space<vmem>>, vector<16xf32>,
        tpu.vector_store %arg11[%swap3A_1106, %swap3A_1107], %mul3A_1105 {strides = array<i32>} : memref<200x64xf32, #tpu.memory_space<vmem>>, vector<16xf32>,
        %broadcast_in_dim3A_1109 = vector.shape_cast %add3A_24 : vector<16xi32> to vector<16x1xi32>
        %gather3A_1110 = vector.shape_cast %broadcast_in_dim3A_1109 : vector<16x1xi32> to vector<16xi32>
        %gather3A_1111 = tpu.dynamic_gather %get3A_1088[%gather3A_1110] in [0] : vector<16xi32>, vector<16xi32> -> vector<16xi32>
        %shift_left3A_1112 = arith.shli %gather3A_1111, %shift_left3A_6 : vector<16xi32>
        %shift_right_arithmetic3A_1113 = arith.shrsi %shift_left3A_1112, %broadcast_in_dim3A_7 : vector<16xi32>
        %convert_element_type3A_1114 = arith.sitofp %shift_right_arithmetic3A_1113 : vector<16xi32> to vector<16xf32>
        %mul3A_1115 = arith.mulf %convert_element_type3A_1114, %gather3A_1085 : vector<16xf32>
        %swap3A_1116 = arith.index_cast %add3A_1082 : i32 to index
        %swap3A_1117 = arith.constant 32 : index
        %swap3A_1118 = tpu.vector_load %arg11[%swap3A_1116, %swap3A_1117] {strides = array<i32>} : memref<200x64xf32, #tpu.memory_space<vmem>>, vector<16xf32>,
        tpu.vector_store %arg11[%swap3A_1116, %swap3A_1117], %mul3A_1115 {strides = array<i32>} : memref<200x64xf32, #tpu.memory_space<vmem>>, vector<16xf32>,
        %broadcast_in_dim3A_1119 = vector.shape_cast %add3A_30 : vector<16xi32> to vector<16x1xi32>
        %gather3A_1120 = vector.shape_cast %broadcast_in_dim3A_1119 : vector<16x1xi32> to vector<16xi32>
        %gather3A_1121 = tpu.dynamic_gather %get3A_1088[%gather3A_1120] in [0] : vector<16xi32>, vector<16xi32> -> vector<16xi32>
        %shift_left3A_1122 = arith.shli %gather3A_1121, %shift_left3A_6 : vector<16xi32>
        %shift_right_arithmetic3A_1123 = arith.shrsi %shift_left3A_1122, %broadcast_in_dim3A_7 : vector<16xi32>
        %convert_element_type3A_1124 = arith.sitofp %shift_right_arithmetic3A_1123 : vector<16xi32> to vector<16xf32>
        %mul3A_1125 = arith.mulf %convert_element_type3A_1124, %gather3A_1085 : vector<16xf32>
        %swap3A_1126 = arith.index_cast %add3A_1082 : i32 to index
        %swap3A_1127 = arith.constant 48 : index
        %swap3A_1128 = tpu.vector_load %arg11[%swap3A_1126, %swap3A_1127] {strides = array<i32>} : memref<200x64xf32, #tpu.memory_space<vmem>>, vector<16xf32>,
        tpu.vector_store %arg11[%swap3A_1126, %swap3A_1127], %mul3A_1125 {strides = array<i32>} : memref<200x64xf32, #tpu.memory_space<vmem>>, vector<16xf32>,
        %add3A_1129 = arith.constant 2 : i32
        %add3A_1130 = arith.addi %mul3A_1030, %add3A_1129 : i32
        %broadcast_in_dim3A_1131 = vector.shape_cast %broadcast_in_dim3A_36 : vector<16xi32> to vector<16x1xi32>
        %gather3A_1132 = vector.shape_cast %broadcast_in_dim3A_1131 : vector<16x1xi32> to vector<16xi32>
        %gather3A_1133 = tpu.dynamic_gather %get3A_1032[%gather3A_1132] in [0] : vector<16xf32>, vector<16xi32> -> vector<16xf32>
        %get3A_1134 = arith.index_cast %add3A_1130 : i32 to index
        %get3A_1135 = arith.constant 0 : index
        %get3A_1136 = tpu.vector_load %arg7[%get3A_1134, %get3A_1135] {strides = array<i32>} : memref<200x16xi32, #tpu.memory_space<vmem>>, vector<16xi32>,
        %broadcast_in_dim3A_1137 = vector.shape_cast %add3A_12 : vector<16xi32> to vector<16x1xi32>
        %gather3A_1138 = vector.shape_cast %broadcast_in_dim3A_1137 : vector<16x1xi32> to vector<16xi32>
        %gather3A_1139 = tpu.dynamic_gather %get3A_1136[%gather3A_1138] in [0] : vector<16xi32>, vector<16xi32> -> vector<16xi32>
        %shift_left3A_1140 = arith.shli %gather3A_1139, %shift_left3A_6 : vector<16xi32>
        %shift_right_arithmetic3A_1141 = arith.shrsi %shift_left3A_1140, %broadcast_in_dim3A_7 : vector<16xi32>
        %convert_element_type3A_1142 = arith.sitofp %shift_right_arithmetic3A_1141 : vector<16xi32> to vector<16xf32>
        %mul3A_1143 = arith.mulf %convert_element_type3A_1142, %gather3A_1133 : vector<16xf32>
        %swap3A_1144 = arith.index_cast %add3A_1130 : i32 to index
        %swap3A_1145 = arith.constant 0 : index
        %swap3A_1146 = tpu.vector_load %arg11[%swap3A_1144, %swap3A_1145] {strides = array<i32>} : memref<200x64xf32, #tpu.memory_space<vmem>>, vector<16xf32>,
        tpu.vector_store %arg11[%swap3A_1144, %swap3A_1145], %mul3A_1143 {strides = array<i32>} : memref<200x64xf32, #tpu.memory_space<vmem>>, vector<16xf32>,
        %broadcast_in_dim3A_1147 = vector.shape_cast %add3A_18 : vector<16xi32> to vector<16x1xi32>
        %gather3A_1148 = vector.shape_cast %broadcast_in_dim3A_1147 : vector<16x1xi32> to vector<16xi32>
        %gather3A_1149 = tpu.dynamic_gather %get3A_1136[%gather3A_1148] in [0] : vector<16xi32>, vector<16xi32> -> vector<16xi32>
        %shift_left3A_1150 = arith.shli %gather3A_1149, %shift_left3A_6 : vector<16xi32>
        %shift_right_arithmetic3A_1151 = arith.shrsi %shift_left3A_1150, %broadcast_in_dim3A_7 : vector<16xi32>
        %convert_element_type3A_1152 = arith.sitofp %shift_right_arithmetic3A_1151 : vector<16xi32> to vector<16xf32>
        %mul3A_1153 = arith.mulf %convert_element_type3A_1152, %gather3A_1133 : vector<16xf32>
        %swap3A_1154 = arith.index_cast %add3A_1130 : i32 to index
        %swap3A_1155 = arith.constant 16 : index
        %swap3A_1156 = tpu.vector_load %arg11[%swap3A_1154, %swap3A_1155] {strides = array<i32>} : memref<200x64xf32, #tpu.memory_space<vmem>>, vector<16xf32>,
        tpu.vector_store %arg11[%swap3A_1154, %swap3A_1155], %mul3A_1153 {strides = array<i32>} : memref<200x64xf32, #tpu.memory_space<vmem>>, vector<16xf32>,
        %broadcast_in_dim3A_1157 = vector.shape_cast %add3A_24 : vector<16xi32> to vector<16x1xi32>
        %gather3A_1158 = vector.shape_cast %broadcast_in_dim3A_1157 : vector<16x1xi32> to vector<16xi32>
        %gather3A_1159 = tpu.dynamic_gather %get3A_1136[%gather3A_1158] in [0] : vector<16xi32>, vector<16xi32> -> vector<16xi32>
        %shift_left3A_1160 = arith.shli %gather3A_1159, %shift_left3A_6 : vector<16xi32>
        %shift_right_arithmetic3A_1161 = arith.shrsi %shift_left3A_1160, %broadcast_in_dim3A_7 : vector<16xi32>
        %convert_element_type3A_1162 = arith.sitofp %shift_right_arithmetic3A_1161 : vector<16xi32> to vector<16xf32>
        %mul3A_1163 = arith.mulf %convert_element_type3A_1162, %gather3A_1133 : vector<16xf32>
        %swap3A_1164 = arith.index_cast %add3A_1130 : i32 to index
        %swap3A_1165 = arith.constant 32 : index
        %swap3A_1166 = tpu.vector_load %arg11[%swap3A_1164, %swap3A_1165] {strides = array<i32>} : memref<200x64xf32, #tpu.memory_space<vmem>>, vector<16xf32>,
        tpu.vector_store %arg11[%swap3A_1164, %swap3A_1165], %mul3A_1163 {strides = array<i32>} : memref<200x64xf32, #tpu.memory_space<vmem>>, vector<16xf32>,
        %broadcast_in_dim3A_1167 = vector.shape_cast %add3A_30 : vector<16xi32> to vector<16x1xi32>
        %gather3A_1168 = vector.shape_cast %broadcast_in_dim3A_1167 : vector<16x1xi32> to vector<16xi32>
        %gather3A_1169 = tpu.dynamic_gather %get3A_1136[%gather3A_1168] in [0] : vector<16xi32>, vector<16xi32> -> vector<16xi32>
        %shift_left3A_1170 = arith.shli %gather3A_1169, %shift_left3A_6 : vector<16xi32>
        %shift_right_arithmetic3A_1171 = arith.shrsi %shift_left3A_1170, %broadcast_in_dim3A_7 : vector<16xi32>
        %convert_element_type3A_1172 = arith.sitofp %shift_right_arithmetic3A_1171 : vector<16xi32> to vector<16xf32>
        %mul3A_1173 = arith.mulf %convert_element_type3A_1172, %gather3A_1133 : vector<16xf32>
        %swap3A_1174 = arith.index_cast %add3A_1130 : i32 to index
        %swap3A_1175 = arith.constant 48 : index
        %swap3A_1176 = tpu.vector_load %arg11[%swap3A_1174, %swap3A_1175] {strides = array<i32>} : memref<200x64xf32, #tpu.memory_space<vmem>>, vector<16xf32>,
        tpu.vector_store %arg11[%swap3A_1174, %swap3A_1175], %mul3A_1173 {strides = array<i32>} : memref<200x64xf32, #tpu.memory_space<vmem>>, vector<16xf32>,
        %add3A_1177 = arith.constant 3 : i32
        %add3A_1178 = arith.addi %mul3A_1030, %add3A_1177 : i32
        %broadcast_in_dim3A_1179 = vector.shape_cast %broadcast_in_dim3A_38 : vector<16xi32> to vector<16x1xi32>
        %gather3A_1180 = vector.shape_cast %broadcast_in_dim3A_1179 : vector<16x1xi32> to vector<16xi32>
        %gather3A_1181 = tpu.dynamic_gather %get3A_1032[%gather3A_1180] in [0] : vector<16xf32>, vector<16xi32> -> vector<16xf32>
        %get3A_1182 = arith.index_cast %add3A_1178 : i32 to index
        %get3A_1183 = arith.constant 0 : index
        %get3A_1184 = tpu.vector_load %arg7[%get3A_1182, %get3A_1183] {strides = array<i32>} : memref<200x16xi32, #tpu.memory_space<vmem>>, vector<16xi32>,
        %broadcast_in_dim3A_1185 = vector.shape_cast %add3A_12 : vector<16xi32> to vector<16x1xi32>
        %gather3A_1186 = vector.shape_cast %broadcast_in_dim3A_1185 : vector<16x1xi32> to vector<16xi32>
        %gather3A_1187 = tpu.dynamic_gather %get3A_1184[%gather3A_1186] in [0] : vector<16xi32>, vector<16xi32> -> vector<16xi32>
        %shift_left3A_1188 = arith.shli %gather3A_1187, %shift_left3A_6 : vector<16xi32>
        %shift_right_arithmetic3A_1189 = arith.shrsi %shift_left3A_1188, %broadcast_in_dim3A_7 : vector<16xi32>
        %convert_element_type3A_1190 = arith.sitofp %shift_right_arithmetic3A_1189 : vector<16xi32> to vector<16xf32>
        %mul3A_1191 = arith.mulf %convert_element_type3A_1190, %gather3A_1181 : vector<16xf32>
        %swap3A_1192 = arith.index_cast %add3A_1178 : i32 to index
        %swap3A_1193 = arith.constant 0 : index
        %swap3A_1194 = tpu.vector_load %arg11[%swap3A_1192, %swap3A_1193] {strides = array<i32>} : memref<200x64xf32, #tpu.memory_space<vmem>>, vector<16xf32>,
        tpu.vector_store %arg11[%swap3A_1192, %swap3A_1193], %mul3A_1191 {strides = array<i32>} : memref<200x64xf32, #tpu.memory_space<vmem>>, vector<16xf32>,
        %broadcast_in_dim3A_1195 = vector.shape_cast %add3A_18 : vector<16xi32> to vector<16x1xi32>
        %gather3A_1196 = vector.shape_cast %broadcast_in_dim3A_1195 : vector<16x1xi32> to vector<16xi32>
        %gather3A_1197 = tpu.dynamic_gather %get3A_1184[%gather3A_1196] in [0] : vector<16xi32>, vector<16xi32> -> vector<16xi32>
        %shift_left3A_1198 = arith.shli %gather3A_1197, %shift_left3A_6 : vector<16xi32>
        %shift_right_arithmetic3A_1199 = arith.shrsi %shift_left3A_1198, %broadcast_in_dim3A_7 : vector<16xi32>
        %convert_element_type3A_1200 = arith.sitofp %shift_right_arithmetic3A_1199 : vector<16xi32> to vector<16xf32>
        %mul3A_1201 = arith.mulf %convert_element_type3A_1200, %gather3A_1181 : vector<16xf32>
        %swap3A_1202 = arith.index_cast %add3A_1178 : i32 to index
        %swap3A_1203 = arith.constant 16 : index
        %swap3A_1204 = tpu.vector_load %arg11[%swap3A_1202, %swap3A_1203] {strides = array<i32>} : memref<200x64xf32, #tpu.memory_space<vmem>>, vector<16xf32>,
        tpu.vector_store %arg11[%swap3A_1202, %swap3A_1203], %mul3A_1201 {strides = array<i32>} : memref<200x64xf32, #tpu.memory_space<vmem>>, vector<16xf32>,
        %broadcast_in_dim3A_1205 = vector.shape_cast %add3A_24 : vector<16xi32> to vector<16x1xi32>
        %gather3A_1206 = vector.shape_cast %broadcast_in_dim3A_1205 : vector<16x1xi32> to vector<16xi32>
        %gather3A_1207 = tpu.dynamic_gather %get3A_1184[%gather3A_1206] in [0] : vector<16xi32>, vector<16xi32> -> vector<16xi32>
        %shift_left3A_1208 = arith.shli %gather3A_1207, %shift_left3A_6 : vector<16xi32>
        %shift_right_arithmetic3A_1209 = arith.shrsi %shift_left3A_1208, %broadcast_in_dim3A_7 : vector<16xi32>
        %convert_element_type3A_1210 = arith.sitofp %shift_right_arithmetic3A_1209 : vector<16xi32> to vector<16xf32>
        %mul3A_1211 = arith.mulf %convert_element_type3A_1210, %gather3A_1181 : vector<16xf32>
        %swap3A_1212 = arith.index_cast %add3A_1178 : i32 to index
        %swap3A_1213 = arith.constant 32 : index
        %swap3A_1214 = tpu.vector_load %arg11[%swap3A_1212, %swap3A_1213] {strides = array<i32>} : memref<200x64xf32, #tpu.memory_space<vmem>>, vector<16xf32>,
        tpu.vector_store %arg11[%swap3A_1212, %swap3A_1213], %mul3A_1211 {strides = array<i32>} : memref<200x64xf32, #tpu.memory_space<vmem>>, vector<16xf32>,
        %broadcast_in_dim3A_1215 = vector.shape_cast %add3A_30 : vector<16xi32> to vector<16x1xi32>
        %gather3A_1216 = vector.shape_cast %broadcast_in_dim3A_1215 : vector<16x1xi32> to vector<16xi32>
        %gather3A_1217 = tpu.dynamic_gather %get3A_1184[%gather3A_1216] in [0] : vector<16xi32>, vector<16xi32> -> vector<16xi32>
        %shift_left3A_1218 = arith.shli %gather3A_1217, %shift_left3A_6 : vector<16xi32>
        %shift_right_arithmetic3A_1219 = arith.shrsi %shift_left3A_1218, %broadcast_in_dim3A_7 : vector<16xi32>
        %convert_element_type3A_1220 = arith.sitofp %shift_right_arithmetic3A_1219 : vector<16xi32> to vector<16xf32>
        %mul3A_1221 = arith.mulf %convert_element_type3A_1220, %gather3A_1181 : vector<16xf32>
        %swap3A_1222 = arith.index_cast %add3A_1178 : i32 to index
        %swap3A_1223 = arith.constant 48 : index
        %swap3A_1224 = tpu.vector_load %arg11[%swap3A_1222, %swap3A_1223] {strides = array<i32>} : memref<200x64xf32, #tpu.memory_space<vmem>>, vector<16xf32>,
        tpu.vector_store %arg11[%swap3A_1222, %swap3A_1223], %mul3A_1221 {strides = array<i32>} : memref<200x64xf32, #tpu.memory_space<vmem>>, vector<16xf32>,
        %add3A_1225 = arith.constant 4 : i32
        %add3A_1226 = arith.addi %mul3A_1030, %add3A_1225 : i32
        %broadcast_in_dim3A_1227 = vector.shape_cast %broadcast_in_dim3A_40 : vector<16xi32> to vector<16x1xi32>
        %gather3A_1228 = vector.shape_cast %broadcast_in_dim3A_1227 : vector<16x1xi32> to vector<16xi32>
        %gather3A_1229 = tpu.dynamic_gather %get3A_1032[%gather3A_1228] in [0] : vector<16xf32>, vector<16xi32> -> vector<16xf32>
        %get3A_1230 = arith.index_cast %add3A_1226 : i32 to index
        %get3A_1231 = arith.constant 0 : index
        %get3A_1232 = tpu.vector_load %arg7[%get3A_1230, %get3A_1231] {strides = array<i32>} : memref<200x16xi32, #tpu.memory_space<vmem>>, vector<16xi32>,
        %broadcast_in_dim3A_1233 = vector.shape_cast %add3A_12 : vector<16xi32> to vector<16x1xi32>
        %gather3A_1234 = vector.shape_cast %broadcast_in_dim3A_1233 : vector<16x1xi32> to vector<16xi32>
        %gather3A_1235 = tpu.dynamic_gather %get3A_1232[%gather3A_1234] in [0] : vector<16xi32>, vector<16xi32> -> vector<16xi32>
        %shift_left3A_1236 = arith.shli %gather3A_1235, %shift_left3A_6 : vector<16xi32>
        %shift_right_arithmetic3A_1237 = arith.shrsi %shift_left3A_1236, %broadcast_in_dim3A_7 : vector<16xi32>
        %convert_element_type3A_1238 = arith.sitofp %shift_right_arithmetic3A_1237 : vector<16xi32> to vector<16xf32>
        %mul3A_1239 = arith.mulf %convert_element_type3A_1238, %gather3A_1229 : vector<16xf32>
        %swap3A_1240 = arith.index_cast %add3A_1226 : i32 to index
        %swap3A_1241 = arith.constant 0 : index
        %swap3A_1242 = tpu.vector_load %arg11[%swap3A_1240, %swap3A_1241] {strides = array<i32>} : memref<200x64xf32, #tpu.memory_space<vmem>>, vector<16xf32>,
        tpu.vector_store %arg11[%swap3A_1240, %swap3A_1241], %mul3A_1239 {strides = array<i32>} : memref<200x64xf32, #tpu.memory_space<vmem>>, vector<16xf32>,
        %broadcast_in_dim3A_1243 = vector.shape_cast %add3A_18 : vector<16xi32> to vector<16x1xi32>
        %gather3A_1244 = vector.shape_cast %broadcast_in_dim3A_1243 : vector<16x1xi32> to vector<16xi32>
        %gather3A_1245 = tpu.dynamic_gather %get3A_1232[%gather3A_1244] in [0] : vector<16xi32>, vector<16xi32> -> vector<16xi32>
        %shift_left3A_1246 = arith.shli %gather3A_1245, %shift_left3A_6 : vector<16xi32>
        %shift_right_arithmetic3A_1247 = arith.shrsi %shift_left3A_1246, %broadcast_in_dim3A_7 : vector<16xi32>
        %convert_element_type3A_1248 = arith.sitofp %shift_right_arithmetic3A_1247 : vector<16xi32> to vector<16xf32>
        %mul3A_1249 = arith.mulf %convert_element_type3A_1248, %gather3A_1229 : vector<16xf32>
        %swap3A_1250 = arith.index_cast %add3A_1226 : i32 to index
        %swap3A_1251 = arith.constant 16 : index
        %swap3A_1252 = tpu.vector_load %arg11[%swap3A_1250, %swap3A_1251] {strides = array<i32>} : memref<200x64xf32, #tpu.memory_space<vmem>>, vector<16xf32>,
        tpu.vector_store %arg11[%swap3A_1250, %swap3A_1251], %mul3A_1249 {strides = array<i32>} : memref<200x64xf32, #tpu.memory_space<vmem>>, vector<16xf32>,
        %broadcast_in_dim3A_1253 = vector.shape_cast %add3A_24 : vector<16xi32> to vector<16x1xi32>
        %gather3A_1254 = vector.shape_cast %broadcast_in_dim3A_1253 : vector<16x1xi32> to vector<16xi32>
        %gather3A_1255 = tpu.dynamic_gather %get3A_1232[%gather3A_1254] in [0] : vector<16xi32>, vector<16xi32> -> vector<16xi32>
        %shift_left3A_1256 = arith.shli %gather3A_1255, %shift_left3A_6 : vector<16xi32>
        %shift_right_arithmetic3A_1257 = arith.shrsi %shift_left3A_1256, %broadcast_in_dim3A_7 : vector<16xi32>
        %convert_element_type3A_1258 = arith.sitofp %shift_right_arithmetic3A_1257 : vector<16xi32> to vector<16xf32>
        %mul3A_1259 = arith.mulf %convert_element_type3A_1258, %gather3A_1229 : vector<16xf32>
        %swap3A_1260 = arith.index_cast %add3A_1226 : i32 to index
        %swap3A_1261 = arith.constant 32 : index
        %swap3A_1262 = tpu.vector_load %arg11[%swap3A_1260, %swap3A_1261] {strides = array<i32>} : memref<200x64xf32, #tpu.memory_space<vmem>>, vector<16xf32>,
        tpu.vector_store %arg11[%swap3A_1260, %swap3A_1261], %mul3A_1259 {strides = array<i32>} : memref<200x64xf32, #tpu.memory_space<vmem>>, vector<16xf32>,
        %broadcast_in_dim3A_1263 = vector.shape_cast %add3A_30 : vector<16xi32> to vector<16x1xi32>
        %gather3A_1264 = vector.shape_cast %broadcast_in_dim3A_1263 : vector<16x1xi32> to vector<16xi32>
        %gather3A_1265 = tpu.dynamic_gather %get3A_1232[%gather3A_1264] in [0] : vector<16xi32>, vector<16xi32> -> vector<16xi32>
        %shift_left3A_1266 = arith.shli %gather3A_1265, %shift_left3A_6 : vector<16xi32>
        %shift_right_arithmetic3A_1267 = arith.shrsi %shift_left3A_1266, %broadcast_in_dim3A_7 : vector<16xi32>
        %convert_element_type3A_1268 = arith.sitofp %shift_right_arithmetic3A_1267 : vector<16xi32> to vector<16xf32>
        %mul3A_1269 = arith.mulf %convert_element_type3A_1268, %gather3A_1229 : vector<16xf32>
        %swap3A_1270 = arith.index_cast %add3A_1226 : i32 to index
        %swap3A_1271 = arith.constant 48 : index
        %swap3A_1272 = tpu.vector_load %arg11[%swap3A_1270, %swap3A_1271] {strides = array<i32>} : memref<200x64xf32, #tpu.memory_space<vmem>>, vector<16xf32>,
        tpu.vector_store %arg11[%swap3A_1270, %swap3A_1271], %mul3A_1269 {strides = array<i32>} : memref<200x64xf32, #tpu.memory_space<vmem>>, vector<16xf32>,
        %add3A_1273 = arith.constant 5 : i32
        %add3A_1274 = arith.addi %mul3A_1030, %add3A_1273 : i32
        %broadcast_in_dim3A_1275 = vector.shape_cast %broadcast_in_dim3A_42 : vector<16xi32> to vector<16x1xi32>
        %gather3A_1276 = vector.shape_cast %broadcast_in_dim3A_1275 : vector<16x1xi32> to vector<16xi32>
        %gather3A_1277 = tpu.dynamic_gather %get3A_1032[%gather3A_1276] in [0] : vector<16xf32>, vector<16xi32> -> vector<16xf32>
        %get3A_1278 = arith.index_cast %add3A_1274 : i32 to index
        %get3A_1279 = arith.constant 0 : index
        %get3A_1280 = tpu.vector_load %arg7[%get3A_1278, %get3A_1279] {strides = array<i32>} : memref<200x16xi32, #tpu.memory_space<vmem>>, vector<16xi32>,
        %broadcast_in_dim3A_1281 = vector.shape_cast %add3A_12 : vector<16xi32> to vector<16x1xi32>
        %gather3A_1282 = vector.shape_cast %broadcast_in_dim3A_1281 : vector<16x1xi32> to vector<16xi32>
        %gather3A_1283 = tpu.dynamic_gather %get3A_1280[%gather3A_1282] in [0] : vector<16xi32>, vector<16xi32> -> vector<16xi32>
        %shift_left3A_1284 = arith.shli %gather3A_1283, %shift_left3A_6 : vector<16xi32>
        %shift_right_arithmetic3A_1285 = arith.shrsi %shift_left3A_1284, %broadcast_in_dim3A_7 : vector<16xi32>
        %convert_element_type3A_1286 = arith.sitofp %shift_right_arithmetic3A_1285 : vector<16xi32> to vector<16xf32>
        %mul3A_1287 = arith.mulf %convert_element_type3A_1286, %gather3A_1277 : vector<16xf32>
        %swap3A_1288 = arith.index_cast %add3A_1274 : i32 to index
        %swap3A_1289 = arith.constant 0 : index
        %swap3A_1290 = tpu.vector_load %arg11[%swap3A_1288, %swap3A_1289] {strides = array<i32>} : memref<200x64xf32, #tpu.memory_space<vmem>>, vector<16xf32>,
        tpu.vector_store %arg11[%swap3A_1288, %swap3A_1289], %mul3A_1287 {strides = array<i32>} : memref<200x64xf32, #tpu.memory_space<vmem>>, vector<16xf32>,
        %broadcast_in_dim3A_1291 = vector.shape_cast %add3A_18 : vector<16xi32> to vector<16x1xi32>
        %gather3A_1292 = vector.shape_cast %broadcast_in_dim3A_1291 : vector<16x1xi32> to vector<16xi32>
        %gather3A_1293 = tpu.dynamic_gather %get3A_1280[%gather3A_1292] in [0] : vector<16xi32>, vector<16xi32> -> vector<16xi32>
        %shift_left3A_1294 = arith.shli %gather3A_1293, %shift_left3A_6 : vector<16xi32>
        %shift_right_arithmetic3A_1295 = arith.shrsi %shift_left3A_1294, %broadcast_in_dim3A_7 : vector<16xi32>
        %convert_element_type3A_1296 = arith.sitofp %shift_right_arithmetic3A_1295 : vector<16xi32> to vector<16xf32>
        %mul3A_1297 = arith.mulf %convert_element_type3A_1296, %gather3A_1277 : vector<16xf32>
        %swap3A_1298 = arith.index_cast %add3A_1274 : i32 to index
        %swap3A_1299 = arith.constant 16 : index
        %swap3A_1300 = tpu.vector_load %arg11[%swap3A_1298, %swap3A_1299] {strides = array<i32>} : memref<200x64xf32, #tpu.memory_space<vmem>>, vector<16xf32>,
        tpu.vector_store %arg11[%swap3A_1298, %swap3A_1299], %mul3A_1297 {strides = array<i32>} : memref<200x64xf32, #tpu.memory_space<vmem>>, vector<16xf32>,
        %broadcast_in_dim3A_1301 = vector.shape_cast %add3A_24 : vector<16xi32> to vector<16x1xi32>
        %gather3A_1302 = vector.shape_cast %broadcast_in_dim3A_1301 : vector<16x1xi32> to vector<16xi32>
        %gather3A_1303 = tpu.dynamic_gather %get3A_1280[%gather3A_1302] in [0] : vector<16xi32>, vector<16xi32> -> vector<16xi32>
        %shift_left3A_1304 = arith.shli %gather3A_1303, %shift_left3A_6 : vector<16xi32>
        %shift_right_arithmetic3A_1305 = arith.shrsi %shift_left3A_1304, %broadcast_in_dim3A_7 : vector<16xi32>
        %convert_element_type3A_1306 = arith.sitofp %shift_right_arithmetic3A_1305 : vector<16xi32> to vector<16xf32>
        %mul3A_1307 = arith.mulf %convert_element_type3A_1306, %gather3A_1277 : vector<16xf32>
        %swap3A_1308 = arith.index_cast %add3A_1274 : i32 to index
        %swap3A_1309 = arith.constant 32 : index
        %swap3A_1310 = tpu.vector_load %arg11[%swap3A_1308, %swap3A_1309] {strides = array<i32>} : memref<200x64xf32, #tpu.memory_space<vmem>>, vector<16xf32>,
        tpu.vector_store %arg11[%swap3A_1308, %swap3A_1309], %mul3A_1307 {strides = array<i32>} : memref<200x64xf32, #tpu.memory_space<vmem>>, vector<16xf32>,
        %broadcast_in_dim3A_1311 = vector.shape_cast %add3A_30 : vector<16xi32> to vector<16x1xi32>
        %gather3A_1312 = vector.shape_cast %broadcast_in_dim3A_1311 : vector<16x1xi32> to vector<16xi32>
        %gather3A_1313 = tpu.dynamic_gather %get3A_1280[%gather3A_1312] in [0] : vector<16xi32>, vector<16xi32> -> vector<16xi32>
        %shift_left3A_1314 = arith.shli %gather3A_1313, %shift_left3A_6 : vector<16xi32>
        %shift_right_arithmetic3A_1315 = arith.shrsi %shift_left3A_1314, %broadcast_in_dim3A_7 : vector<16xi32>
        %convert_element_type3A_1316 = arith.sitofp %shift_right_arithmetic3A_1315 : vector<16xi32> to vector<16xf32>
        %mul3A_1317 = arith.mulf %convert_element_type3A_1316, %gather3A_1277 : vector<16xf32>
        %swap3A_1318 = arith.index_cast %add3A_1274 : i32 to index
        %swap3A_1319 = arith.constant 48 : index
        %swap3A_1320 = tpu.vector_load %arg11[%swap3A_1318, %swap3A_1319] {strides = array<i32>} : memref<200x64xf32, #tpu.memory_space<vmem>>, vector<16xf32>,
        tpu.vector_store %arg11[%swap3A_1318, %swap3A_1319], %mul3A_1317 {strides = array<i32>} : memref<200x64xf32, #tpu.memory_space<vmem>>, vector<16xf32>,
        %add3A_1321 = arith.constant 6 : i32
        %add3A_1322 = arith.addi %mul3A_1030, %add3A_1321 : i32
        %broadcast_in_dim3A_1323 = vector.shape_cast %broadcast_in_dim3A_44 : vector<16xi32> to vector<16x1xi32>
        %gather3A_1324 = vector.shape_cast %broadcast_in_dim3A_1323 : vector<16x1xi32> to vector<16xi32>
        %gather3A_1325 = tpu.dynamic_gather %get3A_1032[%gather3A_1324] in [0] : vector<16xf32>, vector<16xi32> -> vector<16xf32>
        %get3A_1326 = arith.index_cast %add3A_1322 : i32 to index
        %get3A_1327 = arith.constant 0 : index
        %get3A_1328 = tpu.vector_load %arg7[%get3A_1326, %get3A_1327] {strides = array<i32>} : memref<200x16xi32, #tpu.memory_space<vmem>>, vector<16xi32>,
        %broadcast_in_dim3A_1329 = vector.shape_cast %add3A_12 : vector<16xi32> to vector<16x1xi32>
        %gather3A_1330 = vector.shape_cast %broadcast_in_dim3A_1329 : vector<16x1xi32> to vector<16xi32>
        %gather3A_1331 = tpu.dynamic_gather %get3A_1328[%gather3A_1330] in [0] : vector<16xi32>, vector<16xi32> -> vector<16xi32>
        %shift_left3A_1332 = arith.shli %gather3A_1331, %shift_left3A_6 : vector<16xi32>
        %shift_right_arithmetic3A_1333 = arith.shrsi %shift_left3A_1332, %broadcast_in_dim3A_7 : vector<16xi32>
        %convert_element_type3A_1334 = arith.sitofp %shift_right_arithmetic3A_1333 : vector<16xi32> to vector<16xf32>
        %mul3A_1335 = arith.mulf %convert_element_type3A_1334, %gather3A_1325 : vector<16xf32>
        %swap3A_1336 = arith.index_cast %add3A_1322 : i32 to index
        %swap3A_1337 = arith.constant 0 : index
        %swap3A_1338 = tpu.vector_load %arg11[%swap3A_1336, %swap3A_1337] {strides = array<i32>} : memref<200x64xf32, #tpu.memory_space<vmem>>, vector<16xf32>,
        tpu.vector_store %arg11[%swap3A_1336, %swap3A_1337], %mul3A_1335 {strides = array<i32>} : memref<200x64xf32, #tpu.memory_space<vmem>>, vector<16xf32>,
        %broadcast_in_dim3A_1339 = vector.shape_cast %add3A_18 : vector<16xi32> to vector<16x1xi32>
        %gather3A_1340 = vector.shape_cast %broadcast_in_dim3A_1339 : vector<16x1xi32> to vector<16xi32>
        %gather3A_1341 = tpu.dynamic_gather %get3A_1328[%gather3A_1340] in [0] : vector<16xi32>, vector<16xi32> -> vector<16xi32>
        %shift_left3A_1342 = arith.shli %gather3A_1341, %shift_left3A_6 : vector<16xi32>
        %shift_right_arithmetic3A_1343 = arith.shrsi %shift_left3A_1342, %broadcast_in_dim3A_7 : vector<16xi32>
        %convert_element_type3A_1344 = arith.sitofp %shift_right_arithmetic3A_1343 : vector<16xi32> to vector<16xf32>
        %mul3A_1345 = arith.mulf %convert_element_type3A_1344, %gather3A_1325 : vector<16xf32>
        %swap3A_1346 = arith.index_cast %add3A_1322 : i32 to index
        %swap3A_1347 = arith.constant 16 : index
        %swap3A_1348 = tpu.vector_load %arg11[%swap3A_1346, %swap3A_1347] {strides = array<i32>} : memref<200x64xf32, #tpu.memory_space<vmem>>, vector<16xf32>,
        tpu.vector_store %arg11[%swap3A_1346, %swap3A_1347], %mul3A_1345 {strides = array<i32>} : memref<200x64xf32, #tpu.memory_space<vmem>>, vector<16xf32>,
        %broadcast_in_dim3A_1349 = vector.shape_cast %add3A_24 : vector<16xi32> to vector<16x1xi32>
        %gather3A_1350 = vector.shape_cast %broadcast_in_dim3A_1349 : vector<16x1xi32> to vector<16xi32>
        %gather3A_1351 = tpu.dynamic_gather %get3A_1328[%gather3A_1350] in [0] : vector<16xi32>, vector<16xi32> -> vector<16xi32>
        %shift_left3A_1352 = arith.shli %gather3A_1351, %shift_left3A_6 : vector<16xi32>
        %shift_right_arithmetic3A_1353 = arith.shrsi %shift_left3A_1352, %broadcast_in_dim3A_7 : vector<16xi32>
        %convert_element_type3A_1354 = arith.sitofp %shift_right_arithmetic3A_1353 : vector<16xi32> to vector<16xf32>
        %mul3A_1355 = arith.mulf %convert_element_type3A_1354, %gather3A_1325 : vector<16xf32>
        %swap3A_1356 = arith.index_cast %add3A_1322 : i32 to index
        %swap3A_1357 = arith.constant 32 : index
        %swap3A_1358 = tpu.vector_load %arg11[%swap3A_1356, %swap3A_1357] {strides = array<i32>} : memref<200x64xf32, #tpu.memory_space<vmem>>, vector<16xf32>,
        tpu.vector_store %arg11[%swap3A_1356, %swap3A_1357], %mul3A_1355 {strides = array<i32>} : memref<200x64xf32, #tpu.memory_space<vmem>>, vector<16xf32>,
        %broadcast_in_dim3A_1359 = vector.shape_cast %add3A_30 : vector<16xi32> to vector<16x1xi32>
        %gather3A_1360 = vector.shape_cast %broadcast_in_dim3A_1359 : vector<16x1xi32> to vector<16xi32>
        %gather3A_1361 = tpu.dynamic_gather %get3A_1328[%gather3A_1360] in [0] : vector<16xi32>, vector<16xi32> -> vector<16xi32>
        %shift_left3A_1362 = arith.shli %gather3A_1361, %shift_left3A_6 : vector<16xi32>
        %shift_right_arithmetic3A_1363 = arith.shrsi %shift_left3A_1362, %broadcast_in_dim3A_7 : vector<16xi32>
        %convert_element_type3A_1364 = arith.sitofp %shift_right_arithmetic3A_1363 : vector<16xi32> to vector<16xf32>
        %mul3A_1365 = arith.mulf %convert_element_type3A_1364, %gather3A_1325 : vector<16xf32>
        %swap3A_1366 = arith.index_cast %add3A_1322 : i32 to index
        %swap3A_1367 = arith.constant 48 : index
        %swap3A_1368 = tpu.vector_load %arg11[%swap3A_1366, %swap3A_1367] {strides = array<i32>} : memref<200x64xf32, #tpu.memory_space<vmem>>, vector<16xf32>,
        tpu.vector_store %arg11[%swap3A_1366, %swap3A_1367], %mul3A_1365 {strides = array<i32>} : memref<200x64xf32, #tpu.memory_space<vmem>>, vector<16xf32>,
        %add3A_1369 = arith.constant 7 : i32
        %add3A_1370 = arith.addi %mul3A_1030, %add3A_1369 : i32
        %broadcast_in_dim3A_1371 = vector.shape_cast %broadcast_in_dim3A_46 : vector<16xi32> to vector<16x1xi32>
        %gather3A_1372 = vector.shape_cast %broadcast_in_dim3A_1371 : vector<16x1xi32> to vector<16xi32>
        %gather3A_1373 = tpu.dynamic_gather %get3A_1032[%gather3A_1372] in [0] : vector<16xf32>, vector<16xi32> -> vector<16xf32>
        %get3A_1374 = arith.index_cast %add3A_1370 : i32 to index
        %get3A_1375 = arith.constant 0 : index
        %get3A_1376 = tpu.vector_load %arg7[%get3A_1374, %get3A_1375] {strides = array<i32>} : memref<200x16xi32, #tpu.memory_space<vmem>>, vector<16xi32>,
        %broadcast_in_dim3A_1377 = vector.shape_cast %add3A_12 : vector<16xi32> to vector<16x1xi32>
        %gather3A_1378 = vector.shape_cast %broadcast_in_dim3A_1377 : vector<16x1xi32> to vector<16xi32>
        %gather3A_1379 = tpu.dynamic_gather %get3A_1376[%gather3A_1378] in [0] : vector<16xi32>, vector<16xi32> -> vector<16xi32>
        %shift_left3A_1380 = arith.shli %gather3A_1379, %shift_left3A_6 : vector<16xi32>
        %shift_right_arithmetic3A_1381 = arith.shrsi %shift_left3A_1380, %broadcast_in_dim3A_7 : vector<16xi32>
        %convert_element_type3A_1382 = arith.sitofp %shift_right_arithmetic3A_1381 : vector<16xi32> to vector<16xf32>
        %mul3A_1383 = arith.mulf %convert_element_type3A_1382, %gather3A_1373 : vector<16xf32>
        %swap3A_1384 = arith.index_cast %add3A_1370 : i32 to index
        %swap3A_1385 = arith.constant 0 : index
        %swap3A_1386 = tpu.vector_load %arg11[%swap3A_1384, %swap3A_1385] {strides = array<i32>} : memref<200x64xf32, #tpu.memory_space<vmem>>, vector<16xf32>,
        tpu.vector_store %arg11[%swap3A_1384, %swap3A_1385], %mul3A_1383 {strides = array<i32>} : memref<200x64xf32, #tpu.memory_space<vmem>>, vector<16xf32>,
        %broadcast_in_dim3A_1387 = vector.shape_cast %add3A_18 : vector<16xi32> to vector<16x1xi32>
        %gather3A_1388 = vector.shape_cast %broadcast_in_dim3A_1387 : vector<16x1xi32> to vector<16xi32>
        %gather3A_1389 = tpu.dynamic_gather %get3A_1376[%gather3A_1388] in [0] : vector<16xi32>, vector<16xi32> -> vector<16xi32>
        %shift_left3A_1390 = arith.shli %gather3A_1389, %shift_left3A_6 : vector<16xi32>
        %shift_right_arithmetic3A_1391 = arith.shrsi %shift_left3A_1390, %broadcast_in_dim3A_7 : vector<16xi32>
        %convert_element_type3A_1392 = arith.sitofp %shift_right_arithmetic3A_1391 : vector<16xi32> to vector<16xf32>
        %mul3A_1393 = arith.mulf %convert_element_type3A_1392, %gather3A_1373 : vector<16xf32>
        %swap3A_1394 = arith.index_cast %add3A_1370 : i32 to index
        %swap3A_1395 = arith.constant 16 : index
        %swap3A_1396 = tpu.vector_load %arg11[%swap3A_1394, %swap3A_1395] {strides = array<i32>} : memref<200x64xf32, #tpu.memory_space<vmem>>, vector<16xf32>,
        tpu.vector_store %arg11[%swap3A_1394, %swap3A_1395], %mul3A_1393 {strides = array<i32>} : memref<200x64xf32, #tpu.memory_space<vmem>>, vector<16xf32>,
        %broadcast_in_dim3A_1397 = vector.shape_cast %add3A_24 : vector<16xi32> to vector<16x1xi32>
        %gather3A_1398 = vector.shape_cast %broadcast_in_dim3A_1397 : vector<16x1xi32> to vector<16xi32>
        %gather3A_1399 = tpu.dynamic_gather %get3A_1376[%gather3A_1398] in [0] : vector<16xi32>, vector<16xi32> -> vector<16xi32>
        %shift_left3A_1400 = arith.shli %gather3A_1399, %shift_left3A_6 : vector<16xi32>
        %shift_right_arithmetic3A_1401 = arith.shrsi %shift_left3A_1400, %broadcast_in_dim3A_7 : vector<16xi32>
        %convert_element_type3A_1402 = arith.sitofp %shift_right_arithmetic3A_1401 : vector<16xi32> to vector<16xf32>
        %mul3A_1403 = arith.mulf %convert_element_type3A_1402, %gather3A_1373 : vector<16xf32>
        %swap3A_1404 = arith.index_cast %add3A_1370 : i32 to index
        %swap3A_1405 = arith.constant 32 : index
        %swap3A_1406 = tpu.vector_load %arg11[%swap3A_1404, %swap3A_1405] {strides = array<i32>} : memref<200x64xf32, #tpu.memory_space<vmem>>, vector<16xf32>,
        tpu.vector_store %arg11[%swap3A_1404, %swap3A_1405], %mul3A_1403 {strides = array<i32>} : memref<200x64xf32, #tpu.memory_space<vmem>>, vector<16xf32>,
        %broadcast_in_dim3A_1407 = vector.shape_cast %add3A_30 : vector<16xi32> to vector<16x1xi32>
        %gather3A_1408 = vector.shape_cast %broadcast_in_dim3A_1407 : vector<16x1xi32> to vector<16xi32>
        %gather3A_1409 = tpu.dynamic_gather %get3A_1376[%gather3A_1408] in [0] : vector<16xi32>, vector<16xi32> -> vector<16xi32>
        %shift_left3A_1410 = arith.shli %gather3A_1409, %shift_left3A_6 : vector<16xi32>
        %shift_right_arithmetic3A_1411 = arith.shrsi %shift_left3A_1410, %broadcast_in_dim3A_7 : vector<16xi32>
        %convert_element_type3A_1412 = arith.sitofp %shift_right_arithmetic3A_1411 : vector<16xi32> to vector<16xf32>
        %mul3A_1413 = arith.mulf %convert_element_type3A_1412, %gather3A_1373 : vector<16xf32>
        %swap3A_1414 = arith.index_cast %add3A_1370 : i32 to index
        %swap3A_1415 = arith.constant 48 : index
        %swap3A_1416 = tpu.vector_load %arg11[%swap3A_1414, %swap3A_1415] {strides = array<i32>} : memref<200x64xf32, #tpu.memory_space<vmem>>, vector<16xf32>,
        tpu.vector_store %arg11[%swap3A_1414, %swap3A_1415], %mul3A_1413 {strides = array<i32>} : memref<200x64xf32, #tpu.memory_space<vmem>>, vector<16xf32>,
        %add3A_1417 = arith.constant 8 : i32
        %add3A_1418 = arith.addi %mul3A_1030, %add3A_1417 : i32
        %broadcast_in_dim3A_1419 = vector.shape_cast %broadcast_in_dim3A_48 : vector<16xi32> to vector<16x1xi32>
        %gather3A_1420 = vector.shape_cast %broadcast_in_dim3A_1419 : vector<16x1xi32> to vector<16xi32>
        %gather3A_1421 = tpu.dynamic_gather %get3A_1032[%gather3A_1420] in [0] : vector<16xf32>, vector<16xi32> -> vector<16xf32>
        %get3A_1422 = arith.index_cast %add3A_1418 : i32 to index
        %get3A_1423 = arith.constant 0 : index
        %get3A_1424 = tpu.vector_load %arg7[%get3A_1422, %get3A_1423] {strides = array<i32>} : memref<200x16xi32, #tpu.memory_space<vmem>>, vector<16xi32>,
        %broadcast_in_dim3A_1425 = vector.shape_cast %add3A_12 : vector<16xi32> to vector<16x1xi32>
        %gather3A_1426 = vector.shape_cast %broadcast_in_dim3A_1425 : vector<16x1xi32> to vector<16xi32>
        %gather3A_1427 = tpu.dynamic_gather %get3A_1424[%gather3A_1426] in [0] : vector<16xi32>, vector<16xi32> -> vector<16xi32>
        %shift_left3A_1428 = arith.shli %gather3A_1427, %shift_left3A_6 : vector<16xi32>
        %shift_right_arithmetic3A_1429 = arith.shrsi %shift_left3A_1428, %broadcast_in_dim3A_7 : vector<16xi32>
        %convert_element_type3A_1430 = arith.sitofp %shift_right_arithmetic3A_1429 : vector<16xi32> to vector<16xf32>
        %mul3A_1431 = arith.mulf %convert_element_type3A_1430, %gather3A_1421 : vector<16xf32>
        %swap3A_1432 = arith.index_cast %add3A_1418 : i32 to index
        %swap3A_1433 = arith.constant 0 : index
        %swap3A_1434 = tpu.vector_load %arg11[%swap3A_1432, %swap3A_1433] {strides = array<i32>} : memref<200x64xf32, #tpu.memory_space<vmem>>, vector<16xf32>,
        tpu.vector_store %arg11[%swap3A_1432, %swap3A_1433], %mul3A_1431 {strides = array<i32>} : memref<200x64xf32, #tpu.memory_space<vmem>>, vector<16xf32>,
        %broadcast_in_dim3A_1435 = vector.shape_cast %add3A_18 : vector<16xi32> to vector<16x1xi32>
        %gather3A_1436 = vector.shape_cast %broadcast_in_dim3A_1435 : vector<16x1xi32> to vector<16xi32>
        %gather3A_1437 = tpu.dynamic_gather %get3A_1424[%gather3A_1436] in [0] : vector<16xi32>, vector<16xi32> -> vector<16xi32>
        %shift_left3A_1438 = arith.shli %gather3A_1437, %shift_left3A_6 : vector<16xi32>
        %shift_right_arithmetic3A_1439 = arith.shrsi %shift_left3A_1438, %broadcast_in_dim3A_7 : vector<16xi32>
        %convert_element_type3A_1440 = arith.sitofp %shift_right_arithmetic3A_1439 : vector<16xi32> to vector<16xf32>
        %mul3A_1441 = arith.mulf %convert_element_type3A_1440, %gather3A_1421 : vector<16xf32>
        %swap3A_1442 = arith.index_cast %add3A_1418 : i32 to index
        %swap3A_1443 = arith.constant 16 : index
        %swap3A_1444 = tpu.vector_load %arg11[%swap3A_1442, %swap3A_1443] {strides = array<i32>} : memref<200x64xf32, #tpu.memory_space<vmem>>, vector<16xf32>,
        tpu.vector_store %arg11[%swap3A_1442, %swap3A_1443], %mul3A_1441 {strides = array<i32>} : memref<200x64xf32, #tpu.memory_space<vmem>>, vector<16xf32>,
        %broadcast_in_dim3A_1445 = vector.shape_cast %add3A_24 : vector<16xi32> to vector<16x1xi32>
        %gather3A_1446 = vector.shape_cast %broadcast_in_dim3A_1445 : vector<16x1xi32> to vector<16xi32>
        %gather3A_1447 = tpu.dynamic_gather %get3A_1424[%gather3A_1446] in [0] : vector<16xi32>, vector<16xi32> -> vector<16xi32>
        %shift_left3A_1448 = arith.shli %gather3A_1447, %shift_left3A_6 : vector<16xi32>
        %shift_right_arithmetic3A_1449 = arith.shrsi %shift_left3A_1448, %broadcast_in_dim3A_7 : vector<16xi32>
        %convert_element_type3A_1450 = arith.sitofp %shift_right_arithmetic3A_1449 : vector<16xi32> to vector<16xf32>
        %mul3A_1451 = arith.mulf %convert_element_type3A_1450, %gather3A_1421 : vector<16xf32>
        %swap3A_1452 = arith.index_cast %add3A_1418 : i32 to index
        %swap3A_1453 = arith.constant 32 : index
        %swap3A_1454 = tpu.vector_load %arg11[%swap3A_1452, %swap3A_1453] {strides = array<i32>} : memref<200x64xf32, #tpu.memory_space<vmem>>, vector<16xf32>,
        tpu.vector_store %arg11[%swap3A_1452, %swap3A_1453], %mul3A_1451 {strides = array<i32>} : memref<200x64xf32, #tpu.memory_space<vmem>>, vector<16xf32>,
        %broadcast_in_dim3A_1455 = vector.shape_cast %add3A_30 : vector<16xi32> to vector<16x1xi32>
        %gather3A_1456 = vector.shape_cast %broadcast_in_dim3A_1455 : vector<16x1xi32> to vector<16xi32>
        %gather3A_1457 = tpu.dynamic_gather %get3A_1424[%gather3A_1456] in [0] : vector<16xi32>, vector<16xi32> -> vector<16xi32>
        %shift_left3A_1458 = arith.shli %gather3A_1457, %shift_left3A_6 : vector<16xi32>
        %shift_right_arithmetic3A_1459 = arith.shrsi %shift_left3A_1458, %broadcast_in_dim3A_7 : vector<16xi32>
        %convert_element_type3A_1460 = arith.sitofp %shift_right_arithmetic3A_1459 : vector<16xi32> to vector<16xf32>
        %mul3A_1461 = arith.mulf %convert_element_type3A_1460, %gather3A_1421 : vector<16xf32>
        %swap3A_1462 = arith.index_cast %add3A_1418 : i32 to index
        %swap3A_1463 = arith.constant 48 : index
        %swap3A_1464 = tpu.vector_load %arg11[%swap3A_1462, %swap3A_1463] {strides = array<i32>} : memref<200x64xf32, #tpu.memory_space<vmem>>, vector<16xf32>,
        tpu.vector_store %arg11[%swap3A_1462, %swap3A_1463], %mul3A_1461 {strides = array<i32>} : memref<200x64xf32, #tpu.memory_space<vmem>>, vector<16xf32>,
        %add3A_1465 = arith.constant 9 : i32
        %add3A_1466 = arith.addi %mul3A_1030, %add3A_1465 : i32
        %broadcast_in_dim3A_1467 = vector.shape_cast %broadcast_in_dim3A_50 : vector<16xi32> to vector<16x1xi32>
        %gather3A_1468 = vector.shape_cast %broadcast_in_dim3A_1467 : vector<16x1xi32> to vector<16xi32>
        %gather3A_1469 = tpu.dynamic_gather %get3A_1032[%gather3A_1468] in [0] : vector<16xf32>, vector<16xi32> -> vector<16xf32>
        %get3A_1470 = arith.index_cast %add3A_1466 : i32 to index
        %get3A_1471 = arith.constant 0 : index
        %get3A_1472 = tpu.vector_load %arg7[%get3A_1470, %get3A_1471] {strides = array<i32>} : memref<200x16xi32, #tpu.memory_space<vmem>>, vector<16xi32>,
        %broadcast_in_dim3A_1473 = vector.shape_cast %add3A_12 : vector<16xi32> to vector<16x1xi32>
        %gather3A_1474 = vector.shape_cast %broadcast_in_dim3A_1473 : vector<16x1xi32> to vector<16xi32>
        %gather3A_1475 = tpu.dynamic_gather %get3A_1472[%gather3A_1474] in [0] : vector<16xi32>, vector<16xi32> -> vector<16xi32>
        %shift_left3A_1476 = arith.shli %gather3A_1475, %shift_left3A_6 : vector<16xi32>
        %shift_right_arithmetic3A_1477 = arith.shrsi %shift_left3A_1476, %broadcast_in_dim3A_7 : vector<16xi32>
        %convert_element_type3A_1478 = arith.sitofp %shift_right_arithmetic3A_1477 : vector<16xi32> to vector<16xf32>
        %mul3A_1479 = arith.mulf %convert_element_type3A_1478, %gather3A_1469 : vector<16xf32>
        %swap3A_1480 = arith.index_cast %add3A_1466 : i32 to index
        %swap3A_1481 = arith.constant 0 : index
        %swap3A_1482 = tpu.vector_load %arg11[%swap3A_1480, %swap3A_1481] {strides = array<i32>} : memref<200x64xf32, #tpu.memory_space<vmem>>, vector<16xf32>,
        tpu.vector_store %arg11[%swap3A_1480, %swap3A_1481], %mul3A_1479 {strides = array<i32>} : memref<200x64xf32, #tpu.memory_space<vmem>>, vector<16xf32>,
        %broadcast_in_dim3A_1483 = vector.shape_cast %add3A_18 : vector<16xi32> to vector<16x1xi32>
        %gather3A_1484 = vector.shape_cast %broadcast_in_dim3A_1483 : vector<16x1xi32> to vector<16xi32>
        %gather3A_1485 = tpu.dynamic_gather %get3A_1472[%gather3A_1484] in [0] : vector<16xi32>, vector<16xi32> -> vector<16xi32>
        %shift_left3A_1486 = arith.shli %gather3A_1485, %shift_left3A_6 : vector<16xi32>
        %shift_right_arithmetic3A_1487 = arith.shrsi %shift_left3A_1486, %broadcast_in_dim3A_7 : vector<16xi32>
        %convert_element_type3A_1488 = arith.sitofp %shift_right_arithmetic3A_1487 : vector<16xi32> to vector<16xf32>
        %mul3A_1489 = arith.mulf %convert_element_type3A_1488, %gather3A_1469 : vector<16xf32>
        %swap3A_1490 = arith.index_cast %add3A_1466 : i32 to index
        %swap3A_1491 = arith.constant 16 : index
        %swap3A_1492 = tpu.vector_load %arg11[%swap3A_1490, %swap3A_1491] {strides = array<i32>} : memref<200x64xf32, #tpu.memory_space<vmem>>, vector<16xf32>,
        tpu.vector_store %arg11[%swap3A_1490, %swap3A_1491], %mul3A_1489 {strides = array<i32>} : memref<200x64xf32, #tpu.memory_space<vmem>>, vector<16xf32>,
        %broadcast_in_dim3A_1493 = vector.shape_cast %add3A_24 : vector<16xi32> to vector<16x1xi32>
        %gather3A_1494 = vector.shape_cast %broadcast_in_dim3A_1493 : vector<16x1xi32> to vector<16xi32>
        %gather3A_1495 = tpu.dynamic_gather %get3A_1472[%gather3A_1494] in [0] : vector<16xi32>, vector<16xi32> -> vector<16xi32>
        %shift_left3A_1496 = arith.shli %gather3A_1495, %shift_left3A_6 : vector<16xi32>
        %shift_right_arithmetic3A_1497 = arith.shrsi %shift_left3A_1496, %broadcast_in_dim3A_7 : vector<16xi32>
        %convert_element_type3A_1498 = arith.sitofp %shift_right_arithmetic3A_1497 : vector<16xi32> to vector<16xf32>
        %mul3A_1499 = arith.mulf %convert_element_type3A_1498, %gather3A_1469 : vector<16xf32>
        %swap3A_1500 = arith.index_cast %add3A_1466 : i32 to index
        %swap3A_1501 = arith.constant 32 : index
        %swap3A_1502 = tpu.vector_load %arg11[%swap3A_1500, %swap3A_1501] {strides = array<i32>} : memref<200x64xf32, #tpu.memory_space<vmem>>, vector<16xf32>,
        tpu.vector_store %arg11[%swap3A_1500, %swap3A_1501], %mul3A_1499 {strides = array<i32>} : memref<200x64xf32, #tpu.memory_space<vmem>>, vector<16xf32>,
        %broadcast_in_dim3A_1503 = vector.shape_cast %add3A_30 : vector<16xi32> to vector<16x1xi32>
        %gather3A_1504 = vector.shape_cast %broadcast_in_dim3A_1503 : vector<16x1xi32> to vector<16xi32>
        %gather3A_1505 = tpu.dynamic_gather %get3A_1472[%gather3A_1504] in [0] : vector<16xi32>, vector<16xi32> -> vector<16xi32>
        %shift_left3A_1506 = arith.shli %gather3A_1505, %shift_left3A_6 : vector<16xi32>
        %shift_right_arithmetic3A_1507 = arith.shrsi %shift_left3A_1506, %broadcast_in_dim3A_7 : vector<16xi32>
        %convert_element_type3A_1508 = arith.sitofp %shift_right_arithmetic3A_1507 : vector<16xi32> to vector<16xf32>
        %mul3A_1509 = arith.mulf %convert_element_type3A_1508, %gather3A_1469 : vector<16xf32>
        %swap3A_1510 = arith.index_cast %add3A_1466 : i32 to index
        %swap3A_1511 = arith.constant 48 : index
        %swap3A_1512 = tpu.vector_load %arg11[%swap3A_1510, %swap3A_1511] {strides = array<i32>} : memref<200x64xf32, #tpu.memory_space<vmem>>, vector<16xf32>,
        tpu.vector_store %arg11[%swap3A_1510, %swap3A_1511], %mul3A_1509 {strides = array<i32>} : memref<200x64xf32, #tpu.memory_space<vmem>>, vector<16xf32>,
        %add3A_1513 = arith.constant 10 : i32
        %add3A_1514 = arith.addi %mul3A_1030, %add3A_1513 : i32
        %broadcast_in_dim3A_1515 = vector.shape_cast %broadcast_in_dim3A_52 : vector<16xi32> to vector<16x1xi32>
        %gather3A_1516 = vector.shape_cast %broadcast_in_dim3A_1515 : vector<16x1xi32> to vector<16xi32>
        %gather3A_1517 = tpu.dynamic_gather %get3A_1032[%gather3A_1516] in [0] : vector<16xf32>, vector<16xi32> -> vector<16xf32>
        %get3A_1518 = arith.index_cast %add3A_1514 : i32 to index
        %get3A_1519 = arith.constant 0 : index
        %get3A_1520 = tpu.vector_load %arg7[%get3A_1518, %get3A_1519] {strides = array<i32>} : memref<200x16xi32, #tpu.memory_space<vmem>>, vector<16xi32>,
        %broadcast_in_dim3A_1521 = vector.shape_cast %add3A_12 : vector<16xi32> to vector<16x1xi32>
        %gather3A_1522 = vector.shape_cast %broadcast_in_dim3A_1521 : vector<16x1xi32> to vector<16xi32>
        %gather3A_1523 = tpu.dynamic_gather %get3A_1520[%gather3A_1522] in [0] : vector<16xi32>, vector<16xi32> -> vector<16xi32>
        %shift_left3A_1524 = arith.shli %gather3A_1523, %shift_left3A_6 : vector<16xi32>
        %shift_right_arithmetic3A_1525 = arith.shrsi %shift_left3A_1524, %broadcast_in_dim3A_7 : vector<16xi32>
        %convert_element_type3A_1526 = arith.sitofp %shift_right_arithmetic3A_1525 : vector<16xi32> to vector<16xf32>
        %mul3A_1527 = arith.mulf %convert_element_type3A_1526, %gather3A_1517 : vector<16xf32>
        %swap3A_1528 = arith.index_cast %add3A_1514 : i32 to index
        %swap3A_1529 = arith.constant 0 : index
        %swap3A_1530 = tpu.vector_load %arg11[%swap3A_1528, %swap3A_1529] {strides = array<i32>} : memref<200x64xf32, #tpu.memory_space<vmem>>, vector<16xf32>,
        tpu.vector_store %arg11[%swap3A_1528, %swap3A_1529], %mul3A_1527 {strides = array<i32>} : memref<200x64xf32, #tpu.memory_space<vmem>>, vector<16xf32>,
        %broadcast_in_dim3A_1531 = vector.shape_cast %add3A_18 : vector<16xi32> to vector<16x1xi32>
        %gather3A_1532 = vector.shape_cast %broadcast_in_dim3A_1531 : vector<16x1xi32> to vector<16xi32>
        %gather3A_1533 = tpu.dynamic_gather %get3A_1520[%gather3A_1532] in [0] : vector<16xi32>, vector<16xi32> -> vector<16xi32>
        %shift_left3A_1534 = arith.shli %gather3A_1533, %shift_left3A_6 : vector<16xi32>
        %shift_right_arithmetic3A_1535 = arith.shrsi %shift_left3A_1534, %broadcast_in_dim3A_7 : vector<16xi32>
        %convert_element_type3A_1536 = arith.sitofp %shift_right_arithmetic3A_1535 : vector<16xi32> to vector<16xf32>
        %mul3A_1537 = arith.mulf %convert_element_type3A_1536, %gather3A_1517 : vector<16xf32>
        %swap3A_1538 = arith.index_cast %add3A_1514 : i32 to index
        %swap3A_1539 = arith.constant 16 : index
        %swap3A_1540 = tpu.vector_load %arg11[%swap3A_1538, %swap3A_1539] {strides = array<i32>} : memref<200x64xf32, #tpu.memory_space<vmem>>, vector<16xf32>,
        tpu.vector_store %arg11[%swap3A_1538, %swap3A_1539], %mul3A_1537 {strides = array<i32>} : memref<200x64xf32, #tpu.memory_space<vmem>>, vector<16xf32>,
        %broadcast_in_dim3A_1541 = vector.shape_cast %add3A_24 : vector<16xi32> to vector<16x1xi32>
        %gather3A_1542 = vector.shape_cast %broadcast_in_dim3A_1541 : vector<16x1xi32> to vector<16xi32>
        %gather3A_1543 = tpu.dynamic_gather %get3A_1520[%gather3A_1542] in [0] : vector<16xi32>, vector<16xi32> -> vector<16xi32>
        %shift_left3A_1544 = arith.shli %gather3A_1543, %shift_left3A_6 : vector<16xi32>
        %shift_right_arithmetic3A_1545 = arith.shrsi %shift_left3A_1544, %broadcast_in_dim3A_7 : vector<16xi32>
        %convert_element_type3A_1546 = arith.sitofp %shift_right_arithmetic3A_1545 : vector<16xi32> to vector<16xf32>
        %mul3A_1547 = arith.mulf %convert_element_type3A_1546, %gather3A_1517 : vector<16xf32>
        %swap3A_1548 = arith.index_cast %add3A_1514 : i32 to index
        %swap3A_1549 = arith.constant 32 : index
        %swap3A_1550 = tpu.vector_load %arg11[%swap3A_1548, %swap3A_1549] {strides = array<i32>} : memref<200x64xf32, #tpu.memory_space<vmem>>, vector<16xf32>,
        tpu.vector_store %arg11[%swap3A_1548, %swap3A_1549], %mul3A_1547 {strides = array<i32>} : memref<200x64xf32, #tpu.memory_space<vmem>>, vector<16xf32>,
        %broadcast_in_dim3A_1551 = vector.shape_cast %add3A_30 : vector<16xi32> to vector<16x1xi32>
        %gather3A_1552 = vector.shape_cast %broadcast_in_dim3A_1551 : vector<16x1xi32> to vector<16xi32>
        %gather3A_1553 = tpu.dynamic_gather %get3A_1520[%gather3A_1552] in [0] : vector<16xi32>, vector<16xi32> -> vector<16xi32>
        %shift_left3A_1554 = arith.shli %gather3A_1553, %shift_left3A_6 : vector<16xi32>
        %shift_right_arithmetic3A_1555 = arith.shrsi %shift_left3A_1554, %broadcast_in_dim3A_7 : vector<16xi32>
        %convert_element_type3A_1556 = arith.sitofp %shift_right_arithmetic3A_1555 : vector<16xi32> to vector<16xf32>
        %mul3A_1557 = arith.mulf %convert_element_type3A_1556, %gather3A_1517 : vector<16xf32>
        %swap3A_1558 = arith.index_cast %add3A_1514 : i32 to index
        %swap3A_1559 = arith.constant 48 : index
        %swap3A_1560 = tpu.vector_load %arg11[%swap3A_1558, %swap3A_1559] {strides = array<i32>} : memref<200x64xf32, #tpu.memory_space<vmem>>, vector<16xf32>,
        tpu.vector_store %arg11[%swap3A_1558, %swap3A_1559], %mul3A_1557 {strides = array<i32>} : memref<200x64xf32, #tpu.memory_space<vmem>>, vector<16xf32>,
        %add3A_1561 = arith.constant 11 : i32
        %add3A_1562 = arith.addi %mul3A_1030, %add3A_1561 : i32
        %broadcast_in_dim3A_1563 = vector.shape_cast %broadcast_in_dim3A_54 : vector<16xi32> to vector<16x1xi32>
        %gather3A_1564 = vector.shape_cast %broadcast_in_dim3A_1563 : vector<16x1xi32> to vector<16xi32>
        %gather3A_1565 = tpu.dynamic_gather %get3A_1032[%gather3A_1564] in [0] : vector<16xf32>, vector<16xi32> -> vector<16xf32>
        %get3A_1566 = arith.index_cast %add3A_1562 : i32 to index
        %get3A_1567 = arith.constant 0 : index
        %get3A_1568 = tpu.vector_load %arg7[%get3A_1566, %get3A_1567] {strides = array<i32>} : memref<200x16xi32, #tpu.memory_space<vmem>>, vector<16xi32>,
        %broadcast_in_dim3A_1569 = vector.shape_cast %add3A_12 : vector<16xi32> to vector<16x1xi32>
        %gather3A_1570 = vector.shape_cast %broadcast_in_dim3A_1569 : vector<16x1xi32> to vector<16xi32>
        %gather3A_1571 = tpu.dynamic_gather %get3A_1568[%gather3A_1570] in [0] : vector<16xi32>, vector<16xi32> -> vector<16xi32>
        %shift_left3A_1572 = arith.shli %gather3A_1571, %shift_left3A_6 : vector<16xi32>
        %shift_right_arithmetic3A_1573 = arith.shrsi %shift_left3A_1572, %broadcast_in_dim3A_7 : vector<16xi32>
        %convert_element_type3A_1574 = arith.sitofp %shift_right_arithmetic3A_1573 : vector<16xi32> to vector<16xf32>
        %mul3A_1575 = arith.mulf %convert_element_type3A_1574, %gather3A_1565 : vector<16xf32>
        %swap3A_1576 = arith.index_cast %add3A_1562 : i32 to index
        %swap3A_1577 = arith.constant 0 : index
        %swap3A_1578 = tpu.vector_load %arg11[%swap3A_1576, %swap3A_1577] {strides = array<i32>} : memref<200x64xf32, #tpu.memory_space<vmem>>, vector<16xf32>,
        tpu.vector_store %arg11[%swap3A_1576, %swap3A_1577], %mul3A_1575 {strides = array<i32>} : memref<200x64xf32, #tpu.memory_space<vmem>>, vector<16xf32>,
        %broadcast_in_dim3A_1579 = vector.shape_cast %add3A_18 : vector<16xi32> to vector<16x1xi32>
        %gather3A_1580 = vector.shape_cast %broadcast_in_dim3A_1579 : vector<16x1xi32> to vector<16xi32>
        %gather3A_1581 = tpu.dynamic_gather %get3A_1568[%gather3A_1580] in [0] : vector<16xi32>, vector<16xi32> -> vector<16xi32>
        %shift_left3A_1582 = arith.shli %gather3A_1581, %shift_left3A_6 : vector<16xi32>
        %shift_right_arithmetic3A_1583 = arith.shrsi %shift_left3A_1582, %broadcast_in_dim3A_7 : vector<16xi32>
        %convert_element_type3A_1584 = arith.sitofp %shift_right_arithmetic3A_1583 : vector<16xi32> to vector<16xf32>
        %mul3A_1585 = arith.mulf %convert_element_type3A_1584, %gather3A_1565 : vector<16xf32>
        %swap3A_1586 = arith.index_cast %add3A_1562 : i32 to index
        %swap3A_1587 = arith.constant 16 : index
        %swap3A_1588 = tpu.vector_load %arg11[%swap3A_1586, %swap3A_1587] {strides = array<i32>} : memref<200x64xf32, #tpu.memory_space<vmem>>, vector<16xf32>,
        tpu.vector_store %arg11[%swap3A_1586, %swap3A_1587], %mul3A_1585 {strides = array<i32>} : memref<200x64xf32, #tpu.memory_space<vmem>>, vector<16xf32>,
        %broadcast_in_dim3A_1589 = vector.shape_cast %add3A_24 : vector<16xi32> to vector<16x1xi32>
        %gather3A_1590 = vector.shape_cast %broadcast_in_dim3A_1589 : vector<16x1xi32> to vector<16xi32>
        %gather3A_1591 = tpu.dynamic_gather %get3A_1568[%gather3A_1590] in [0] : vector<16xi32>, vector<16xi32> -> vector<16xi32>
        %shift_left3A_1592 = arith.shli %gather3A_1591, %shift_left3A_6 : vector<16xi32>
        %shift_right_arithmetic3A_1593 = arith.shrsi %shift_left3A_1592, %broadcast_in_dim3A_7 : vector<16xi32>
        %convert_element_type3A_1594 = arith.sitofp %shift_right_arithmetic3A_1593 : vector<16xi32> to vector<16xf32>
        %mul3A_1595 = arith.mulf %convert_element_type3A_1594, %gather3A_1565 : vector<16xf32>
        %swap3A_1596 = arith.index_cast %add3A_1562 : i32 to index
        %swap3A_1597 = arith.constant 32 : index
        %swap3A_1598 = tpu.vector_load %arg11[%swap3A_1596, %swap3A_1597] {strides = array<i32>} : memref<200x64xf32, #tpu.memory_space<vmem>>, vector<16xf32>,
        tpu.vector_store %arg11[%swap3A_1596, %swap3A_1597], %mul3A_1595 {strides = array<i32>} : memref<200x64xf32, #tpu.memory_space<vmem>>, vector<16xf32>,
        %broadcast_in_dim3A_1599 = vector.shape_cast %add3A_30 : vector<16xi32> to vector<16x1xi32>
        %gather3A_1600 = vector.shape_cast %broadcast_in_dim3A_1599 : vector<16x1xi32> to vector<16xi32>
        %gather3A_1601 = tpu.dynamic_gather %get3A_1568[%gather3A_1600] in [0] : vector<16xi32>, vector<16xi32> -> vector<16xi32>
        %shift_left3A_1602 = arith.shli %gather3A_1601, %shift_left3A_6 : vector<16xi32>
        %shift_right_arithmetic3A_1603 = arith.shrsi %shift_left3A_1602, %broadcast_in_dim3A_7 : vector<16xi32>
        %convert_element_type3A_1604 = arith.sitofp %shift_right_arithmetic3A_1603 : vector<16xi32> to vector<16xf32>
        %mul3A_1605 = arith.mulf %convert_element_type3A_1604, %gather3A_1565 : vector<16xf32>
        %swap3A_1606 = arith.index_cast %add3A_1562 : i32 to index
        %swap3A_1607 = arith.constant 48 : index
        %swap3A_1608 = tpu.vector_load %arg11[%swap3A_1606, %swap3A_1607] {strides = array<i32>} : memref<200x64xf32, #tpu.memory_space<vmem>>, vector<16xf32>,
        tpu.vector_store %arg11[%swap3A_1606, %swap3A_1607], %mul3A_1605 {strides = array<i32>} : memref<200x64xf32, #tpu.memory_space<vmem>>, vector<16xf32>,
        %add3A_1609 = arith.constant 12 : i32
        %add3A_1610 = arith.addi %mul3A_1030, %add3A_1609 : i32
        %broadcast_in_dim3A_1611 = vector.shape_cast %broadcast_in_dim3A_56 : vector<16xi32> to vector<16x1xi32>
        %gather3A_1612 = vector.shape_cast %broadcast_in_dim3A_1611 : vector<16x1xi32> to vector<16xi32>
        %gather3A_1613 = tpu.dynamic_gather %get3A_1032[%gather3A_1612] in [0] : vector<16xf32>, vector<16xi32> -> vector<16xf32>
        %get3A_1614 = arith.index_cast %add3A_1610 : i32 to index
        %get3A_1615 = arith.constant 0 : index
        %get3A_1616 = tpu.vector_load %arg7[%get3A_1614, %get3A_1615] {strides = array<i32>} : memref<200x16xi32, #tpu.memory_space<vmem>>, vector<16xi32>,
        %broadcast_in_dim3A_1617 = vector.shape_cast %add3A_12 : vector<16xi32> to vector<16x1xi32>
        %gather3A_1618 = vector.shape_cast %broadcast_in_dim3A_1617 : vector<16x1xi32> to vector<16xi32>
        %gather3A_1619 = tpu.dynamic_gather %get3A_1616[%gather3A_1618] in [0] : vector<16xi32>, vector<16xi32> -> vector<16xi32>
        %shift_left3A_1620 = arith.shli %gather3A_1619, %shift_left3A_6 : vector<16xi32>
        %shift_right_arithmetic3A_1621 = arith.shrsi %shift_left3A_1620, %broadcast_in_dim3A_7 : vector<16xi32>
        %convert_element_type3A_1622 = arith.sitofp %shift_right_arithmetic3A_1621 : vector<16xi32> to vector<16xf32>
        %mul3A_1623 = arith.mulf %convert_element_type3A_1622, %gather3A_1613 : vector<16xf32>
        %swap3A_1624 = arith.index_cast %add3A_1610 : i32 to index
        %swap3A_1625 = arith.constant 0 : index
        %swap3A_1626 = tpu.vector_load %arg11[%swap3A_1624, %swap3A_1625] {strides = array<i32>} : memref<200x64xf32, #tpu.memory_space<vmem>>, vector<16xf32>,
        tpu.vector_store %arg11[%swap3A_1624, %swap3A_1625], %mul3A_1623 {strides = array<i32>} : memref<200x64xf32, #tpu.memory_space<vmem>>, vector<16xf32>,
        %broadcast_in_dim3A_1627 = vector.shape_cast %add3A_18 : vector<16xi32> to vector<16x1xi32>
        %gather3A_1628 = vector.shape_cast %broadcast_in_dim3A_1627 : vector<16x1xi32> to vector<16xi32>
        %gather3A_1629 = tpu.dynamic_gather %get3A_1616[%gather3A_1628] in [0] : vector<16xi32>, vector<16xi32> -> vector<16xi32>
        %shift_left3A_1630 = arith.shli %gather3A_1629, %shift_left3A_6 : vector<16xi32>
        %shift_right_arithmetic3A_1631 = arith.shrsi %shift_left3A_1630, %broadcast_in_dim3A_7 : vector<16xi32>
        %convert_element_type3A_1632 = arith.sitofp %shift_right_arithmetic3A_1631 : vector<16xi32> to vector<16xf32>
        %mul3A_1633 = arith.mulf %convert_element_type3A_1632, %gather3A_1613 : vector<16xf32>
        %swap3A_1634 = arith.index_cast %add3A_1610 : i32 to index
        %swap3A_1635 = arith.constant 16 : index
        %swap3A_1636 = tpu.vector_load %arg11[%swap3A_1634, %swap3A_1635] {strides = array<i32>} : memref<200x64xf32, #tpu.memory_space<vmem>>, vector<16xf32>,
        tpu.vector_store %arg11[%swap3A_1634, %swap3A_1635], %mul3A_1633 {strides = array<i32>} : memref<200x64xf32, #tpu.memory_space<vmem>>, vector<16xf32>,
        %broadcast_in_dim3A_1637 = vector.shape_cast %add3A_24 : vector<16xi32> to vector<16x1xi32>
        %gather3A_1638 = vector.shape_cast %broadcast_in_dim3A_1637 : vector<16x1xi32> to vector<16xi32>
        %gather3A_1639 = tpu.dynamic_gather %get3A_1616[%gather3A_1638] in [0] : vector<16xi32>, vector<16xi32> -> vector<16xi32>
        %shift_left3A_1640 = arith.shli %gather3A_1639, %shift_left3A_6 : vector<16xi32>
        %shift_right_arithmetic3A_1641 = arith.shrsi %shift_left3A_1640, %broadcast_in_dim3A_7 : vector<16xi32>
        %convert_element_type3A_1642 = arith.sitofp %shift_right_arithmetic3A_1641 : vector<16xi32> to vector<16xf32>
        %mul3A_1643 = arith.mulf %convert_element_type3A_1642, %gather3A_1613 : vector<16xf32>
        %swap3A_1644 = arith.index_cast %add3A_1610 : i32 to index
        %swap3A_1645 = arith.constant 32 : index
        %swap3A_1646 = tpu.vector_load %arg11[%swap3A_1644, %swap3A_1645] {strides = array<i32>} : memref<200x64xf32, #tpu.memory_space<vmem>>, vector<16xf32>,
        tpu.vector_store %arg11[%swap3A_1644, %swap3A_1645], %mul3A_1643 {strides = array<i32>} : memref<200x64xf32, #tpu.memory_space<vmem>>, vector<16xf32>,
        %broadcast_in_dim3A_1647 = vector.shape_cast %add3A_30 : vector<16xi32> to vector<16x1xi32>
        %gather3A_1648 = vector.shape_cast %broadcast_in_dim3A_1647 : vector<16x1xi32> to vector<16xi32>
        %gather3A_1649 = tpu.dynamic_gather %get3A_1616[%gather3A_1648] in [0] : vector<16xi32>, vector<16xi32> -> vector<16xi32>
        %shift_left3A_1650 = arith.shli %gather3A_1649, %shift_left3A_6 : vector<16xi32>
        %shift_right_arithmetic3A_1651 = arith.shrsi %shift_left3A_1650, %broadcast_in_dim3A_7 : vector<16xi32>
        %convert_element_type3A_1652 = arith.sitofp %shift_right_arithmetic3A_1651 : vector<16xi32> to vector<16xf32>
        %mul3A_1653 = arith.mulf %convert_element_type3A_1652, %gather3A_1613 : vector<16xf32>
        %swap3A_1654 = arith.index_cast %add3A_1610 : i32 to index
        %swap3A_1655 = arith.constant 48 : index
        %swap3A_1656 = tpu.vector_load %arg11[%swap3A_1654, %swap3A_1655] {strides = array<i32>} : memref<200x64xf32, #tpu.memory_space<vmem>>, vector<16xf32>,
        tpu.vector_store %arg11[%swap3A_1654, %swap3A_1655], %mul3A_1653 {strides = array<i32>} : memref<200x64xf32, #tpu.memory_space<vmem>>, vector<16xf32>,
        %add3A_1657 = arith.constant 13 : i32
        %add3A_1658 = arith.addi %mul3A_1030, %add3A_1657 : i32
        %broadcast_in_dim3A_1659 = vector.shape_cast %broadcast_in_dim3A_58 : vector<16xi32> to vector<16x1xi32>
        %gather3A_1660 = vector.shape_cast %broadcast_in_dim3A_1659 : vector<16x1xi32> to vector<16xi32>
        %gather3A_1661 = tpu.dynamic_gather %get3A_1032[%gather3A_1660] in [0] : vector<16xf32>, vector<16xi32> -> vector<16xf32>
        %get3A_1662 = arith.index_cast %add3A_1658 : i32 to index
        %get3A_1663 = arith.constant 0 : index
        %get3A_1664 = tpu.vector_load %arg7[%get3A_1662, %get3A_1663] {strides = array<i32>} : memref<200x16xi32, #tpu.memory_space<vmem>>, vector<16xi32>,
        %broadcast_in_dim3A_1665 = vector.shape_cast %add3A_12 : vector<16xi32> to vector<16x1xi32>
        %gather3A_1666 = vector.shape_cast %broadcast_in_dim3A_1665 : vector<16x1xi32> to vector<16xi32>
        %gather3A_1667 = tpu.dynamic_gather %get3A_1664[%gather3A_1666] in [0] : vector<16xi32>, vector<16xi32> -> vector<16xi32>
        %shift_left3A_1668 = arith.shli %gather3A_1667, %shift_left3A_6 : vector<16xi32>
        %shift_right_arithmetic3A_1669 = arith.shrsi %shift_left3A_1668, %broadcast_in_dim3A_7 : vector<16xi32>
        %convert_element_type3A_1670 = arith.sitofp %shift_right_arithmetic3A_1669 : vector<16xi32> to vector<16xf32>
        %mul3A_1671 = arith.mulf %convert_element_type3A_1670, %gather3A_1661 : vector<16xf32>
        %swap3A_1672 = arith.index_cast %add3A_1658 : i32 to index
        %swap3A_1673 = arith.constant 0 : index
        %swap3A_1674 = tpu.vector_load %arg11[%swap3A_1672, %swap3A_1673] {strides = array<i32>} : memref<200x64xf32, #tpu.memory_space<vmem>>, vector<16xf32>,
        tpu.vector_store %arg11[%swap3A_1672, %swap3A_1673], %mul3A_1671 {strides = array<i32>} : memref<200x64xf32, #tpu.memory_space<vmem>>, vector<16xf32>,
        %broadcast_in_dim3A_1675 = vector.shape_cast %add3A_18 : vector<16xi32> to vector<16x1xi32>
        %gather3A_1676 = vector.shape_cast %broadcast_in_dim3A_1675 : vector<16x1xi32> to vector<16xi32>
        %gather3A_1677 = tpu.dynamic_gather %get3A_1664[%gather3A_1676] in [0] : vector<16xi32>, vector<16xi32> -> vector<16xi32>
        %shift_left3A_1678 = arith.shli %gather3A_1677, %shift_left3A_6 : vector<16xi32>
        %shift_right_arithmetic3A_1679 = arith.shrsi %shift_left3A_1678, %broadcast_in_dim3A_7 : vector<16xi32>
        %convert_element_type3A_1680 = arith.sitofp %shift_right_arithmetic3A_1679 : vector<16xi32> to vector<16xf32>
        %mul3A_1681 = arith.mulf %convert_element_type3A_1680, %gather3A_1661 : vector<16xf32>
        %swap3A_1682 = arith.index_cast %add3A_1658 : i32 to index
        %swap3A_1683 = arith.constant 16 : index
        %swap3A_1684 = tpu.vector_load %arg11[%swap3A_1682, %swap3A_1683] {strides = array<i32>} : memref<200x64xf32, #tpu.memory_space<vmem>>, vector<16xf32>,
        tpu.vector_store %arg11[%swap3A_1682, %swap3A_1683], %mul3A_1681 {strides = array<i32>} : memref<200x64xf32, #tpu.memory_space<vmem>>, vector<16xf32>,
        %broadcast_in_dim3A_1685 = vector.shape_cast %add3A_24 : vector<16xi32> to vector<16x1xi32>
        %gather3A_1686 = vector.shape_cast %broadcast_in_dim3A_1685 : vector<16x1xi32> to vector<16xi32>
        %gather3A_1687 = tpu.dynamic_gather %get3A_1664[%gather3A_1686] in [0] : vector<16xi32>, vector<16xi32> -> vector<16xi32>
        %shift_left3A_1688 = arith.shli %gather3A_1687, %shift_left3A_6 : vector<16xi32>
        %shift_right_arithmetic3A_1689 = arith.shrsi %shift_left3A_1688, %broadcast_in_dim3A_7 : vector<16xi32>
        %convert_element_type3A_1690 = arith.sitofp %shift_right_arithmetic3A_1689 : vector<16xi32> to vector<16xf32>
        %mul3A_1691 = arith.mulf %convert_element_type3A_1690, %gather3A_1661 : vector<16xf32>
        %swap3A_1692 = arith.index_cast %add3A_1658 : i32 to index
        %swap3A_1693 = arith.constant 32 : index
        %swap3A_1694 = tpu.vector_load %arg11[%swap3A_1692, %swap3A_1693] {strides = array<i32>} : memref<200x64xf32, #tpu.memory_space<vmem>>, vector<16xf32>,
        tpu.vector_store %arg11[%swap3A_1692, %swap3A_1693], %mul3A_1691 {strides = array<i32>} : memref<200x64xf32, #tpu.memory_space<vmem>>, vector<16xf32>,
        %broadcast_in_dim3A_1695 = vector.shape_cast %add3A_30 : vector<16xi32> to vector<16x1xi32>
        %gather3A_1696 = vector.shape_cast %broadcast_in_dim3A_1695 : vector<16x1xi32> to vector<16xi32>
        %gather3A_1697 = tpu.dynamic_gather %get3A_1664[%gather3A_1696] in [0] : vector<16xi32>, vector<16xi32> -> vector<16xi32>
        %shift_left3A_1698 = arith.shli %gather3A_1697, %shift_left3A_6 : vector<16xi32>
        %shift_right_arithmetic3A_1699 = arith.shrsi %shift_left3A_1698, %broadcast_in_dim3A_7 : vector<16xi32>
        %convert_element_type3A_1700 = arith.sitofp %shift_right_arithmetic3A_1699 : vector<16xi32> to vector<16xf32>
        %mul3A_1701 = arith.mulf %convert_element_type3A_1700, %gather3A_1661 : vector<16xf32>
        %swap3A_1702 = arith.index_cast %add3A_1658 : i32 to index
        %swap3A_1703 = arith.constant 48 : index
        %swap3A_1704 = tpu.vector_load %arg11[%swap3A_1702, %swap3A_1703] {strides = array<i32>} : memref<200x64xf32, #tpu.memory_space<vmem>>, vector<16xf32>,
        tpu.vector_store %arg11[%swap3A_1702, %swap3A_1703], %mul3A_1701 {strides = array<i32>} : memref<200x64xf32, #tpu.memory_space<vmem>>, vector<16xf32>,
        %add3A_1705 = arith.constant 14 : i32
        %add3A_1706 = arith.addi %mul3A_1030, %add3A_1705 : i32
        %broadcast_in_dim3A_1707 = vector.shape_cast %broadcast_in_dim3A_60 : vector<16xi32> to vector<16x1xi32>
        %gather3A_1708 = vector.shape_cast %broadcast_in_dim3A_1707 : vector<16x1xi32> to vector<16xi32>
        %gather3A_1709 = tpu.dynamic_gather %get3A_1032[%gather3A_1708] in [0] : vector<16xf32>, vector<16xi32> -> vector<16xf32>
        %get3A_1710 = arith.index_cast %add3A_1706 : i32 to index
        %get3A_1711 = arith.constant 0 : index
        %get3A_1712 = tpu.vector_load %arg7[%get3A_1710, %get3A_1711] {strides = array<i32>} : memref<200x16xi32, #tpu.memory_space<vmem>>, vector<16xi32>,
        %broadcast_in_dim3A_1713 = vector.shape_cast %add3A_12 : vector<16xi32> to vector<16x1xi32>
        %gather3A_1714 = vector.shape_cast %broadcast_in_dim3A_1713 : vector<16x1xi32> to vector<16xi32>
        %gather3A_1715 = tpu.dynamic_gather %get3A_1712[%gather3A_1714] in [0] : vector<16xi32>, vector<16xi32> -> vector<16xi32>
        %shift_left3A_1716 = arith.shli %gather3A_1715, %shift_left3A_6 : vector<16xi32>
        %shift_right_arithmetic3A_1717 = arith.shrsi %shift_left3A_1716, %broadcast_in_dim3A_7 : vector<16xi32>
        %convert_element_type3A_1718 = arith.sitofp %shift_right_arithmetic3A_1717 : vector<16xi32> to vector<16xf32>
        %mul3A_1719 = arith.mulf %convert_element_type3A_1718, %gather3A_1709 : vector<16xf32>
        %swap3A_1720 = arith.index_cast %add3A_1706 : i32 to index
        %swap3A_1721 = arith.constant 0 : index
        %swap3A_1722 = tpu.vector_load %arg11[%swap3A_1720, %swap3A_1721] {strides = array<i32>} : memref<200x64xf32, #tpu.memory_space<vmem>>, vector<16xf32>,
        tpu.vector_store %arg11[%swap3A_1720, %swap3A_1721], %mul3A_1719 {strides = array<i32>} : memref<200x64xf32, #tpu.memory_space<vmem>>, vector<16xf32>,
        %broadcast_in_dim3A_1723 = vector.shape_cast %add3A_18 : vector<16xi32> to vector<16x1xi32>
        %gather3A_1724 = vector.shape_cast %broadcast_in_dim3A_1723 : vector<16x1xi32> to vector<16xi32>
        %gather3A_1725 = tpu.dynamic_gather %get3A_1712[%gather3A_1724] in [0] : vector<16xi32>, vector<16xi32> -> vector<16xi32>
        %shift_left3A_1726 = arith.shli %gather3A_1725, %shift_left3A_6 : vector<16xi32>
        %shift_right_arithmetic3A_1727 = arith.shrsi %shift_left3A_1726, %broadcast_in_dim3A_7 : vector<16xi32>
        %convert_element_type3A_1728 = arith.sitofp %shift_right_arithmetic3A_1727 : vector<16xi32> to vector<16xf32>
        %mul3A_1729 = arith.mulf %convert_element_type3A_1728, %gather3A_1709 : vector<16xf32>
        %swap3A_1730 = arith.index_cast %add3A_1706 : i32 to index
        %swap3A_1731 = arith.constant 16 : index
        %swap3A_1732 = tpu.vector_load %arg11[%swap3A_1730, %swap3A_1731] {strides = array<i32>} : memref<200x64xf32, #tpu.memory_space<vmem>>, vector<16xf32>,
        tpu.vector_store %arg11[%swap3A_1730, %swap3A_1731], %mul3A_1729 {strides = array<i32>} : memref<200x64xf32, #tpu.memory_space<vmem>>, vector<16xf32>,
        %broadcast_in_dim3A_1733 = vector.shape_cast %add3A_24 : vector<16xi32> to vector<16x1xi32>
        %gather3A_1734 = vector.shape_cast %broadcast_in_dim3A_1733 : vector<16x1xi32> to vector<16xi32>
        %gather3A_1735 = tpu.dynamic_gather %get3A_1712[%gather3A_1734] in [0] : vector<16xi32>, vector<16xi32> -> vector<16xi32>
        %shift_left3A_1736 = arith.shli %gather3A_1735, %shift_left3A_6 : vector<16xi32>
        %shift_right_arithmetic3A_1737 = arith.shrsi %shift_left3A_1736, %broadcast_in_dim3A_7 : vector<16xi32>
        %convert_element_type3A_1738 = arith.sitofp %shift_right_arithmetic3A_1737 : vector<16xi32> to vector<16xf32>
        %mul3A_1739 = arith.mulf %convert_element_type3A_1738, %gather3A_1709 : vector<16xf32>
        %swap3A_1740 = arith.index_cast %add3A_1706 : i32 to index
        %swap3A_1741 = arith.constant 32 : index
        %swap3A_1742 = tpu.vector_load %arg11[%swap3A_1740, %swap3A_1741] {strides = array<i32>} : memref<200x64xf32, #tpu.memory_space<vmem>>, vector<16xf32>,
        tpu.vector_store %arg11[%swap3A_1740, %swap3A_1741], %mul3A_1739 {strides = array<i32>} : memref<200x64xf32, #tpu.memory_space<vmem>>, vector<16xf32>,
        %broadcast_in_dim3A_1743 = vector.shape_cast %add3A_30 : vector<16xi32> to vector<16x1xi32>
        %gather3A_1744 = vector.shape_cast %broadcast_in_dim3A_1743 : vector<16x1xi32> to vector<16xi32>
        %gather3A_1745 = tpu.dynamic_gather %get3A_1712[%gather3A_1744] in [0] : vector<16xi32>, vector<16xi32> -> vector<16xi32>
        %shift_left3A_1746 = arith.shli %gather3A_1745, %shift_left3A_6 : vector<16xi32>
        %shift_right_arithmetic3A_1747 = arith.shrsi %shift_left3A_1746, %broadcast_in_dim3A_7 : vector<16xi32>
        %convert_element_type3A_1748 = arith.sitofp %shift_right_arithmetic3A_1747 : vector<16xi32> to vector<16xf32>
        %mul3A_1749 = arith.mulf %convert_element_type3A_1748, %gather3A_1709 : vector<16xf32>
        %swap3A_1750 = arith.index_cast %add3A_1706 : i32 to index
        %swap3A_1751 = arith.constant 48 : index
        %swap3A_1752 = tpu.vector_load %arg11[%swap3A_1750, %swap3A_1751] {strides = array<i32>} : memref<200x64xf32, #tpu.memory_space<vmem>>, vector<16xf32>,
        tpu.vector_store %arg11[%swap3A_1750, %swap3A_1751], %mul3A_1749 {strides = array<i32>} : memref<200x64xf32, #tpu.memory_space<vmem>>, vector<16xf32>,
        %add3A_1753 = arith.constant 15 : i32
        %add3A_1754 = arith.addi %mul3A_1030, %add3A_1753 : i32
        %broadcast_in_dim3A_1755 = vector.shape_cast %broadcast_in_dim3A_62 : vector<16xi32> to vector<16x1xi32>
        %gather3A_1756 = vector.shape_cast %broadcast_in_dim3A_1755 : vector<16x1xi32> to vector<16xi32>
        %gather3A_1757 = tpu.dynamic_gather %get3A_1032[%gather3A_1756] in [0] : vector<16xf32>, vector<16xi32> -> vector<16xf32>
        %get3A_1758 = arith.index_cast %add3A_1754 : i32 to index
        %get3A_1759 = arith.constant 0 : index
        %get3A_1760 = tpu.vector_load %arg7[%get3A_1758, %get3A_1759] {strides = array<i32>} : memref<200x16xi32, #tpu.memory_space<vmem>>, vector<16xi32>,
        %broadcast_in_dim3A_1761 = vector.shape_cast %add3A_12 : vector<16xi32> to vector<16x1xi32>
        %gather3A_1762 = vector.shape_cast %broadcast_in_dim3A_1761 : vector<16x1xi32> to vector<16xi32>
        %gather3A_1763 = tpu.dynamic_gather %get3A_1760[%gather3A_1762] in [0] : vector<16xi32>, vector<16xi32> -> vector<16xi32>
        %shift_left3A_1764 = arith.shli %gather3A_1763, %shift_left3A_6 : vector<16xi32>
        %shift_right_arithmetic3A_1765 = arith.shrsi %shift_left3A_1764, %broadcast_in_dim3A_7 : vector<16xi32>
        %convert_element_type3A_1766 = arith.sitofp %shift_right_arithmetic3A_1765 : vector<16xi32> to vector<16xf32>
        %mul3A_1767 = arith.mulf %convert_element_type3A_1766, %gather3A_1757 : vector<16xf32>
        %swap3A_1768 = arith.index_cast %add3A_1754 : i32 to index
        %swap3A_1769 = arith.constant 0 : index
        %swap3A_1770 = tpu.vector_load %arg11[%swap3A_1768, %swap3A_1769] {strides = array<i32>} : memref<200x64xf32, #tpu.memory_space<vmem>>, vector<16xf32>,
        tpu.vector_store %arg11[%swap3A_1768, %swap3A_1769], %mul3A_1767 {strides = array<i32>} : memref<200x64xf32, #tpu.memory_space<vmem>>, vector<16xf32>,
        %broadcast_in_dim3A_1771 = vector.shape_cast %add3A_18 : vector<16xi32> to vector<16x1xi32>
        %gather3A_1772 = vector.shape_cast %broadcast_in_dim3A_1771 : vector<16x1xi32> to vector<16xi32>
        %gather3A_1773 = tpu.dynamic_gather %get3A_1760[%gather3A_1772] in [0] : vector<16xi32>, vector<16xi32> -> vector<16xi32>
        %shift_left3A_1774 = arith.shli %gather3A_1773, %shift_left3A_6 : vector<16xi32>
        %shift_right_arithmetic3A_1775 = arith.shrsi %shift_left3A_1774, %broadcast_in_dim3A_7 : vector<16xi32>
        %convert_element_type3A_1776 = arith.sitofp %shift_right_arithmetic3A_1775 : vector<16xi32> to vector<16xf32>
        %mul3A_1777 = arith.mulf %convert_element_type3A_1776, %gather3A_1757 : vector<16xf32>
        %swap3A_1778 = arith.index_cast %add3A_1754 : i32 to index
        %swap3A_1779 = arith.constant 16 : index
        %swap3A_1780 = tpu.vector_load %arg11[%swap3A_1778, %swap3A_1779] {strides = array<i32>} : memref<200x64xf32, #tpu.memory_space<vmem>>, vector<16xf32>,
        tpu.vector_store %arg11[%swap3A_1778, %swap3A_1779], %mul3A_1777 {strides = array<i32>} : memref<200x64xf32, #tpu.memory_space<vmem>>, vector<16xf32>,
        %broadcast_in_dim3A_1781 = vector.shape_cast %add3A_24 : vector<16xi32> to vector<16x1xi32>
        %gather3A_1782 = vector.shape_cast %broadcast_in_dim3A_1781 : vector<16x1xi32> to vector<16xi32>
        %gather3A_1783 = tpu.dynamic_gather %get3A_1760[%gather3A_1782] in [0] : vector<16xi32>, vector<16xi32> -> vector<16xi32>
        %shift_left3A_1784 = arith.shli %gather3A_1783, %shift_left3A_6 : vector<16xi32>
        %shift_right_arithmetic3A_1785 = arith.shrsi %shift_left3A_1784, %broadcast_in_dim3A_7 : vector<16xi32>
        %convert_element_type3A_1786 = arith.sitofp %shift_right_arithmetic3A_1785 : vector<16xi32> to vector<16xf32>
        %mul3A_1787 = arith.mulf %convert_element_type3A_1786, %gather3A_1757 : vector<16xf32>
        %swap3A_1788 = arith.index_cast %add3A_1754 : i32 to index
        %swap3A_1789 = arith.constant 32 : index
        %swap3A_1790 = tpu.vector_load %arg11[%swap3A_1788, %swap3A_1789] {strides = array<i32>} : memref<200x64xf32, #tpu.memory_space<vmem>>, vector<16xf32>,
        tpu.vector_store %arg11[%swap3A_1788, %swap3A_1789], %mul3A_1787 {strides = array<i32>} : memref<200x64xf32, #tpu.memory_space<vmem>>, vector<16xf32>,
        %broadcast_in_dim3A_1791 = vector.shape_cast %add3A_30 : vector<16xi32> to vector<16x1xi32>
        %gather3A_1792 = vector.shape_cast %broadcast_in_dim3A_1791 : vector<16x1xi32> to vector<16xi32>
        %gather3A_1793 = tpu.dynamic_gather %get3A_1760[%gather3A_1792] in [0] : vector<16xi32>, vector<16xi32> -> vector<16xi32>
        %shift_left3A_1794 = arith.shli %gather3A_1793, %shift_left3A_6 : vector<16xi32>
        %shift_right_arithmetic3A_1795 = arith.shrsi %shift_left3A_1794, %broadcast_in_dim3A_7 : vector<16xi32>
        %convert_element_type3A_1796 = arith.sitofp %shift_right_arithmetic3A_1795 : vector<16xi32> to vector<16xf32>
        %mul3A_1797 = arith.mulf %convert_element_type3A_1796, %gather3A_1757 : vector<16xf32>
        %swap3A_1798 = arith.index_cast %add3A_1754 : i32 to index
        %swap3A_1799 = arith.constant 48 : index
        %swap3A_1800 = tpu.vector_load %arg11[%swap3A_1798, %swap3A_1799] {strides = array<i32>} : memref<200x64xf32, #tpu.memory_space<vmem>>, vector<16xf32>,
        tpu.vector_store %arg11[%swap3A_1798, %swap3A_1799], %mul3A_1797 {strides = array<i32>} : memref<200x64xf32, #tpu.memory_space<vmem>>, vector<16xf32>,
        %scan3A_1801 = arith.constant 0 : i32
        scf.yield %scan3A_1801 : i32
      }
      %scan3A_153 = arith.constant 12 : i32
      %get3A = arith.constant 184 : index
      %get3A_154 = tpu.vector_load %arg9[%get3A] {strides = array<i32>} : memref<200xf32, #tpu.memory_space<vmem>>, vector<16xf32>,
      %broadcast_in_dim3A_155 = vector.shape_cast %broadcast_in_dim3A_48 : vector<16xi32> to vector<16x1xi32>
      %gather3A = vector.shape_cast %broadcast_in_dim3A_155 : vector<16x1xi32> to vector<16xi32>
      %gather3A_156 = tpu.dynamic_gather %get3A_154[%gather3A] in [0] : vector<16xf32>, vector<16xi32> -> vector<16xf32>
      %get3A_157 = arith.constant 192 : i32
      %get3A_158 = arith.index_cast %get3A_157 : i32 to index
      %get3A_159 = arith.constant 0 : index
      %get3A_160 = tpu.vector_load %arg7[%get3A_158, %get3A_159] {strides = array<i32>} : memref<200x16xi32, #tpu.memory_space<vmem>>, vector<16xi32>,
      %broadcast_in_dim3A_161 = vector.shape_cast %add3A_12 : vector<16xi32> to vector<16x1xi32>
      %gather3A_162 = vector.shape_cast %broadcast_in_dim3A_161 : vector<16x1xi32> to vector<16xi32>
      %gather3A_163 = tpu.dynamic_gather %get3A_160[%gather3A_162] in [0] : vector<16xi32>, vector<16xi32> -> vector<16xi32>
      %shift_left3A_164 = arith.shli %gather3A_163, %shift_left3A_6 : vector<16xi32>
      %shift_right_arithmetic3A_165 = arith.shrsi %shift_left3A_164, %broadcast_in_dim3A_7 : vector<16xi32>
      %convert_element_type3A_166 = arith.sitofp %shift_right_arithmetic3A_165 : vector<16xi32> to vector<16xf32>
      %mul3A_167 = arith.mulf %convert_element_type3A_166, %gather3A_156 : vector<16xf32>
      %swap3A = arith.constant 192 : i32
      %swap3A_168 = arith.index_cast %swap3A : i32 to index
      %swap3A_169 = arith.constant 0 : index
      %swap3A_170 = tpu.vector_load %arg11[%swap3A_168, %swap3A_169] {strides = array<i32>} : memref<200x64xf32, #tpu.memory_space<vmem>>, vector<16xf32>,
      tpu.vector_store %arg11[%swap3A_168, %swap3A_169], %mul3A_167 {strides = array<i32>} : memref<200x64xf32, #tpu.memory_space<vmem>>, vector<16xf32>,
      %broadcast_in_dim3A_171 = vector.shape_cast %add3A_18 : vector<16xi32> to vector<16x1xi32>
      %gather3A_172 = vector.shape_cast %broadcast_in_dim3A_171 : vector<16x1xi32> to vector<16xi32>
      %gather3A_173 = tpu.dynamic_gather %get3A_160[%gather3A_172] in [0] : vector<16xi32>, vector<16xi32> -> vector<16xi32>
      %shift_left3A_174 = arith.shli %gather3A_173, %shift_left3A_6 : vector<16xi32>
      %shift_right_arithmetic3A_175 = arith.shrsi %shift_left3A_174, %broadcast_in_dim3A_7 : vector<16xi32>
      %convert_element_type3A_176 = arith.sitofp %shift_right_arithmetic3A_175 : vector<16xi32> to vector<16xf32>
      %mul3A_177 = arith.mulf %convert_element_type3A_176, %gather3A_156 : vector<16xf32>
      %swap3A_178 = arith.constant 192 : i32
      %swap3A_179 = arith.index_cast %swap3A_178 : i32 to index
      %swap3A_180 = arith.constant 16 : index
      %swap3A_181 = tpu.vector_load %arg11[%swap3A_179, %swap3A_180] {strides = array<i32>} : memref<200x64xf32, #tpu.memory_space<vmem>>, vector<16xf32>,
      tpu.vector_store %arg11[%swap3A_179, %swap3A_180], %mul3A_177 {strides = array<i32>} : memref<200x64xf32, #tpu.memory_space<vmem>>, vector<16xf32>,
      %broadcast_in_dim3A_182 = vector.shape_cast %add3A_24 : vector<16xi32> to vector<16x1xi32>
      %gather3A_183 = vector.shape_cast %broadcast_in_dim3A_182 : vector<16x1xi32> to vector<16xi32>
      %gather3A_184 = tpu.dynamic_gather %get3A_160[%gather3A_183] in [0] : vector<16xi32>, vector<16xi32> -> vector<16xi32>
      %shift_left3A_185 = arith.shli %gather3A_184, %shift_left3A_6 : vector<16xi32>
      %shift_right_arithmetic3A_186 = arith.shrsi %shift_left3A_185, %broadcast_in_dim3A_7 : vector<16xi32>
      %convert_element_type3A_187 = arith.sitofp %shift_right_arithmetic3A_186 : vector<16xi32> to vector<16xf32>
      %mul3A_188 = arith.mulf %convert_element_type3A_187, %gather3A_156 : vector<16xf32>
      %swap3A_189 = arith.constant 192 : i32
      %swap3A_190 = arith.index_cast %swap3A_189 : i32 to index
      %swap3A_191 = arith.constant 32 : index
      %swap3A_192 = tpu.vector_load %arg11[%swap3A_190, %swap3A_191] {strides = array<i32>} : memref<200x64xf32, #tpu.memory_space<vmem>>, vector<16xf32>,
      tpu.vector_store %arg11[%swap3A_190, %swap3A_191], %mul3A_188 {strides = array<i32>} : memref<200x64xf32, #tpu.memory_space<vmem>>, vector<16xf32>,
      %broadcast_in_dim3A_193 = vector.shape_cast %add3A_30 : vector<16xi32> to vector<16x1xi32>
      %gather3A_194 = vector.shape_cast %broadcast_in_dim3A_193 : vector<16x1xi32> to vector<16xi32>
      %gather3A_195 = tpu.dynamic_gather %get3A_160[%gather3A_194] in [0] : vector<16xi32>, vector<16xi32> -> vector<16xi32>
      %shift_left3A_196 = arith.shli %gather3A_195, %shift_left3A_6 : vector<16xi32>
      %shift_right_arithmetic3A_197 = arith.shrsi %shift_left3A_196, %broadcast_in_dim3A_7 : vector<16xi32>
      %convert_element_type3A_198 = arith.sitofp %shift_right_arithmetic3A_197 : vector<16xi32> to vector<16xf32>
      %mul3A_199 = arith.mulf %convert_element_type3A_198, %gather3A_156 : vector<16xf32>
      %swap3A_200 = arith.constant 192 : i32
      %swap3A_201 = arith.index_cast %swap3A_200 : i32 to index
      %swap3A_202 = arith.constant 48 : index
      %swap3A_203 = tpu.vector_load %arg11[%swap3A_201, %swap3A_202] {strides = array<i32>} : memref<200x64xf32, #tpu.memory_space<vmem>>, vector<16xf32>,
      tpu.vector_store %arg11[%swap3A_201, %swap3A_202], %mul3A_199 {strides = array<i32>} : memref<200x64xf32, #tpu.memory_space<vmem>>, vector<16xf32>,
      %broadcast_in_dim3A_204 = vector.shape_cast %broadcast_in_dim3A_50 : vector<16xi32> to vector<16x1xi32>
      %gather3A_205 = vector.shape_cast %broadcast_in_dim3A_204 : vector<16x1xi32> to vector<16xi32>
      %gather3A_206 = tpu.dynamic_gather %get3A_154[%gather3A_205] in [0] : vector<16xf32>, vector<16xi32> -> vector<16xf32>
      %get3A_207 = arith.constant 193 : i32
      %get3A_208 = arith.index_cast %get3A_207 : i32 to index
      %get3A_209 = arith.constant 0 : index
      %get3A_210 = tpu.vector_load %arg7[%get3A_208, %get3A_209] {strides = array<i32>} : memref<200x16xi32, #tpu.memory_space<vmem>>, vector<16xi32>,
      %broadcast_in_dim3A_211 = vector.shape_cast %add3A_12 : vector<16xi32> to vector<16x1xi32>
      %gather3A_212 = vector.shape_cast %broadcast_in_dim3A_211 : vector<16x1xi32> to vector<16xi32>
      %gather3A_213 = tpu.dynamic_gather %get3A_210[%gather3A_212] in [0] : vector<16xi32>, vector<16xi32> -> vector<16xi32>
      %shift_left3A_214 = arith.shli %gather3A_213, %shift_left3A_6 : vector<16xi32>
      %shift_right_arithmetic3A_215 = arith.shrsi %shift_left3A_214, %broadcast_in_dim3A_7 : vector<16xi32>
      %convert_element_type3A_216 = arith.sitofp %shift_right_arithmetic3A_215 : vector<16xi32> to vector<16xf32>
      %mul3A_217 = arith.mulf %convert_element_type3A_216, %gather3A_206 : vector<16xf32>
      %swap3A_218 = arith.constant 193 : i32
      %swap3A_219 = arith.index_cast %swap3A_218 : i32 to index
      %swap3A_220 = arith.constant 0 : index
      %swap3A_221 = tpu.vector_load %arg11[%swap3A_219, %swap3A_220] {strides = array<i32>} : memref<200x64xf32, #tpu.memory_space<vmem>>, vector<16xf32>,
      tpu.vector_store %arg11[%swap3A_219, %swap3A_220], %mul3A_217 {strides = array<i32>} : memref<200x64xf32, #tpu.memory_space<vmem>>, vector<16xf32>,
      %broadcast_in_dim3A_222 = vector.shape_cast %add3A_18 : vector<16xi32> to vector<16x1xi32>
      %gather3A_223 = vector.shape_cast %broadcast_in_dim3A_222 : vector<16x1xi32> to vector<16xi32>
      %gather3A_224 = tpu.dynamic_gather %get3A_210[%gather3A_223] in [0] : vector<16xi32>, vector<16xi32> -> vector<16xi32>
      %shift_left3A_225 = arith.shli %gather3A_224, %shift_left3A_6 : vector<16xi32>
      %shift_right_arithmetic3A_226 = arith.shrsi %shift_left3A_225, %broadcast_in_dim3A_7 : vector<16xi32>
      %convert_element_type3A_227 = arith.sitofp %shift_right_arithmetic3A_226 : vector<16xi32> to vector<16xf32>
      %mul3A_228 = arith.mulf %convert_element_type3A_227, %gather3A_206 : vector<16xf32>
      %swap3A_229 = arith.constant 193 : i32
      %swap3A_230 = arith.index_cast %swap3A_229 : i32 to index
      %swap3A_231 = arith.constant 16 : index
      %swap3A_232 = tpu.vector_load %arg11[%swap3A_230, %swap3A_231] {strides = array<i32>} : memref<200x64xf32, #tpu.memory_space<vmem>>, vector<16xf32>,
      tpu.vector_store %arg11[%swap3A_230, %swap3A_231], %mul3A_228 {strides = array<i32>} : memref<200x64xf32, #tpu.memory_space<vmem>>, vector<16xf32>,
      %broadcast_in_dim3A_233 = vector.shape_cast %add3A_24 : vector<16xi32> to vector<16x1xi32>
      %gather3A_234 = vector.shape_cast %broadcast_in_dim3A_233 : vector<16x1xi32> to vector<16xi32>
      %gather3A_235 = tpu.dynamic_gather %get3A_210[%gather3A_234] in [0] : vector<16xi32>, vector<16xi32> -> vector<16xi32>
      %shift_left3A_236 = arith.shli %gather3A_235, %shift_left3A_6 : vector<16xi32>
      %shift_right_arithmetic3A_237 = arith.shrsi %shift_left3A_236, %broadcast_in_dim3A_7 : vector<16xi32>
      %convert_element_type3A_238 = arith.sitofp %shift_right_arithmetic3A_237 : vector<16xi32> to vector<16xf32>
      %mul3A_239 = arith.mulf %convert_element_type3A_238, %gather3A_206 : vector<16xf32>
      %swap3A_240 = arith.constant 193 : i32
      %swap3A_241 = arith.index_cast %swap3A_240 : i32 to index
      %swap3A_242 = arith.constant 32 : index
      %swap3A_243 = tpu.vector_load %arg11[%swap3A_241, %swap3A_242] {strides = array<i32>} : memref<200x64xf32, #tpu.memory_space<vmem>>, vector<16xf32>,
      tpu.vector_store %arg11[%swap3A_241, %swap3A_242], %mul3A_239 {strides = array<i32>} : memref<200x64xf32, #tpu.memory_space<vmem>>, vector<16xf32>,
      %broadcast_in_dim3A_244 = vector.shape_cast %add3A_30 : vector<16xi32> to vector<16x1xi32>
      %gather3A_245 = vector.shape_cast %broadcast_in_dim3A_244 : vector<16x1xi32> to vector<16xi32>
      %gather3A_246 = tpu.dynamic_gather %get3A_210[%gather3A_245] in [0] : vector<16xi32>, vector<16xi32> -> vector<16xi32>
      %shift_left3A_247 = arith.shli %gather3A_246, %shift_left3A_6 : vector<16xi32>
      %shift_right_arithmetic3A_248 = arith.shrsi %shift_left3A_247, %broadcast_in_dim3A_7 : vector<16xi32>
      %convert_element_type3A_249 = arith.sitofp %shift_right_arithmetic3A_248 : vector<16xi32> to vector<16xf32>
      %mul3A_250 = arith.mulf %convert_element_type3A_249, %gather3A_206 : vector<16xf32>
      %swap3A_251 = arith.constant 193 : i32
      %swap3A_252 = arith.index_cast %swap3A_251 : i32 to index
      %swap3A_253 = arith.constant 48 : index
      %swap3A_254 = tpu.vector_load %arg11[%swap3A_252, %swap3A_253] {strides = array<i32>} : memref<200x64xf32, #tpu.memory_space<vmem>>, vector<16xf32>,
      tpu.vector_store %arg11[%swap3A_252, %swap3A_253], %mul3A_250 {strides = array<i32>} : memref<200x64xf32, #tpu.memory_space<vmem>>, vector<16xf32>,
      %broadcast_in_dim3A_255 = vector.shape_cast %broadcast_in_dim3A_52 : vector<16xi32> to vector<16x1xi32>
      %gather3A_256 = vector.shape_cast %broadcast_in_dim3A_255 : vector<16x1xi32> to vector<16xi32>
      %gather3A_257 = tpu.dynamic_gather %get3A_154[%gather3A_256] in [0] : vector<16xf32>, vector<16xi32> -> vector<16xf32>
      %get3A_258 = arith.constant 194 : i32
      %get3A_259 = arith.index_cast %get3A_258 : i32 to index
      %get3A_260 = arith.constant 0 : index
      %get3A_261 = tpu.vector_load %arg7[%get3A_259, %get3A_260] {strides = array<i32>} : memref<200x16xi32, #tpu.memory_space<vmem>>, vector<16xi32>,
      %broadcast_in_dim3A_262 = vector.shape_cast %add3A_12 : vector<16xi32> to vector<16x1xi32>
      %gather3A_263 = vector.shape_cast %broadcast_in_dim3A_262 : vector<16x1xi32> to vector<16xi32>
      %gather3A_264 = tpu.dynamic_gather %get3A_261[%gather3A_263] in [0] : vector<16xi32>, vector<16xi32> -> vector<16xi32>
      %shift_left3A_265 = arith.shli %gather3A_264, %shift_left3A_6 : vector<16xi32>
      %shift_right_arithmetic3A_266 = arith.shrsi %shift_left3A_265, %broadcast_in_dim3A_7 : vector<16xi32>
      %convert_element_type3A_267 = arith.sitofp %shift_right_arithmetic3A_266 : vector<16xi32> to vector<16xf32>
      %mul3A_268 = arith.mulf %convert_element_type3A_267, %gather3A_257 : vector<16xf32>
      %swap3A_269 = arith.constant 194 : i32
      %swap3A_270 = arith.index_cast %swap3A_269 : i32 to index
      %swap3A_271 = arith.constant 0 : index
      %swap3A_272 = tpu.vector_load %arg11[%swap3A_270, %swap3A_271] {strides = array<i32>} : memref<200x64xf32, #tpu.memory_space<vmem>>, vector<16xf32>,
      tpu.vector_store %arg11[%swap3A_270, %swap3A_271], %mul3A_268 {strides = array<i32>} : memref<200x64xf32, #tpu.memory_space<vmem>>, vector<16xf32>,
      %broadcast_in_dim3A_273 = vector.shape_cast %add3A_18 : vector<16xi32> to vector<16x1xi32>
      %gather3A_274 = vector.shape_cast %broadcast_in_dim3A_273 : vector<16x1xi32> to vector<16xi32>
      %gather3A_275 = tpu.dynamic_gather %get3A_261[%gather3A_274] in [0] : vector<16xi32>, vector<16xi32> -> vector<16xi32>
      %shift_left3A_276 = arith.shli %gather3A_275, %shift_left3A_6 : vector<16xi32>
      %shift_right_arithmetic3A_277 = arith.shrsi %shift_left3A_276, %broadcast_in_dim3A_7 : vector<16xi32>
      %convert_element_type3A_278 = arith.sitofp %shift_right_arithmetic3A_277 : vector<16xi32> to vector<16xf32>
      %mul3A_279 = arith.mulf %convert_element_type3A_278, %gather3A_257 : vector<16xf32>
      %swap3A_280 = arith.constant 194 : i32
      %swap3A_281 = arith.index_cast %swap3A_280 : i32 to index
      %swap3A_282 = arith.constant 16 : index
      %swap3A_283 = tpu.vector_load %arg11[%swap3A_281, %swap3A_282] {strides = array<i32>} : memref<200x64xf32, #tpu.memory_space<vmem>>, vector<16xf32>,
      tpu.vector_store %arg11[%swap3A_281, %swap3A_282], %mul3A_279 {strides = array<i32>} : memref<200x64xf32, #tpu.memory_space<vmem>>, vector<16xf32>,
      %broadcast_in_dim3A_284 = vector.shape_cast %add3A_24 : vector<16xi32> to vector<16x1xi32>
      %gather3A_285 = vector.shape_cast %broadcast_in_dim3A_284 : vector<16x1xi32> to vector<16xi32>
      %gather3A_286 = tpu.dynamic_gather %get3A_261[%gather3A_285] in [0] : vector<16xi32>, vector<16xi32> -> vector<16xi32>
      %shift_left3A_287 = arith.shli %gather3A_286, %shift_left3A_6 : vector<16xi32>
      %shift_right_arithmetic3A_288 = arith.shrsi %shift_left3A_287, %broadcast_in_dim3A_7 : vector<16xi32>
      %convert_element_type3A_289 = arith.sitofp %shift_right_arithmetic3A_288 : vector<16xi32> to vector<16xf32>
      %mul3A_290 = arith.mulf %convert_element_type3A_289, %gather3A_257 : vector<16xf32>
      %swap3A_291 = arith.constant 194 : i32
      %swap3A_292 = arith.index_cast %swap3A_291 : i32 to index
      %swap3A_293 = arith.constant 32 : index
      %swap3A_294 = tpu.vector_load %arg11[%swap3A_292, %swap3A_293] {strides = array<i32>} : memref<200x64xf32, #tpu.memory_space<vmem>>, vector<16xf32>,
      tpu.vector_store %arg11[%swap3A_292, %swap3A_293], %mul3A_290 {strides = array<i32>} : memref<200x64xf32, #tpu.memory_space<vmem>>, vector<16xf32>,
      %broadcast_in_dim3A_295 = vector.shape_cast %add3A_30 : vector<16xi32> to vector<16x1xi32>
      %gather3A_296 = vector.shape_cast %broadcast_in_dim3A_295 : vector<16x1xi32> to vector<16xi32>
      %gather3A_297 = tpu.dynamic_gather %get3A_261[%gather3A_296] in [0] : vector<16xi32>, vector<16xi32> -> vector<16xi32>
      %shift_left3A_298 = arith.shli %gather3A_297, %shift_left3A_6 : vector<16xi32>
      %shift_right_arithmetic3A_299 = arith.shrsi %shift_left3A_298, %broadcast_in_dim3A_7 : vector<16xi32>
      %convert_element_type3A_300 = arith.sitofp %shift_right_arithmetic3A_299 : vector<16xi32> to vector<16xf32>
      %mul3A_301 = arith.mulf %convert_element_type3A_300, %gather3A_257 : vector<16xf32>
      %swap3A_302 = arith.constant 194 : i32
      %swap3A_303 = arith.index_cast %swap3A_302 : i32 to index
      %swap3A_304 = arith.constant 48 : index
      %swap3A_305 = tpu.vector_load %arg11[%swap3A_303, %swap3A_304] {strides = array<i32>} : memref<200x64xf32, #tpu.memory_space<vmem>>, vector<16xf32>,
      tpu.vector_store %arg11[%swap3A_303, %swap3A_304], %mul3A_301 {strides = array<i32>} : memref<200x64xf32, #tpu.memory_space<vmem>>, vector<16xf32>,
      %broadcast_in_dim3A_306 = vector.shape_cast %broadcast_in_dim3A_54 : vector<16xi32> to vector<16x1xi32>
      %gather3A_307 = vector.shape_cast %broadcast_in_dim3A_306 : vector<16x1xi32> to vector<16xi32>
      %gather3A_308 = tpu.dynamic_gather %get3A_154[%gather3A_307] in [0] : vector<16xf32>, vector<16xi32> -> vector<16xf32>
      %get3A_309 = arith.constant 195 : i32
      %get3A_310 = arith.index_cast %get3A_309 : i32 to index
      %get3A_311 = arith.constant 0 : index
      %get3A_312 = tpu.vector_load %arg7[%get3A_310, %get3A_311] {strides = array<i32>} : memref<200x16xi32, #tpu.memory_space<vmem>>, vector<16xi32>,
      %broadcast_in_dim3A_313 = vector.shape_cast %add3A_12 : vector<16xi32> to vector<16x1xi32>
      %gather3A_314 = vector.shape_cast %broadcast_in_dim3A_313 : vector<16x1xi32> to vector<16xi32>
      %gather3A_315 = tpu.dynamic_gather %get3A_312[%gather3A_314] in [0] : vector<16xi32>, vector<16xi32> -> vector<16xi32>
      %shift_left3A_316 = arith.shli %gather3A_315, %shift_left3A_6 : vector<16xi32>
      %shift_right_arithmetic3A_317 = arith.shrsi %shift_left3A_316, %broadcast_in_dim3A_7 : vector<16xi32>
      %convert_element_type3A_318 = arith.sitofp %shift_right_arithmetic3A_317 : vector<16xi32> to vector<16xf32>
      %mul3A_319 = arith.mulf %convert_element_type3A_318, %gather3A_308 : vector<16xf32>
      %swap3A_320 = arith.constant 195 : i32
      %swap3A_321 = arith.index_cast %swap3A_320 : i32 to index
      %swap3A_322 = arith.constant 0 : index
      %swap3A_323 = tpu.vector_load %arg11[%swap3A_321, %swap3A_322] {strides = array<i32>} : memref<200x64xf32, #tpu.memory_space<vmem>>, vector<16xf32>,
      tpu.vector_store %arg11[%swap3A_321, %swap3A_322], %mul3A_319 {strides = array<i32>} : memref<200x64xf32, #tpu.memory_space<vmem>>, vector<16xf32>,
      %broadcast_in_dim3A_324 = vector.shape_cast %add3A_18 : vector<16xi32> to vector<16x1xi32>
      %gather3A_325 = vector.shape_cast %broadcast_in_dim3A_324 : vector<16x1xi32> to vector<16xi32>
      %gather3A_326 = tpu.dynamic_gather %get3A_312[%gather3A_325] in [0] : vector<16xi32>, vector<16xi32> -> vector<16xi32>
      %shift_left3A_327 = arith.shli %gather3A_326, %shift_left3A_6 : vector<16xi32>
      %shift_right_arithmetic3A_328 = arith.shrsi %shift_left3A_327, %broadcast_in_dim3A_7 : vector<16xi32>
      %convert_element_type3A_329 = arith.sitofp %shift_right_arithmetic3A_328 : vector<16xi32> to vector<16xf32>
      %mul3A_330 = arith.mulf %convert_element_type3A_329, %gather3A_308 : vector<16xf32>
      %swap3A_331 = arith.constant 195 : i32
      %swap3A_332 = arith.index_cast %swap3A_331 : i32 to index
      %swap3A_333 = arith.constant 16 : index
      %swap3A_334 = tpu.vector_load %arg11[%swap3A_332, %swap3A_333] {strides = array<i32>} : memref<200x64xf32, #tpu.memory_space<vmem>>, vector<16xf32>,
      tpu.vector_store %arg11[%swap3A_332, %swap3A_333], %mul3A_330 {strides = array<i32>} : memref<200x64xf32, #tpu.memory_space<vmem>>, vector<16xf32>,
      %broadcast_in_dim3A_335 = vector.shape_cast %add3A_24 : vector<16xi32> to vector<16x1xi32>
      %gather3A_336 = vector.shape_cast %broadcast_in_dim3A_335 : vector<16x1xi32> to vector<16xi32>
      %gather3A_337 = tpu.dynamic_gather %get3A_312[%gather3A_336] in [0] : vector<16xi32>, vector<16xi32> -> vector<16xi32>
      %shift_left3A_338 = arith.shli %gather3A_337, %shift_left3A_6 : vector<16xi32>
      %shift_right_arithmetic3A_339 = arith.shrsi %shift_left3A_338, %broadcast_in_dim3A_7 : vector<16xi32>
      %convert_element_type3A_340 = arith.sitofp %shift_right_arithmetic3A_339 : vector<16xi32> to vector<16xf32>
      %mul3A_341 = arith.mulf %convert_element_type3A_340, %gather3A_308 : vector<16xf32>
      %swap3A_342 = arith.constant 195 : i32
      %swap3A_343 = arith.index_cast %swap3A_342 : i32 to index
      %swap3A_344 = arith.constant 32 : index
      %swap3A_345 = tpu.vector_load %arg11[%swap3A_343, %swap3A_344] {strides = array<i32>} : memref<200x64xf32, #tpu.memory_space<vmem>>, vector<16xf32>,
      tpu.vector_store %arg11[%swap3A_343, %swap3A_344], %mul3A_341 {strides = array<i32>} : memref<200x64xf32, #tpu.memory_space<vmem>>, vector<16xf32>,
      %broadcast_in_dim3A_346 = vector.shape_cast %add3A_30 : vector<16xi32> to vector<16x1xi32>
      %gather3A_347 = vector.shape_cast %broadcast_in_dim3A_346 : vector<16x1xi32> to vector<16xi32>
      %gather3A_348 = tpu.dynamic_gather %get3A_312[%gather3A_347] in [0] : vector<16xi32>, vector<16xi32> -> vector<16xi32>
      %shift_left3A_349 = arith.shli %gather3A_348, %shift_left3A_6 : vector<16xi32>
      %shift_right_arithmetic3A_350 = arith.shrsi %shift_left3A_349, %broadcast_in_dim3A_7 : vector<16xi32>
      %convert_element_type3A_351 = arith.sitofp %shift_right_arithmetic3A_350 : vector<16xi32> to vector<16xf32>
      %mul3A_352 = arith.mulf %convert_element_type3A_351, %gather3A_308 : vector<16xf32>
      %swap3A_353 = arith.constant 195 : i32
      %swap3A_354 = arith.index_cast %swap3A_353 : i32 to index
      %swap3A_355 = arith.constant 48 : index
      %swap3A_356 = tpu.vector_load %arg11[%swap3A_354, %swap3A_355] {strides = array<i32>} : memref<200x64xf32, #tpu.memory_space<vmem>>, vector<16xf32>,
      tpu.vector_store %arg11[%swap3A_354, %swap3A_355], %mul3A_352 {strides = array<i32>} : memref<200x64xf32, #tpu.memory_space<vmem>>, vector<16xf32>,
      %broadcast_in_dim3A_357 = vector.shape_cast %broadcast_in_dim3A_56 : vector<16xi32> to vector<16x1xi32>
      %gather3A_358 = vector.shape_cast %broadcast_in_dim3A_357 : vector<16x1xi32> to vector<16xi32>
      %gather3A_359 = tpu.dynamic_gather %get3A_154[%gather3A_358] in [0] : vector<16xf32>, vector<16xi32> -> vector<16xf32>
      %get3A_360 = arith.constant 196 : i32
      %get3A_361 = arith.index_cast %get3A_360 : i32 to index
      %get3A_362 = arith.constant 0 : index
      %get3A_363 = tpu.vector_load %arg7[%get3A_361, %get3A_362] {strides = array<i32>} : memref<200x16xi32, #tpu.memory_space<vmem>>, vector<16xi32>,
      %broadcast_in_dim3A_364 = vector.shape_cast %add3A_12 : vector<16xi32> to vector<16x1xi32>
      %gather3A_365 = vector.shape_cast %broadcast_in_dim3A_364 : vector<16x1xi32> to vector<16xi32>
      %gather3A_366 = tpu.dynamic_gather %get3A_363[%gather3A_365] in [0] : vector<16xi32>, vector<16xi32> -> vector<16xi32>
      %shift_left3A_367 = arith.shli %gather3A_366, %shift_left3A_6 : vector<16xi32>
      %shift_right_arithmetic3A_368 = arith.shrsi %shift_left3A_367, %broadcast_in_dim3A_7 : vector<16xi32>
      %convert_element_type3A_369 = arith.sitofp %shift_right_arithmetic3A_368 : vector<16xi32> to vector<16xf32>
      %mul3A_370 = arith.mulf %convert_element_type3A_369, %gather3A_359 : vector<16xf32>
      %swap3A_371 = arith.constant 196 : i32
      %swap3A_372 = arith.index_cast %swap3A_371 : i32 to index
      %swap3A_373 = arith.constant 0 : index
      %swap3A_374 = tpu.vector_load %arg11[%swap3A_372, %swap3A_373] {strides = array<i32>} : memref<200x64xf32, #tpu.memory_space<vmem>>, vector<16xf32>,
      tpu.vector_store %arg11[%swap3A_372, %swap3A_373], %mul3A_370 {strides = array<i32>} : memref<200x64xf32, #tpu.memory_space<vmem>>, vector<16xf32>,
      %broadcast_in_dim3A_375 = vector.shape_cast %add3A_18 : vector<16xi32> to vector<16x1xi32>
      %gather3A_376 = vector.shape_cast %broadcast_in_dim3A_375 : vector<16x1xi32> to vector<16xi32>
      %gather3A_377 = tpu.dynamic_gather %get3A_363[%gather3A_376] in [0] : vector<16xi32>, vector<16xi32> -> vector<16xi32>
      %shift_left3A_378 = arith.shli %gather3A_377, %shift_left3A_6 : vector<16xi32>
      %shift_right_arithmetic3A_379 = arith.shrsi %shift_left3A_378, %broadcast_in_dim3A_7 : vector<16xi32>
      %convert_element_type3A_380 = arith.sitofp %shift_right_arithmetic3A_379 : vector<16xi32> to vector<16xf32>
      %mul3A_381 = arith.mulf %convert_element_type3A_380, %gather3A_359 : vector<16xf32>
      %swap3A_382 = arith.constant 196 : i32
      %swap3A_383 = arith.index_cast %swap3A_382 : i32 to index
      %swap3A_384 = arith.constant 16 : index
      %swap3A_385 = tpu.vector_load %arg11[%swap3A_383, %swap3A_384] {strides = array<i32>} : memref<200x64xf32, #tpu.memory_space<vmem>>, vector<16xf32>,
      tpu.vector_store %arg11[%swap3A_383, %swap3A_384], %mul3A_381 {strides = array<i32>} : memref<200x64xf32, #tpu.memory_space<vmem>>, vector<16xf32>,
      %broadcast_in_dim3A_386 = vector.shape_cast %add3A_24 : vector<16xi32> to vector<16x1xi32>
      %gather3A_387 = vector.shape_cast %broadcast_in_dim3A_386 : vector<16x1xi32> to vector<16xi32>
      %gather3A_388 = tpu.dynamic_gather %get3A_363[%gather3A_387] in [0] : vector<16xi32>, vector<16xi32> -> vector<16xi32>
      %shift_left3A_389 = arith.shli %gather3A_388, %shift_left3A_6 : vector<16xi32>
      %shift_right_arithmetic3A_390 = arith.shrsi %shift_left3A_389, %broadcast_in_dim3A_7 : vector<16xi32>
      %convert_element_type3A_391 = arith.sitofp %shift_right_arithmetic3A_390 : vector<16xi32> to vector<16xf32>
      %mul3A_392 = arith.mulf %convert_element_type3A_391, %gather3A_359 : vector<16xf32>
      %swap3A_393 = arith.constant 196 : i32
      %swap3A_394 = arith.index_cast %swap3A_393 : i32 to index
      %swap3A_395 = arith.constant 32 : index
      %swap3A_396 = tpu.vector_load %arg11[%swap3A_394, %swap3A_395] {strides = array<i32>} : memref<200x64xf32, #tpu.memory_space<vmem>>, vector<16xf32>,
      tpu.vector_store %arg11[%swap3A_394, %swap3A_395], %mul3A_392 {strides = array<i32>} : memref<200x64xf32, #tpu.memory_space<vmem>>, vector<16xf32>,
      %broadcast_in_dim3A_397 = vector.shape_cast %add3A_30 : vector<16xi32> to vector<16x1xi32>
      %gather3A_398 = vector.shape_cast %broadcast_in_dim3A_397 : vector<16x1xi32> to vector<16xi32>
      %gather3A_399 = tpu.dynamic_gather %get3A_363[%gather3A_398] in [0] : vector<16xi32>, vector<16xi32> -> vector<16xi32>
      %shift_left3A_400 = arith.shli %gather3A_399, %shift_left3A_6 : vector<16xi32>
      %shift_right_arithmetic3A_401 = arith.shrsi %shift_left3A_400, %broadcast_in_dim3A_7 : vector<16xi32>
      %convert_element_type3A_402 = arith.sitofp %shift_right_arithmetic3A_401 : vector<16xi32> to vector<16xf32>
      %mul3A_403 = arith.mulf %convert_element_type3A_402, %gather3A_359 : vector<16xf32>
      %swap3A_404 = arith.constant 196 : i32
      %swap3A_405 = arith.index_cast %swap3A_404 : i32 to index
      %swap3A_406 = arith.constant 48 : index
      %swap3A_407 = tpu.vector_load %arg11[%swap3A_405, %swap3A_406] {strides = array<i32>} : memref<200x64xf32, #tpu.memory_space<vmem>>, vector<16xf32>,
      tpu.vector_store %arg11[%swap3A_405, %swap3A_406], %mul3A_403 {strides = array<i32>} : memref<200x64xf32, #tpu.memory_space<vmem>>, vector<16xf32>,
      %broadcast_in_dim3A_408 = vector.shape_cast %broadcast_in_dim3A_58 : vector<16xi32> to vector<16x1xi32>
      %gather3A_409 = vector.shape_cast %broadcast_in_dim3A_408 : vector<16x1xi32> to vector<16xi32>
      %gather3A_410 = tpu.dynamic_gather %get3A_154[%gather3A_409] in [0] : vector<16xf32>, vector<16xi32> -> vector<16xf32>
      %get3A_411 = arith.constant 197 : i32
      %get3A_412 = arith.index_cast %get3A_411 : i32 to index
      %get3A_413 = arith.constant 0 : index
      %get3A_414 = tpu.vector_load %arg7[%get3A_412, %get3A_413] {strides = array<i32>} : memref<200x16xi32, #tpu.memory_space<vmem>>, vector<16xi32>,
      %broadcast_in_dim3A_415 = vector.shape_cast %add3A_12 : vector<16xi32> to vector<16x1xi32>
      %gather3A_416 = vector.shape_cast %broadcast_in_dim3A_415 : vector<16x1xi32> to vector<16xi32>
      %gather3A_417 = tpu.dynamic_gather %get3A_414[%gather3A_416] in [0] : vector<16xi32>, vector<16xi32> -> vector<16xi32>
      %shift_left3A_418 = arith.shli %gather3A_417, %shift_left3A_6 : vector<16xi32>
      %shift_right_arithmetic3A_419 = arith.shrsi %shift_left3A_418, %broadcast_in_dim3A_7 : vector<16xi32>
      %convert_element_type3A_420 = arith.sitofp %shift_right_arithmetic3A_419 : vector<16xi32> to vector<16xf32>
      %mul3A_421 = arith.mulf %convert_element_type3A_420, %gather3A_410 : vector<16xf32>
      %swap3A_422 = arith.constant 197 : i32
      %swap3A_423 = arith.index_cast %swap3A_422 : i32 to index
      %swap3A_424 = arith.constant 0 : index
      %swap3A_425 = tpu.vector_load %arg11[%swap3A_423, %swap3A_424] {strides = array<i32>} : memref<200x64xf32, #tpu.memory_space<vmem>>, vector<16xf32>,
      tpu.vector_store %arg11[%swap3A_423, %swap3A_424], %mul3A_421 {strides = array<i32>} : memref<200x64xf32, #tpu.memory_space<vmem>>, vector<16xf32>,
      %broadcast_in_dim3A_426 = vector.shape_cast %add3A_18 : vector<16xi32> to vector<16x1xi32>
      %gather3A_427 = vector.shape_cast %broadcast_in_dim3A_426 : vector<16x1xi32> to vector<16xi32>
      %gather3A_428 = tpu.dynamic_gather %get3A_414[%gather3A_427] in [0] : vector<16xi32>, vector<16xi32> -> vector<16xi32>
      %shift_left3A_429 = arith.shli %gather3A_428, %shift_left3A_6 : vector<16xi32>
      %shift_right_arithmetic3A_430 = arith.shrsi %shift_left3A_429, %broadcast_in_dim3A_7 : vector<16xi32>
      %convert_element_type3A_431 = arith.sitofp %shift_right_arithmetic3A_430 : vector<16xi32> to vector<16xf32>
      %mul3A_432 = arith.mulf %convert_element_type3A_431, %gather3A_410 : vector<16xf32>
      %swap3A_433 = arith.constant 197 : i32
      %swap3A_434 = arith.index_cast %swap3A_433 : i32 to index
      %swap3A_435 = arith.constant 16 : index
      %swap3A_436 = tpu.vector_load %arg11[%swap3A_434, %swap3A_435] {strides = array<i32>} : memref<200x64xf32, #tpu.memory_space<vmem>>, vector<16xf32>,
      tpu.vector_store %arg11[%swap3A_434, %swap3A_435], %mul3A_432 {strides = array<i32>} : memref<200x64xf32, #tpu.memory_space<vmem>>, vector<16xf32>,
      %broadcast_in_dim3A_437 = vector.shape_cast %add3A_24 : vector<16xi32> to vector<16x1xi32>
      %gather3A_438 = vector.shape_cast %broadcast_in_dim3A_437 : vector<16x1xi32> to vector<16xi32>
      %gather3A_439 = tpu.dynamic_gather %get3A_414[%gather3A_438] in [0] : vector<16xi32>, vector<16xi32> -> vector<16xi32>
      %shift_left3A_440 = arith.shli %gather3A_439, %shift_left3A_6 : vector<16xi32>
      %shift_right_arithmetic3A_441 = arith.shrsi %shift_left3A_440, %broadcast_in_dim3A_7 : vector<16xi32>
      %convert_element_type3A_442 = arith.sitofp %shift_right_arithmetic3A_441 : vector<16xi32> to vector<16xf32>
      %mul3A_443 = arith.mulf %convert_element_type3A_442, %gather3A_410 : vector<16xf32>
      %swap3A_444 = arith.constant 197 : i32
      %swap3A_445 = arith.index_cast %swap3A_444 : i32 to index
      %swap3A_446 = arith.constant 32 : index
      %swap3A_447 = tpu.vector_load %arg11[%swap3A_445, %swap3A_446] {strides = array<i32>} : memref<200x64xf32, #tpu.memory_space<vmem>>, vector<16xf32>,
      tpu.vector_store %arg11[%swap3A_445, %swap3A_446], %mul3A_443 {strides = array<i32>} : memref<200x64xf32, #tpu.memory_space<vmem>>, vector<16xf32>,
      %broadcast_in_dim3A_448 = vector.shape_cast %add3A_30 : vector<16xi32> to vector<16x1xi32>
      %gather3A_449 = vector.shape_cast %broadcast_in_dim3A_448 : vector<16x1xi32> to vector<16xi32>
      %gather3A_450 = tpu.dynamic_gather %get3A_414[%gather3A_449] in [0] : vector<16xi32>, vector<16xi32> -> vector<16xi32>
      %shift_left3A_451 = arith.shli %gather3A_450, %shift_left3A_6 : vector<16xi32>
      %shift_right_arithmetic3A_452 = arith.shrsi %shift_left3A_451, %broadcast_in_dim3A_7 : vector<16xi32>
      %convert_element_type3A_453 = arith.sitofp %shift_right_arithmetic3A_452 : vector<16xi32> to vector<16xf32>
      %mul3A_454 = arith.mulf %convert_element_type3A_453, %gather3A_410 : vector<16xf32>
      %swap3A_455 = arith.constant 197 : i32
      %swap3A_456 = arith.index_cast %swap3A_455 : i32 to index
      %swap3A_457 = arith.constant 48 : index
      %swap3A_458 = tpu.vector_load %arg11[%swap3A_456, %swap3A_457] {strides = array<i32>} : memref<200x64xf32, #tpu.memory_space<vmem>>, vector<16xf32>,
      tpu.vector_store %arg11[%swap3A_456, %swap3A_457], %mul3A_454 {strides = array<i32>} : memref<200x64xf32, #tpu.memory_space<vmem>>, vector<16xf32>,
      %broadcast_in_dim3A_459 = vector.shape_cast %broadcast_in_dim3A_60 : vector<16xi32> to vector<16x1xi32>
      %gather3A_460 = vector.shape_cast %broadcast_in_dim3A_459 : vector<16x1xi32> to vector<16xi32>
      %gather3A_461 = tpu.dynamic_gather %get3A_154[%gather3A_460] in [0] : vector<16xf32>, vector<16xi32> -> vector<16xf32>
      %get3A_462 = arith.constant 198 : i32
      %get3A_463 = arith.index_cast %get3A_462 : i32 to index
      %get3A_464 = arith.constant 0 : index
      %get3A_465 = tpu.vector_load %arg7[%get3A_463, %get3A_464] {strides = array<i32>} : memref<200x16xi32, #tpu.memory_space<vmem>>, vector<16xi32>,
      %broadcast_in_dim3A_466 = vector.shape_cast %add3A_12 : vector<16xi32> to vector<16x1xi32>
      %gather3A_467 = vector.shape_cast %broadcast_in_dim3A_466 : vector<16x1xi32> to vector<16xi32>
      %gather3A_468 = tpu.dynamic_gather %get3A_465[%gather3A_467] in [0] : vector<16xi32>, vector<16xi32> -> vector<16xi32>
      %shift_left3A_469 = arith.shli %gather3A_468, %shift_left3A_6 : vector<16xi32>
      %shift_right_arithmetic3A_470 = arith.shrsi %shift_left3A_469, %broadcast_in_dim3A_7 : vector<16xi32>
      %convert_element_type3A_471 = arith.sitofp %shift_right_arithmetic3A_470 : vector<16xi32> to vector<16xf32>
      %mul3A_472 = arith.mulf %convert_element_type3A_471, %gather3A_461 : vector<16xf32>
      %swap3A_473 = arith.constant 198 : i32
      %swap3A_474 = arith.index_cast %swap3A_473 : i32 to index
      %swap3A_475 = arith.constant 0 : index
      %swap3A_476 = tpu.vector_load %arg11[%swap3A_474, %swap3A_475] {strides = array<i32>} : memref<200x64xf32, #tpu.memory_space<vmem>>, vector<16xf32>,
      tpu.vector_store %arg11[%swap3A_474, %swap3A_475], %mul3A_472 {strides = array<i32>} : memref<200x64xf32, #tpu.memory_space<vmem>>, vector<16xf32>,
      %broadcast_in_dim3A_477 = vector.shape_cast %add3A_18 : vector<16xi32> to vector<16x1xi32>
      %gather3A_478 = vector.shape_cast %broadcast_in_dim3A_477 : vector<16x1xi32> to vector<16xi32>
      %gather3A_479 = tpu.dynamic_gather %get3A_465[%gather3A_478] in [0] : vector<16xi32>, vector<16xi32> -> vector<16xi32>
      %shift_left3A_480 = arith.shli %gather3A_479, %shift_left3A_6 : vector<16xi32>
      %shift_right_arithmetic3A_481 = arith.shrsi %shift_left3A_480, %broadcast_in_dim3A_7 : vector<16xi32>
      %convert_element_type3A_482 = arith.sitofp %shift_right_arithmetic3A_481 : vector<16xi32> to vector<16xf32>
      %mul3A_483 = arith.mulf %convert_element_type3A_482, %gather3A_461 : vector<16xf32>
      %swap3A_484 = arith.constant 198 : i32
      %swap3A_485 = arith.index_cast %swap3A_484 : i32 to index
      %swap3A_486 = arith.constant 16 : index
      %swap3A_487 = tpu.vector_load %arg11[%swap3A_485, %swap3A_486] {strides = array<i32>} : memref<200x64xf32, #tpu.memory_space<vmem>>, vector<16xf32>,
      tpu.vector_store %arg11[%swap3A_485, %swap3A_486], %mul3A_483 {strides = array<i32>} : memref<200x64xf32, #tpu.memory_space<vmem>>, vector<16xf32>,
      %broadcast_in_dim3A_488 = vector.shape_cast %add3A_24 : vector<16xi32> to vector<16x1xi32>
      %gather3A_489 = vector.shape_cast %broadcast_in_dim3A_488 : vector<16x1xi32> to vector<16xi32>
      %gather3A_490 = tpu.dynamic_gather %get3A_465[%gather3A_489] in [0] : vector<16xi32>, vector<16xi32> -> vector<16xi32>
      %shift_left3A_491 = arith.shli %gather3A_490, %shift_left3A_6 : vector<16xi32>
      %shift_right_arithmetic3A_492 = arith.shrsi %shift_left3A_491, %broadcast_in_dim3A_7 : vector<16xi32>
      %convert_element_type3A_493 = arith.sitofp %shift_right_arithmetic3A_492 : vector<16xi32> to vector<16xf32>
      %mul3A_494 = arith.mulf %convert_element_type3A_493, %gather3A_461 : vector<16xf32>
      %swap3A_495 = arith.constant 198 : i32
      %swap3A_496 = arith.index_cast %swap3A_495 : i32 to index
      %swap3A_497 = arith.constant 32 : index
      %swap3A_498 = tpu.vector_load %arg11[%swap3A_496, %swap3A_497] {strides = array<i32>} : memref<200x64xf32, #tpu.memory_space<vmem>>, vector<16xf32>,
      tpu.vector_store %arg11[%swap3A_496, %swap3A_497], %mul3A_494 {strides = array<i32>} : memref<200x64xf32, #tpu.memory_space<vmem>>, vector<16xf32>,
      %broadcast_in_dim3A_499 = vector.shape_cast %add3A_30 : vector<16xi32> to vector<16x1xi32>
      %gather3A_500 = vector.shape_cast %broadcast_in_dim3A_499 : vector<16x1xi32> to vector<16xi32>
      %gather3A_501 = tpu.dynamic_gather %get3A_465[%gather3A_500] in [0] : vector<16xi32>, vector<16xi32> -> vector<16xi32>
      %shift_left3A_502 = arith.shli %gather3A_501, %shift_left3A_6 : vector<16xi32>
      %shift_right_arithmetic3A_503 = arith.shrsi %shift_left3A_502, %broadcast_in_dim3A_7 : vector<16xi32>
      %convert_element_type3A_504 = arith.sitofp %shift_right_arithmetic3A_503 : vector<16xi32> to vector<16xf32>
      %mul3A_505 = arith.mulf %convert_element_type3A_504, %gather3A_461 : vector<16xf32>
      %swap3A_506 = arith.constant 198 : i32
      %swap3A_507 = arith.index_cast %swap3A_506 : i32 to index
      %swap3A_508 = arith.constant 48 : index
      %swap3A_509 = tpu.vector_load %arg11[%swap3A_507, %swap3A_508] {strides = array<i32>} : memref<200x64xf32, #tpu.memory_space<vmem>>, vector<16xf32>,
      tpu.vector_store %arg11[%swap3A_507, %swap3A_508], %mul3A_505 {strides = array<i32>} : memref<200x64xf32, #tpu.memory_space<vmem>>, vector<16xf32>,
      %broadcast_in_dim3A_510 = vector.shape_cast %broadcast_in_dim3A_62 : vector<16xi32> to vector<16x1xi32>
      %gather3A_511 = vector.shape_cast %broadcast_in_dim3A_510 : vector<16x1xi32> to vector<16xi32>
      %gather3A_512 = tpu.dynamic_gather %get3A_154[%gather3A_511] in [0] : vector<16xf32>, vector<16xi32> -> vector<16xf32>
      %get3A_513 = arith.constant 199 : i32
      %get3A_514 = arith.index_cast %get3A_513 : i32 to index
      %get3A_515 = arith.constant 0 : index
      %get3A_516 = tpu.vector_load %arg7[%get3A_514, %get3A_515] {strides = array<i32>} : memref<200x16xi32, #tpu.memory_space<vmem>>, vector<16xi32>,
      %broadcast_in_dim3A_517 = vector.shape_cast %add3A_12 : vector<16xi32> to vector<16x1xi32>
      %gather3A_518 = vector.shape_cast %broadcast_in_dim3A_517 : vector<16x1xi32> to vector<16xi32>
      %gather3A_519 = tpu.dynamic_gather %get3A_516[%gather3A_518] in [0] : vector<16xi32>, vector<16xi32> -> vector<16xi32>
      %shift_left3A_520 = arith.shli %gather3A_519, %shift_left3A_6 : vector<16xi32>
      %shift_right_arithmetic3A_521 = arith.shrsi %shift_left3A_520, %broadcast_in_dim3A_7 : vector<16xi32>
      %convert_element_type3A_522 = arith.sitofp %shift_right_arithmetic3A_521 : vector<16xi32> to vector<16xf32>
      %mul3A_523 = arith.mulf %convert_element_type3A_522, %gather3A_512 : vector<16xf32>
      %swap3A_524 = arith.constant 199 : i32
      %swap3A_525 = arith.index_cast %swap3A_524 : i32 to index
      %swap3A_526 = arith.constant 0 : index
      %swap3A_527 = tpu.vector_load %arg11[%swap3A_525, %swap3A_526] {strides = array<i32>} : memref<200x64xf32, #tpu.memory_space<vmem>>, vector<16xf32>,
      tpu.vector_store %arg11[%swap3A_525, %swap3A_526], %mul3A_523 {strides = array<i32>} : memref<200x64xf32, #tpu.memory_space<vmem>>, vector<16xf32>,
      %broadcast_in_dim3A_528 = vector.shape_cast %add3A_18 : vector<16xi32> to vector<16x1xi32>
      %gather3A_529 = vector.shape_cast %broadcast_in_dim3A_528 : vector<16x1xi32> to vector<16xi32>
      %gather3A_530 = tpu.dynamic_gather %get3A_516[%gather3A_529] in [0] : vector<16xi32>, vector<16xi32> -> vector<16xi32>
      %shift_left3A_531 = arith.shli %gather3A_530, %shift_left3A_6 : vector<16xi32>
      %shift_right_arithmetic3A_532 = arith.shrsi %shift_left3A_531, %broadcast_in_dim3A_7 : vector<16xi32>
      %convert_element_type3A_533 = arith.sitofp %shift_right_arithmetic3A_532 : vector<16xi32> to vector<16xf32>
      %mul3A_534 = arith.mulf %convert_element_type3A_533, %gather3A_512 : vector<16xf32>
      %swap3A_535 = arith.constant 199 : i32
      %swap3A_536 = arith.index_cast %swap3A_535 : i32 to index
      %swap3A_537 = arith.constant 16 : index
      %swap3A_538 = tpu.vector_load %arg11[%swap3A_536, %swap3A_537] {strides = array<i32>} : memref<200x64xf32, #tpu.memory_space<vmem>>, vector<16xf32>,
      tpu.vector_store %arg11[%swap3A_536, %swap3A_537], %mul3A_534 {strides = array<i32>} : memref<200x64xf32, #tpu.memory_space<vmem>>, vector<16xf32>,
      %broadcast_in_dim3A_539 = vector.shape_cast %add3A_24 : vector<16xi32> to vector<16x1xi32>
      %gather3A_540 = vector.shape_cast %broadcast_in_dim3A_539 : vector<16x1xi32> to vector<16xi32>
      %gather3A_541 = tpu.dynamic_gather %get3A_516[%gather3A_540] in [0] : vector<16xi32>, vector<16xi32> -> vector<16xi32>
      %shift_left3A_542 = arith.shli %gather3A_541, %shift_left3A_6 : vector<16xi32>
      %shift_right_arithmetic3A_543 = arith.shrsi %shift_left3A_542, %broadcast_in_dim3A_7 : vector<16xi32>
      %convert_element_type3A_544 = arith.sitofp %shift_right_arithmetic3A_543 : vector<16xi32> to vector<16xf32>
      %mul3A_545 = arith.mulf %convert_element_type3A_544, %gather3A_512 : vector<16xf32>
      %swap3A_546 = arith.constant 199 : i32
      %swap3A_547 = arith.index_cast %swap3A_546 : i32 to index
      %swap3A_548 = arith.constant 32 : index
      %swap3A_549 = tpu.vector_load %arg11[%swap3A_547, %swap3A_548] {strides = array<i32>} : memref<200x64xf32, #tpu.memory_space<vmem>>, vector<16xf32>,
      tpu.vector_store %arg11[%swap3A_547, %swap3A_548], %mul3A_545 {strides = array<i32>} : memref<200x64xf32, #tpu.memory_space<vmem>>, vector<16xf32>,
      %broadcast_in_dim3A_550 = vector.shape_cast %add3A_30 : vector<16xi32> to vector<16x1xi32>
      %gather3A_551 = vector.shape_cast %broadcast_in_dim3A_550 : vector<16x1xi32> to vector<16xi32>
      %gather3A_552 = tpu.dynamic_gather %get3A_516[%gather3A_551] in [0] : vector<16xi32>, vector<16xi32> -> vector<16xi32>
      %shift_left3A_553 = arith.shli %gather3A_552, %shift_left3A_6 : vector<16xi32>
      %shift_right_arithmetic3A_554 = arith.shrsi %shift_left3A_553, %broadcast_in_dim3A_7 : vector<16xi32>
      %convert_element_type3A_555 = arith.sitofp %shift_right_arithmetic3A_554 : vector<16xi32> to vector<16xf32>
      %mul3A_556 = arith.mulf %convert_element_type3A_555, %gather3A_512 : vector<16xf32>
      %swap3A_557 = arith.constant 199 : i32
      %swap3A_558 = arith.index_cast %swap3A_557 : i32 to index
      %swap3A_559 = arith.constant 48 : index
      %swap3A_560 = tpu.vector_load %arg11[%swap3A_558, %swap3A_559] {strides = array<i32>} : memref<200x64xf32, #tpu.memory_space<vmem>>, vector<16xf32>,
      tpu.vector_store %arg11[%swap3A_558, %swap3A_559], %mul3A_556 {strides = array<i32>} : memref<200x64xf32, #tpu.memory_space<vmem>>, vector<16xf32>,
      %mul3A_561 = arith.constant 128 : i32
      %mul3A_562 = arith.muli %add3A, %mul3A_561 : i32
      %add3A_563 = arith.addi %mul3A_562, %add3A_128 : i32
      %dma_start3A_564 = arith.constant 0 : i32
      %dma_start3A_565 = arith.constant 0 : i32
      %dma_start3A_566 = tpu.memref_slice %arg5[%add3A_563, %dma_start3A_564, %dma_start3A_565] : memref<4096x200x64xf32, #tpu.memory_space<hbm>> -> memref<1x200x64xf32, #tpu.memory_space<hbm>>
      %dma_start3A_567 = tpu.memref_squeeze %dma_start3A_566 : memref<1x200x64xf32, #tpu.memory_space<hbm>> -> memref<200x64xf32, #tpu.memory_space<hbm>>
      %dma_start3A_568 = arith.constant 0 : i32
      %dma_start3A_569 = arith.constant 0 : i32
      %dma_start3A_570 = tpu.memref_slice %arg5[%add3A_563, %dma_start3A_568, %dma_start3A_569] : memref<4096x200x64xf32, #tpu.memory_space<hbm>> -> memref<1x200x64xf32, #tpu.memory_space<hbm>>
      %dma_start3A_571 = tpu.memref_squeeze %dma_start3A_570 : memref<1x200x64xf32, #tpu.memory_space<hbm>> -> memref<200x64xf32, #tpu.memory_space<hbm>>
      tpu.enqueue_dma source(%arg11 : memref<200x64xf32, #tpu.memory_space<vmem>>) target(%dma_start3A_571 : memref<200x64xf32, #tpu.memory_space<hbm>>) target_semaphore(%arg15 : memref<!tpu.dma_semaphore, #tpu.memory_space<semaphore_mem>>)
      %mul3A_572 = arith.constant 2 : i32
      %mul3A_573 = arith.muli %mul3A_572, %scan3A_123 : i32
      %add3A_574 = arith.constant 1 : i32
      %add3A_575 = arith.addi %mul3A_573, %add3A_574 : i32
      %dma_wait3A_576 = arith.constant 0 : i32
      %dma_wait3A_577 = arith.constant 0 : i32
      %dma_wait3A_578 = tpu.memref_slice %arg3[%dma_wait3A_576, %dma_wait3A_577] : memref<1000000x16xi32, #tpu.memory_space<hbm>> -> memref<200x16xi32, #tpu.memory_space<hbm>>
      %dma_wait3A_579 = arith.constant 0 : i32
      %dma_wait3A_580 = arith.constant 0 : i32
      %dma_wait3A_581 = tpu.memref_slice %arg3[%dma_wait3A_579, %dma_wait3A_580] : memref<1000000x16xi32, #tpu.memory_space<hbm>> -> memref<200x16xi32, #tpu.memory_space<hbm>>
      tpu.wait_dma2 semaphore(%arg14 : memref<!tpu.dma_semaphore, #tpu.memory_space<semaphore_mem>>) src(%dma_wait3A_581 : memref<200x16xi32, #tpu.memory_space<hbm>>) dst(%arg8 : memref<200x16xi32, #tpu.memory_space<vmem>>)
      %dma_wait3A_582 = arith.constant 0 : i32
      %dma_wait3A_583 = tpu.memref_slice %arg4[%dma_wait3A_582] : memref<1000000xf32, #tpu.memory_space<hbm>> -> memref<200xf32, #tpu.memory_space<hbm>>
      %dma_wait3A_584 = arith.constant 0 : i32
      %dma_wait3A_585 = tpu.memref_slice %arg4[%dma_wait3A_584] : memref<1000000xf32, #tpu.memory_space<hbm>> -> memref<200xf32, #tpu.memory_space<hbm>>
      tpu.wait_dma2 semaphore(%arg14 : memref<!tpu.dma_semaphore, #tpu.memory_space<semaphore_mem>>) src(%dma_wait3A_585 : memref<200xf32, #tpu.memory_space<hbm>>) dst(%arg10 : memref<200xf32, #tpu.memory_space<vmem>>)
      %add3A_586 = arith.constant 1 : i32
      %add3A_587 = arith.addi %add3A_575, %add3A_586 : i32
      %lt3A_588 = arith.constant 128 : i32
      %lt3A_589 = arith.cmpi slt, %add3A_587, %lt3A_588 : i32
      %convert_element_type3A_590 = arith.extui %lt3A_589 : i1 to i32
      %cond3A_591 = arith.constant 0 : i32
      %cond3A_592 = arith.cmpi ne, %convert_element_type3A_590, %cond3A_591 : i32
      scf.if %cond3A_592 {
        %add3A_1027 = arith.constant 1 : i32
        %add3A_1028 = arith.addi %add3A_575, %add3A_1027 : i32
        %dma_start3A_1029 = arith.constant 0 : i32
        %dma_start3A_1030 = arith.constant 0 : i32
        %dma_start3A_1031 = tpu.memref_slice %arg7[%dma_start3A_1029, %dma_start3A_1030] : memref<200x16xi32, #tpu.memory_space<vmem>> -> memref<128x16xi32, #tpu.memory_space<vmem>>
        %dma_start3A_1032 = arith.constant 0 : i32
        %dma_start3A_1033 = tpu.memref_slice %arg6[%add3A_1028, %dma_start3A_1032] : memref<128x200xi32, #tpu.memory_space<vmem>> -> memref<1x128xi32, #tpu.memory_space<vmem>>
        %dma_start3A_1034 = tpu.memref_squeeze %dma_start3A_1033 : memref<1x128xi32, #tpu.memory_space<vmem>> -> memref<128xi32, #tpu.memory_space<vmem>>
        %dma_start3A_1035 = arith.constant 0 : i32
        %dma_start3A_1036 = arith.constant 0 : i32
        %dma_start3A_1037 = tpu.memref_slice %arg3[%dma_start3A_1035, %dma_start3A_1036] : memref<1000000x16xi32, #tpu.memory_space<hbm>> -> memref<1000000x16xi32, #tpu.memory_space<hbm>>
        tpu.enqueue_indirect_dma source(%dma_start3A_1037 : memref<1000000x16xi32, #tpu.memory_space<hbm>>) target(%dma_start3A_1031 : memref<128x16xi32, #tpu.memory_space<vmem>>) offsets(%dma_start3A_1034 : memref<128xi32, #tpu.memory_space<vmem>>) semaphore(%arg13 : memref<!tpu.dma_semaphore, #tpu.memory_space<semaphore_mem>>)
        %dma_start3A_1038 = arith.constant 0 : i32
        %dma_start3A_1039 = tpu.memref_slice %arg9[%dma_start3A_1038] : memref<200xf32, #tpu.memory_space<vmem>> -> memref<128xf32, #tpu.memory_space<vmem>>
        %dma_start3A_1040 = arith.constant 0 : i32
        %dma_start3A_1041 = tpu.memref_slice %arg6[%add3A_1028, %dma_start3A_1040] : memref<128x200xi32, #tpu.memory_space<vmem>> -> memref<1x128xi32, #tpu.memory_space<vmem>>
        %dma_start3A_1042 = tpu.memref_squeeze %dma_start3A_1041 : memref<1x128xi32, #tpu.memory_space<vmem>> -> memref<128xi32, #tpu.memory_space<vmem>>
        %dma_start3A_1043 = arith.constant 0 : i32
        %dma_start3A_1044 = tpu.memref_slice %arg4[%dma_start3A_1043] : memref<1000000xf32, #tpu.memory_space<hbm>> -> memref<1000000xf32, #tpu.memory_space<hbm>>
        tpu.enqueue_indirect_dma source(%dma_start3A_1044 : memref<1000000xf32, #tpu.memory_space<hbm>>) target(%dma_start3A_1039 : memref<128xf32, #tpu.memory_space<vmem>>) offsets(%dma_start3A_1042 : memref<128xi32, #tpu.memory_space<vmem>>) semaphore(%arg13 : memref<!tpu.dma_semaphore, #tpu.memory_space<semaphore_mem>>)
        %dma_start3A_1045 = arith.constant 128 : i32
        %dma_start3A_1046 = arith.constant 0 : i32
        %dma_start3A_1047 = tpu.memref_slice %arg7[%dma_start3A_1045, %dma_start3A_1046] : memref<200x16xi32, #tpu.memory_space<vmem>> -> memref<72x16xi32, #tpu.memory_space<vmem>>
        %dma_start3A_1048 = arith.constant 128 : i32
        %dma_start3A_1049 = tpu.memref_slice %arg6[%add3A_1028, %dma_start3A_1048] : memref<128x200xi32, #tpu.memory_space<vmem>> -> memref<1x72xi32, #tpu.memory_space<vmem>>
        %dma_start3A_1050 = tpu.memref_squeeze %dma_start3A_1049 : memref<1x72xi32, #tpu.memory_space<vmem>> -> memref<72xi32, #tpu.memory_space<vmem>>
        %dma_start3A_1051 = arith.constant 0 : i32
        %dma_start3A_1052 = arith.constant 0 : i32
        %dma_start3A_1053 = tpu.memref_slice %arg3[%dma_start3A_1051, %dma_start3A_1052] : memref<1000000x16xi32, #tpu.memory_space<hbm>> -> memref<1000000x16xi32, #tpu.memory_space<hbm>>
        tpu.enqueue_indirect_dma source(%dma_start3A_1053 : memref<1000000x16xi32, #tpu.memory_space<hbm>>) target(%dma_start3A_1047 : memref<72x16xi32, #tpu.memory_space<vmem>>) offsets(%dma_start3A_1050 : memref<72xi32, #tpu.memory_space<vmem>>) semaphore(%arg13 : memref<!tpu.dma_semaphore, #tpu.memory_space<semaphore_mem>>)
        %dma_start3A_1054 = arith.constant 128 : i32
        %dma_start3A_1055 = tpu.memref_slice %arg9[%dma_start3A_1054] : memref<200xf32, #tpu.memory_space<vmem>> -> memref<72xf32, #tpu.memory_space<vmem>>
        %dma_start3A_1056 = arith.constant 128 : i32
        %dma_start3A_1057 = tpu.memref_slice %arg6[%add3A_1028, %dma_start3A_1056] : memref<128x200xi32, #tpu.memory_space<vmem>> -> memref<1x72xi32, #tpu.memory_space<vmem>>
        %dma_start3A_1058 = tpu.memref_squeeze %dma_start3A_1057 : memref<1x72xi32, #tpu.memory_space<vmem>> -> memref<72xi32, #tpu.memory_space<vmem>>
        %dma_start3A_1059 = arith.constant 0 : i32
        %dma_start3A_1060 = tpu.memref_slice %arg4[%dma_start3A_1059] : memref<1000000xf32, #tpu.memory_space<hbm>> -> memref<1000000xf32, #tpu.memory_space<hbm>>
        tpu.enqueue_indirect_dma source(%dma_start3A_1060 : memref<1000000xf32, #tpu.memory_space<hbm>>) target(%dma_start3A_1055 : memref<72xf32, #tpu.memory_space<vmem>>) offsets(%dma_start3A_1058 : memref<72xi32, #tpu.memory_space<vmem>>) semaphore(%arg13 : memref<!tpu.dma_semaphore, #tpu.memory_space<semaphore_mem>>)
      } else {
      }
      %ge3A_593 = arith.constant 2 : i32
      %ge3A_594 = arith.cmpi sge, %add3A_575, %ge3A_593 : i32
      %convert_element_type3A_595 = arith.extui %ge3A_594 : i1 to i32
      %cond3A_596 = arith.constant 0 : i32
      %cond3A_597 = arith.cmpi ne, %convert_element_type3A_595, %cond3A_596 : i32
      scf.if %cond3A_597 {
        %dma_wait3A_1027 = arith.constant 0 : i32
        %dma_wait3A_1028 = arith.constant 0 : i32
        %dma_wait3A_1029 = arith.constant 0 : i32
        %dma_wait3A_1030 = tpu.memref_slice %arg5[%dma_wait3A_1027, %dma_wait3A_1028, %dma_wait3A_1029] : memref<4096x200x64xf32, #tpu.memory_space<hbm>> -> memref<1x200x64xf32, #tpu.memory_space<hbm>>
        %dma_wait3A_1031 = tpu.memref_squeeze %dma_wait3A_1030 : memref<1x200x64xf32, #tpu.memory_space<hbm>> -> memref<200x64xf32, #tpu.memory_space<hbm>>
        %dma_wait3A_1032 = arith.constant 0 : i32
        %dma_wait3A_1033 = arith.constant 0 : i32
        %dma_wait3A_1034 = tpu.memref_slice %arg5[%dma_wait3A_1027, %dma_wait3A_1032, %dma_wait3A_1033] : memref<4096x200x64xf32, #tpu.memory_space<hbm>> -> memref<1x200x64xf32, #tpu.memory_space<hbm>>
        %dma_wait3A_1035 = tpu.memref_squeeze %dma_wait3A_1034 : memref<1x200x64xf32, #tpu.memory_space<hbm>> -> memref<200x64xf32, #tpu.memory_space<hbm>>
        tpu.wait_dma2 semaphore(%arg16 : memref<!tpu.dma_semaphore, #tpu.memory_space<semaphore_mem>>) src(%arg12 : memref<200x64xf32, #tpu.memory_space<vmem>>) dst(%dma_wait3A_1035 : memref<200x64xf32, #tpu.memory_space<hbm>>)
      } else {
      }
      %scan3A_598 = arith.constant 0 : i32
      %scan3A_599 = arith.constant 0 : i32
      %scan3A_600 = arith.constant 12 : i32
      %scan3A_601 = arith.addi %scan3A_599, %scan3A_600 : i32
      %scan3A_602 = arith.constant 1 : i32
      %scan3A_603 = scf.for %scan3A_1027 = %scan3A_599 to %scan3A_601 step %scan3A_602 iter_args(%scan3A_1028 = %scan3A_598) -> (i32)  : i32 {
        %mul3A_1029 = arith.constant 16 : i32
        %mul3A_1030 = arith.muli %scan3A_1027, %mul3A_1029 : i32
        %get3A_1031 = arith.index_cast %mul3A_1030 : i32 to index
        %get3A_1032 = tpu.vector_load %arg10[%get3A_1031] {strides = array<i32>} : memref<200xf32, #tpu.memory_space<vmem>>, vector<16xf32>,
        %add3A_1033 = arith.constant 0 : i32
        %add3A_1034 = arith.addi %mul3A_1030, %add3A_1033 : i32
        %broadcast_in_dim3A_1035 = vector.shape_cast %broadcast_in_dim3A_32 : vector<16xi32> to vector<16x1xi32>
        %gather3A_1036 = vector.shape_cast %broadcast_in_dim3A_1035 : vector<16x1xi32> to vector<16xi32>
        %gather3A_1037 = tpu.dynamic_gather %get3A_1032[%gather3A_1036] in [0] : vector<16xf32>, vector<16xi32> -> vector<16xf32>
        %get3A_1038 = arith.index_cast %add3A_1034 : i32 to index
        %get3A_1039 = arith.constant 0 : index
        %get3A_1040 = tpu.vector_load %arg8[%get3A_1038, %get3A_1039] {strides = array<i32>} : memref<200x16xi32, #tpu.memory_space<vmem>>, vector<16xi32>,
        %broadcast_in_dim3A_1041 = vector.shape_cast %add3A_12 : vector<16xi32> to vector<16x1xi32>
        %gather3A_1042 = vector.shape_cast %broadcast_in_dim3A_1041 : vector<16x1xi32> to vector<16xi32>
        %gather3A_1043 = tpu.dynamic_gather %get3A_1040[%gather3A_1042] in [0] : vector<16xi32>, vector<16xi32> -> vector<16xi32>
        %shift_left3A_1044 = arith.shli %gather3A_1043, %shift_left3A_6 : vector<16xi32>
        %shift_right_arithmetic3A_1045 = arith.shrsi %shift_left3A_1044, %broadcast_in_dim3A_7 : vector<16xi32>
        %convert_element_type3A_1046 = arith.sitofp %shift_right_arithmetic3A_1045 : vector<16xi32> to vector<16xf32>
        %mul3A_1047 = arith.mulf %convert_element_type3A_1046, %gather3A_1037 : vector<16xf32>
        %swap3A_1048 = arith.index_cast %add3A_1034 : i32 to index
        %swap3A_1049 = arith.constant 0 : index
        %swap3A_1050 = tpu.vector_load %arg12[%swap3A_1048, %swap3A_1049] {strides = array<i32>} : memref<200x64xf32, #tpu.memory_space<vmem>>, vector<16xf32>,
        tpu.vector_store %arg12[%swap3A_1048, %swap3A_1049], %mul3A_1047 {strides = array<i32>} : memref<200x64xf32, #tpu.memory_space<vmem>>, vector<16xf32>,
        %broadcast_in_dim3A_1051 = vector.shape_cast %add3A_18 : vector<16xi32> to vector<16x1xi32>
        %gather3A_1052 = vector.shape_cast %broadcast_in_dim3A_1051 : vector<16x1xi32> to vector<16xi32>
        %gather3A_1053 = tpu.dynamic_gather %get3A_1040[%gather3A_1052] in [0] : vector<16xi32>, vector<16xi32> -> vector<16xi32>
        %shift_left3A_1054 = arith.shli %gather3A_1053, %shift_left3A_6 : vector<16xi32>
        %shift_right_arithmetic3A_1055 = arith.shrsi %shift_left3A_1054, %broadcast_in_dim3A_7 : vector<16xi32>
        %convert_element_type3A_1056 = arith.sitofp %shift_right_arithmetic3A_1055 : vector<16xi32> to vector<16xf32>
        %mul3A_1057 = arith.mulf %convert_element_type3A_1056, %gather3A_1037 : vector<16xf32>
        %swap3A_1058 = arith.index_cast %add3A_1034 : i32 to index
        %swap3A_1059 = arith.constant 16 : index
        %swap3A_1060 = tpu.vector_load %arg12[%swap3A_1058, %swap3A_1059] {strides = array<i32>} : memref<200x64xf32, #tpu.memory_space<vmem>>, vector<16xf32>,
        tpu.vector_store %arg12[%swap3A_1058, %swap3A_1059], %mul3A_1057 {strides = array<i32>} : memref<200x64xf32, #tpu.memory_space<vmem>>, vector<16xf32>,
        %broadcast_in_dim3A_1061 = vector.shape_cast %add3A_24 : vector<16xi32> to vector<16x1xi32>
        %gather3A_1062 = vector.shape_cast %broadcast_in_dim3A_1061 : vector<16x1xi32> to vector<16xi32>
        %gather3A_1063 = tpu.dynamic_gather %get3A_1040[%gather3A_1062] in [0] : vector<16xi32>, vector<16xi32> -> vector<16xi32>
        %shift_left3A_1064 = arith.shli %gather3A_1063, %shift_left3A_6 : vector<16xi32>
        %shift_right_arithmetic3A_1065 = arith.shrsi %shift_left3A_1064, %broadcast_in_dim3A_7 : vector<16xi32>
        %convert_element_type3A_1066 = arith.sitofp %shift_right_arithmetic3A_1065 : vector<16xi32> to vector<16xf32>
        %mul3A_1067 = arith.mulf %convert_element_type3A_1066, %gather3A_1037 : vector<16xf32>
        %swap3A_1068 = arith.index_cast %add3A_1034 : i32 to index
        %swap3A_1069 = arith.constant 32 : index
        %swap3A_1070 = tpu.vector_load %arg12[%swap3A_1068, %swap3A_1069] {strides = array<i32>} : memref<200x64xf32, #tpu.memory_space<vmem>>, vector<16xf32>,
        tpu.vector_store %arg12[%swap3A_1068, %swap3A_1069], %mul3A_1067 {strides = array<i32>} : memref<200x64xf32, #tpu.memory_space<vmem>>, vector<16xf32>,
        %broadcast_in_dim3A_1071 = vector.shape_cast %add3A_30 : vector<16xi32> to vector<16x1xi32>
        %gather3A_1072 = vector.shape_cast %broadcast_in_dim3A_1071 : vector<16x1xi32> to vector<16xi32>
        %gather3A_1073 = tpu.dynamic_gather %get3A_1040[%gather3A_1072] in [0] : vector<16xi32>, vector<16xi32> -> vector<16xi32>
        %shift_left3A_1074 = arith.shli %gather3A_1073, %shift_left3A_6 : vector<16xi32>
        %shift_right_arithmetic3A_1075 = arith.shrsi %shift_left3A_1074, %broadcast_in_dim3A_7 : vector<16xi32>
        %convert_element_type3A_1076 = arith.sitofp %shift_right_arithmetic3A_1075 : vector<16xi32> to vector<16xf32>
        %mul3A_1077 = arith.mulf %convert_element_type3A_1076, %gather3A_1037 : vector<16xf32>
        %swap3A_1078 = arith.index_cast %add3A_1034 : i32 to index
        %swap3A_1079 = arith.constant 48 : index
        %swap3A_1080 = tpu.vector_load %arg12[%swap3A_1078, %swap3A_1079] {strides = array<i32>} : memref<200x64xf32, #tpu.memory_space<vmem>>, vector<16xf32>,
        tpu.vector_store %arg12[%swap3A_1078, %swap3A_1079], %mul3A_1077 {strides = array<i32>} : memref<200x64xf32, #tpu.memory_space<vmem>>, vector<16xf32>,
        %add3A_1081 = arith.constant 1 : i32
        %add3A_1082 = arith.addi %mul3A_1030, %add3A_1081 : i32
        %broadcast_in_dim3A_1083 = vector.shape_cast %broadcast_in_dim3A_34 : vector<16xi32> to vector<16x1xi32>
        %gather3A_1084 = vector.shape_cast %broadcast_in_dim3A_1083 : vector<16x1xi32> to vector<16xi32>
        %gather3A_1085 = tpu.dynamic_gather %get3A_1032[%gather3A_1084] in [0] : vector<16xf32>, vector<16xi32> -> vector<16xf32>
        %get3A_1086 = arith.index_cast %add3A_1082 : i32 to index
        %get3A_1087 = arith.constant 0 : index
        %get3A_1088 = tpu.vector_load %arg8[%get3A_1086, %get3A_1087] {strides = array<i32>} : memref<200x16xi32, #tpu.memory_space<vmem>>, vector<16xi32>,
        %broadcast_in_dim3A_1089 = vector.shape_cast %add3A_12 : vector<16xi32> to vector<16x1xi32>
        %gather3A_1090 = vector.shape_cast %broadcast_in_dim3A_1089 : vector<16x1xi32> to vector<16xi32>
        %gather3A_1091 = tpu.dynamic_gather %get3A_1088[%gather3A_1090] in [0] : vector<16xi32>, vector<16xi32> -> vector<16xi32>
        %shift_left3A_1092 = arith.shli %gather3A_1091, %shift_left3A_6 : vector<16xi32>
        %shift_right_arithmetic3A_1093 = arith.shrsi %shift_left3A_1092, %broadcast_in_dim3A_7 : vector<16xi32>
        %convert_element_type3A_1094 = arith.sitofp %shift_right_arithmetic3A_1093 : vector<16xi32> to vector<16xf32>
        %mul3A_1095 = arith.mulf %convert_element_type3A_1094, %gather3A_1085 : vector<16xf32>
        %swap3A_1096 = arith.index_cast %add3A_1082 : i32 to index
        %swap3A_1097 = arith.constant 0 : index
        %swap3A_1098 = tpu.vector_load %arg12[%swap3A_1096, %swap3A_1097] {strides = array<i32>} : memref<200x64xf32, #tpu.memory_space<vmem>>, vector<16xf32>,
        tpu.vector_store %arg12[%swap3A_1096, %swap3A_1097], %mul3A_1095 {strides = array<i32>} : memref<200x64xf32, #tpu.memory_space<vmem>>, vector<16xf32>,
        %broadcast_in_dim3A_1099 = vector.shape_cast %add3A_18 : vector<16xi32> to vector<16x1xi32>
        %gather3A_1100 = vector.shape_cast %broadcast_in_dim3A_1099 : vector<16x1xi32> to vector<16xi32>
        %gather3A_1101 = tpu.dynamic_gather %get3A_1088[%gather3A_1100] in [0] : vector<16xi32>, vector<16xi32> -> vector<16xi32>
        %shift_left3A_1102 = arith.shli %gather3A_1101, %shift_left3A_6 : vector<16xi32>
        %shift_right_arithmetic3A_1103 = arith.shrsi %shift_left3A_1102, %broadcast_in_dim3A_7 : vector<16xi32>
        %convert_element_type3A_1104 = arith.sitofp %shift_right_arithmetic3A_1103 : vector<16xi32> to vector<16xf32>
        %mul3A_1105 = arith.mulf %convert_element_type3A_1104, %gather3A_1085 : vector<16xf32>
        %swap3A_1106 = arith.index_cast %add3A_1082 : i32 to index
        %swap3A_1107 = arith.constant 16 : index
        %swap3A_1108 = tpu.vector_load %arg12[%swap3A_1106, %swap3A_1107] {strides = array<i32>} : memref<200x64xf32, #tpu.memory_space<vmem>>, vector<16xf32>,
        tpu.vector_store %arg12[%swap3A_1106, %swap3A_1107], %mul3A_1105 {strides = array<i32>} : memref<200x64xf32, #tpu.memory_space<vmem>>, vector<16xf32>,
        %broadcast_in_dim3A_1109 = vector.shape_cast %add3A_24 : vector<16xi32> to vector<16x1xi32>
        %gather3A_1110 = vector.shape_cast %broadcast_in_dim3A_1109 : vector<16x1xi32> to vector<16xi32>
        %gather3A_1111 = tpu.dynamic_gather %get3A_1088[%gather3A_1110] in [0] : vector<16xi32>, vector<16xi32> -> vector<16xi32>
        %shift_left3A_1112 = arith.shli %gather3A_1111, %shift_left3A_6 : vector<16xi32>
        %shift_right_arithmetic3A_1113 = arith.shrsi %shift_left3A_1112, %broadcast_in_dim3A_7 : vector<16xi32>
        %convert_element_type3A_1114 = arith.sitofp %shift_right_arithmetic3A_1113 : vector<16xi32> to vector<16xf32>
        %mul3A_1115 = arith.mulf %convert_element_type3A_1114, %gather3A_1085 : vector<16xf32>
        %swap3A_1116 = arith.index_cast %add3A_1082 : i32 to index
        %swap3A_1117 = arith.constant 32 : index
        %swap3A_1118 = tpu.vector_load %arg12[%swap3A_1116, %swap3A_1117] {strides = array<i32>} : memref<200x64xf32, #tpu.memory_space<vmem>>, vector<16xf32>,
        tpu.vector_store %arg12[%swap3A_1116, %swap3A_1117], %mul3A_1115 {strides = array<i32>} : memref<200x64xf32, #tpu.memory_space<vmem>>, vector<16xf32>,
        %broadcast_in_dim3A_1119 = vector.shape_cast %add3A_30 : vector<16xi32> to vector<16x1xi32>
        %gather3A_1120 = vector.shape_cast %broadcast_in_dim3A_1119 : vector<16x1xi32> to vector<16xi32>
        %gather3A_1121 = tpu.dynamic_gather %get3A_1088[%gather3A_1120] in [0] : vector<16xi32>, vector<16xi32> -> vector<16xi32>
        %shift_left3A_1122 = arith.shli %gather3A_1121, %shift_left3A_6 : vector<16xi32>
        %shift_right_arithmetic3A_1123 = arith.shrsi %shift_left3A_1122, %broadcast_in_dim3A_7 : vector<16xi32>
        %convert_element_type3A_1124 = arith.sitofp %shift_right_arithmetic3A_1123 : vector<16xi32> to vector<16xf32>
        %mul3A_1125 = arith.mulf %convert_element_type3A_1124, %gather3A_1085 : vector<16xf32>
        %swap3A_1126 = arith.index_cast %add3A_1082 : i32 to index
        %swap3A_1127 = arith.constant 48 : index
        %swap3A_1128 = tpu.vector_load %arg12[%swap3A_1126, %swap3A_1127] {strides = array<i32>} : memref<200x64xf32, #tpu.memory_space<vmem>>, vector<16xf32>,
        tpu.vector_store %arg12[%swap3A_1126, %swap3A_1127], %mul3A_1125 {strides = array<i32>} : memref<200x64xf32, #tpu.memory_space<vmem>>, vector<16xf32>,
        %add3A_1129 = arith.constant 2 : i32
        %add3A_1130 = arith.addi %mul3A_1030, %add3A_1129 : i32
        %broadcast_in_dim3A_1131 = vector.shape_cast %broadcast_in_dim3A_36 : vector<16xi32> to vector<16x1xi32>
        %gather3A_1132 = vector.shape_cast %broadcast_in_dim3A_1131 : vector<16x1xi32> to vector<16xi32>
        %gather3A_1133 = tpu.dynamic_gather %get3A_1032[%gather3A_1132] in [0] : vector<16xf32>, vector<16xi32> -> vector<16xf32>
        %get3A_1134 = arith.index_cast %add3A_1130 : i32 to index
        %get3A_1135 = arith.constant 0 : index
        %get3A_1136 = tpu.vector_load %arg8[%get3A_1134, %get3A_1135] {strides = array<i32>} : memref<200x16xi32, #tpu.memory_space<vmem>>, vector<16xi32>,
        %broadcast_in_dim3A_1137 = vector.shape_cast %add3A_12 : vector<16xi32> to vector<16x1xi32>
        %gather3A_1138 = vector.shape_cast %broadcast_in_dim3A_1137 : vector<16x1xi32> to vector<16xi32>
        %gather3A_1139 = tpu.dynamic_gather %get3A_1136[%gather3A_1138] in [0] : vector<16xi32>, vector<16xi32> -> vector<16xi32>
        %shift_left3A_1140 = arith.shli %gather3A_1139, %shift_left3A_6 : vector<16xi32>
        %shift_right_arithmetic3A_1141 = arith.shrsi %shift_left3A_1140, %broadcast_in_dim3A_7 : vector<16xi32>
        %convert_element_type3A_1142 = arith.sitofp %shift_right_arithmetic3A_1141 : vector<16xi32> to vector<16xf32>
        %mul3A_1143 = arith.mulf %convert_element_type3A_1142, %gather3A_1133 : vector<16xf32>
        %swap3A_1144 = arith.index_cast %add3A_1130 : i32 to index
        %swap3A_1145 = arith.constant 0 : index
        %swap3A_1146 = tpu.vector_load %arg12[%swap3A_1144, %swap3A_1145] {strides = array<i32>} : memref<200x64xf32, #tpu.memory_space<vmem>>, vector<16xf32>,
        tpu.vector_store %arg12[%swap3A_1144, %swap3A_1145], %mul3A_1143 {strides = array<i32>} : memref<200x64xf32, #tpu.memory_space<vmem>>, vector<16xf32>,
        %broadcast_in_dim3A_1147 = vector.shape_cast %add3A_18 : vector<16xi32> to vector<16x1xi32>
        %gather3A_1148 = vector.shape_cast %broadcast_in_dim3A_1147 : vector<16x1xi32> to vector<16xi32>
        %gather3A_1149 = tpu.dynamic_gather %get3A_1136[%gather3A_1148] in [0] : vector<16xi32>, vector<16xi32> -> vector<16xi32>
        %shift_left3A_1150 = arith.shli %gather3A_1149, %shift_left3A_6 : vector<16xi32>
        %shift_right_arithmetic3A_1151 = arith.shrsi %shift_left3A_1150, %broadcast_in_dim3A_7 : vector<16xi32>
        %convert_element_type3A_1152 = arith.sitofp %shift_right_arithmetic3A_1151 : vector<16xi32> to vector<16xf32>
        %mul3A_1153 = arith.mulf %convert_element_type3A_1152, %gather3A_1133 : vector<16xf32>
        %swap3A_1154 = arith.index_cast %add3A_1130 : i32 to index
        %swap3A_1155 = arith.constant 16 : index
        %swap3A_1156 = tpu.vector_load %arg12[%swap3A_1154, %swap3A_1155] {strides = array<i32>} : memref<200x64xf32, #tpu.memory_space<vmem>>, vector<16xf32>,
        tpu.vector_store %arg12[%swap3A_1154, %swap3A_1155], %mul3A_1153 {strides = array<i32>} : memref<200x64xf32, #tpu.memory_space<vmem>>, vector<16xf32>,
        %broadcast_in_dim3A_1157 = vector.shape_cast %add3A_24 : vector<16xi32> to vector<16x1xi32>
        %gather3A_1158 = vector.shape_cast %broadcast_in_dim3A_1157 : vector<16x1xi32> to vector<16xi32>
        %gather3A_1159 = tpu.dynamic_gather %get3A_1136[%gather3A_1158] in [0] : vector<16xi32>, vector<16xi32> -> vector<16xi32>
        %shift_left3A_1160 = arith.shli %gather3A_1159, %shift_left3A_6 : vector<16xi32>
        %shift_right_arithmetic3A_1161 = arith.shrsi %shift_left3A_1160, %broadcast_in_dim3A_7 : vector<16xi32>
        %convert_element_type3A_1162 = arith.sitofp %shift_right_arithmetic3A_1161 : vector<16xi32> to vector<16xf32>
        %mul3A_1163 = arith.mulf %convert_element_type3A_1162, %gather3A_1133 : vector<16xf32>
        %swap3A_1164 = arith.index_cast %add3A_1130 : i32 to index
        %swap3A_1165 = arith.constant 32 : index
        %swap3A_1166 = tpu.vector_load %arg12[%swap3A_1164, %swap3A_1165] {strides = array<i32>} : memref<200x64xf32, #tpu.memory_space<vmem>>, vector<16xf32>,
        tpu.vector_store %arg12[%swap3A_1164, %swap3A_1165], %mul3A_1163 {strides = array<i32>} : memref<200x64xf32, #tpu.memory_space<vmem>>, vector<16xf32>,
        %broadcast_in_dim3A_1167 = vector.shape_cast %add3A_30 : vector<16xi32> to vector<16x1xi32>
        %gather3A_1168 = vector.shape_cast %broadcast_in_dim3A_1167 : vector<16x1xi32> to vector<16xi32>
        %gather3A_1169 = tpu.dynamic_gather %get3A_1136[%gather3A_1168] in [0] : vector<16xi32>, vector<16xi32> -> vector<16xi32>
        %shift_left3A_1170 = arith.shli %gather3A_1169, %shift_left3A_6 : vector<16xi32>
        %shift_right_arithmetic3A_1171 = arith.shrsi %shift_left3A_1170, %broadcast_in_dim3A_7 : vector<16xi32>
        %convert_element_type3A_1172 = arith.sitofp %shift_right_arithmetic3A_1171 : vector<16xi32> to vector<16xf32>
        %mul3A_1173 = arith.mulf %convert_element_type3A_1172, %gather3A_1133 : vector<16xf32>
        %swap3A_1174 = arith.index_cast %add3A_1130 : i32 to index
        %swap3A_1175 = arith.constant 48 : index
        %swap3A_1176 = tpu.vector_load %arg12[%swap3A_1174, %swap3A_1175] {strides = array<i32>} : memref<200x64xf32, #tpu.memory_space<vmem>>, vector<16xf32>,
        tpu.vector_store %arg12[%swap3A_1174, %swap3A_1175], %mul3A_1173 {strides = array<i32>} : memref<200x64xf32, #tpu.memory_space<vmem>>, vector<16xf32>,
        %add3A_1177 = arith.constant 3 : i32
        %add3A_1178 = arith.addi %mul3A_1030, %add3A_1177 : i32
        %broadcast_in_dim3A_1179 = vector.shape_cast %broadcast_in_dim3A_38 : vector<16xi32> to vector<16x1xi32>
        %gather3A_1180 = vector.shape_cast %broadcast_in_dim3A_1179 : vector<16x1xi32> to vector<16xi32>
        %gather3A_1181 = tpu.dynamic_gather %get3A_1032[%gather3A_1180] in [0] : vector<16xf32>, vector<16xi32> -> vector<16xf32>
        %get3A_1182 = arith.index_cast %add3A_1178 : i32 to index
        %get3A_1183 = arith.constant 0 : index
        %get3A_1184 = tpu.vector_load %arg8[%get3A_1182, %get3A_1183] {strides = array<i32>} : memref<200x16xi32, #tpu.memory_space<vmem>>, vector<16xi32>,
        %broadcast_in_dim3A_1185 = vector.shape_cast %add3A_12 : vector<16xi32> to vector<16x1xi32>
        %gather3A_1186 = vector.shape_cast %broadcast_in_dim3A_1185 : vector<16x1xi32> to vector<16xi32>
        %gather3A_1187 = tpu.dynamic_gather %get3A_1184[%gather3A_1186] in [0] : vector<16xi32>, vector<16xi32> -> vector<16xi32>
        %shift_left3A_1188 = arith.shli %gather3A_1187, %shift_left3A_6 : vector<16xi32>
        %shift_right_arithmetic3A_1189 = arith.shrsi %shift_left3A_1188, %broadcast_in_dim3A_7 : vector<16xi32>
        %convert_element_type3A_1190 = arith.sitofp %shift_right_arithmetic3A_1189 : vector<16xi32> to vector<16xf32>
        %mul3A_1191 = arith.mulf %convert_element_type3A_1190, %gather3A_1181 : vector<16xf32>
        %swap3A_1192 = arith.index_cast %add3A_1178 : i32 to index
        %swap3A_1193 = arith.constant 0 : index
        %swap3A_1194 = tpu.vector_load %arg12[%swap3A_1192, %swap3A_1193] {strides = array<i32>} : memref<200x64xf32, #tpu.memory_space<vmem>>, vector<16xf32>,
        tpu.vector_store %arg12[%swap3A_1192, %swap3A_1193], %mul3A_1191 {strides = array<i32>} : memref<200x64xf32, #tpu.memory_space<vmem>>, vector<16xf32>,
        %broadcast_in_dim3A_1195 = vector.shape_cast %add3A_18 : vector<16xi32> to vector<16x1xi32>
        %gather3A_1196 = vector.shape_cast %broadcast_in_dim3A_1195 : vector<16x1xi32> to vector<16xi32>
        %gather3A_1197 = tpu.dynamic_gather %get3A_1184[%gather3A_1196] in [0] : vector<16xi32>, vector<16xi32> -> vector<16xi32>
        %shift_left3A_1198 = arith.shli %gather3A_1197, %shift_left3A_6 : vector<16xi32>
        %shift_right_arithmetic3A_1199 = arith.shrsi %shift_left3A_1198, %broadcast_in_dim3A_7 : vector<16xi32>
        %convert_element_type3A_1200 = arith.sitofp %shift_right_arithmetic3A_1199 : vector<16xi32> to vector<16xf32>
        %mul3A_1201 = arith.mulf %convert_element_type3A_1200, %gather3A_1181 : vector<16xf32>
        %swap3A_1202 = arith.index_cast %add3A_1178 : i32 to index
        %swap3A_1203 = arith.constant 16 : index
        %swap3A_1204 = tpu.vector_load %arg12[%swap3A_1202, %swap3A_1203] {strides = array<i32>} : memref<200x64xf32, #tpu.memory_space<vmem>>, vector<16xf32>,
        tpu.vector_store %arg12[%swap3A_1202, %swap3A_1203], %mul3A_1201 {strides = array<i32>} : memref<200x64xf32, #tpu.memory_space<vmem>>, vector<16xf32>,
        %broadcast_in_dim3A_1205 = vector.shape_cast %add3A_24 : vector<16xi32> to vector<16x1xi32>
        %gather3A_1206 = vector.shape_cast %broadcast_in_dim3A_1205 : vector<16x1xi32> to vector<16xi32>
        %gather3A_1207 = tpu.dynamic_gather %get3A_1184[%gather3A_1206] in [0] : vector<16xi32>, vector<16xi32> -> vector<16xi32>
        %shift_left3A_1208 = arith.shli %gather3A_1207, %shift_left3A_6 : vector<16xi32>
        %shift_right_arithmetic3A_1209 = arith.shrsi %shift_left3A_1208, %broadcast_in_dim3A_7 : vector<16xi32>
        %convert_element_type3A_1210 = arith.sitofp %shift_right_arithmetic3A_1209 : vector<16xi32> to vector<16xf32>
        %mul3A_1211 = arith.mulf %convert_element_type3A_1210, %gather3A_1181 : vector<16xf32>
        %swap3A_1212 = arith.index_cast %add3A_1178 : i32 to index
        %swap3A_1213 = arith.constant 32 : index
        %swap3A_1214 = tpu.vector_load %arg12[%swap3A_1212, %swap3A_1213] {strides = array<i32>} : memref<200x64xf32, #tpu.memory_space<vmem>>, vector<16xf32>,
        tpu.vector_store %arg12[%swap3A_1212, %swap3A_1213], %mul3A_1211 {strides = array<i32>} : memref<200x64xf32, #tpu.memory_space<vmem>>, vector<16xf32>,
        %broadcast_in_dim3A_1215 = vector.shape_cast %add3A_30 : vector<16xi32> to vector<16x1xi32>
        %gather3A_1216 = vector.shape_cast %broadcast_in_dim3A_1215 : vector<16x1xi32> to vector<16xi32>
        %gather3A_1217 = tpu.dynamic_gather %get3A_1184[%gather3A_1216] in [0] : vector<16xi32>, vector<16xi32> -> vector<16xi32>
        %shift_left3A_1218 = arith.shli %gather3A_1217, %shift_left3A_6 : vector<16xi32>
        %shift_right_arithmetic3A_1219 = arith.shrsi %shift_left3A_1218, %broadcast_in_dim3A_7 : vector<16xi32>
        %convert_element_type3A_1220 = arith.sitofp %shift_right_arithmetic3A_1219 : vector<16xi32> to vector<16xf32>
        %mul3A_1221 = arith.mulf %convert_element_type3A_1220, %gather3A_1181 : vector<16xf32>
        %swap3A_1222 = arith.index_cast %add3A_1178 : i32 to index
        %swap3A_1223 = arith.constant 48 : index
        %swap3A_1224 = tpu.vector_load %arg12[%swap3A_1222, %swap3A_1223] {strides = array<i32>} : memref<200x64xf32, #tpu.memory_space<vmem>>, vector<16xf32>,
        tpu.vector_store %arg12[%swap3A_1222, %swap3A_1223], %mul3A_1221 {strides = array<i32>} : memref<200x64xf32, #tpu.memory_space<vmem>>, vector<16xf32>,
        %add3A_1225 = arith.constant 4 : i32
        %add3A_1226 = arith.addi %mul3A_1030, %add3A_1225 : i32
        %broadcast_in_dim3A_1227 = vector.shape_cast %broadcast_in_dim3A_40 : vector<16xi32> to vector<16x1xi32>
        %gather3A_1228 = vector.shape_cast %broadcast_in_dim3A_1227 : vector<16x1xi32> to vector<16xi32>
        %gather3A_1229 = tpu.dynamic_gather %get3A_1032[%gather3A_1228] in [0] : vector<16xf32>, vector<16xi32> -> vector<16xf32>
        %get3A_1230 = arith.index_cast %add3A_1226 : i32 to index
        %get3A_1231 = arith.constant 0 : index
        %get3A_1232 = tpu.vector_load %arg8[%get3A_1230, %get3A_1231] {strides = array<i32>} : memref<200x16xi32, #tpu.memory_space<vmem>>, vector<16xi32>,
        %broadcast_in_dim3A_1233 = vector.shape_cast %add3A_12 : vector<16xi32> to vector<16x1xi32>
        %gather3A_1234 = vector.shape_cast %broadcast_in_dim3A_1233 : vector<16x1xi32> to vector<16xi32>
        %gather3A_1235 = tpu.dynamic_gather %get3A_1232[%gather3A_1234] in [0] : vector<16xi32>, vector<16xi32> -> vector<16xi32>
        %shift_left3A_1236 = arith.shli %gather3A_1235, %shift_left3A_6 : vector<16xi32>
        %shift_right_arithmetic3A_1237 = arith.shrsi %shift_left3A_1236, %broadcast_in_dim3A_7 : vector<16xi32>
        %convert_element_type3A_1238 = arith.sitofp %shift_right_arithmetic3A_1237 : vector<16xi32> to vector<16xf32>
        %mul3A_1239 = arith.mulf %convert_element_type3A_1238, %gather3A_1229 : vector<16xf32>
        %swap3A_1240 = arith.index_cast %add3A_1226 : i32 to index
        %swap3A_1241 = arith.constant 0 : index
        %swap3A_1242 = tpu.vector_load %arg12[%swap3A_1240, %swap3A_1241] {strides = array<i32>} : memref<200x64xf32, #tpu.memory_space<vmem>>, vector<16xf32>,
        tpu.vector_store %arg12[%swap3A_1240, %swap3A_1241], %mul3A_1239 {strides = array<i32>} : memref<200x64xf32, #tpu.memory_space<vmem>>, vector<16xf32>,
        %broadcast_in_dim3A_1243 = vector.shape_cast %add3A_18 : vector<16xi32> to vector<16x1xi32>
        %gather3A_1244 = vector.shape_cast %broadcast_in_dim3A_1243 : vector<16x1xi32> to vector<16xi32>
        %gather3A_1245 = tpu.dynamic_gather %get3A_1232[%gather3A_1244] in [0] : vector<16xi32>, vector<16xi32> -> vector<16xi32>
        %shift_left3A_1246 = arith.shli %gather3A_1245, %shift_left3A_6 : vector<16xi32>
        %shift_right_arithmetic3A_1247 = arith.shrsi %shift_left3A_1246, %broadcast_in_dim3A_7 : vector<16xi32>
        %convert_element_type3A_1248 = arith.sitofp %shift_right_arithmetic3A_1247 : vector<16xi32> to vector<16xf32>
        %mul3A_1249 = arith.mulf %convert_element_type3A_1248, %gather3A_1229 : vector<16xf32>
        %swap3A_1250 = arith.index_cast %add3A_1226 : i32 to index
        %swap3A_1251 = arith.constant 16 : index
        %swap3A_1252 = tpu.vector_load %arg12[%swap3A_1250, %swap3A_1251] {strides = array<i32>} : memref<200x64xf32, #tpu.memory_space<vmem>>, vector<16xf32>,
        tpu.vector_store %arg12[%swap3A_1250, %swap3A_1251], %mul3A_1249 {strides = array<i32>} : memref<200x64xf32, #tpu.memory_space<vmem>>, vector<16xf32>,
        %broadcast_in_dim3A_1253 = vector.shape_cast %add3A_24 : vector<16xi32> to vector<16x1xi32>
        %gather3A_1254 = vector.shape_cast %broadcast_in_dim3A_1253 : vector<16x1xi32> to vector<16xi32>
        %gather3A_1255 = tpu.dynamic_gather %get3A_1232[%gather3A_1254] in [0] : vector<16xi32>, vector<16xi32> -> vector<16xi32>
        %shift_left3A_1256 = arith.shli %gather3A_1255, %shift_left3A_6 : vector<16xi32>
        %shift_right_arithmetic3A_1257 = arith.shrsi %shift_left3A_1256, %broadcast_in_dim3A_7 : vector<16xi32>
        %convert_element_type3A_1258 = arith.sitofp %shift_right_arithmetic3A_1257 : vector<16xi32> to vector<16xf32>
        %mul3A_1259 = arith.mulf %convert_element_type3A_1258, %gather3A_1229 : vector<16xf32>
        %swap3A_1260 = arith.index_cast %add3A_1226 : i32 to index
        %swap3A_1261 = arith.constant 32 : index
        %swap3A_1262 = tpu.vector_load %arg12[%swap3A_1260, %swap3A_1261] {strides = array<i32>} : memref<200x64xf32, #tpu.memory_space<vmem>>, vector<16xf32>,
        tpu.vector_store %arg12[%swap3A_1260, %swap3A_1261], %mul3A_1259 {strides = array<i32>} : memref<200x64xf32, #tpu.memory_space<vmem>>, vector<16xf32>,
        %broadcast_in_dim3A_1263 = vector.shape_cast %add3A_30 : vector<16xi32> to vector<16x1xi32>
        %gather3A_1264 = vector.shape_cast %broadcast_in_dim3A_1263 : vector<16x1xi32> to vector<16xi32>
        %gather3A_1265 = tpu.dynamic_gather %get3A_1232[%gather3A_1264] in [0] : vector<16xi32>, vector<16xi32> -> vector<16xi32>
        %shift_left3A_1266 = arith.shli %gather3A_1265, %shift_left3A_6 : vector<16xi32>
        %shift_right_arithmetic3A_1267 = arith.shrsi %shift_left3A_1266, %broadcast_in_dim3A_7 : vector<16xi32>
        %convert_element_type3A_1268 = arith.sitofp %shift_right_arithmetic3A_1267 : vector<16xi32> to vector<16xf32>
        %mul3A_1269 = arith.mulf %convert_element_type3A_1268, %gather3A_1229 : vector<16xf32>
        %swap3A_1270 = arith.index_cast %add3A_1226 : i32 to index
        %swap3A_1271 = arith.constant 48 : index
        %swap3A_1272 = tpu.vector_load %arg12[%swap3A_1270, %swap3A_1271] {strides = array<i32>} : memref<200x64xf32, #tpu.memory_space<vmem>>, vector<16xf32>,
        tpu.vector_store %arg12[%swap3A_1270, %swap3A_1271], %mul3A_1269 {strides = array<i32>} : memref<200x64xf32, #tpu.memory_space<vmem>>, vector<16xf32>,
        %add3A_1273 = arith.constant 5 : i32
        %add3A_1274 = arith.addi %mul3A_1030, %add3A_1273 : i32
        %broadcast_in_dim3A_1275 = vector.shape_cast %broadcast_in_dim3A_42 : vector<16xi32> to vector<16x1xi32>
        %gather3A_1276 = vector.shape_cast %broadcast_in_dim3A_1275 : vector<16x1xi32> to vector<16xi32>
        %gather3A_1277 = tpu.dynamic_gather %get3A_1032[%gather3A_1276] in [0] : vector<16xf32>, vector<16xi32> -> vector<16xf32>
        %get3A_1278 = arith.index_cast %add3A_1274 : i32 to index
        %get3A_1279 = arith.constant 0 : index
        %get3A_1280 = tpu.vector_load %arg8[%get3A_1278, %get3A_1279] {strides = array<i32>} : memref<200x16xi32, #tpu.memory_space<vmem>>, vector<16xi32>,
        %broadcast_in_dim3A_1281 = vector.shape_cast %add3A_12 : vector<16xi32> to vector<16x1xi32>
        %gather3A_1282 = vector.shape_cast %broadcast_in_dim3A_1281 : vector<16x1xi32> to vector<16xi32>
        %gather3A_1283 = tpu.dynamic_gather %get3A_1280[%gather3A_1282] in [0] : vector<16xi32>, vector<16xi32> -> vector<16xi32>
        %shift_left3A_1284 = arith.shli %gather3A_1283, %shift_left3A_6 : vector<16xi32>
        %shift_right_arithmetic3A_1285 = arith.shrsi %shift_left3A_1284, %broadcast_in_dim3A_7 : vector<16xi32>
        %convert_element_type3A_1286 = arith.sitofp %shift_right_arithmetic3A_1285 : vector<16xi32> to vector<16xf32>
        %mul3A_1287 = arith.mulf %convert_element_type3A_1286, %gather3A_1277 : vector<16xf32>
        %swap3A_1288 = arith.index_cast %add3A_1274 : i32 to index
        %swap3A_1289 = arith.constant 0 : index
        %swap3A_1290 = tpu.vector_load %arg12[%swap3A_1288, %swap3A_1289] {strides = array<i32>} : memref<200x64xf32, #tpu.memory_space<vmem>>, vector<16xf32>,
        tpu.vector_store %arg12[%swap3A_1288, %swap3A_1289], %mul3A_1287 {strides = array<i32>} : memref<200x64xf32, #tpu.memory_space<vmem>>, vector<16xf32>,
        %broadcast_in_dim3A_1291 = vector.shape_cast %add3A_18 : vector<16xi32> to vector<16x1xi32>
        %gather3A_1292 = vector.shape_cast %broadcast_in_dim3A_1291 : vector<16x1xi32> to vector<16xi32>
        %gather3A_1293 = tpu.dynamic_gather %get3A_1280[%gather3A_1292] in [0] : vector<16xi32>, vector<16xi32> -> vector<16xi32>
        %shift_left3A_1294 = arith.shli %gather3A_1293, %shift_left3A_6 : vector<16xi32>
        %shift_right_arithmetic3A_1295 = arith.shrsi %shift_left3A_1294, %broadcast_in_dim3A_7 : vector<16xi32>
        %convert_element_type3A_1296 = arith.sitofp %shift_right_arithmetic3A_1295 : vector<16xi32> to vector<16xf32>
        %mul3A_1297 = arith.mulf %convert_element_type3A_1296, %gather3A_1277 : vector<16xf32>
        %swap3A_1298 = arith.index_cast %add3A_1274 : i32 to index
        %swap3A_1299 = arith.constant 16 : index
        %swap3A_1300 = tpu.vector_load %arg12[%swap3A_1298, %swap3A_1299] {strides = array<i32>} : memref<200x64xf32, #tpu.memory_space<vmem>>, vector<16xf32>,
        tpu.vector_store %arg12[%swap3A_1298, %swap3A_1299], %mul3A_1297 {strides = array<i32>} : memref<200x64xf32, #tpu.memory_space<vmem>>, vector<16xf32>,
        %broadcast_in_dim3A_1301 = vector.shape_cast %add3A_24 : vector<16xi32> to vector<16x1xi32>
        %gather3A_1302 = vector.shape_cast %broadcast_in_dim3A_1301 : vector<16x1xi32> to vector<16xi32>
        %gather3A_1303 = tpu.dynamic_gather %get3A_1280[%gather3A_1302] in [0] : vector<16xi32>, vector<16xi32> -> vector<16xi32>
        %shift_left3A_1304 = arith.shli %gather3A_1303, %shift_left3A_6 : vector<16xi32>
        %shift_right_arithmetic3A_1305 = arith.shrsi %shift_left3A_1304, %broadcast_in_dim3A_7 : vector<16xi32>
        %convert_element_type3A_1306 = arith.sitofp %shift_right_arithmetic3A_1305 : vector<16xi32> to vector<16xf32>
        %mul3A_1307 = arith.mulf %convert_element_type3A_1306, %gather3A_1277 : vector<16xf32>
        %swap3A_1308 = arith.index_cast %add3A_1274 : i32 to index
        %swap3A_1309 = arith.constant 32 : index
        %swap3A_1310 = tpu.vector_load %arg12[%swap3A_1308, %swap3A_1309] {strides = array<i32>} : memref<200x64xf32, #tpu.memory_space<vmem>>, vector<16xf32>,
        tpu.vector_store %arg12[%swap3A_1308, %swap3A_1309], %mul3A_1307 {strides = array<i32>} : memref<200x64xf32, #tpu.memory_space<vmem>>, vector<16xf32>,
        %broadcast_in_dim3A_1311 = vector.shape_cast %add3A_30 : vector<16xi32> to vector<16x1xi32>
        %gather3A_1312 = vector.shape_cast %broadcast_in_dim3A_1311 : vector<16x1xi32> to vector<16xi32>
        %gather3A_1313 = tpu.dynamic_gather %get3A_1280[%gather3A_1312] in [0] : vector<16xi32>, vector<16xi32> -> vector<16xi32>
        %shift_left3A_1314 = arith.shli %gather3A_1313, %shift_left3A_6 : vector<16xi32>
        %shift_right_arithmetic3A_1315 = arith.shrsi %shift_left3A_1314, %broadcast_in_dim3A_7 : vector<16xi32>
        %convert_element_type3A_1316 = arith.sitofp %shift_right_arithmetic3A_1315 : vector<16xi32> to vector<16xf32>
        %mul3A_1317 = arith.mulf %convert_element_type3A_1316, %gather3A_1277 : vector<16xf32>
        %swap3A_1318 = arith.index_cast %add3A_1274 : i32 to index
        %swap3A_1319 = arith.constant 48 : index
        %swap3A_1320 = tpu.vector_load %arg12[%swap3A_1318, %swap3A_1319] {strides = array<i32>} : memref<200x64xf32, #tpu.memory_space<vmem>>, vector<16xf32>,
        tpu.vector_store %arg12[%swap3A_1318, %swap3A_1319], %mul3A_1317 {strides = array<i32>} : memref<200x64xf32, #tpu.memory_space<vmem>>, vector<16xf32>,
        %add3A_1321 = arith.constant 6 : i32
        %add3A_1322 = arith.addi %mul3A_1030, %add3A_1321 : i32
        %broadcast_in_dim3A_1323 = vector.shape_cast %broadcast_in_dim3A_44 : vector<16xi32> to vector<16x1xi32>
        %gather3A_1324 = vector.shape_cast %broadcast_in_dim3A_1323 : vector<16x1xi32> to vector<16xi32>
        %gather3A_1325 = tpu.dynamic_gather %get3A_1032[%gather3A_1324] in [0] : vector<16xf32>, vector<16xi32> -> vector<16xf32>
        %get3A_1326 = arith.index_cast %add3A_1322 : i32 to index
        %get3A_1327 = arith.constant 0 : index
        %get3A_1328 = tpu.vector_load %arg8[%get3A_1326, %get3A_1327] {strides = array<i32>} : memref<200x16xi32, #tpu.memory_space<vmem>>, vector<16xi32>,
        %broadcast_in_dim3A_1329 = vector.shape_cast %add3A_12 : vector<16xi32> to vector<16x1xi32>
        %gather3A_1330 = vector.shape_cast %broadcast_in_dim3A_1329 : vector<16x1xi32> to vector<16xi32>
        %gather3A_1331 = tpu.dynamic_gather %get3A_1328[%gather3A_1330] in [0] : vector<16xi32>, vector<16xi32> -> vector<16xi32>
        %shift_left3A_1332 = arith.shli %gather3A_1331, %shift_left3A_6 : vector<16xi32>
        %shift_right_arithmetic3A_1333 = arith.shrsi %shift_left3A_1332, %broadcast_in_dim3A_7 : vector<16xi32>
        %convert_element_type3A_1334 = arith.sitofp %shift_right_arithmetic3A_1333 : vector<16xi32> to vector<16xf32>
        %mul3A_1335 = arith.mulf %convert_element_type3A_1334, %gather3A_1325 : vector<16xf32>
        %swap3A_1336 = arith.index_cast %add3A_1322 : i32 to index
        %swap3A_1337 = arith.constant 0 : index
        %swap3A_1338 = tpu.vector_load %arg12[%swap3A_1336, %swap3A_1337] {strides = array<i32>} : memref<200x64xf32, #tpu.memory_space<vmem>>, vector<16xf32>,
        tpu.vector_store %arg12[%swap3A_1336, %swap3A_1337], %mul3A_1335 {strides = array<i32>} : memref<200x64xf32, #tpu.memory_space<vmem>>, vector<16xf32>,
        %broadcast_in_dim3A_1339 = vector.shape_cast %add3A_18 : vector<16xi32> to vector<16x1xi32>
        %gather3A_1340 = vector.shape_cast %broadcast_in_dim3A_1339 : vector<16x1xi32> to vector<16xi32>
        %gather3A_1341 = tpu.dynamic_gather %get3A_1328[%gather3A_1340] in [0] : vector<16xi32>, vector<16xi32> -> vector<16xi32>
        %shift_left3A_1342 = arith.shli %gather3A_1341, %shift_left3A_6 : vector<16xi32>
        %shift_right_arithmetic3A_1343 = arith.shrsi %shift_left3A_1342, %broadcast_in_dim3A_7 : vector<16xi32>
        %convert_element_type3A_1344 = arith.sitofp %shift_right_arithmetic3A_1343 : vector<16xi32> to vector<16xf32>
        %mul3A_1345 = arith.mulf %convert_element_type3A_1344, %gather3A_1325 : vector<16xf32>
        %swap3A_1346 = arith.index_cast %add3A_1322 : i32 to index
        %swap3A_1347 = arith.constant 16 : index
        %swap3A_1348 = tpu.vector_load %arg12[%swap3A_1346, %swap3A_1347] {strides = array<i32>} : memref<200x64xf32, #tpu.memory_space<vmem>>, vector<16xf32>,
        tpu.vector_store %arg12[%swap3A_1346, %swap3A_1347], %mul3A_1345 {strides = array<i32>} : memref<200x64xf32, #tpu.memory_space<vmem>>, vector<16xf32>,
        %broadcast_in_dim3A_1349 = vector.shape_cast %add3A_24 : vector<16xi32> to vector<16x1xi32>
        %gather3A_1350 = vector.shape_cast %broadcast_in_dim3A_1349 : vector<16x1xi32> to vector<16xi32>
        %gather3A_1351 = tpu.dynamic_gather %get3A_1328[%gather3A_1350] in [0] : vector<16xi32>, vector<16xi32> -> vector<16xi32>
        %shift_left3A_1352 = arith.shli %gather3A_1351, %shift_left3A_6 : vector<16xi32>
        %shift_right_arithmetic3A_1353 = arith.shrsi %shift_left3A_1352, %broadcast_in_dim3A_7 : vector<16xi32>
        %convert_element_type3A_1354 = arith.sitofp %shift_right_arithmetic3A_1353 : vector<16xi32> to vector<16xf32>
        %mul3A_1355 = arith.mulf %convert_element_type3A_1354, %gather3A_1325 : vector<16xf32>
        %swap3A_1356 = arith.index_cast %add3A_1322 : i32 to index
        %swap3A_1357 = arith.constant 32 : index
        %swap3A_1358 = tpu.vector_load %arg12[%swap3A_1356, %swap3A_1357] {strides = array<i32>} : memref<200x64xf32, #tpu.memory_space<vmem>>, vector<16xf32>,
        tpu.vector_store %arg12[%swap3A_1356, %swap3A_1357], %mul3A_1355 {strides = array<i32>} : memref<200x64xf32, #tpu.memory_space<vmem>>, vector<16xf32>,
        %broadcast_in_dim3A_1359 = vector.shape_cast %add3A_30 : vector<16xi32> to vector<16x1xi32>
        %gather3A_1360 = vector.shape_cast %broadcast_in_dim3A_1359 : vector<16x1xi32> to vector<16xi32>
        %gather3A_1361 = tpu.dynamic_gather %get3A_1328[%gather3A_1360] in [0] : vector<16xi32>, vector<16xi32> -> vector<16xi32>
        %shift_left3A_1362 = arith.shli %gather3A_1361, %shift_left3A_6 : vector<16xi32>
        %shift_right_arithmetic3A_1363 = arith.shrsi %shift_left3A_1362, %broadcast_in_dim3A_7 : vector<16xi32>
        %convert_element_type3A_1364 = arith.sitofp %shift_right_arithmetic3A_1363 : vector<16xi32> to vector<16xf32>
        %mul3A_1365 = arith.mulf %convert_element_type3A_1364, %gather3A_1325 : vector<16xf32>
        %swap3A_1366 = arith.index_cast %add3A_1322 : i32 to index
        %swap3A_1367 = arith.constant 48 : index
        %swap3A_1368 = tpu.vector_load %arg12[%swap3A_1366, %swap3A_1367] {strides = array<i32>} : memref<200x64xf32, #tpu.memory_space<vmem>>, vector<16xf32>,
        tpu.vector_store %arg12[%swap3A_1366, %swap3A_1367], %mul3A_1365 {strides = array<i32>} : memref<200x64xf32, #tpu.memory_space<vmem>>, vector<16xf32>,
        %add3A_1369 = arith.constant 7 : i32
        %add3A_1370 = arith.addi %mul3A_1030, %add3A_1369 : i32
        %broadcast_in_dim3A_1371 = vector.shape_cast %broadcast_in_dim3A_46 : vector<16xi32> to vector<16x1xi32>
        %gather3A_1372 = vector.shape_cast %broadcast_in_dim3A_1371 : vector<16x1xi32> to vector<16xi32>
        %gather3A_1373 = tpu.dynamic_gather %get3A_1032[%gather3A_1372] in [0] : vector<16xf32>, vector<16xi32> -> vector<16xf32>
        %get3A_1374 = arith.index_cast %add3A_1370 : i32 to index
        %get3A_1375 = arith.constant 0 : index
        %get3A_1376 = tpu.vector_load %arg8[%get3A_1374, %get3A_1375] {strides = array<i32>} : memref<200x16xi32, #tpu.memory_space<vmem>>, vector<16xi32>,
        %broadcast_in_dim3A_1377 = vector.shape_cast %add3A_12 : vector<16xi32> to vector<16x1xi32>
        %gather3A_1378 = vector.shape_cast %broadcast_in_dim3A_1377 : vector<16x1xi32> to vector<16xi32>
        %gather3A_1379 = tpu.dynamic_gather %get3A_1376[%gather3A_1378] in [0] : vector<16xi32>, vector<16xi32> -> vector<16xi32>
        %shift_left3A_1380 = arith.shli %gather3A_1379, %shift_left3A_6 : vector<16xi32>
        %shift_right_arithmetic3A_1381 = arith.shrsi %shift_left3A_1380, %broadcast_in_dim3A_7 : vector<16xi32>
        %convert_element_type3A_1382 = arith.sitofp %shift_right_arithmetic3A_1381 : vector<16xi32> to vector<16xf32>
        %mul3A_1383 = arith.mulf %convert_element_type3A_1382, %gather3A_1373 : vector<16xf32>
        %swap3A_1384 = arith.index_cast %add3A_1370 : i32 to index
        %swap3A_1385 = arith.constant 0 : index
        %swap3A_1386 = tpu.vector_load %arg12[%swap3A_1384, %swap3A_1385] {strides = array<i32>} : memref<200x64xf32, #tpu.memory_space<vmem>>, vector<16xf32>,
        tpu.vector_store %arg12[%swap3A_1384, %swap3A_1385], %mul3A_1383 {strides = array<i32>} : memref<200x64xf32, #tpu.memory_space<vmem>>, vector<16xf32>,
        %broadcast_in_dim3A_1387 = vector.shape_cast %add3A_18 : vector<16xi32> to vector<16x1xi32>
        %gather3A_1388 = vector.shape_cast %broadcast_in_dim3A_1387 : vector<16x1xi32> to vector<16xi32>
        %gather3A_1389 = tpu.dynamic_gather %get3A_1376[%gather3A_1388] in [0] : vector<16xi32>, vector<16xi32> -> vector<16xi32>
        %shift_left3A_1390 = arith.shli %gather3A_1389, %shift_left3A_6 : vector<16xi32>
        %shift_right_arithmetic3A_1391 = arith.shrsi %shift_left3A_1390, %broadcast_in_dim3A_7 : vector<16xi32>
        %convert_element_type3A_1392 = arith.sitofp %shift_right_arithmetic3A_1391 : vector<16xi32> to vector<16xf32>
        %mul3A_1393 = arith.mulf %convert_element_type3A_1392, %gather3A_1373 : vector<16xf32>
        %swap3A_1394 = arith.index_cast %add3A_1370 : i32 to index
        %swap3A_1395 = arith.constant 16 : index
        %swap3A_1396 = tpu.vector_load %arg12[%swap3A_1394, %swap3A_1395] {strides = array<i32>} : memref<200x64xf32, #tpu.memory_space<vmem>>, vector<16xf32>,
        tpu.vector_store %arg12[%swap3A_1394, %swap3A_1395], %mul3A_1393 {strides = array<i32>} : memref<200x64xf32, #tpu.memory_space<vmem>>, vector<16xf32>,
        %broadcast_in_dim3A_1397 = vector.shape_cast %add3A_24 : vector<16xi32> to vector<16x1xi32>
        %gather3A_1398 = vector.shape_cast %broadcast_in_dim3A_1397 : vector<16x1xi32> to vector<16xi32>
        %gather3A_1399 = tpu.dynamic_gather %get3A_1376[%gather3A_1398] in [0] : vector<16xi32>, vector<16xi32> -> vector<16xi32>
        %shift_left3A_1400 = arith.shli %gather3A_1399, %shift_left3A_6 : vector<16xi32>
        %shift_right_arithmetic3A_1401 = arith.shrsi %shift_left3A_1400, %broadcast_in_dim3A_7 : vector<16xi32>
        %convert_element_type3A_1402 = arith.sitofp %shift_right_arithmetic3A_1401 : vector<16xi32> to vector<16xf32>
        %mul3A_1403 = arith.mulf %convert_element_type3A_1402, %gather3A_1373 : vector<16xf32>
        %swap3A_1404 = arith.index_cast %add3A_1370 : i32 to index
        %swap3A_1405 = arith.constant 32 : index
        %swap3A_1406 = tpu.vector_load %arg12[%swap3A_1404, %swap3A_1405] {strides = array<i32>} : memref<200x64xf32, #tpu.memory_space<vmem>>, vector<16xf32>,
        tpu.vector_store %arg12[%swap3A_1404, %swap3A_1405], %mul3A_1403 {strides = array<i32>} : memref<200x64xf32, #tpu.memory_space<vmem>>, vector<16xf32>,
        %broadcast_in_dim3A_1407 = vector.shape_cast %add3A_30 : vector<16xi32> to vector<16x1xi32>
        %gather3A_1408 = vector.shape_cast %broadcast_in_dim3A_1407 : vector<16x1xi32> to vector<16xi32>
        %gather3A_1409 = tpu.dynamic_gather %get3A_1376[%gather3A_1408] in [0] : vector<16xi32>, vector<16xi32> -> vector<16xi32>
        %shift_left3A_1410 = arith.shli %gather3A_1409, %shift_left3A_6 : vector<16xi32>
        %shift_right_arithmetic3A_1411 = arith.shrsi %shift_left3A_1410, %broadcast_in_dim3A_7 : vector<16xi32>
        %convert_element_type3A_1412 = arith.sitofp %shift_right_arithmetic3A_1411 : vector<16xi32> to vector<16xf32>
        %mul3A_1413 = arith.mulf %convert_element_type3A_1412, %gather3A_1373 : vector<16xf32>
        %swap3A_1414 = arith.index_cast %add3A_1370 : i32 to index
        %swap3A_1415 = arith.constant 48 : index
        %swap3A_1416 = tpu.vector_load %arg12[%swap3A_1414, %swap3A_1415] {strides = array<i32>} : memref<200x64xf32, #tpu.memory_space<vmem>>, vector<16xf32>,
        tpu.vector_store %arg12[%swap3A_1414, %swap3A_1415], %mul3A_1413 {strides = array<i32>} : memref<200x64xf32, #tpu.memory_space<vmem>>, vector<16xf32>,
        %add3A_1417 = arith.constant 8 : i32
        %add3A_1418 = arith.addi %mul3A_1030, %add3A_1417 : i32
        %broadcast_in_dim3A_1419 = vector.shape_cast %broadcast_in_dim3A_48 : vector<16xi32> to vector<16x1xi32>
        %gather3A_1420 = vector.shape_cast %broadcast_in_dim3A_1419 : vector<16x1xi32> to vector<16xi32>
        %gather3A_1421 = tpu.dynamic_gather %get3A_1032[%gather3A_1420] in [0] : vector<16xf32>, vector<16xi32> -> vector<16xf32>
        %get3A_1422 = arith.index_cast %add3A_1418 : i32 to index
        %get3A_1423 = arith.constant 0 : index
        %get3A_1424 = tpu.vector_load %arg8[%get3A_1422, %get3A_1423] {strides = array<i32>} : memref<200x16xi32, #tpu.memory_space<vmem>>, vector<16xi32>,
        %broadcast_in_dim3A_1425 = vector.shape_cast %add3A_12 : vector<16xi32> to vector<16x1xi32>
        %gather3A_1426 = vector.shape_cast %broadcast_in_dim3A_1425 : vector<16x1xi32> to vector<16xi32>
        %gather3A_1427 = tpu.dynamic_gather %get3A_1424[%gather3A_1426] in [0] : vector<16xi32>, vector<16xi32> -> vector<16xi32>
        %shift_left3A_1428 = arith.shli %gather3A_1427, %shift_left3A_6 : vector<16xi32>
        %shift_right_arithmetic3A_1429 = arith.shrsi %shift_left3A_1428, %broadcast_in_dim3A_7 : vector<16xi32>
        %convert_element_type3A_1430 = arith.sitofp %shift_right_arithmetic3A_1429 : vector<16xi32> to vector<16xf32>
        %mul3A_1431 = arith.mulf %convert_element_type3A_1430, %gather3A_1421 : vector<16xf32>
        %swap3A_1432 = arith.index_cast %add3A_1418 : i32 to index
        %swap3A_1433 = arith.constant 0 : index
        %swap3A_1434 = tpu.vector_load %arg12[%swap3A_1432, %swap3A_1433] {strides = array<i32>} : memref<200x64xf32, #tpu.memory_space<vmem>>, vector<16xf32>,
        tpu.vector_store %arg12[%swap3A_1432, %swap3A_1433], %mul3A_1431 {strides = array<i32>} : memref<200x64xf32, #tpu.memory_space<vmem>>, vector<16xf32>,
        %broadcast_in_dim3A_1435 = vector.shape_cast %add3A_18 : vector<16xi32> to vector<16x1xi32>
        %gather3A_1436 = vector.shape_cast %broadcast_in_dim3A_1435 : vector<16x1xi32> to vector<16xi32>
        %gather3A_1437 = tpu.dynamic_gather %get3A_1424[%gather3A_1436] in [0] : vector<16xi32>, vector<16xi32> -> vector<16xi32>
        %shift_left3A_1438 = arith.shli %gather3A_1437, %shift_left3A_6 : vector<16xi32>
        %shift_right_arithmetic3A_1439 = arith.shrsi %shift_left3A_1438, %broadcast_in_dim3A_7 : vector<16xi32>
        %convert_element_type3A_1440 = arith.sitofp %shift_right_arithmetic3A_1439 : vector<16xi32> to vector<16xf32>
        %mul3A_1441 = arith.mulf %convert_element_type3A_1440, %gather3A_1421 : vector<16xf32>
        %swap3A_1442 = arith.index_cast %add3A_1418 : i32 to index
        %swap3A_1443 = arith.constant 16 : index
        %swap3A_1444 = tpu.vector_load %arg12[%swap3A_1442, %swap3A_1443] {strides = array<i32>} : memref<200x64xf32, #tpu.memory_space<vmem>>, vector<16xf32>,
        tpu.vector_store %arg12[%swap3A_1442, %swap3A_1443], %mul3A_1441 {strides = array<i32>} : memref<200x64xf32, #tpu.memory_space<vmem>>, vector<16xf32>,
        %broadcast_in_dim3A_1445 = vector.shape_cast %add3A_24 : vector<16xi32> to vector<16x1xi32>
        %gather3A_1446 = vector.shape_cast %broadcast_in_dim3A_1445 : vector<16x1xi32> to vector<16xi32>
        %gather3A_1447 = tpu.dynamic_gather %get3A_1424[%gather3A_1446] in [0] : vector<16xi32>, vector<16xi32> -> vector<16xi32>
        %shift_left3A_1448 = arith.shli %gather3A_1447, %shift_left3A_6 : vector<16xi32>
        %shift_right_arithmetic3A_1449 = arith.shrsi %shift_left3A_1448, %broadcast_in_dim3A_7 : vector<16xi32>
        %convert_element_type3A_1450 = arith.sitofp %shift_right_arithmetic3A_1449 : vector<16xi32> to vector<16xf32>
        %mul3A_1451 = arith.mulf %convert_element_type3A_1450, %gather3A_1421 : vector<16xf32>
        %swap3A_1452 = arith.index_cast %add3A_1418 : i32 to index
        %swap3A_1453 = arith.constant 32 : index
        %swap3A_1454 = tpu.vector_load %arg12[%swap3A_1452, %swap3A_1453] {strides = array<i32>} : memref<200x64xf32, #tpu.memory_space<vmem>>, vector<16xf32>,
        tpu.vector_store %arg12[%swap3A_1452, %swap3A_1453], %mul3A_1451 {strides = array<i32>} : memref<200x64xf32, #tpu.memory_space<vmem>>, vector<16xf32>,
        %broadcast_in_dim3A_1455 = vector.shape_cast %add3A_30 : vector<16xi32> to vector<16x1xi32>
        %gather3A_1456 = vector.shape_cast %broadcast_in_dim3A_1455 : vector<16x1xi32> to vector<16xi32>
        %gather3A_1457 = tpu.dynamic_gather %get3A_1424[%gather3A_1456] in [0] : vector<16xi32>, vector<16xi32> -> vector<16xi32>
        %shift_left3A_1458 = arith.shli %gather3A_1457, %shift_left3A_6 : vector<16xi32>
        %shift_right_arithmetic3A_1459 = arith.shrsi %shift_left3A_1458, %broadcast_in_dim3A_7 : vector<16xi32>
        %convert_element_type3A_1460 = arith.sitofp %shift_right_arithmetic3A_1459 : vector<16xi32> to vector<16xf32>
        %mul3A_1461 = arith.mulf %convert_element_type3A_1460, %gather3A_1421 : vector<16xf32>
        %swap3A_1462 = arith.index_cast %add3A_1418 : i32 to index
        %swap3A_1463 = arith.constant 48 : index
        %swap3A_1464 = tpu.vector_load %arg12[%swap3A_1462, %swap3A_1463] {strides = array<i32>} : memref<200x64xf32, #tpu.memory_space<vmem>>, vector<16xf32>,
        tpu.vector_store %arg12[%swap3A_1462, %swap3A_1463], %mul3A_1461 {strides = array<i32>} : memref<200x64xf32, #tpu.memory_space<vmem>>, vector<16xf32>,
        %add3A_1465 = arith.constant 9 : i32
        %add3A_1466 = arith.addi %mul3A_1030, %add3A_1465 : i32
        %broadcast_in_dim3A_1467 = vector.shape_cast %broadcast_in_dim3A_50 : vector<16xi32> to vector<16x1xi32>
        %gather3A_1468 = vector.shape_cast %broadcast_in_dim3A_1467 : vector<16x1xi32> to vector<16xi32>
        %gather3A_1469 = tpu.dynamic_gather %get3A_1032[%gather3A_1468] in [0] : vector<16xf32>, vector<16xi32> -> vector<16xf32>
        %get3A_1470 = arith.index_cast %add3A_1466 : i32 to index
        %get3A_1471 = arith.constant 0 : index
        %get3A_1472 = tpu.vector_load %arg8[%get3A_1470, %get3A_1471] {strides = array<i32>} : memref<200x16xi32, #tpu.memory_space<vmem>>, vector<16xi32>,
        %broadcast_in_dim3A_1473 = vector.shape_cast %add3A_12 : vector<16xi32> to vector<16x1xi32>
        %gather3A_1474 = vector.shape_cast %broadcast_in_dim3A_1473 : vector<16x1xi32> to vector<16xi32>
        %gather3A_1475 = tpu.dynamic_gather %get3A_1472[%gather3A_1474] in [0] : vector<16xi32>, vector<16xi32> -> vector<16xi32>
        %shift_left3A_1476 = arith.shli %gather3A_1475, %shift_left3A_6 : vector<16xi32>
        %shift_right_arithmetic3A_1477 = arith.shrsi %shift_left3A_1476, %broadcast_in_dim3A_7 : vector<16xi32>
        %convert_element_type3A_1478 = arith.sitofp %shift_right_arithmetic3A_1477 : vector<16xi32> to vector<16xf32>
        %mul3A_1479 = arith.mulf %convert_element_type3A_1478, %gather3A_1469 : vector<16xf32>
        %swap3A_1480 = arith.index_cast %add3A_1466 : i32 to index
        %swap3A_1481 = arith.constant 0 : index
        %swap3A_1482 = tpu.vector_load %arg12[%swap3A_1480, %swap3A_1481] {strides = array<i32>} : memref<200x64xf32, #tpu.memory_space<vmem>>, vector<16xf32>,
        tpu.vector_store %arg12[%swap3A_1480, %swap3A_1481], %mul3A_1479 {strides = array<i32>} : memref<200x64xf32, #tpu.memory_space<vmem>>, vector<16xf32>,
        %broadcast_in_dim3A_1483 = vector.shape_cast %add3A_18 : vector<16xi32> to vector<16x1xi32>
        %gather3A_1484 = vector.shape_cast %broadcast_in_dim3A_1483 : vector<16x1xi32> to vector<16xi32>
        %gather3A_1485 = tpu.dynamic_gather %get3A_1472[%gather3A_1484] in [0] : vector<16xi32>, vector<16xi32> -> vector<16xi32>
        %shift_left3A_1486 = arith.shli %gather3A_1485, %shift_left3A_6 : vector<16xi32>
        %shift_right_arithmetic3A_1487 = arith.shrsi %shift_left3A_1486, %broadcast_in_dim3A_7 : vector<16xi32>
        %convert_element_type3A_1488 = arith.sitofp %shift_right_arithmetic3A_1487 : vector<16xi32> to vector<16xf32>
        %mul3A_1489 = arith.mulf %convert_element_type3A_1488, %gather3A_1469 : vector<16xf32>
        %swap3A_1490 = arith.index_cast %add3A_1466 : i32 to index
        %swap3A_1491 = arith.constant 16 : index
        %swap3A_1492 = tpu.vector_load %arg12[%swap3A_1490, %swap3A_1491] {strides = array<i32>} : memref<200x64xf32, #tpu.memory_space<vmem>>, vector<16xf32>,
        tpu.vector_store %arg12[%swap3A_1490, %swap3A_1491], %mul3A_1489 {strides = array<i32>} : memref<200x64xf32, #tpu.memory_space<vmem>>, vector<16xf32>,
        %broadcast_in_dim3A_1493 = vector.shape_cast %add3A_24 : vector<16xi32> to vector<16x1xi32>
        %gather3A_1494 = vector.shape_cast %broadcast_in_dim3A_1493 : vector<16x1xi32> to vector<16xi32>
        %gather3A_1495 = tpu.dynamic_gather %get3A_1472[%gather3A_1494] in [0] : vector<16xi32>, vector<16xi32> -> vector<16xi32>
        %shift_left3A_1496 = arith.shli %gather3A_1495, %shift_left3A_6 : vector<16xi32>
        %shift_right_arithmetic3A_1497 = arith.shrsi %shift_left3A_1496, %broadcast_in_dim3A_7 : vector<16xi32>
        %convert_element_type3A_1498 = arith.sitofp %shift_right_arithmetic3A_1497 : vector<16xi32> to vector<16xf32>
        %mul3A_1499 = arith.mulf %convert_element_type3A_1498, %gather3A_1469 : vector<16xf32>
        %swap3A_1500 = arith.index_cast %add3A_1466 : i32 to index
        %swap3A_1501 = arith.constant 32 : index
        %swap3A_1502 = tpu.vector_load %arg12[%swap3A_1500, %swap3A_1501] {strides = array<i32>} : memref<200x64xf32, #tpu.memory_space<vmem>>, vector<16xf32>,
        tpu.vector_store %arg12[%swap3A_1500, %swap3A_1501], %mul3A_1499 {strides = array<i32>} : memref<200x64xf32, #tpu.memory_space<vmem>>, vector<16xf32>,
        %broadcast_in_dim3A_1503 = vector.shape_cast %add3A_30 : vector<16xi32> to vector<16x1xi32>
        %gather3A_1504 = vector.shape_cast %broadcast_in_dim3A_1503 : vector<16x1xi32> to vector<16xi32>
        %gather3A_1505 = tpu.dynamic_gather %get3A_1472[%gather3A_1504] in [0] : vector<16xi32>, vector<16xi32> -> vector<16xi32>
        %shift_left3A_1506 = arith.shli %gather3A_1505, %shift_left3A_6 : vector<16xi32>
        %shift_right_arithmetic3A_1507 = arith.shrsi %shift_left3A_1506, %broadcast_in_dim3A_7 : vector<16xi32>
        %convert_element_type3A_1508 = arith.sitofp %shift_right_arithmetic3A_1507 : vector<16xi32> to vector<16xf32>
        %mul3A_1509 = arith.mulf %convert_element_type3A_1508, %gather3A_1469 : vector<16xf32>
        %swap3A_1510 = arith.index_cast %add3A_1466 : i32 to index
        %swap3A_1511 = arith.constant 48 : index
        %swap3A_1512 = tpu.vector_load %arg12[%swap3A_1510, %swap3A_1511] {strides = array<i32>} : memref<200x64xf32, #tpu.memory_space<vmem>>, vector<16xf32>,
        tpu.vector_store %arg12[%swap3A_1510, %swap3A_1511], %mul3A_1509 {strides = array<i32>} : memref<200x64xf32, #tpu.memory_space<vmem>>, vector<16xf32>,
        %add3A_1513 = arith.constant 10 : i32
        %add3A_1514 = arith.addi %mul3A_1030, %add3A_1513 : i32
        %broadcast_in_dim3A_1515 = vector.shape_cast %broadcast_in_dim3A_52 : vector<16xi32> to vector<16x1xi32>
        %gather3A_1516 = vector.shape_cast %broadcast_in_dim3A_1515 : vector<16x1xi32> to vector<16xi32>
        %gather3A_1517 = tpu.dynamic_gather %get3A_1032[%gather3A_1516] in [0] : vector<16xf32>, vector<16xi32> -> vector<16xf32>
        %get3A_1518 = arith.index_cast %add3A_1514 : i32 to index
        %get3A_1519 = arith.constant 0 : index
        %get3A_1520 = tpu.vector_load %arg8[%get3A_1518, %get3A_1519] {strides = array<i32>} : memref<200x16xi32, #tpu.memory_space<vmem>>, vector<16xi32>,
        %broadcast_in_dim3A_1521 = vector.shape_cast %add3A_12 : vector<16xi32> to vector<16x1xi32>
        %gather3A_1522 = vector.shape_cast %broadcast_in_dim3A_1521 : vector<16x1xi32> to vector<16xi32>
        %gather3A_1523 = tpu.dynamic_gather %get3A_1520[%gather3A_1522] in [0] : vector<16xi32>, vector<16xi32> -> vector<16xi32>
        %shift_left3A_1524 = arith.shli %gather3A_1523, %shift_left3A_6 : vector<16xi32>
        %shift_right_arithmetic3A_1525 = arith.shrsi %shift_left3A_1524, %broadcast_in_dim3A_7 : vector<16xi32>
        %convert_element_type3A_1526 = arith.sitofp %shift_right_arithmetic3A_1525 : vector<16xi32> to vector<16xf32>
        %mul3A_1527 = arith.mulf %convert_element_type3A_1526, %gather3A_1517 : vector<16xf32>
        %swap3A_1528 = arith.index_cast %add3A_1514 : i32 to index
        %swap3A_1529 = arith.constant 0 : index
        %swap3A_1530 = tpu.vector_load %arg12[%swap3A_1528, %swap3A_1529] {strides = array<i32>} : memref<200x64xf32, #tpu.memory_space<vmem>>, vector<16xf32>,
        tpu.vector_store %arg12[%swap3A_1528, %swap3A_1529], %mul3A_1527 {strides = array<i32>} : memref<200x64xf32, #tpu.memory_space<vmem>>, vector<16xf32>,
        %broadcast_in_dim3A_1531 = vector.shape_cast %add3A_18 : vector<16xi32> to vector<16x1xi32>
        %gather3A_1532 = vector.shape_cast %broadcast_in_dim3A_1531 : vector<16x1xi32> to vector<16xi32>
        %gather3A_1533 = tpu.dynamic_gather %get3A_1520[%gather3A_1532] in [0] : vector<16xi32>, vector<16xi32> -> vector<16xi32>
        %shift_left3A_1534 = arith.shli %gather3A_1533, %shift_left3A_6 : vector<16xi32>
        %shift_right_arithmetic3A_1535 = arith.shrsi %shift_left3A_1534, %broadcast_in_dim3A_7 : vector<16xi32>
        %convert_element_type3A_1536 = arith.sitofp %shift_right_arithmetic3A_1535 : vector<16xi32> to vector<16xf32>
        %mul3A_1537 = arith.mulf %convert_element_type3A_1536, %gather3A_1517 : vector<16xf32>
        %swap3A_1538 = arith.index_cast %add3A_1514 : i32 to index
        %swap3A_1539 = arith.constant 16 : index
        %swap3A_1540 = tpu.vector_load %arg12[%swap3A_1538, %swap3A_1539] {strides = array<i32>} : memref<200x64xf32, #tpu.memory_space<vmem>>, vector<16xf32>,
        tpu.vector_store %arg12[%swap3A_1538, %swap3A_1539], %mul3A_1537 {strides = array<i32>} : memref<200x64xf32, #tpu.memory_space<vmem>>, vector<16xf32>,
        %broadcast_in_dim3A_1541 = vector.shape_cast %add3A_24 : vector<16xi32> to vector<16x1xi32>
        %gather3A_1542 = vector.shape_cast %broadcast_in_dim3A_1541 : vector<16x1xi32> to vector<16xi32>
        %gather3A_1543 = tpu.dynamic_gather %get3A_1520[%gather3A_1542] in [0] : vector<16xi32>, vector<16xi32> -> vector<16xi32>
        %shift_left3A_1544 = arith.shli %gather3A_1543, %shift_left3A_6 : vector<16xi32>
        %shift_right_arithmetic3A_1545 = arith.shrsi %shift_left3A_1544, %broadcast_in_dim3A_7 : vector<16xi32>
        %convert_element_type3A_1546 = arith.sitofp %shift_right_arithmetic3A_1545 : vector<16xi32> to vector<16xf32>
        %mul3A_1547 = arith.mulf %convert_element_type3A_1546, %gather3A_1517 : vector<16xf32>
        %swap3A_1548 = arith.index_cast %add3A_1514 : i32 to index
        %swap3A_1549 = arith.constant 32 : index
        %swap3A_1550 = tpu.vector_load %arg12[%swap3A_1548, %swap3A_1549] {strides = array<i32>} : memref<200x64xf32, #tpu.memory_space<vmem>>, vector<16xf32>,
        tpu.vector_store %arg12[%swap3A_1548, %swap3A_1549], %mul3A_1547 {strides = array<i32>} : memref<200x64xf32, #tpu.memory_space<vmem>>, vector<16xf32>,
        %broadcast_in_dim3A_1551 = vector.shape_cast %add3A_30 : vector<16xi32> to vector<16x1xi32>
        %gather3A_1552 = vector.shape_cast %broadcast_in_dim3A_1551 : vector<16x1xi32> to vector<16xi32>
        %gather3A_1553 = tpu.dynamic_gather %get3A_1520[%gather3A_1552] in [0] : vector<16xi32>, vector<16xi32> -> vector<16xi32>
        %shift_left3A_1554 = arith.shli %gather3A_1553, %shift_left3A_6 : vector<16xi32>
        %shift_right_arithmetic3A_1555 = arith.shrsi %shift_left3A_1554, %broadcast_in_dim3A_7 : vector<16xi32>
        %convert_element_type3A_1556 = arith.sitofp %shift_right_arithmetic3A_1555 : vector<16xi32> to vector<16xf32>
        %mul3A_1557 = arith.mulf %convert_element_type3A_1556, %gather3A_1517 : vector<16xf32>
        %swap3A_1558 = arith.index_cast %add3A_1514 : i32 to index
        %swap3A_1559 = arith.constant 48 : index
        %swap3A_1560 = tpu.vector_load %arg12[%swap3A_1558, %swap3A_1559] {strides = array<i32>} : memref<200x64xf32, #tpu.memory_space<vmem>>, vector<16xf32>,
        tpu.vector_store %arg12[%swap3A_1558, %swap3A_1559], %mul3A_1557 {strides = array<i32>} : memref<200x64xf32, #tpu.memory_space<vmem>>, vector<16xf32>,
        %add3A_1561 = arith.constant 11 : i32
        %add3A_1562 = arith.addi %mul3A_1030, %add3A_1561 : i32
        %broadcast_in_dim3A_1563 = vector.shape_cast %broadcast_in_dim3A_54 : vector<16xi32> to vector<16x1xi32>
        %gather3A_1564 = vector.shape_cast %broadcast_in_dim3A_1563 : vector<16x1xi32> to vector<16xi32>
        %gather3A_1565 = tpu.dynamic_gather %get3A_1032[%gather3A_1564] in [0] : vector<16xf32>, vector<16xi32> -> vector<16xf32>
        %get3A_1566 = arith.index_cast %add3A_1562 : i32 to index
        %get3A_1567 = arith.constant 0 : index
        %get3A_1568 = tpu.vector_load %arg8[%get3A_1566, %get3A_1567] {strides = array<i32>} : memref<200x16xi32, #tpu.memory_space<vmem>>, vector<16xi32>,
        %broadcast_in_dim3A_1569 = vector.shape_cast %add3A_12 : vector<16xi32> to vector<16x1xi32>
        %gather3A_1570 = vector.shape_cast %broadcast_in_dim3A_1569 : vector<16x1xi32> to vector<16xi32>
        %gather3A_1571 = tpu.dynamic_gather %get3A_1568[%gather3A_1570] in [0] : vector<16xi32>, vector<16xi32> -> vector<16xi32>
        %shift_left3A_1572 = arith.shli %gather3A_1571, %shift_left3A_6 : vector<16xi32>
        %shift_right_arithmetic3A_1573 = arith.shrsi %shift_left3A_1572, %broadcast_in_dim3A_7 : vector<16xi32>
        %convert_element_type3A_1574 = arith.sitofp %shift_right_arithmetic3A_1573 : vector<16xi32> to vector<16xf32>
        %mul3A_1575 = arith.mulf %convert_element_type3A_1574, %gather3A_1565 : vector<16xf32>
        %swap3A_1576 = arith.index_cast %add3A_1562 : i32 to index
        %swap3A_1577 = arith.constant 0 : index
        %swap3A_1578 = tpu.vector_load %arg12[%swap3A_1576, %swap3A_1577] {strides = array<i32>} : memref<200x64xf32, #tpu.memory_space<vmem>>, vector<16xf32>,
        tpu.vector_store %arg12[%swap3A_1576, %swap3A_1577], %mul3A_1575 {strides = array<i32>} : memref<200x64xf32, #tpu.memory_space<vmem>>, vector<16xf32>,
        %broadcast_in_dim3A_1579 = vector.shape_cast %add3A_18 : vector<16xi32> to vector<16x1xi32>
        %gather3A_1580 = vector.shape_cast %broadcast_in_dim3A_1579 : vector<16x1xi32> to vector<16xi32>
        %gather3A_1581 = tpu.dynamic_gather %get3A_1568[%gather3A_1580] in [0] : vector<16xi32>, vector<16xi32> -> vector<16xi32>
        %shift_left3A_1582 = arith.shli %gather3A_1581, %shift_left3A_6 : vector<16xi32>
        %shift_right_arithmetic3A_1583 = arith.shrsi %shift_left3A_1582, %broadcast_in_dim3A_7 : vector<16xi32>
        %convert_element_type3A_1584 = arith.sitofp %shift_right_arithmetic3A_1583 : vector<16xi32> to vector<16xf32>
        %mul3A_1585 = arith.mulf %convert_element_type3A_1584, %gather3A_1565 : vector<16xf32>
        %swap3A_1586 = arith.index_cast %add3A_1562 : i32 to index
        %swap3A_1587 = arith.constant 16 : index
        %swap3A_1588 = tpu.vector_load %arg12[%swap3A_1586, %swap3A_1587] {strides = array<i32>} : memref<200x64xf32, #tpu.memory_space<vmem>>, vector<16xf32>,
        tpu.vector_store %arg12[%swap3A_1586, %swap3A_1587], %mul3A_1585 {strides = array<i32>} : memref<200x64xf32, #tpu.memory_space<vmem>>, vector<16xf32>,
        %broadcast_in_dim3A_1589 = vector.shape_cast %add3A_24 : vector<16xi32> to vector<16x1xi32>
        %gather3A_1590 = vector.shape_cast %broadcast_in_dim3A_1589 : vector<16x1xi32> to vector<16xi32>
        %gather3A_1591 = tpu.dynamic_gather %get3A_1568[%gather3A_1590] in [0] : vector<16xi32>, vector<16xi32> -> vector<16xi32>
        %shift_left3A_1592 = arith.shli %gather3A_1591, %shift_left3A_6 : vector<16xi32>
        %shift_right_arithmetic3A_1593 = arith.shrsi %shift_left3A_1592, %broadcast_in_dim3A_7 : vector<16xi32>
        %convert_element_type3A_1594 = arith.sitofp %shift_right_arithmetic3A_1593 : vector<16xi32> to vector<16xf32>
        %mul3A_1595 = arith.mulf %convert_element_type3A_1594, %gather3A_1565 : vector<16xf32>
        %swap3A_1596 = arith.index_cast %add3A_1562 : i32 to index
        %swap3A_1597 = arith.constant 32 : index
        %swap3A_1598 = tpu.vector_load %arg12[%swap3A_1596, %swap3A_1597] {strides = array<i32>} : memref<200x64xf32, #tpu.memory_space<vmem>>, vector<16xf32>,
        tpu.vector_store %arg12[%swap3A_1596, %swap3A_1597], %mul3A_1595 {strides = array<i32>} : memref<200x64xf32, #tpu.memory_space<vmem>>, vector<16xf32>,
        %broadcast_in_dim3A_1599 = vector.shape_cast %add3A_30 : vector<16xi32> to vector<16x1xi32>
        %gather3A_1600 = vector.shape_cast %broadcast_in_dim3A_1599 : vector<16x1xi32> to vector<16xi32>
        %gather3A_1601 = tpu.dynamic_gather %get3A_1568[%gather3A_1600] in [0] : vector<16xi32>, vector<16xi32> -> vector<16xi32>
        %shift_left3A_1602 = arith.shli %gather3A_1601, %shift_left3A_6 : vector<16xi32>
        %shift_right_arithmetic3A_1603 = arith.shrsi %shift_left3A_1602, %broadcast_in_dim3A_7 : vector<16xi32>
        %convert_element_type3A_1604 = arith.sitofp %shift_right_arithmetic3A_1603 : vector<16xi32> to vector<16xf32>
        %mul3A_1605 = arith.mulf %convert_element_type3A_1604, %gather3A_1565 : vector<16xf32>
        %swap3A_1606 = arith.index_cast %add3A_1562 : i32 to index
        %swap3A_1607 = arith.constant 48 : index
        %swap3A_1608 = tpu.vector_load %arg12[%swap3A_1606, %swap3A_1607] {strides = array<i32>} : memref<200x64xf32, #tpu.memory_space<vmem>>, vector<16xf32>,
        tpu.vector_store %arg12[%swap3A_1606, %swap3A_1607], %mul3A_1605 {strides = array<i32>} : memref<200x64xf32, #tpu.memory_space<vmem>>, vector<16xf32>,
        %add3A_1609 = arith.constant 12 : i32
        %add3A_1610 = arith.addi %mul3A_1030, %add3A_1609 : i32
        %broadcast_in_dim3A_1611 = vector.shape_cast %broadcast_in_dim3A_56 : vector<16xi32> to vector<16x1xi32>
        %gather3A_1612 = vector.shape_cast %broadcast_in_dim3A_1611 : vector<16x1xi32> to vector<16xi32>
        %gather3A_1613 = tpu.dynamic_gather %get3A_1032[%gather3A_1612] in [0] : vector<16xf32>, vector<16xi32> -> vector<16xf32>
        %get3A_1614 = arith.index_cast %add3A_1610 : i32 to index
        %get3A_1615 = arith.constant 0 : index
        %get3A_1616 = tpu.vector_load %arg8[%get3A_1614, %get3A_1615] {strides = array<i32>} : memref<200x16xi32, #tpu.memory_space<vmem>>, vector<16xi32>,
        %broadcast_in_dim3A_1617 = vector.shape_cast %add3A_12 : vector<16xi32> to vector<16x1xi32>
        %gather3A_1618 = vector.shape_cast %broadcast_in_dim3A_1617 : vector<16x1xi32> to vector<16xi32>
        %gather3A_1619 = tpu.dynamic_gather %get3A_1616[%gather3A_1618] in [0] : vector<16xi32>, vector<16xi32> -> vector<16xi32>
        %shift_left3A_1620 = arith.shli %gather3A_1619, %shift_left3A_6 : vector<16xi32>
        %shift_right_arithmetic3A_1621 = arith.shrsi %shift_left3A_1620, %broadcast_in_dim3A_7 : vector<16xi32>
        %convert_element_type3A_1622 = arith.sitofp %shift_right_arithmetic3A_1621 : vector<16xi32> to vector<16xf32>
        %mul3A_1623 = arith.mulf %convert_element_type3A_1622, %gather3A_1613 : vector<16xf32>
        %swap3A_1624 = arith.index_cast %add3A_1610 : i32 to index
        %swap3A_1625 = arith.constant 0 : index
        %swap3A_1626 = tpu.vector_load %arg12[%swap3A_1624, %swap3A_1625] {strides = array<i32>} : memref<200x64xf32, #tpu.memory_space<vmem>>, vector<16xf32>,
        tpu.vector_store %arg12[%swap3A_1624, %swap3A_1625], %mul3A_1623 {strides = array<i32>} : memref<200x64xf32, #tpu.memory_space<vmem>>, vector<16xf32>,
        %broadcast_in_dim3A_1627 = vector.shape_cast %add3A_18 : vector<16xi32> to vector<16x1xi32>
        %gather3A_1628 = vector.shape_cast %broadcast_in_dim3A_1627 : vector<16x1xi32> to vector<16xi32>
        %gather3A_1629 = tpu.dynamic_gather %get3A_1616[%gather3A_1628] in [0] : vector<16xi32>, vector<16xi32> -> vector<16xi32>
        %shift_left3A_1630 = arith.shli %gather3A_1629, %shift_left3A_6 : vector<16xi32>
        %shift_right_arithmetic3A_1631 = arith.shrsi %shift_left3A_1630, %broadcast_in_dim3A_7 : vector<16xi32>
        %convert_element_type3A_1632 = arith.sitofp %shift_right_arithmetic3A_1631 : vector<16xi32> to vector<16xf32>
        %mul3A_1633 = arith.mulf %convert_element_type3A_1632, %gather3A_1613 : vector<16xf32>
        %swap3A_1634 = arith.index_cast %add3A_1610 : i32 to index
        %swap3A_1635 = arith.constant 16 : index
        %swap3A_1636 = tpu.vector_load %arg12[%swap3A_1634, %swap3A_1635] {strides = array<i32>} : memref<200x64xf32, #tpu.memory_space<vmem>>, vector<16xf32>,
        tpu.vector_store %arg12[%swap3A_1634, %swap3A_1635], %mul3A_1633 {strides = array<i32>} : memref<200x64xf32, #tpu.memory_space<vmem>>, vector<16xf32>,
        %broadcast_in_dim3A_1637 = vector.shape_cast %add3A_24 : vector<16xi32> to vector<16x1xi32>
        %gather3A_1638 = vector.shape_cast %broadcast_in_dim3A_1637 : vector<16x1xi32> to vector<16xi32>
        %gather3A_1639 = tpu.dynamic_gather %get3A_1616[%gather3A_1638] in [0] : vector<16xi32>, vector<16xi32> -> vector<16xi32>
        %shift_left3A_1640 = arith.shli %gather3A_1639, %shift_left3A_6 : vector<16xi32>
        %shift_right_arithmetic3A_1641 = arith.shrsi %shift_left3A_1640, %broadcast_in_dim3A_7 : vector<16xi32>
        %convert_element_type3A_1642 = arith.sitofp %shift_right_arithmetic3A_1641 : vector<16xi32> to vector<16xf32>
        %mul3A_1643 = arith.mulf %convert_element_type3A_1642, %gather3A_1613 : vector<16xf32>
        %swap3A_1644 = arith.index_cast %add3A_1610 : i32 to index
        %swap3A_1645 = arith.constant 32 : index
        %swap3A_1646 = tpu.vector_load %arg12[%swap3A_1644, %swap3A_1645] {strides = array<i32>} : memref<200x64xf32, #tpu.memory_space<vmem>>, vector<16xf32>,
        tpu.vector_store %arg12[%swap3A_1644, %swap3A_1645], %mul3A_1643 {strides = array<i32>} : memref<200x64xf32, #tpu.memory_space<vmem>>, vector<16xf32>,
        %broadcast_in_dim3A_1647 = vector.shape_cast %add3A_30 : vector<16xi32> to vector<16x1xi32>
        %gather3A_1648 = vector.shape_cast %broadcast_in_dim3A_1647 : vector<16x1xi32> to vector<16xi32>
        %gather3A_1649 = tpu.dynamic_gather %get3A_1616[%gather3A_1648] in [0] : vector<16xi32>, vector<16xi32> -> vector<16xi32>
        %shift_left3A_1650 = arith.shli %gather3A_1649, %shift_left3A_6 : vector<16xi32>
        %shift_right_arithmetic3A_1651 = arith.shrsi %shift_left3A_1650, %broadcast_in_dim3A_7 : vector<16xi32>
        %convert_element_type3A_1652 = arith.sitofp %shift_right_arithmetic3A_1651 : vector<16xi32> to vector<16xf32>
        %mul3A_1653 = arith.mulf %convert_element_type3A_1652, %gather3A_1613 : vector<16xf32>
        %swap3A_1654 = arith.index_cast %add3A_1610 : i32 to index
        %swap3A_1655 = arith.constant 48 : index
        %swap3A_1656 = tpu.vector_load %arg12[%swap3A_1654, %swap3A_1655] {strides = array<i32>} : memref<200x64xf32, #tpu.memory_space<vmem>>, vector<16xf32>,
        tpu.vector_store %arg12[%swap3A_1654, %swap3A_1655], %mul3A_1653 {strides = array<i32>} : memref<200x64xf32, #tpu.memory_space<vmem>>, vector<16xf32>,
        %add3A_1657 = arith.constant 13 : i32
        %add3A_1658 = arith.addi %mul3A_1030, %add3A_1657 : i32
        %broadcast_in_dim3A_1659 = vector.shape_cast %broadcast_in_dim3A_58 : vector<16xi32> to vector<16x1xi32>
        %gather3A_1660 = vector.shape_cast %broadcast_in_dim3A_1659 : vector<16x1xi32> to vector<16xi32>
        %gather3A_1661 = tpu.dynamic_gather %get3A_1032[%gather3A_1660] in [0] : vector<16xf32>, vector<16xi32> -> vector<16xf32>
        %get3A_1662 = arith.index_cast %add3A_1658 : i32 to index
        %get3A_1663 = arith.constant 0 : index
        %get3A_1664 = tpu.vector_load %arg8[%get3A_1662, %get3A_1663] {strides = array<i32>} : memref<200x16xi32, #tpu.memory_space<vmem>>, vector<16xi32>,
        %broadcast_in_dim3A_1665 = vector.shape_cast %add3A_12 : vector<16xi32> to vector<16x1xi32>
        %gather3A_1666 = vector.shape_cast %broadcast_in_dim3A_1665 : vector<16x1xi32> to vector<16xi32>
        %gather3A_1667 = tpu.dynamic_gather %get3A_1664[%gather3A_1666] in [0] : vector<16xi32>, vector<16xi32> -> vector<16xi32>
        %shift_left3A_1668 = arith.shli %gather3A_1667, %shift_left3A_6 : vector<16xi32>
        %shift_right_arithmetic3A_1669 = arith.shrsi %shift_left3A_1668, %broadcast_in_dim3A_7 : vector<16xi32>
        %convert_element_type3A_1670 = arith.sitofp %shift_right_arithmetic3A_1669 : vector<16xi32> to vector<16xf32>
        %mul3A_1671 = arith.mulf %convert_element_type3A_1670, %gather3A_1661 : vector<16xf32>
        %swap3A_1672 = arith.index_cast %add3A_1658 : i32 to index
        %swap3A_1673 = arith.constant 0 : index
        %swap3A_1674 = tpu.vector_load %arg12[%swap3A_1672, %swap3A_1673] {strides = array<i32>} : memref<200x64xf32, #tpu.memory_space<vmem>>, vector<16xf32>,
        tpu.vector_store %arg12[%swap3A_1672, %swap3A_1673], %mul3A_1671 {strides = array<i32>} : memref<200x64xf32, #tpu.memory_space<vmem>>, vector<16xf32>,
        %broadcast_in_dim3A_1675 = vector.shape_cast %add3A_18 : vector<16xi32> to vector<16x1xi32>
        %gather3A_1676 = vector.shape_cast %broadcast_in_dim3A_1675 : vector<16x1xi32> to vector<16xi32>
        %gather3A_1677 = tpu.dynamic_gather %get3A_1664[%gather3A_1676] in [0] : vector<16xi32>, vector<16xi32> -> vector<16xi32>
        %shift_left3A_1678 = arith.shli %gather3A_1677, %shift_left3A_6 : vector<16xi32>
        %shift_right_arithmetic3A_1679 = arith.shrsi %shift_left3A_1678, %broadcast_in_dim3A_7 : vector<16xi32>
        %convert_element_type3A_1680 = arith.sitofp %shift_right_arithmetic3A_1679 : vector<16xi32> to vector<16xf32>
        %mul3A_1681 = arith.mulf %convert_element_type3A_1680, %gather3A_1661 : vector<16xf32>
        %swap3A_1682 = arith.index_cast %add3A_1658 : i32 to index
        %swap3A_1683 = arith.constant 16 : index
        %swap3A_1684 = tpu.vector_load %arg12[%swap3A_1682, %swap3A_1683] {strides = array<i32>} : memref<200x64xf32, #tpu.memory_space<vmem>>, vector<16xf32>,
        tpu.vector_store %arg12[%swap3A_1682, %swap3A_1683], %mul3A_1681 {strides = array<i32>} : memref<200x64xf32, #tpu.memory_space<vmem>>, vector<16xf32>,
        %broadcast_in_dim3A_1685 = vector.shape_cast %add3A_24 : vector<16xi32> to vector<16x1xi32>
        %gather3A_1686 = vector.shape_cast %broadcast_in_dim3A_1685 : vector<16x1xi32> to vector<16xi32>
        %gather3A_1687 = tpu.dynamic_gather %get3A_1664[%gather3A_1686] in [0] : vector<16xi32>, vector<16xi32> -> vector<16xi32>
        %shift_left3A_1688 = arith.shli %gather3A_1687, %shift_left3A_6 : vector<16xi32>
        %shift_right_arithmetic3A_1689 = arith.shrsi %shift_left3A_1688, %broadcast_in_dim3A_7 : vector<16xi32>
        %convert_element_type3A_1690 = arith.sitofp %shift_right_arithmetic3A_1689 : vector<16xi32> to vector<16xf32>
        %mul3A_1691 = arith.mulf %convert_element_type3A_1690, %gather3A_1661 : vector<16xf32>
        %swap3A_1692 = arith.index_cast %add3A_1658 : i32 to index
        %swap3A_1693 = arith.constant 32 : index
        %swap3A_1694 = tpu.vector_load %arg12[%swap3A_1692, %swap3A_1693] {strides = array<i32>} : memref<200x64xf32, #tpu.memory_space<vmem>>, vector<16xf32>,
        tpu.vector_store %arg12[%swap3A_1692, %swap3A_1693], %mul3A_1691 {strides = array<i32>} : memref<200x64xf32, #tpu.memory_space<vmem>>, vector<16xf32>,
        %broadcast_in_dim3A_1695 = vector.shape_cast %add3A_30 : vector<16xi32> to vector<16x1xi32>
        %gather3A_1696 = vector.shape_cast %broadcast_in_dim3A_1695 : vector<16x1xi32> to vector<16xi32>
        %gather3A_1697 = tpu.dynamic_gather %get3A_1664[%gather3A_1696] in [0] : vector<16xi32>, vector<16xi32> -> vector<16xi32>
        %shift_left3A_1698 = arith.shli %gather3A_1697, %shift_left3A_6 : vector<16xi32>
        %shift_right_arithmetic3A_1699 = arith.shrsi %shift_left3A_1698, %broadcast_in_dim3A_7 : vector<16xi32>
        %convert_element_type3A_1700 = arith.sitofp %shift_right_arithmetic3A_1699 : vector<16xi32> to vector<16xf32>
        %mul3A_1701 = arith.mulf %convert_element_type3A_1700, %gather3A_1661 : vector<16xf32>
        %swap3A_1702 = arith.index_cast %add3A_1658 : i32 to index
        %swap3A_1703 = arith.constant 48 : index
        %swap3A_1704 = tpu.vector_load %arg12[%swap3A_1702, %swap3A_1703] {strides = array<i32>} : memref<200x64xf32, #tpu.memory_space<vmem>>, vector<16xf32>,
        tpu.vector_store %arg12[%swap3A_1702, %swap3A_1703], %mul3A_1701 {strides = array<i32>} : memref<200x64xf32, #tpu.memory_space<vmem>>, vector<16xf32>,
        %add3A_1705 = arith.constant 14 : i32
        %add3A_1706 = arith.addi %mul3A_1030, %add3A_1705 : i32
        %broadcast_in_dim3A_1707 = vector.shape_cast %broadcast_in_dim3A_60 : vector<16xi32> to vector<16x1xi32>
        %gather3A_1708 = vector.shape_cast %broadcast_in_dim3A_1707 : vector<16x1xi32> to vector<16xi32>
        %gather3A_1709 = tpu.dynamic_gather %get3A_1032[%gather3A_1708] in [0] : vector<16xf32>, vector<16xi32> -> vector<16xf32>
        %get3A_1710 = arith.index_cast %add3A_1706 : i32 to index
        %get3A_1711 = arith.constant 0 : index
        %get3A_1712 = tpu.vector_load %arg8[%get3A_1710, %get3A_1711] {strides = array<i32>} : memref<200x16xi32, #tpu.memory_space<vmem>>, vector<16xi32>,
        %broadcast_in_dim3A_1713 = vector.shape_cast %add3A_12 : vector<16xi32> to vector<16x1xi32>
        %gather3A_1714 = vector.shape_cast %broadcast_in_dim3A_1713 : vector<16x1xi32> to vector<16xi32>
        %gather3A_1715 = tpu.dynamic_gather %get3A_1712[%gather3A_1714] in [0] : vector<16xi32>, vector<16xi32> -> vector<16xi32>
        %shift_left3A_1716 = arith.shli %gather3A_1715, %shift_left3A_6 : vector<16xi32>
        %shift_right_arithmetic3A_1717 = arith.shrsi %shift_left3A_1716, %broadcast_in_dim3A_7 : vector<16xi32>
        %convert_element_type3A_1718 = arith.sitofp %shift_right_arithmetic3A_1717 : vector<16xi32> to vector<16xf32>
        %mul3A_1719 = arith.mulf %convert_element_type3A_1718, %gather3A_1709 : vector<16xf32>
        %swap3A_1720 = arith.index_cast %add3A_1706 : i32 to index
        %swap3A_1721 = arith.constant 0 : index
        %swap3A_1722 = tpu.vector_load %arg12[%swap3A_1720, %swap3A_1721] {strides = array<i32>} : memref<200x64xf32, #tpu.memory_space<vmem>>, vector<16xf32>,
        tpu.vector_store %arg12[%swap3A_1720, %swap3A_1721], %mul3A_1719 {strides = array<i32>} : memref<200x64xf32, #tpu.memory_space<vmem>>, vector<16xf32>,
        %broadcast_in_dim3A_1723 = vector.shape_cast %add3A_18 : vector<16xi32> to vector<16x1xi32>
        %gather3A_1724 = vector.shape_cast %broadcast_in_dim3A_1723 : vector<16x1xi32> to vector<16xi32>
        %gather3A_1725 = tpu.dynamic_gather %get3A_1712[%gather3A_1724] in [0] : vector<16xi32>, vector<16xi32> -> vector<16xi32>
        %shift_left3A_1726 = arith.shli %gather3A_1725, %shift_left3A_6 : vector<16xi32>
        %shift_right_arithmetic3A_1727 = arith.shrsi %shift_left3A_1726, %broadcast_in_dim3A_7 : vector<16xi32>
        %convert_element_type3A_1728 = arith.sitofp %shift_right_arithmetic3A_1727 : vector<16xi32> to vector<16xf32>
        %mul3A_1729 = arith.mulf %convert_element_type3A_1728, %gather3A_1709 : vector<16xf32>
        %swap3A_1730 = arith.index_cast %add3A_1706 : i32 to index
        %swap3A_1731 = arith.constant 16 : index
        %swap3A_1732 = tpu.vector_load %arg12[%swap3A_1730, %swap3A_1731] {strides = array<i32>} : memref<200x64xf32, #tpu.memory_space<vmem>>, vector<16xf32>,
        tpu.vector_store %arg12[%swap3A_1730, %swap3A_1731], %mul3A_1729 {strides = array<i32>} : memref<200x64xf32, #tpu.memory_space<vmem>>, vector<16xf32>,
        %broadcast_in_dim3A_1733 = vector.shape_cast %add3A_24 : vector<16xi32> to vector<16x1xi32>
        %gather3A_1734 = vector.shape_cast %broadcast_in_dim3A_1733 : vector<16x1xi32> to vector<16xi32>
        %gather3A_1735 = tpu.dynamic_gather %get3A_1712[%gather3A_1734] in [0] : vector<16xi32>, vector<16xi32> -> vector<16xi32>
        %shift_left3A_1736 = arith.shli %gather3A_1735, %shift_left3A_6 : vector<16xi32>
        %shift_right_arithmetic3A_1737 = arith.shrsi %shift_left3A_1736, %broadcast_in_dim3A_7 : vector<16xi32>
        %convert_element_type3A_1738 = arith.sitofp %shift_right_arithmetic3A_1737 : vector<16xi32> to vector<16xf32>
        %mul3A_1739 = arith.mulf %convert_element_type3A_1738, %gather3A_1709 : vector<16xf32>
        %swap3A_1740 = arith.index_cast %add3A_1706 : i32 to index
        %swap3A_1741 = arith.constant 32 : index
        %swap3A_1742 = tpu.vector_load %arg12[%swap3A_1740, %swap3A_1741] {strides = array<i32>} : memref<200x64xf32, #tpu.memory_space<vmem>>, vector<16xf32>,
        tpu.vector_store %arg12[%swap3A_1740, %swap3A_1741], %mul3A_1739 {strides = array<i32>} : memref<200x64xf32, #tpu.memory_space<vmem>>, vector<16xf32>,
        %broadcast_in_dim3A_1743 = vector.shape_cast %add3A_30 : vector<16xi32> to vector<16x1xi32>
        %gather3A_1744 = vector.shape_cast %broadcast_in_dim3A_1743 : vector<16x1xi32> to vector<16xi32>
        %gather3A_1745 = tpu.dynamic_gather %get3A_1712[%gather3A_1744] in [0] : vector<16xi32>, vector<16xi32> -> vector<16xi32>
        %shift_left3A_1746 = arith.shli %gather3A_1745, %shift_left3A_6 : vector<16xi32>
        %shift_right_arithmetic3A_1747 = arith.shrsi %shift_left3A_1746, %broadcast_in_dim3A_7 : vector<16xi32>
        %convert_element_type3A_1748 = arith.sitofp %shift_right_arithmetic3A_1747 : vector<16xi32> to vector<16xf32>
        %mul3A_1749 = arith.mulf %convert_element_type3A_1748, %gather3A_1709 : vector<16xf32>
        %swap3A_1750 = arith.index_cast %add3A_1706 : i32 to index
        %swap3A_1751 = arith.constant 48 : index
        %swap3A_1752 = tpu.vector_load %arg12[%swap3A_1750, %swap3A_1751] {strides = array<i32>} : memref<200x64xf32, #tpu.memory_space<vmem>>, vector<16xf32>,
        tpu.vector_store %arg12[%swap3A_1750, %swap3A_1751], %mul3A_1749 {strides = array<i32>} : memref<200x64xf32, #tpu.memory_space<vmem>>, vector<16xf32>,
        %add3A_1753 = arith.constant 15 : i32
        %add3A_1754 = arith.addi %mul3A_1030, %add3A_1753 : i32
        %broadcast_in_dim3A_1755 = vector.shape_cast %broadcast_in_dim3A_62 : vector<16xi32> to vector<16x1xi32>
        %gather3A_1756 = vector.shape_cast %broadcast_in_dim3A_1755 : vector<16x1xi32> to vector<16xi32>
        %gather3A_1757 = tpu.dynamic_gather %get3A_1032[%gather3A_1756] in [0] : vector<16xf32>, vector<16xi32> -> vector<16xf32>
        %get3A_1758 = arith.index_cast %add3A_1754 : i32 to index
        %get3A_1759 = arith.constant 0 : index
        %get3A_1760 = tpu.vector_load %arg8[%get3A_1758, %get3A_1759] {strides = array<i32>} : memref<200x16xi32, #tpu.memory_space<vmem>>, vector<16xi32>,
        %broadcast_in_dim3A_1761 = vector.shape_cast %add3A_12 : vector<16xi32> to vector<16x1xi32>
        %gather3A_1762 = vector.shape_cast %broadcast_in_dim3A_1761 : vector<16x1xi32> to vector<16xi32>
        %gather3A_1763 = tpu.dynamic_gather %get3A_1760[%gather3A_1762] in [0] : vector<16xi32>, vector<16xi32> -> vector<16xi32>
        %shift_left3A_1764 = arith.shli %gather3A_1763, %shift_left3A_6 : vector<16xi32>
        %shift_right_arithmetic3A_1765 = arith.shrsi %shift_left3A_1764, %broadcast_in_dim3A_7 : vector<16xi32>
        %convert_element_type3A_1766 = arith.sitofp %shift_right_arithmetic3A_1765 : vector<16xi32> to vector<16xf32>
        %mul3A_1767 = arith.mulf %convert_element_type3A_1766, %gather3A_1757 : vector<16xf32>
        %swap3A_1768 = arith.index_cast %add3A_1754 : i32 to index
        %swap3A_1769 = arith.constant 0 : index
        %swap3A_1770 = tpu.vector_load %arg12[%swap3A_1768, %swap3A_1769] {strides = array<i32>} : memref<200x64xf32, #tpu.memory_space<vmem>>, vector<16xf32>,
        tpu.vector_store %arg12[%swap3A_1768, %swap3A_1769], %mul3A_1767 {strides = array<i32>} : memref<200x64xf32, #tpu.memory_space<vmem>>, vector<16xf32>,
        %broadcast_in_dim3A_1771 = vector.shape_cast %add3A_18 : vector<16xi32> to vector<16x1xi32>
        %gather3A_1772 = vector.shape_cast %broadcast_in_dim3A_1771 : vector<16x1xi32> to vector<16xi32>
        %gather3A_1773 = tpu.dynamic_gather %get3A_1760[%gather3A_1772] in [0] : vector<16xi32>, vector<16xi32> -> vector<16xi32>
        %shift_left3A_1774 = arith.shli %gather3A_1773, %shift_left3A_6 : vector<16xi32>
        %shift_right_arithmetic3A_1775 = arith.shrsi %shift_left3A_1774, %broadcast_in_dim3A_7 : vector<16xi32>
        %convert_element_type3A_1776 = arith.sitofp %shift_right_arithmetic3A_1775 : vector<16xi32> to vector<16xf32>
        %mul3A_1777 = arith.mulf %convert_element_type3A_1776, %gather3A_1757 : vector<16xf32>
        %swap3A_1778 = arith.index_cast %add3A_1754 : i32 to index
        %swap3A_1779 = arith.constant 16 : index
        %swap3A_1780 = tpu.vector_load %arg12[%swap3A_1778, %swap3A_1779] {strides = array<i32>} : memref<200x64xf32, #tpu.memory_space<vmem>>, vector<16xf32>,
        tpu.vector_store %arg12[%swap3A_1778, %swap3A_1779], %mul3A_1777 {strides = array<i32>} : memref<200x64xf32, #tpu.memory_space<vmem>>, vector<16xf32>,
        %broadcast_in_dim3A_1781 = vector.shape_cast %add3A_24 : vector<16xi32> to vector<16x1xi32>
        %gather3A_1782 = vector.shape_cast %broadcast_in_dim3A_1781 : vector<16x1xi32> to vector<16xi32>
        %gather3A_1783 = tpu.dynamic_gather %get3A_1760[%gather3A_1782] in [0] : vector<16xi32>, vector<16xi32> -> vector<16xi32>
        %shift_left3A_1784 = arith.shli %gather3A_1783, %shift_left3A_6 : vector<16xi32>
        %shift_right_arithmetic3A_1785 = arith.shrsi %shift_left3A_1784, %broadcast_in_dim3A_7 : vector<16xi32>
        %convert_element_type3A_1786 = arith.sitofp %shift_right_arithmetic3A_1785 : vector<16xi32> to vector<16xf32>
        %mul3A_1787 = arith.mulf %convert_element_type3A_1786, %gather3A_1757 : vector<16xf32>
        %swap3A_1788 = arith.index_cast %add3A_1754 : i32 to index
        %swap3A_1789 = arith.constant 32 : index
        %swap3A_1790 = tpu.vector_load %arg12[%swap3A_1788, %swap3A_1789] {strides = array<i32>} : memref<200x64xf32, #tpu.memory_space<vmem>>, vector<16xf32>,
        tpu.vector_store %arg12[%swap3A_1788, %swap3A_1789], %mul3A_1787 {strides = array<i32>} : memref<200x64xf32, #tpu.memory_space<vmem>>, vector<16xf32>,
        %broadcast_in_dim3A_1791 = vector.shape_cast %add3A_30 : vector<16xi32> to vector<16x1xi32>
        %gather3A_1792 = vector.shape_cast %broadcast_in_dim3A_1791 : vector<16x1xi32> to vector<16xi32>
        %gather3A_1793 = tpu.dynamic_gather %get3A_1760[%gather3A_1792] in [0] : vector<16xi32>, vector<16xi32> -> vector<16xi32>
        %shift_left3A_1794 = arith.shli %gather3A_1793, %shift_left3A_6 : vector<16xi32>
        %shift_right_arithmetic3A_1795 = arith.shrsi %shift_left3A_1794, %broadcast_in_dim3A_7 : vector<16xi32>
        %convert_element_type3A_1796 = arith.sitofp %shift_right_arithmetic3A_1795 : vector<16xi32> to vector<16xf32>
        %mul3A_1797 = arith.mulf %convert_element_type3A_1796, %gather3A_1757 : vector<16xf32>
        %swap3A_1798 = arith.index_cast %add3A_1754 : i32 to index
        %swap3A_1799 = arith.constant 48 : index
        %swap3A_1800 = tpu.vector_load %arg12[%swap3A_1798, %swap3A_1799] {strides = array<i32>} : memref<200x64xf32, #tpu.memory_space<vmem>>, vector<16xf32>,
        tpu.vector_store %arg12[%swap3A_1798, %swap3A_1799], %mul3A_1797 {strides = array<i32>} : memref<200x64xf32, #tpu.memory_space<vmem>>, vector<16xf32>,
        %scan3A_1801 = arith.constant 0 : i32
        scf.yield %scan3A_1801 : i32
      }
      %scan3A_604 = arith.constant 12 : i32
      %get3A_605 = arith.constant 184 : index
      %get3A_606 = tpu.vector_load %arg10[%get3A_605] {strides = array<i32>} : memref<200xf32, #tpu.memory_space<vmem>>, vector<16xf32>,
      %broadcast_in_dim3A_607 = vector.shape_cast %broadcast_in_dim3A_48 : vector<16xi32> to vector<16x1xi32>
      %gather3A_608 = vector.shape_cast %broadcast_in_dim3A_607 : vector<16x1xi32> to vector<16xi32>
      %gather3A_609 = tpu.dynamic_gather %get3A_606[%gather3A_608] in [0] : vector<16xf32>, vector<16xi32> -> vector<16xf32>
      %get3A_610 = arith.constant 192 : i32
      %get3A_611 = arith.index_cast %get3A_610 : i32 to index
      %get3A_612 = arith.constant 0 : index
      %get3A_613 = tpu.vector_load %arg8[%get3A_611, %get3A_612] {strides = array<i32>} : memref<200x16xi32, #tpu.memory_space<vmem>>, vector<16xi32>,
      %broadcast_in_dim3A_614 = vector.shape_cast %add3A_12 : vector<16xi32> to vector<16x1xi32>
      %gather3A_615 = vector.shape_cast %broadcast_in_dim3A_614 : vector<16x1xi32> to vector<16xi32>
      %gather3A_616 = tpu.dynamic_gather %get3A_613[%gather3A_615] in [0] : vector<16xi32>, vector<16xi32> -> vector<16xi32>
      %shift_left3A_617 = arith.shli %gather3A_616, %shift_left3A_6 : vector<16xi32>
      %shift_right_arithmetic3A_618 = arith.shrsi %shift_left3A_617, %broadcast_in_dim3A_7 : vector<16xi32>
      %convert_element_type3A_619 = arith.sitofp %shift_right_arithmetic3A_618 : vector<16xi32> to vector<16xf32>
      %mul3A_620 = arith.mulf %convert_element_type3A_619, %gather3A_609 : vector<16xf32>
      %swap3A_621 = arith.constant 192 : i32
      %swap3A_622 = arith.index_cast %swap3A_621 : i32 to index
      %swap3A_623 = arith.constant 0 : index
      %swap3A_624 = tpu.vector_load %arg12[%swap3A_622, %swap3A_623] {strides = array<i32>} : memref<200x64xf32, #tpu.memory_space<vmem>>, vector<16xf32>,
      tpu.vector_store %arg12[%swap3A_622, %swap3A_623], %mul3A_620 {strides = array<i32>} : memref<200x64xf32, #tpu.memory_space<vmem>>, vector<16xf32>,
      %broadcast_in_dim3A_625 = vector.shape_cast %add3A_18 : vector<16xi32> to vector<16x1xi32>
      %gather3A_626 = vector.shape_cast %broadcast_in_dim3A_625 : vector<16x1xi32> to vector<16xi32>
      %gather3A_627 = tpu.dynamic_gather %get3A_613[%gather3A_626] in [0] : vector<16xi32>, vector<16xi32> -> vector<16xi32>
      %shift_left3A_628 = arith.shli %gather3A_627, %shift_left3A_6 : vector<16xi32>
      %shift_right_arithmetic3A_629 = arith.shrsi %shift_left3A_628, %broadcast_in_dim3A_7 : vector<16xi32>
      %convert_element_type3A_630 = arith.sitofp %shift_right_arithmetic3A_629 : vector<16xi32> to vector<16xf32>
      %mul3A_631 = arith.mulf %convert_element_type3A_630, %gather3A_609 : vector<16xf32>
      %swap3A_632 = arith.constant 192 : i32
      %swap3A_633 = arith.index_cast %swap3A_632 : i32 to index
      %swap3A_634 = arith.constant 16 : index
      %swap3A_635 = tpu.vector_load %arg12[%swap3A_633, %swap3A_634] {strides = array<i32>} : memref<200x64xf32, #tpu.memory_space<vmem>>, vector<16xf32>,
      tpu.vector_store %arg12[%swap3A_633, %swap3A_634], %mul3A_631 {strides = array<i32>} : memref<200x64xf32, #tpu.memory_space<vmem>>, vector<16xf32>,
      %broadcast_in_dim3A_636 = vector.shape_cast %add3A_24 : vector<16xi32> to vector<16x1xi32>
      %gather3A_637 = vector.shape_cast %broadcast_in_dim3A_636 : vector<16x1xi32> to vector<16xi32>
      %gather3A_638 = tpu.dynamic_gather %get3A_613[%gather3A_637] in [0] : vector<16xi32>, vector<16xi32> -> vector<16xi32>
      %shift_left3A_639 = arith.shli %gather3A_638, %shift_left3A_6 : vector<16xi32>
      %shift_right_arithmetic3A_640 = arith.shrsi %shift_left3A_639, %broadcast_in_dim3A_7 : vector<16xi32>
      %convert_element_type3A_641 = arith.sitofp %shift_right_arithmetic3A_640 : vector<16xi32> to vector<16xf32>
      %mul3A_642 = arith.mulf %convert_element_type3A_641, %gather3A_609 : vector<16xf32>
      %swap3A_643 = arith.constant 192 : i32
      %swap3A_644 = arith.index_cast %swap3A_643 : i32 to index
      %swap3A_645 = arith.constant 32 : index
      %swap3A_646 = tpu.vector_load %arg12[%swap3A_644, %swap3A_645] {strides = array<i32>} : memref<200x64xf32, #tpu.memory_space<vmem>>, vector<16xf32>,
      tpu.vector_store %arg12[%swap3A_644, %swap3A_645], %mul3A_642 {strides = array<i32>} : memref<200x64xf32, #tpu.memory_space<vmem>>, vector<16xf32>,
      %broadcast_in_dim3A_647 = vector.shape_cast %add3A_30 : vector<16xi32> to vector<16x1xi32>
      %gather3A_648 = vector.shape_cast %broadcast_in_dim3A_647 : vector<16x1xi32> to vector<16xi32>
      %gather3A_649 = tpu.dynamic_gather %get3A_613[%gather3A_648] in [0] : vector<16xi32>, vector<16xi32> -> vector<16xi32>
      %shift_left3A_650 = arith.shli %gather3A_649, %shift_left3A_6 : vector<16xi32>
      %shift_right_arithmetic3A_651 = arith.shrsi %shift_left3A_650, %broadcast_in_dim3A_7 : vector<16xi32>
      %convert_element_type3A_652 = arith.sitofp %shift_right_arithmetic3A_651 : vector<16xi32> to vector<16xf32>
      %mul3A_653 = arith.mulf %convert_element_type3A_652, %gather3A_609 : vector<16xf32>
      %swap3A_654 = arith.constant 192 : i32
      %swap3A_655 = arith.index_cast %swap3A_654 : i32 to index
      %swap3A_656 = arith.constant 48 : index
      %swap3A_657 = tpu.vector_load %arg12[%swap3A_655, %swap3A_656] {strides = array<i32>} : memref<200x64xf32, #tpu.memory_space<vmem>>, vector<16xf32>,
      tpu.vector_store %arg12[%swap3A_655, %swap3A_656], %mul3A_653 {strides = array<i32>} : memref<200x64xf32, #tpu.memory_space<vmem>>, vector<16xf32>,
      %broadcast_in_dim3A_658 = vector.shape_cast %broadcast_in_dim3A_50 : vector<16xi32> to vector<16x1xi32>
      %gather3A_659 = vector.shape_cast %broadcast_in_dim3A_658 : vector<16x1xi32> to vector<16xi32>
      %gather3A_660 = tpu.dynamic_gather %get3A_606[%gather3A_659] in [0] : vector<16xf32>, vector<16xi32> -> vector<16xf32>
      %get3A_661 = arith.constant 193 : i32
      %get3A_662 = arith.index_cast %get3A_661 : i32 to index
      %get3A_663 = arith.constant 0 : index
      %get3A_664 = tpu.vector_load %arg8[%get3A_662, %get3A_663] {strides = array<i32>} : memref<200x16xi32, #tpu.memory_space<vmem>>, vector<16xi32>,
      %broadcast_in_dim3A_665 = vector.shape_cast %add3A_12 : vector<16xi32> to vector<16x1xi32>
      %gather3A_666 = vector.shape_cast %broadcast_in_dim3A_665 : vector<16x1xi32> to vector<16xi32>
      %gather3A_667 = tpu.dynamic_gather %get3A_664[%gather3A_666] in [0] : vector<16xi32>, vector<16xi32> -> vector<16xi32>
      %shift_left3A_668 = arith.shli %gather3A_667, %shift_left3A_6 : vector<16xi32>
      %shift_right_arithmetic3A_669 = arith.shrsi %shift_left3A_668, %broadcast_in_dim3A_7 : vector<16xi32>
      %convert_element_type3A_670 = arith.sitofp %shift_right_arithmetic3A_669 : vector<16xi32> to vector<16xf32>
      %mul3A_671 = arith.mulf %convert_element_type3A_670, %gather3A_660 : vector<16xf32>
      %swap3A_672 = arith.constant 193 : i32
      %swap3A_673 = arith.index_cast %swap3A_672 : i32 to index
      %swap3A_674 = arith.constant 0 : index
      %swap3A_675 = tpu.vector_load %arg12[%swap3A_673, %swap3A_674] {strides = array<i32>} : memref<200x64xf32, #tpu.memory_space<vmem>>, vector<16xf32>,
      tpu.vector_store %arg12[%swap3A_673, %swap3A_674], %mul3A_671 {strides = array<i32>} : memref<200x64xf32, #tpu.memory_space<vmem>>, vector<16xf32>,
      %broadcast_in_dim3A_676 = vector.shape_cast %add3A_18 : vector<16xi32> to vector<16x1xi32>
      %gather3A_677 = vector.shape_cast %broadcast_in_dim3A_676 : vector<16x1xi32> to vector<16xi32>
      %gather3A_678 = tpu.dynamic_gather %get3A_664[%gather3A_677] in [0] : vector<16xi32>, vector<16xi32> -> vector<16xi32>
      %shift_left3A_679 = arith.shli %gather3A_678, %shift_left3A_6 : vector<16xi32>
      %shift_right_arithmetic3A_680 = arith.shrsi %shift_left3A_679, %broadcast_in_dim3A_7 : vector<16xi32>
      %convert_element_type3A_681 = arith.sitofp %shift_right_arithmetic3A_680 : vector<16xi32> to vector<16xf32>
      %mul3A_682 = arith.mulf %convert_element_type3A_681, %gather3A_660 : vector<16xf32>
      %swap3A_683 = arith.constant 193 : i32
      %swap3A_684 = arith.index_cast %swap3A_683 : i32 to index
      %swap3A_685 = arith.constant 16 : index
      %swap3A_686 = tpu.vector_load %arg12[%swap3A_684, %swap3A_685] {strides = array<i32>} : memref<200x64xf32, #tpu.memory_space<vmem>>, vector<16xf32>,
      tpu.vector_store %arg12[%swap3A_684, %swap3A_685], %mul3A_682 {strides = array<i32>} : memref<200x64xf32, #tpu.memory_space<vmem>>, vector<16xf32>,
      %broadcast_in_dim3A_687 = vector.shape_cast %add3A_24 : vector<16xi32> to vector<16x1xi32>
      %gather3A_688 = vector.shape_cast %broadcast_in_dim3A_687 : vector<16x1xi32> to vector<16xi32>
      %gather3A_689 = tpu.dynamic_gather %get3A_664[%gather3A_688] in [0] : vector<16xi32>, vector<16xi32> -> vector<16xi32>
      %shift_left3A_690 = arith.shli %gather3A_689, %shift_left3A_6 : vector<16xi32>
      %shift_right_arithmetic3A_691 = arith.shrsi %shift_left3A_690, %broadcast_in_dim3A_7 : vector<16xi32>
      %convert_element_type3A_692 = arith.sitofp %shift_right_arithmetic3A_691 : vector<16xi32> to vector<16xf32>
      %mul3A_693 = arith.mulf %convert_element_type3A_692, %gather3A_660 : vector<16xf32>
      %swap3A_694 = arith.constant 193 : i32
      %swap3A_695 = arith.index_cast %swap3A_694 : i32 to index
      %swap3A_696 = arith.constant 32 : index
      %swap3A_697 = tpu.vector_load %arg12[%swap3A_695, %swap3A_696] {strides = array<i32>} : memref<200x64xf32, #tpu.memory_space<vmem>>, vector<16xf32>,
      tpu.vector_store %arg12[%swap3A_695, %swap3A_696], %mul3A_693 {strides = array<i32>} : memref<200x64xf32, #tpu.memory_space<vmem>>, vector<16xf32>,
      %broadcast_in_dim3A_698 = vector.shape_cast %add3A_30 : vector<16xi32> to vector<16x1xi32>
      %gather3A_699 = vector.shape_cast %broadcast_in_dim3A_698 : vector<16x1xi32> to vector<16xi32>
      %gather3A_700 = tpu.dynamic_gather %get3A_664[%gather3A_699] in [0] : vector<16xi32>, vector<16xi32> -> vector<16xi32>
      %shift_left3A_701 = arith.shli %gather3A_700, %shift_left3A_6 : vector<16xi32>
      %shift_right_arithmetic3A_702 = arith.shrsi %shift_left3A_701, %broadcast_in_dim3A_7 : vector<16xi32>
      %convert_element_type3A_703 = arith.sitofp %shift_right_arithmetic3A_702 : vector<16xi32> to vector<16xf32>
      %mul3A_704 = arith.mulf %convert_element_type3A_703, %gather3A_660 : vector<16xf32>
      %swap3A_705 = arith.constant 193 : i32
      %swap3A_706 = arith.index_cast %swap3A_705 : i32 to index
      %swap3A_707 = arith.constant 48 : index
      %swap3A_708 = tpu.vector_load %arg12[%swap3A_706, %swap3A_707] {strides = array<i32>} : memref<200x64xf32, #tpu.memory_space<vmem>>, vector<16xf32>,
      tpu.vector_store %arg12[%swap3A_706, %swap3A_707], %mul3A_704 {strides = array<i32>} : memref<200x64xf32, #tpu.memory_space<vmem>>, vector<16xf32>,
      %broadcast_in_dim3A_709 = vector.shape_cast %broadcast_in_dim3A_52 : vector<16xi32> to vector<16x1xi32>
      %gather3A_710 = vector.shape_cast %broadcast_in_dim3A_709 : vector<16x1xi32> to vector<16xi32>
      %gather3A_711 = tpu.dynamic_gather %get3A_606[%gather3A_710] in [0] : vector<16xf32>, vector<16xi32> -> vector<16xf32>
      %get3A_712 = arith.constant 194 : i32
      %get3A_713 = arith.index_cast %get3A_712 : i32 to index
      %get3A_714 = arith.constant 0 : index
      %get3A_715 = tpu.vector_load %arg8[%get3A_713, %get3A_714] {strides = array<i32>} : memref<200x16xi32, #tpu.memory_space<vmem>>, vector<16xi32>,
      %broadcast_in_dim3A_716 = vector.shape_cast %add3A_12 : vector<16xi32> to vector<16x1xi32>
      %gather3A_717 = vector.shape_cast %broadcast_in_dim3A_716 : vector<16x1xi32> to vector<16xi32>
      %gather3A_718 = tpu.dynamic_gather %get3A_715[%gather3A_717] in [0] : vector<16xi32>, vector<16xi32> -> vector<16xi32>
      %shift_left3A_719 = arith.shli %gather3A_718, %shift_left3A_6 : vector<16xi32>
      %shift_right_arithmetic3A_720 = arith.shrsi %shift_left3A_719, %broadcast_in_dim3A_7 : vector<16xi32>
      %convert_element_type3A_721 = arith.sitofp %shift_right_arithmetic3A_720 : vector<16xi32> to vector<16xf32>
      %mul3A_722 = arith.mulf %convert_element_type3A_721, %gather3A_711 : vector<16xf32>
      %swap3A_723 = arith.constant 194 : i32
      %swap3A_724 = arith.index_cast %swap3A_723 : i32 to index
      %swap3A_725 = arith.constant 0 : index
      %swap3A_726 = tpu.vector_load %arg12[%swap3A_724, %swap3A_725] {strides = array<i32>} : memref<200x64xf32, #tpu.memory_space<vmem>>, vector<16xf32>,
      tpu.vector_store %arg12[%swap3A_724, %swap3A_725], %mul3A_722 {strides = array<i32>} : memref<200x64xf32, #tpu.memory_space<vmem>>, vector<16xf32>,
      %broadcast_in_dim3A_727 = vector.shape_cast %add3A_18 : vector<16xi32> to vector<16x1xi32>
      %gather3A_728 = vector.shape_cast %broadcast_in_dim3A_727 : vector<16x1xi32> to vector<16xi32>
      %gather3A_729 = tpu.dynamic_gather %get3A_715[%gather3A_728] in [0] : vector<16xi32>, vector<16xi32> -> vector<16xi32>
      %shift_left3A_730 = arith.shli %gather3A_729, %shift_left3A_6 : vector<16xi32>
      %shift_right_arithmetic3A_731 = arith.shrsi %shift_left3A_730, %broadcast_in_dim3A_7 : vector<16xi32>
      %convert_element_type3A_732 = arith.sitofp %shift_right_arithmetic3A_731 : vector<16xi32> to vector<16xf32>
      %mul3A_733 = arith.mulf %convert_element_type3A_732, %gather3A_711 : vector<16xf32>
      %swap3A_734 = arith.constant 194 : i32
      %swap3A_735 = arith.index_cast %swap3A_734 : i32 to index
      %swap3A_736 = arith.constant 16 : index
      %swap3A_737 = tpu.vector_load %arg12[%swap3A_735, %swap3A_736] {strides = array<i32>} : memref<200x64xf32, #tpu.memory_space<vmem>>, vector<16xf32>,
      tpu.vector_store %arg12[%swap3A_735, %swap3A_736], %mul3A_733 {strides = array<i32>} : memref<200x64xf32, #tpu.memory_space<vmem>>, vector<16xf32>,
      %broadcast_in_dim3A_738 = vector.shape_cast %add3A_24 : vector<16xi32> to vector<16x1xi32>
      %gather3A_739 = vector.shape_cast %broadcast_in_dim3A_738 : vector<16x1xi32> to vector<16xi32>
      %gather3A_740 = tpu.dynamic_gather %get3A_715[%gather3A_739] in [0] : vector<16xi32>, vector<16xi32> -> vector<16xi32>
      %shift_left3A_741 = arith.shli %gather3A_740, %shift_left3A_6 : vector<16xi32>
      %shift_right_arithmetic3A_742 = arith.shrsi %shift_left3A_741, %broadcast_in_dim3A_7 : vector<16xi32>
      %convert_element_type3A_743 = arith.sitofp %shift_right_arithmetic3A_742 : vector<16xi32> to vector<16xf32>
      %mul3A_744 = arith.mulf %convert_element_type3A_743, %gather3A_711 : vector<16xf32>
      %swap3A_745 = arith.constant 194 : i32
      %swap3A_746 = arith.index_cast %swap3A_745 : i32 to index
      %swap3A_747 = arith.constant 32 : index
      %swap3A_748 = tpu.vector_load %arg12[%swap3A_746, %swap3A_747] {strides = array<i32>} : memref<200x64xf32, #tpu.memory_space<vmem>>, vector<16xf32>,
      tpu.vector_store %arg12[%swap3A_746, %swap3A_747], %mul3A_744 {strides = array<i32>} : memref<200x64xf32, #tpu.memory_space<vmem>>, vector<16xf32>,
      %broadcast_in_dim3A_749 = vector.shape_cast %add3A_30 : vector<16xi32> to vector<16x1xi32>
      %gather3A_750 = vector.shape_cast %broadcast_in_dim3A_749 : vector<16x1xi32> to vector<16xi32>
      %gather3A_751 = tpu.dynamic_gather %get3A_715[%gather3A_750] in [0] : vector<16xi32>, vector<16xi32> -> vector<16xi32>
      %shift_left3A_752 = arith.shli %gather3A_751, %shift_left3A_6 : vector<16xi32>
      %shift_right_arithmetic3A_753 = arith.shrsi %shift_left3A_752, %broadcast_in_dim3A_7 : vector<16xi32>
      %convert_element_type3A_754 = arith.sitofp %shift_right_arithmetic3A_753 : vector<16xi32> to vector<16xf32>
      %mul3A_755 = arith.mulf %convert_element_type3A_754, %gather3A_711 : vector<16xf32>
      %swap3A_756 = arith.constant 194 : i32
      %swap3A_757 = arith.index_cast %swap3A_756 : i32 to index
      %swap3A_758 = arith.constant 48 : index
      %swap3A_759 = tpu.vector_load %arg12[%swap3A_757, %swap3A_758] {strides = array<i32>} : memref<200x64xf32, #tpu.memory_space<vmem>>, vector<16xf32>,
      tpu.vector_store %arg12[%swap3A_757, %swap3A_758], %mul3A_755 {strides = array<i32>} : memref<200x64xf32, #tpu.memory_space<vmem>>, vector<16xf32>,
      %broadcast_in_dim3A_760 = vector.shape_cast %broadcast_in_dim3A_54 : vector<16xi32> to vector<16x1xi32>
      %gather3A_761 = vector.shape_cast %broadcast_in_dim3A_760 : vector<16x1xi32> to vector<16xi32>
      %gather3A_762 = tpu.dynamic_gather %get3A_606[%gather3A_761] in [0] : vector<16xf32>, vector<16xi32> -> vector<16xf32>
      %get3A_763 = arith.constant 195 : i32
      %get3A_764 = arith.index_cast %get3A_763 : i32 to index
      %get3A_765 = arith.constant 0 : index
      %get3A_766 = tpu.vector_load %arg8[%get3A_764, %get3A_765] {strides = array<i32>} : memref<200x16xi32, #tpu.memory_space<vmem>>, vector<16xi32>,
      %broadcast_in_dim3A_767 = vector.shape_cast %add3A_12 : vector<16xi32> to vector<16x1xi32>
      %gather3A_768 = vector.shape_cast %broadcast_in_dim3A_767 : vector<16x1xi32> to vector<16xi32>
      %gather3A_769 = tpu.dynamic_gather %get3A_766[%gather3A_768] in [0] : vector<16xi32>, vector<16xi32> -> vector<16xi32>
      %shift_left3A_770 = arith.shli %gather3A_769, %shift_left3A_6 : vector<16xi32>
      %shift_right_arithmetic3A_771 = arith.shrsi %shift_left3A_770, %broadcast_in_dim3A_7 : vector<16xi32>
      %convert_element_type3A_772 = arith.sitofp %shift_right_arithmetic3A_771 : vector<16xi32> to vector<16xf32>
      %mul3A_773 = arith.mulf %convert_element_type3A_772, %gather3A_762 : vector<16xf32>
      %swap3A_774 = arith.constant 195 : i32
      %swap3A_775 = arith.index_cast %swap3A_774 : i32 to index
      %swap3A_776 = arith.constant 0 : index
      %swap3A_777 = tpu.vector_load %arg12[%swap3A_775, %swap3A_776] {strides = array<i32>} : memref<200x64xf32, #tpu.memory_space<vmem>>, vector<16xf32>,
      tpu.vector_store %arg12[%swap3A_775, %swap3A_776], %mul3A_773 {strides = array<i32>} : memref<200x64xf32, #tpu.memory_space<vmem>>, vector<16xf32>,
      %broadcast_in_dim3A_778 = vector.shape_cast %add3A_18 : vector<16xi32> to vector<16x1xi32>
      %gather3A_779 = vector.shape_cast %broadcast_in_dim3A_778 : vector<16x1xi32> to vector<16xi32>
      %gather3A_780 = tpu.dynamic_gather %get3A_766[%gather3A_779] in [0] : vector<16xi32>, vector<16xi32> -> vector<16xi32>
      %shift_left3A_781 = arith.shli %gather3A_780, %shift_left3A_6 : vector<16xi32>
      %shift_right_arithmetic3A_782 = arith.shrsi %shift_left3A_781, %broadcast_in_dim3A_7 : vector<16xi32>
      %convert_element_type3A_783 = arith.sitofp %shift_right_arithmetic3A_782 : vector<16xi32> to vector<16xf32>
      %mul3A_784 = arith.mulf %convert_element_type3A_783, %gather3A_762 : vector<16xf32>
      %swap3A_785 = arith.constant 195 : i32
      %swap3A_786 = arith.index_cast %swap3A_785 : i32 to index
      %swap3A_787 = arith.constant 16 : index
      %swap3A_788 = tpu.vector_load %arg12[%swap3A_786, %swap3A_787] {strides = array<i32>} : memref<200x64xf32, #tpu.memory_space<vmem>>, vector<16xf32>,
      tpu.vector_store %arg12[%swap3A_786, %swap3A_787], %mul3A_784 {strides = array<i32>} : memref<200x64xf32, #tpu.memory_space<vmem>>, vector<16xf32>,
      %broadcast_in_dim3A_789 = vector.shape_cast %add3A_24 : vector<16xi32> to vector<16x1xi32>
      %gather3A_790 = vector.shape_cast %broadcast_in_dim3A_789 : vector<16x1xi32> to vector<16xi32>
      %gather3A_791 = tpu.dynamic_gather %get3A_766[%gather3A_790] in [0] : vector<16xi32>, vector<16xi32> -> vector<16xi32>
      %shift_left3A_792 = arith.shli %gather3A_791, %shift_left3A_6 : vector<16xi32>
      %shift_right_arithmetic3A_793 = arith.shrsi %shift_left3A_792, %broadcast_in_dim3A_7 : vector<16xi32>
      %convert_element_type3A_794 = arith.sitofp %shift_right_arithmetic3A_793 : vector<16xi32> to vector<16xf32>
      %mul3A_795 = arith.mulf %convert_element_type3A_794, %gather3A_762 : vector<16xf32>
      %swap3A_796 = arith.constant 195 : i32
      %swap3A_797 = arith.index_cast %swap3A_796 : i32 to index
      %swap3A_798 = arith.constant 32 : index
      %swap3A_799 = tpu.vector_load %arg12[%swap3A_797, %swap3A_798] {strides = array<i32>} : memref<200x64xf32, #tpu.memory_space<vmem>>, vector<16xf32>,
      tpu.vector_store %arg12[%swap3A_797, %swap3A_798], %mul3A_795 {strides = array<i32>} : memref<200x64xf32, #tpu.memory_space<vmem>>, vector<16xf32>,
      %broadcast_in_dim3A_800 = vector.shape_cast %add3A_30 : vector<16xi32> to vector<16x1xi32>
      %gather3A_801 = vector.shape_cast %broadcast_in_dim3A_800 : vector<16x1xi32> to vector<16xi32>
      %gather3A_802 = tpu.dynamic_gather %get3A_766[%gather3A_801] in [0] : vector<16xi32>, vector<16xi32> -> vector<16xi32>
      %shift_left3A_803 = arith.shli %gather3A_802, %shift_left3A_6 : vector<16xi32>
      %shift_right_arithmetic3A_804 = arith.shrsi %shift_left3A_803, %broadcast_in_dim3A_7 : vector<16xi32>
      %convert_element_type3A_805 = arith.sitofp %shift_right_arithmetic3A_804 : vector<16xi32> to vector<16xf32>
      %mul3A_806 = arith.mulf %convert_element_type3A_805, %gather3A_762 : vector<16xf32>
      %swap3A_807 = arith.constant 195 : i32
      %swap3A_808 = arith.index_cast %swap3A_807 : i32 to index
      %swap3A_809 = arith.constant 48 : index
      %swap3A_810 = tpu.vector_load %arg12[%swap3A_808, %swap3A_809] {strides = array<i32>} : memref<200x64xf32, #tpu.memory_space<vmem>>, vector<16xf32>,
      tpu.vector_store %arg12[%swap3A_808, %swap3A_809], %mul3A_806 {strides = array<i32>} : memref<200x64xf32, #tpu.memory_space<vmem>>, vector<16xf32>,
      %broadcast_in_dim3A_811 = vector.shape_cast %broadcast_in_dim3A_56 : vector<16xi32> to vector<16x1xi32>
      %gather3A_812 = vector.shape_cast %broadcast_in_dim3A_811 : vector<16x1xi32> to vector<16xi32>
      %gather3A_813 = tpu.dynamic_gather %get3A_606[%gather3A_812] in [0] : vector<16xf32>, vector<16xi32> -> vector<16xf32>
      %get3A_814 = arith.constant 196 : i32
      %get3A_815 = arith.index_cast %get3A_814 : i32 to index
      %get3A_816 = arith.constant 0 : index
      %get3A_817 = tpu.vector_load %arg8[%get3A_815, %get3A_816] {strides = array<i32>} : memref<200x16xi32, #tpu.memory_space<vmem>>, vector<16xi32>,
      %broadcast_in_dim3A_818 = vector.shape_cast %add3A_12 : vector<16xi32> to vector<16x1xi32>
      %gather3A_819 = vector.shape_cast %broadcast_in_dim3A_818 : vector<16x1xi32> to vector<16xi32>
      %gather3A_820 = tpu.dynamic_gather %get3A_817[%gather3A_819] in [0] : vector<16xi32>, vector<16xi32> -> vector<16xi32>
      %shift_left3A_821 = arith.shli %gather3A_820, %shift_left3A_6 : vector<16xi32>
      %shift_right_arithmetic3A_822 = arith.shrsi %shift_left3A_821, %broadcast_in_dim3A_7 : vector<16xi32>
      %convert_element_type3A_823 = arith.sitofp %shift_right_arithmetic3A_822 : vector<16xi32> to vector<16xf32>
      %mul3A_824 = arith.mulf %convert_element_type3A_823, %gather3A_813 : vector<16xf32>
      %swap3A_825 = arith.constant 196 : i32
      %swap3A_826 = arith.index_cast %swap3A_825 : i32 to index
      %swap3A_827 = arith.constant 0 : index
      %swap3A_828 = tpu.vector_load %arg12[%swap3A_826, %swap3A_827] {strides = array<i32>} : memref<200x64xf32, #tpu.memory_space<vmem>>, vector<16xf32>,
      tpu.vector_store %arg12[%swap3A_826, %swap3A_827], %mul3A_824 {strides = array<i32>} : memref<200x64xf32, #tpu.memory_space<vmem>>, vector<16xf32>,
      %broadcast_in_dim3A_829 = vector.shape_cast %add3A_18 : vector<16xi32> to vector<16x1xi32>
      %gather3A_830 = vector.shape_cast %broadcast_in_dim3A_829 : vector<16x1xi32> to vector<16xi32>
      %gather3A_831 = tpu.dynamic_gather %get3A_817[%gather3A_830] in [0] : vector<16xi32>, vector<16xi32> -> vector<16xi32>
      %shift_left3A_832 = arith.shli %gather3A_831, %shift_left3A_6 : vector<16xi32>
      %shift_right_arithmetic3A_833 = arith.shrsi %shift_left3A_832, %broadcast_in_dim3A_7 : vector<16xi32>
      %convert_element_type3A_834 = arith.sitofp %shift_right_arithmetic3A_833 : vector<16xi32> to vector<16xf32>
      %mul3A_835 = arith.mulf %convert_element_type3A_834, %gather3A_813 : vector<16xf32>
      %swap3A_836 = arith.constant 196 : i32
      %swap3A_837 = arith.index_cast %swap3A_836 : i32 to index
      %swap3A_838 = arith.constant 16 : index
      %swap3A_839 = tpu.vector_load %arg12[%swap3A_837, %swap3A_838] {strides = array<i32>} : memref<200x64xf32, #tpu.memory_space<vmem>>, vector<16xf32>,
      tpu.vector_store %arg12[%swap3A_837, %swap3A_838], %mul3A_835 {strides = array<i32>} : memref<200x64xf32, #tpu.memory_space<vmem>>, vector<16xf32>,
      %broadcast_in_dim3A_840 = vector.shape_cast %add3A_24 : vector<16xi32> to vector<16x1xi32>
      %gather3A_841 = vector.shape_cast %broadcast_in_dim3A_840 : vector<16x1xi32> to vector<16xi32>
      %gather3A_842 = tpu.dynamic_gather %get3A_817[%gather3A_841] in [0] : vector<16xi32>, vector<16xi32> -> vector<16xi32>
      %shift_left3A_843 = arith.shli %gather3A_842, %shift_left3A_6 : vector<16xi32>
      %shift_right_arithmetic3A_844 = arith.shrsi %shift_left3A_843, %broadcast_in_dim3A_7 : vector<16xi32>
      %convert_element_type3A_845 = arith.sitofp %shift_right_arithmetic3A_844 : vector<16xi32> to vector<16xf32>
      %mul3A_846 = arith.mulf %convert_element_type3A_845, %gather3A_813 : vector<16xf32>
      %swap3A_847 = arith.constant 196 : i32
      %swap3A_848 = arith.index_cast %swap3A_847 : i32 to index
      %swap3A_849 = arith.constant 32 : index
      %swap3A_850 = tpu.vector_load %arg12[%swap3A_848, %swap3A_849] {strides = array<i32>} : memref<200x64xf32, #tpu.memory_space<vmem>>, vector<16xf32>,
      tpu.vector_store %arg12[%swap3A_848, %swap3A_849], %mul3A_846 {strides = array<i32>} : memref<200x64xf32, #tpu.memory_space<vmem>>, vector<16xf32>,
      %broadcast_in_dim3A_851 = vector.shape_cast %add3A_30 : vector<16xi32> to vector<16x1xi32>
      %gather3A_852 = vector.shape_cast %broadcast_in_dim3A_851 : vector<16x1xi32> to vector<16xi32>
      %gather3A_853 = tpu.dynamic_gather %get3A_817[%gather3A_852] in [0] : vector<16xi32>, vector<16xi32> -> vector<16xi32>
      %shift_left3A_854 = arith.shli %gather3A_853, %shift_left3A_6 : vector<16xi32>
      %shift_right_arithmetic3A_855 = arith.shrsi %shift_left3A_854, %broadcast_in_dim3A_7 : vector<16xi32>
      %convert_element_type3A_856 = arith.sitofp %shift_right_arithmetic3A_855 : vector<16xi32> to vector<16xf32>
      %mul3A_857 = arith.mulf %convert_element_type3A_856, %gather3A_813 : vector<16xf32>
      %swap3A_858 = arith.constant 196 : i32
      %swap3A_859 = arith.index_cast %swap3A_858 : i32 to index
      %swap3A_860 = arith.constant 48 : index
      %swap3A_861 = tpu.vector_load %arg12[%swap3A_859, %swap3A_860] {strides = array<i32>} : memref<200x64xf32, #tpu.memory_space<vmem>>, vector<16xf32>,
      tpu.vector_store %arg12[%swap3A_859, %swap3A_860], %mul3A_857 {strides = array<i32>} : memref<200x64xf32, #tpu.memory_space<vmem>>, vector<16xf32>,
      %broadcast_in_dim3A_862 = vector.shape_cast %broadcast_in_dim3A_58 : vector<16xi32> to vector<16x1xi32>
      %gather3A_863 = vector.shape_cast %broadcast_in_dim3A_862 : vector<16x1xi32> to vector<16xi32>
      %gather3A_864 = tpu.dynamic_gather %get3A_606[%gather3A_863] in [0] : vector<16xf32>, vector<16xi32> -> vector<16xf32>
      %get3A_865 = arith.constant 197 : i32
      %get3A_866 = arith.index_cast %get3A_865 : i32 to index
      %get3A_867 = arith.constant 0 : index
      %get3A_868 = tpu.vector_load %arg8[%get3A_866, %get3A_867] {strides = array<i32>} : memref<200x16xi32, #tpu.memory_space<vmem>>, vector<16xi32>,
      %broadcast_in_dim3A_869 = vector.shape_cast %add3A_12 : vector<16xi32> to vector<16x1xi32>
      %gather3A_870 = vector.shape_cast %broadcast_in_dim3A_869 : vector<16x1xi32> to vector<16xi32>
      %gather3A_871 = tpu.dynamic_gather %get3A_868[%gather3A_870] in [0] : vector<16xi32>, vector<16xi32> -> vector<16xi32>
      %shift_left3A_872 = arith.shli %gather3A_871, %shift_left3A_6 : vector<16xi32>
      %shift_right_arithmetic3A_873 = arith.shrsi %shift_left3A_872, %broadcast_in_dim3A_7 : vector<16xi32>
      %convert_element_type3A_874 = arith.sitofp %shift_right_arithmetic3A_873 : vector<16xi32> to vector<16xf32>
      %mul3A_875 = arith.mulf %convert_element_type3A_874, %gather3A_864 : vector<16xf32>
      %swap3A_876 = arith.constant 197 : i32
      %swap3A_877 = arith.index_cast %swap3A_876 : i32 to index
      %swap3A_878 = arith.constant 0 : index
      %swap3A_879 = tpu.vector_load %arg12[%swap3A_877, %swap3A_878] {strides = array<i32>} : memref<200x64xf32, #tpu.memory_space<vmem>>, vector<16xf32>,
      tpu.vector_store %arg12[%swap3A_877, %swap3A_878], %mul3A_875 {strides = array<i32>} : memref<200x64xf32, #tpu.memory_space<vmem>>, vector<16xf32>,
      %broadcast_in_dim3A_880 = vector.shape_cast %add3A_18 : vector<16xi32> to vector<16x1xi32>
      %gather3A_881 = vector.shape_cast %broadcast_in_dim3A_880 : vector<16x1xi32> to vector<16xi32>
      %gather3A_882 = tpu.dynamic_gather %get3A_868[%gather3A_881] in [0] : vector<16xi32>, vector<16xi32> -> vector<16xi32>
      %shift_left3A_883 = arith.shli %gather3A_882, %shift_left3A_6 : vector<16xi32>
      %shift_right_arithmetic3A_884 = arith.shrsi %shift_left3A_883, %broadcast_in_dim3A_7 : vector<16xi32>
      %convert_element_type3A_885 = arith.sitofp %shift_right_arithmetic3A_884 : vector<16xi32> to vector<16xf32>
      %mul3A_886 = arith.mulf %convert_element_type3A_885, %gather3A_864 : vector<16xf32>
      %swap3A_887 = arith.constant 197 : i32
      %swap3A_888 = arith.index_cast %swap3A_887 : i32 to index
      %swap3A_889 = arith.constant 16 : index
      %swap3A_890 = tpu.vector_load %arg12[%swap3A_888, %swap3A_889] {strides = array<i32>} : memref<200x64xf32, #tpu.memory_space<vmem>>, vector<16xf32>,
      tpu.vector_store %arg12[%swap3A_888, %swap3A_889], %mul3A_886 {strides = array<i32>} : memref<200x64xf32, #tpu.memory_space<vmem>>, vector<16xf32>,
      %broadcast_in_dim3A_891 = vector.shape_cast %add3A_24 : vector<16xi32> to vector<16x1xi32>
      %gather3A_892 = vector.shape_cast %broadcast_in_dim3A_891 : vector<16x1xi32> to vector<16xi32>
      %gather3A_893 = tpu.dynamic_gather %get3A_868[%gather3A_892] in [0] : vector<16xi32>, vector<16xi32> -> vector<16xi32>
      %shift_left3A_894 = arith.shli %gather3A_893, %shift_left3A_6 : vector<16xi32>
      %shift_right_arithmetic3A_895 = arith.shrsi %shift_left3A_894, %broadcast_in_dim3A_7 : vector<16xi32>
      %convert_element_type3A_896 = arith.sitofp %shift_right_arithmetic3A_895 : vector<16xi32> to vector<16xf32>
      %mul3A_897 = arith.mulf %convert_element_type3A_896, %gather3A_864 : vector<16xf32>
      %swap3A_898 = arith.constant 197 : i32
      %swap3A_899 = arith.index_cast %swap3A_898 : i32 to index
      %swap3A_900 = arith.constant 32 : index
      %swap3A_901 = tpu.vector_load %arg12[%swap3A_899, %swap3A_900] {strides = array<i32>} : memref<200x64xf32, #tpu.memory_space<vmem>>, vector<16xf32>,
      tpu.vector_store %arg12[%swap3A_899, %swap3A_900], %mul3A_897 {strides = array<i32>} : memref<200x64xf32, #tpu.memory_space<vmem>>, vector<16xf32>,
      %broadcast_in_dim3A_902 = vector.shape_cast %add3A_30 : vector<16xi32> to vector<16x1xi32>
      %gather3A_903 = vector.shape_cast %broadcast_in_dim3A_902 : vector<16x1xi32> to vector<16xi32>
      %gather3A_904 = tpu.dynamic_gather %get3A_868[%gather3A_903] in [0] : vector<16xi32>, vector<16xi32> -> vector<16xi32>
      %shift_left3A_905 = arith.shli %gather3A_904, %shift_left3A_6 : vector<16xi32>
      %shift_right_arithmetic3A_906 = arith.shrsi %shift_left3A_905, %broadcast_in_dim3A_7 : vector<16xi32>
      %convert_element_type3A_907 = arith.sitofp %shift_right_arithmetic3A_906 : vector<16xi32> to vector<16xf32>
      %mul3A_908 = arith.mulf %convert_element_type3A_907, %gather3A_864 : vector<16xf32>
      %swap3A_909 = arith.constant 197 : i32
      %swap3A_910 = arith.index_cast %swap3A_909 : i32 to index
      %swap3A_911 = arith.constant 48 : index
      %swap3A_912 = tpu.vector_load %arg12[%swap3A_910, %swap3A_911] {strides = array<i32>} : memref<200x64xf32, #tpu.memory_space<vmem>>, vector<16xf32>,
      tpu.vector_store %arg12[%swap3A_910, %swap3A_911], %mul3A_908 {strides = array<i32>} : memref<200x64xf32, #tpu.memory_space<vmem>>, vector<16xf32>,
      %broadcast_in_dim3A_913 = vector.shape_cast %broadcast_in_dim3A_60 : vector<16xi32> to vector<16x1xi32>
      %gather3A_914 = vector.shape_cast %broadcast_in_dim3A_913 : vector<16x1xi32> to vector<16xi32>
      %gather3A_915 = tpu.dynamic_gather %get3A_606[%gather3A_914] in [0] : vector<16xf32>, vector<16xi32> -> vector<16xf32>
      %get3A_916 = arith.constant 198 : i32
      %get3A_917 = arith.index_cast %get3A_916 : i32 to index
      %get3A_918 = arith.constant 0 : index
      %get3A_919 = tpu.vector_load %arg8[%get3A_917, %get3A_918] {strides = array<i32>} : memref<200x16xi32, #tpu.memory_space<vmem>>, vector<16xi32>,
      %broadcast_in_dim3A_920 = vector.shape_cast %add3A_12 : vector<16xi32> to vector<16x1xi32>
      %gather3A_921 = vector.shape_cast %broadcast_in_dim3A_920 : vector<16x1xi32> to vector<16xi32>
      %gather3A_922 = tpu.dynamic_gather %get3A_919[%gather3A_921] in [0] : vector<16xi32>, vector<16xi32> -> vector<16xi32>
      %shift_left3A_923 = arith.shli %gather3A_922, %shift_left3A_6 : vector<16xi32>
      %shift_right_arithmetic3A_924 = arith.shrsi %shift_left3A_923, %broadcast_in_dim3A_7 : vector<16xi32>
      %convert_element_type3A_925 = arith.sitofp %shift_right_arithmetic3A_924 : vector<16xi32> to vector<16xf32>
      %mul3A_926 = arith.mulf %convert_element_type3A_925, %gather3A_915 : vector<16xf32>
      %swap3A_927 = arith.constant 198 : i32
      %swap3A_928 = arith.index_cast %swap3A_927 : i32 to index
      %swap3A_929 = arith.constant 0 : index
      %swap3A_930 = tpu.vector_load %arg12[%swap3A_928, %swap3A_929] {strides = array<i32>} : memref<200x64xf32, #tpu.memory_space<vmem>>, vector<16xf32>,
      tpu.vector_store %arg12[%swap3A_928, %swap3A_929], %mul3A_926 {strides = array<i32>} : memref<200x64xf32, #tpu.memory_space<vmem>>, vector<16xf32>,
      %broadcast_in_dim3A_931 = vector.shape_cast %add3A_18 : vector<16xi32> to vector<16x1xi32>
      %gather3A_932 = vector.shape_cast %broadcast_in_dim3A_931 : vector<16x1xi32> to vector<16xi32>
      %gather3A_933 = tpu.dynamic_gather %get3A_919[%gather3A_932] in [0] : vector<16xi32>, vector<16xi32> -> vector<16xi32>
      %shift_left3A_934 = arith.shli %gather3A_933, %shift_left3A_6 : vector<16xi32>
      %shift_right_arithmetic3A_935 = arith.shrsi %shift_left3A_934, %broadcast_in_dim3A_7 : vector<16xi32>
      %convert_element_type3A_936 = arith.sitofp %shift_right_arithmetic3A_935 : vector<16xi32> to vector<16xf32>
      %mul3A_937 = arith.mulf %convert_element_type3A_936, %gather3A_915 : vector<16xf32>
      %swap3A_938 = arith.constant 198 : i32
      %swap3A_939 = arith.index_cast %swap3A_938 : i32 to index
      %swap3A_940 = arith.constant 16 : index
      %swap3A_941 = tpu.vector_load %arg12[%swap3A_939, %swap3A_940] {strides = array<i32>} : memref<200x64xf32, #tpu.memory_space<vmem>>, vector<16xf32>,
      tpu.vector_store %arg12[%swap3A_939, %swap3A_940], %mul3A_937 {strides = array<i32>} : memref<200x64xf32, #tpu.memory_space<vmem>>, vector<16xf32>,
      %broadcast_in_dim3A_942 = vector.shape_cast %add3A_24 : vector<16xi32> to vector<16x1xi32>
      %gather3A_943 = vector.shape_cast %broadcast_in_dim3A_942 : vector<16x1xi32> to vector<16xi32>
      %gather3A_944 = tpu.dynamic_gather %get3A_919[%gather3A_943] in [0] : vector<16xi32>, vector<16xi32> -> vector<16xi32>
      %shift_left3A_945 = arith.shli %gather3A_944, %shift_left3A_6 : vector<16xi32>
      %shift_right_arithmetic3A_946 = arith.shrsi %shift_left3A_945, %broadcast_in_dim3A_7 : vector<16xi32>
      %convert_element_type3A_947 = arith.sitofp %shift_right_arithmetic3A_946 : vector<16xi32> to vector<16xf32>
      %mul3A_948 = arith.mulf %convert_element_type3A_947, %gather3A_915 : vector<16xf32>
      %swap3A_949 = arith.constant 198 : i32
      %swap3A_950 = arith.index_cast %swap3A_949 : i32 to index
      %swap3A_951 = arith.constant 32 : index
      %swap3A_952 = tpu.vector_load %arg12[%swap3A_950, %swap3A_951] {strides = array<i32>} : memref<200x64xf32, #tpu.memory_space<vmem>>, vector<16xf32>,
      tpu.vector_store %arg12[%swap3A_950, %swap3A_951], %mul3A_948 {strides = array<i32>} : memref<200x64xf32, #tpu.memory_space<vmem>>, vector<16xf32>,
      %broadcast_in_dim3A_953 = vector.shape_cast %add3A_30 : vector<16xi32> to vector<16x1xi32>
      %gather3A_954 = vector.shape_cast %broadcast_in_dim3A_953 : vector<16x1xi32> to vector<16xi32>
      %gather3A_955 = tpu.dynamic_gather %get3A_919[%gather3A_954] in [0] : vector<16xi32>, vector<16xi32> -> vector<16xi32>
      %shift_left3A_956 = arith.shli %gather3A_955, %shift_left3A_6 : vector<16xi32>
      %shift_right_arithmetic3A_957 = arith.shrsi %shift_left3A_956, %broadcast_in_dim3A_7 : vector<16xi32>
      %convert_element_type3A_958 = arith.sitofp %shift_right_arithmetic3A_957 : vector<16xi32> to vector<16xf32>
      %mul3A_959 = arith.mulf %convert_element_type3A_958, %gather3A_915 : vector<16xf32>
      %swap3A_960 = arith.constant 198 : i32
      %swap3A_961 = arith.index_cast %swap3A_960 : i32 to index
      %swap3A_962 = arith.constant 48 : index
      %swap3A_963 = tpu.vector_load %arg12[%swap3A_961, %swap3A_962] {strides = array<i32>} : memref<200x64xf32, #tpu.memory_space<vmem>>, vector<16xf32>,
      tpu.vector_store %arg12[%swap3A_961, %swap3A_962], %mul3A_959 {strides = array<i32>} : memref<200x64xf32, #tpu.memory_space<vmem>>, vector<16xf32>,
      %broadcast_in_dim3A_964 = vector.shape_cast %broadcast_in_dim3A_62 : vector<16xi32> to vector<16x1xi32>
      %gather3A_965 = vector.shape_cast %broadcast_in_dim3A_964 : vector<16x1xi32> to vector<16xi32>
      %gather3A_966 = tpu.dynamic_gather %get3A_606[%gather3A_965] in [0] : vector<16xf32>, vector<16xi32> -> vector<16xf32>
      %get3A_967 = arith.constant 199 : i32
      %get3A_968 = arith.index_cast %get3A_967 : i32 to index
      %get3A_969 = arith.constant 0 : index
      %get3A_970 = tpu.vector_load %arg8[%get3A_968, %get3A_969] {strides = array<i32>} : memref<200x16xi32, #tpu.memory_space<vmem>>, vector<16xi32>,
      %broadcast_in_dim3A_971 = vector.shape_cast %add3A_12 : vector<16xi32> to vector<16x1xi32>
      %gather3A_972 = vector.shape_cast %broadcast_in_dim3A_971 : vector<16x1xi32> to vector<16xi32>
      %gather3A_973 = tpu.dynamic_gather %get3A_970[%gather3A_972] in [0] : vector<16xi32>, vector<16xi32> -> vector<16xi32>
      %shift_left3A_974 = arith.shli %gather3A_973, %shift_left3A_6 : vector<16xi32>
      %shift_right_arithmetic3A_975 = arith.shrsi %shift_left3A_974, %broadcast_in_dim3A_7 : vector<16xi32>
      %convert_element_type3A_976 = arith.sitofp %shift_right_arithmetic3A_975 : vector<16xi32> to vector<16xf32>
      %mul3A_977 = arith.mulf %convert_element_type3A_976, %gather3A_966 : vector<16xf32>
      %swap3A_978 = arith.constant 199 : i32
      %swap3A_979 = arith.index_cast %swap3A_978 : i32 to index
      %swap3A_980 = arith.constant 0 : index
      %swap3A_981 = tpu.vector_load %arg12[%swap3A_979, %swap3A_980] {strides = array<i32>} : memref<200x64xf32, #tpu.memory_space<vmem>>, vector<16xf32>,
      tpu.vector_store %arg12[%swap3A_979, %swap3A_980], %mul3A_977 {strides = array<i32>} : memref<200x64xf32, #tpu.memory_space<vmem>>, vector<16xf32>,
      %broadcast_in_dim3A_982 = vector.shape_cast %add3A_18 : vector<16xi32> to vector<16x1xi32>
      %gather3A_983 = vector.shape_cast %broadcast_in_dim3A_982 : vector<16x1xi32> to vector<16xi32>
      %gather3A_984 = tpu.dynamic_gather %get3A_970[%gather3A_983] in [0] : vector<16xi32>, vector<16xi32> -> vector<16xi32>
      %shift_left3A_985 = arith.shli %gather3A_984, %shift_left3A_6 : vector<16xi32>
      %shift_right_arithmetic3A_986 = arith.shrsi %shift_left3A_985, %broadcast_in_dim3A_7 : vector<16xi32>
      %convert_element_type3A_987 = arith.sitofp %shift_right_arithmetic3A_986 : vector<16xi32> to vector<16xf32>
      %mul3A_988 = arith.mulf %convert_element_type3A_987, %gather3A_966 : vector<16xf32>
      %swap3A_989 = arith.constant 199 : i32
      %swap3A_990 = arith.index_cast %swap3A_989 : i32 to index
      %swap3A_991 = arith.constant 16 : index
      %swap3A_992 = tpu.vector_load %arg12[%swap3A_990, %swap3A_991] {strides = array<i32>} : memref<200x64xf32, #tpu.memory_space<vmem>>, vector<16xf32>,
      tpu.vector_store %arg12[%swap3A_990, %swap3A_991], %mul3A_988 {strides = array<i32>} : memref<200x64xf32, #tpu.memory_space<vmem>>, vector<16xf32>,
      %broadcast_in_dim3A_993 = vector.shape_cast %add3A_24 : vector<16xi32> to vector<16x1xi32>
      %gather3A_994 = vector.shape_cast %broadcast_in_dim3A_993 : vector<16x1xi32> to vector<16xi32>
      %gather3A_995 = tpu.dynamic_gather %get3A_970[%gather3A_994] in [0] : vector<16xi32>, vector<16xi32> -> vector<16xi32>
      %shift_left3A_996 = arith.shli %gather3A_995, %shift_left3A_6 : vector<16xi32>
      %shift_right_arithmetic3A_997 = arith.shrsi %shift_left3A_996, %broadcast_in_dim3A_7 : vector<16xi32>
      %convert_element_type3A_998 = arith.sitofp %shift_right_arithmetic3A_997 : vector<16xi32> to vector<16xf32>
      %mul3A_999 = arith.mulf %convert_element_type3A_998, %gather3A_966 : vector<16xf32>
      %swap3A_1000 = arith.constant 199 : i32
      %swap3A_1001 = arith.index_cast %swap3A_1000 : i32 to index
      %swap3A_1002 = arith.constant 32 : index
      %swap3A_1003 = tpu.vector_load %arg12[%swap3A_1001, %swap3A_1002] {strides = array<i32>} : memref<200x64xf32, #tpu.memory_space<vmem>>, vector<16xf32>,
      tpu.vector_store %arg12[%swap3A_1001, %swap3A_1002], %mul3A_999 {strides = array<i32>} : memref<200x64xf32, #tpu.memory_space<vmem>>, vector<16xf32>,
      %broadcast_in_dim3A_1004 = vector.shape_cast %add3A_30 : vector<16xi32> to vector<16x1xi32>
      %gather3A_1005 = vector.shape_cast %broadcast_in_dim3A_1004 : vector<16x1xi32> to vector<16xi32>
      %gather3A_1006 = tpu.dynamic_gather %get3A_970[%gather3A_1005] in [0] : vector<16xi32>, vector<16xi32> -> vector<16xi32>
      %shift_left3A_1007 = arith.shli %gather3A_1006, %shift_left3A_6 : vector<16xi32>
      %shift_right_arithmetic3A_1008 = arith.shrsi %shift_left3A_1007, %broadcast_in_dim3A_7 : vector<16xi32>
      %convert_element_type3A_1009 = arith.sitofp %shift_right_arithmetic3A_1008 : vector<16xi32> to vector<16xf32>
      %mul3A_1010 = arith.mulf %convert_element_type3A_1009, %gather3A_966 : vector<16xf32>
      %swap3A_1011 = arith.constant 199 : i32
      %swap3A_1012 = arith.index_cast %swap3A_1011 : i32 to index
      %swap3A_1013 = arith.constant 48 : index
      %swap3A_1014 = tpu.vector_load %arg12[%swap3A_1012, %swap3A_1013] {strides = array<i32>} : memref<200x64xf32, #tpu.memory_space<vmem>>, vector<16xf32>,
      tpu.vector_store %arg12[%swap3A_1012, %swap3A_1013], %mul3A_1010 {strides = array<i32>} : memref<200x64xf32, #tpu.memory_space<vmem>>, vector<16xf32>,
      %mul3A_1015 = arith.constant 128 : i32
      %mul3A_1016 = arith.muli %add3A, %mul3A_1015 : i32
      %add3A_1017 = arith.addi %mul3A_1016, %add3A_575 : i32
      %dma_start3A_1018 = arith.constant 0 : i32
      %dma_start3A_1019 = arith.constant 0 : i32
      %dma_start3A_1020 = tpu.memref_slice %arg5[%add3A_1017, %dma_start3A_1018, %dma_start3A_1019] : memref<4096x200x64xf32, #tpu.memory_space<hbm>> -> memref<1x200x64xf32, #tpu.memory_space<hbm>>
      %dma_start3A_1021 = tpu.memref_squeeze %dma_start3A_1020 : memref<1x200x64xf32, #tpu.memory_space<hbm>> -> memref<200x64xf32, #tpu.memory_space<hbm>>
      %dma_start3A_1022 = arith.constant 0 : i32
      %dma_start3A_1023 = arith.constant 0 : i32
      %dma_start3A_1024 = tpu.memref_slice %arg5[%add3A_1017, %dma_start3A_1022, %dma_start3A_1023] : memref<4096x200x64xf32, #tpu.memory_space<hbm>> -> memref<1x200x64xf32, #tpu.memory_space<hbm>>
      %dma_start3A_1025 = tpu.memref_squeeze %dma_start3A_1024 : memref<1x200x64xf32, #tpu.memory_space<hbm>> -> memref<200x64xf32, #tpu.memory_space<hbm>>
      tpu.enqueue_dma source(%arg12 : memref<200x64xf32, #tpu.memory_space<vmem>>) target(%dma_start3A_1025 : memref<200x64xf32, #tpu.memory_space<hbm>>) target_semaphore(%arg16 : memref<!tpu.dma_semaphore, #tpu.memory_space<semaphore_mem>>)
      %scan3A_1026 = arith.constant 0 : i32
      scf.yield %scan3A_1026 : i32
    }
    %scan3A_105 = arith.constant 64 : i32
    %dma_wait3A = arith.constant 0 : i32
    %dma_wait3A_106 = arith.constant 0 : i32
    %dma_wait3A_107 = arith.constant 0 : i32
    %dma_wait3A_108 = tpu.memref_slice %arg5[%dma_wait3A, %dma_wait3A_106, %dma_wait3A_107] : memref<4096x200x64xf32, #tpu.memory_space<hbm>> -> memref<1x200x64xf32, #tpu.memory_space<hbm>>
    %dma_wait3A_109 = tpu.memref_squeeze %dma_wait3A_108 : memref<1x200x64xf32, #tpu.memory_space<hbm>> -> memref<200x64xf32, #tpu.memory_space<hbm>>
    %dma_wait3A_110 = arith.constant 0 : i32
    %dma_wait3A_111 = arith.constant 0 : i32
    %dma_wait3A_112 = tpu.memref_slice %arg5[%dma_wait3A, %dma_wait3A_110, %dma_wait3A_111] : memref<4096x200x64xf32, #tpu.memory_space<hbm>> -> memref<1x200x64xf32, #tpu.memory_space<hbm>>
    %dma_wait3A_113 = tpu.memref_squeeze %dma_wait3A_112 : memref<1x200x64xf32, #tpu.memory_space<hbm>> -> memref<200x64xf32, #tpu.memory_space<hbm>>
    tpu.wait_dma2 semaphore(%arg15 : memref<!tpu.dma_semaphore, #tpu.memory_space<semaphore_mem>>) src(%arg11 : memref<200x64xf32, #tpu.memory_space<vmem>>) dst(%dma_wait3A_113 : memref<200x64xf32, #tpu.memory_space<hbm>>)
    %dma_wait3A_114 = arith.constant 0 : i32
    %dma_wait3A_115 = arith.constant 0 : i32
    %dma_wait3A_116 = arith.constant 0 : i32
    %dma_wait3A_117 = tpu.memref_slice %arg5[%dma_wait3A_114, %dma_wait3A_115, %dma_wait3A_116] : memref<4096x200x64xf32, #tpu.memory_space<hbm>> -> memref<1x200x64xf32, #tpu.memory_space<hbm>>
    %dma_wait3A_118 = tpu.memref_squeeze %dma_wait3A_117 : memref<1x200x64xf32, #tpu.memory_space<hbm>> -> memref<200x64xf32, #tpu.memory_space<hbm>>
    %dma_wait3A_119 = arith.constant 0 : i32
    %dma_wait3A_120 = arith.constant 0 : i32
    %dma_wait3A_121 = tpu.memref_slice %arg5[%dma_wait3A_114, %dma_wait3A_119, %dma_wait3A_120] : memref<4096x200x64xf32, #tpu.memory_space<hbm>> -> memref<1x200x64xf32, #tpu.memory_space<hbm>>
    %dma_wait3A_122 = tpu.memref_squeeze %dma_wait3A_121 : memref<1x200x64xf32, #tpu.memory_space<hbm>> -> memref<200x64xf32, #tpu.memory_space<hbm>>
    tpu.wait_dma2 semaphore(%arg16 : memref<!tpu.dma_semaphore, #tpu.memory_space<semaphore_mem>>) src(%arg12 : memref<200x64xf32, #tpu.memory_space<vmem>>) dst(%dma_wait3A_122 : memref<200x64xf32, #tpu.memory_space<hbm>>)
    return
  }
}

</mosaic_0001>

<sc_bundles>
// kernel: kernel.4.cloned.1.call-start
scs
__scs_entry_jumppad:
0x0: {  	(pc) =	sbr.rel $0x88, $3  }
0x1: {  	(tag) =	ssettag $0x0;
	lr =	simm.s32 $0x1  }
0x2: {  	[smem:$0x3F9E] =	sst lr;
	_ =	strace $0xD0000000  }
0x3: {  	_ = 	snop  }
0x4: {  	_ = 	snop  }
0x5: {  	_ = 	snop  }
0x6: {  	_ = 	snop  }
0x7: {  	_ = 	snop  }
__scs_overlays_trampoline_lowered:
0x8: {  	[smem:$0x3FAD] =	sst s0  }
0x9: {  	[smem:$0x3FAE] =	sst s1  }
0xa: {  	[smem:$0x3FAF] =	sst s2  }
0xb: {  	[smem:$0x3FB0] =	sst s3  }
0xc: {  	[smem:$0x3FB1] =	sst s4  }
0xd: {  	[smem:$0x3FB2] =	sst s5  }
0xe: {  	[smem:$0x3FB3] =	sst s6  }
0xf: {  	[smem:$0x3FB4] =	sst s7  }
0x10: {  	[smem:$0x3FB5] =	sst s8  }
0x11: {  	[smem:$0x3FB6] =	sst s9;
	s0 =	simm.s32 @!p0 $0x0  }
0x12: {  	s1 =	sld [smem:$0x3F9C];
	s0 =	simm.s32 @p0 $0x1  }
0x13: {  	[smem:$0x3FB7] =	sst s0;
	s0 =	simm.s32 @!p1 $0x0  }
0x14: {  	s2 =	sld [smem:$0x3F9B];
	s0 =	simm.s32 @p1 $0x1  }
0x15: {  	[smem:$0x3FB8] =	sst s0;
	s0 =	simm.s32 @!p2 $0x0  }
0x16: {  	s3 =	sld [smem:$0x3FDB];
	s0 =	simm.s32 @p2 $0x1  }
0x17: {  	s4 =	simm.s32 $0x1BF5;
	[smem:$0x3FBA] =	sst s0  }
0x18: {  	s0 =	sld [smem:$0x3F9D];
	_ =	swait.ge [sflag:s4], $0x0  }
0x19: {  	s7 =	sld [smem:$0x3F9E]  }
0x1a: {  	s8 =	sadd.s32 $0xFFFFE003, lr  }
0x1b: {  	s9 =	sadd.s32 $0xFFFFFEF7, lr;
	s5 =	simm.s32 $0xFFFFFFFF;
	p2 =	slt.u32 s8, $0xFFFFF086  }
0x1c: {  	p1 =	slt.u32 s9, $0xF7A;
	s5 =	simm.s32 @!p2 $0x0  }
0x1d: {  	s5 =	simm.s32 @p1 $0x1;
	p0 =	seq.s32 s7, s2  }
0x1e: {  	s7 =	smul.u32 @!p0 $0xF7A, s2;
	p2 =	seq.s32 @!p0 s5, $0x0  }
0x1f: {  	s9 =	smul.u32 $0xF7A, s1;
	s8 =	simm.s32 @!p0 $0x1BF5;
	p2 =	por !p2, p0  }
0x20: {  	[sflag:s8] =	ssyncset.s32 @!p0 $0xFFFFF086;
	s6 =	sadd.s32 @!p0 s3, s7;
	s7 =	simm.s32 @!p0 $0x108  }
0x21: {  	s3 =	sadd.s32 s3, s9;
	s6 =	sadd.s32 @!p0 $0x88, s6;
	s7 =	simm.s32 @p2 $0x1082  }
0x22: {  	[simem:s7], [sflag:s8] =	dma.local @!p0 [hbm:s6], $0xF7A  }
0x23: {  	s9 =	sor.u32 $0xD0000000, s2;
	s6 =	simm.s32 $0x108;
	_ =	swait.ge @!p0 [sflag:s8], $0x0  }
0x24: {  	s3 =	sadd.s32 $0x88, s3;
	s6 =	simm.s32 @!p1 $0x1082;
	[sflag:s4] =	ssyncset.s32 $0xFFFFF086  }
0x25: {  	[simem:s6], [sflag:s4] =	dma.local [hbm:s3], $0xF7A  }
0x26: {  	[smem:$0x3F9E] =	sst s1;
	(tag) =	ssettag s2;
	_ =	strace s9  }
0x27: {  	s1 =	sld [smem:$0x3FAE]  }
0x28: {  	s2 =	sld [smem:$0x3FAF]  }
0x29: {  	s4 =	sld [smem:$0x3FB1]  }
0x2a: {  	p0 =	seq.s32 s5, $0x0;
	s5 =	sld [smem:$0x3FB2]  }
0x2b: {  	s6 =	sld [smem:$0x3FB3]  }
0x2c: {  	s7 =	sld [smem:$0x3FB4]  }
0x2d: {  	s3 =	simm.s32 $0x108;
	s8 =	sld [smem:$0x3FB5]  }
0x2e: {  	s3 =	simm.s32 @!p0 $0x1082;
	s9 =	sld [smem:$0x3FB6]  }
0x2f: {  	lr =	sadd.s32 s0, s3;
	s0 =	sld [smem:$0x3FAD]  }
0x30: {  	s3 =	sld [smem:$0x3FB0]  }
0x31: {  	[smem:$0x3FB9] =	sst s10  }
0x32: {  	s10 =	sld [smem:$0x3FB7];
	_ =	sdelay $0x3  }
0x33: {  	p0 =	seq.s32 s10, $0x1;
	s10 =	sld [smem:$0x3FB9];
	_ =	sdelay $0x3  }
0x34: {  	[smem:$0x3FB9] =	sst s10  }
0x35: {  	s10 =	sld [smem:$0x3FB8];
	_ =	sdelay $0x3  }
0x36: {  	p1 =	seq.s32 s10, $0x1;
	s10 =	sld [smem:$0x3FB9];
	_ =	sdelay $0x3  }
0x37: {  	[smem:$0x3FB9] =	sst s10  }
0x38: {  	s10 =	sld [smem:$0x3FBA]  }
0x39: {  	_ = 	snop;
	(pc) =	sbr.ind lr, $3  }
0x3a: {  	_ = 	snop  }
0x3b: {  	_ = 	snop  }
0x3c: {  	p2 =	seq.s32 s10, $0x1;
	s10 =	sld [smem:$0x3FB9]  }
0x3d: {  	_ =	shalt  }
0x3e: {  	_ =	shalt  }
0x3f: {  	_ =	shalt  }
0x40: {  	_ =	shalt  }
0x41: {  	_ =	shalt  }
0x42: {  	_ =	shalt  }
0x43: {  	_ =	shalt  }
0x44: {  	_ =	shalt  }
0x45: {  	_ =	shalt  }
0x46: {  	_ =	shalt  }
0x47: {  	_ =	shalt  }
0x48: {  	_ =	shalt  }
0x49: {  	_ =	shalt  }
0x4a: {  	_ =	shalt  }
0x4b: {  	_ =	shalt  }
0x4c: {  	_ =	shalt  }
0x4d: {  	_ =	shalt  }
0x4e: {  	_ =	shalt  }
0x4f: {  	_ =	shalt  }
0x50: {  	_ =	shalt  }
0x51: {  	_ =	shalt  }
0x52: {  	_ =	shalt  }
0x53: {  	_ =	shalt  }
0x54: {  	_ =	shalt  }
0x55: {  	_ =	shalt  }
0x56: {  	_ =	shalt  }
0x57: {  	_ =	shalt  }
0x58: {  	_ =	shalt  }
0x59: {  	_ =	shalt  }
0x5a: {  	_ =	shalt  }
0x5b: {  	_ =	shalt  }
0x5c: {  	_ =	shalt  }
0x5d: {  	_ =	shalt  }
0x5e: {  	_ =	shalt  }
0x5f: {  	_ =	shalt  }
0x60: {  	_ =	shalt  }
0x61: {  	_ =	shalt  }
0x62: {  	_ =	shalt  }
0x63: {  	_ =	shalt  }
0x64: {  	_ =	shalt  }
0x65: {  	_ =	shalt  }
0x66: {  	_ =	shalt  }
0x67: {  	_ =	shalt  }
0x68: {  	_ =	shalt  }
0x69: {  	_ =	shalt  }
0x6a: {  	_ =	shalt  }
0x6b: {  	_ =	shalt  }
0x6c: {  	_ =	shalt  }
0x6d: {  	_ =	shalt  }
0x6e: {  	_ =	shalt  }
0x6f: {  	_ =	shalt  }
0x70: {  	_ =	shalt  }
0x71: {  	_ =	shalt  }
0x72: {  	_ =	shalt  }
0x73: {  	_ =	shalt  }
0x74: {  	_ =	shalt  }
0x75: {  	_ =	shalt  }
0x76: {  	_ =	shalt  }
0x77: {  	_ =	shalt  }
0x78: {  	_ =	shalt  }
0x79: {  	_ =	shalt  }
0x7a: {  	_ =	shalt  }
0x7b: {  	_ =	shalt  }
0x7c: {  	_ =	shalt  }
0x7d: {  	_ =	shalt  }
0x7e: {  	_ =	shalt  }
0x7f: {  	_ =	shalt  }
0x80: {  	_ =	shalt  }
0x81: {  	_ =	shalt  }
0x82: {  	_ =	shalt  }
0x83: {  	_ =	shalt  }
0x84: {  	_ =	shalt  }
0x85: {  	_ =	shalt  }
0x86: {  	_ =	shalt  }
0x87: {  	_ =	shalt  }
.Lfunc_end0:
.L_simem_size_0:
called_computation.2_lowered:
.L_overlay_start_0:
0x88: {  	s2 =	sld [smem:$0x3FD9]  }
0x89: {  	s3 =	sld [smem:$0x3FFE];
	_ =	sdelay $0x1  }
0x8a: {  	s1 =	srdreg.scid  }
0x8b: {  	s0 =	sand.u32 $0x1, s1  }
0x8c: {  	s16 =	sshll.u32 s0, $0xA;
	s2 =	sadd.s32 s3, s2  }
0x8d: {  	s2 =	sadd.s32 s2, s16  }
0x8e: {  	[smem:$0x3FC5] =	sst s2  }
0x8f: {  	_ = 	snop  }
0x90: {  	(tm) =	ssettm $0x1  }
0x91: {  	s17 =	sld [smem:$0x3FFB];
	_ =	sdelay $0x3  }
0x92: {  	_ =	strace s17  }
0x93: {  	s2 =	sld [smem:$0x3FFC];
	_ =	sdelay $0x3  }
0x94: {  	_ =	strace s2  }
0x95: {  	s2 =	sld [smem:$0x3FFD];
	_ =	sdelay $0x3  }
0x96: {  	_ =	strace s2  }
0x97: {  	_ =	strace $0x8FFFFFFF  }
0x98: {  	s18 =	sld [smem:$0x3FDB];
	_ =	sdelay $0x1  }
0x99: {  	s19 =	simm.s32 $_scs_section_size  }
0x9a: {  	s4 =	simm.s32 $_size__tile_overlayer_lowered;
	s5 =	simm.s32 $_tile_overlayer_lowered  }
0x9b: {  	s22 =	simm.s32 $0x1BFF;
	s21 =	sshll.u32 s5, $0x1;
	s2 =	sadd.s32 s19, s18  }
0x9c: {  	s6 =	simm.s32 $0x0;
	s20 =	sshll.u32 s4, $0x1;
	s4 =	sadd.s32 s21, s2  }
0x9d: {  	[timem:s6], [sflag:s22] =	dma.local [hbm:s4], s20  }
0x9e: {  	_ =	swait.ge [sflag:s22], s20  }
0x9f: {  	s3 =	ssub.s32 $0x0, s20;
	[sflag:s22] =	ssyncset.done $0x0  }
0xa0: {  	[sflag:s22] =	ssyncadd.s32 s3;
	_ =	sdelay $0x1  }
0xa1: {  	s23 =	simm.s32 $0x1B8B  }
0xa2: {  	_ =	swait.ge [sflag:s23], $0x1  }
0xa3: {  	[sflag:s23] =	ssyncset.done $0x0  }
0xa4: {  	s25 =	simm.s32 $0x1B8E;
	s24 =	sld [smem:$0x3FFE];
	[sflag:s23] =	ssyncadd.s32 $0xFFFFFFFF  }
0xa5: {  	s26 =	simm.s32 $execute0_lowered;
	[smem:$0x3FD2] =	sst s25  }
0xa6: {  	s4 =	sshll.u32 s26, $0x1;
	_ =	strace $0x80000049;
	[dreg:$0x1] =	wrdreg $0xFFFFFFFF  }
0xa7: {  	s28 =	simm.s32 $_size_execute0_lowered;
	s2 =	sadd.s32 s2, s4;
	[dreg:$0x0] =	wrdreg $0x0  }
0xa8: {  	s4 =	sshll.u32 s28, $0x1;
	[dreg:$0x2] =	wrdreg s2  }
0xa9: {  	[dreg:$0x3] =	wrdreg s4  }
0xaa: {  	[dreg:$0x4] =	wrdreg $0xC0  }
0xab: {  	_ =	task [dreg:s6], $0x5FFFF  }
0xac: {  	[dreg:$0x1] =	wrdreg $0xFFFFFFFF  }
0xad: {  	[dreg:$0x0] =	wrdreg $0x60  }
0xae: {  	[dreg:$0x2] =	wrdreg s24  }
0xaf: {  	[dreg:$0x3] =	wrdreg $0x9  }
0xb0: {  	_ =	task.clear_ibuf [dreg:s6], $0x4FFFF;
	_ =	strace $0x90000049  }
0xb1: {  	s29 =	simm.s32 $0x9;
	_ =	strace $0x8000004B  }
0xb2: {  	_ =	swait.ge [sflag:s29], $0x1  }
0xb3: {  	[sflag:s29] =	ssyncadd.s32 $0xFFFFFFFF  }
0xb4: {  	_ =	strace $0x9000004B  }
0xb5: {  	_ =	sfence  }
0xb6: {  	s30 =	sld [smem:$0x0];
	_ =	sdelay $0x2  }
0xb7: {  	s31 =	sshll.u32 s1, $0xD;
	s1 =	sshrl.u32 s1, $0x2  }
0xb8: {  	s3 =	sand.u32 $0x4000, s31;
	s1 =	sadd.s32 s1, s30  }
0xb9: {  	s0 =	sor.u32 s3, s0;
	s1 =	sshll.u32 s1, $0x11  }
0xba: {  	s0 =	sor.u32 s1, s0  }
0xbb: {  	s0 =	sadd.s32 $0x8F2B, s0  }
0xbc: {  	[sflag:s0] =	ssyncadd.remote.s32 $0x1  }
0xbd: {  	_ =	sfence.sel $0xFFFF  }
0xbe: {  	[dreg:$0x0] =	wrdreg $0xFFFFFFFF;
	(pc) =	sbr.abs _section_cstart, $3  }
0xbf: {  	[dreg:$0x1] =	wrdreg $0xFFFFFFFF  }
0xc0: {  	_ =	task.clear_ibuf [dreg:s6], $0x2FFFF;
	_ =	strace $0x9FFFFFFF  }
0xc1: {  	(tm) =	ssettm $0x7FFFFFFF  }
tec
execute0_lowered:
.L_overlay_start_1:
0x0: {  	(tag) =	ssettag $0x1  }
0x1: {  	s4 =	rddreg [dreg:$0x0];
	s1 =	srdreg.scid  }
0x2: {  	s0 =	rddreg [dreg:$0x1];
	s2 =	simm.s32 $0x0;
	s9 =	simm.s32 $0x0  }
0x3: {  	s5 =	sand.u32 $0x1, s1;
	[smem:$0x7FF] =	sst s2;
	s1 =	stileid.u32  }
0x4: {  	s3 =	sadd.s32 $0x1200, s4;
	s4 =	sadd.s32 $0x1E9800, s4;
	s6 =	ssub.s32 $0x2, s5  }
0x5: {  	_ =	strace $0x8000004A;
	s8 =	sshll.u32 s1, $0x1;
	s7 =	sshrl.u32 s6, $0x1  }
0x6: {  	s5 =	sor.u32 s5, s8;
	s8 =	simm.s32 $0x4E20;
	s6 =	ssub.s32 s6, s7  }
0x7: {  	s5 =	smul.u32 $0x7A12, s5;
	s7 =	simm.s32 $0x1;
	s6 =	smax.u32 s6, $0x1  }
.LBB2_1:
0x8: {  	s10 =	simm.s32 $0x0  }
.LBB2_2:
0x9: {  	s11 =	smul.u32 $0x4E2, s10;
	_ =	sdelay $0x1  }
0xa: {  	s11 =	sadd.s32 s5, s11  }
0xb: {  	s11 =	sshll.u32 s11, $0x1  }
0xc: {  	s12 =	sadd.s32 s3, s11  }
0xd: {  	[tilespmem:s2], [sflag:$0x1] =	stream.linear.gather [hbm4b:s12+s2], $0x4E20, $0x38;
	[tilespmem:$0x9C40] =	vst v63  }
0xe: {  	_ =	swait.ge [sflag:s7], $0x4E20  }
0xf: {  	[sflag:s7] =	ssyncset.done $0x0  }
0x10: {  	s13 =	simm.s32 $0x20;
	[sflag:s7] =	ssyncadd.s32 $0xFFFFB1E0  }
0x11: {  	v0 =	vld [tilespmem:s13+$0xFFFFFFE0];
	_ =	sdelay $0x3  }
0x12: {  	s12 =	simm.s32 $0x4E40  }
0x13: {  	[tilespmem:s12+$0xFFFFFFE0] =	vst v0  }
0x14: {  	v0 =	vld [tilespmem:s13+$0xFFFFFFF0];
	_ =	sdelay $0x4  }
0x15: {  	[tilespmem:s12+$0xFFFFFFF0] =	vst v0  }
0x16: {  	v0 =	vld [tilespmem:s13+$0x0];
	_ =	sdelay $0x4  }
0x17: {  	[tilespmem:s12+$0x0] =	vst v0  }
0x18: {  	v0 =	vld [tilespmem:s13+$0x10];
	_ =	sdelay $0x4  }
0x19: {  	s14 =	simm.s32 $0x60;
	s13 =	simm.s32 $0x0;
	[tilespmem:s12+$0x10] =	vst v0  }
.LBB2_3:
0x1a: {  	v0 =	vld [tilespmem:s14+$0xFFFFFFE0];
	s13 =	sadd.s32 $0x4, s13  }
0x1b: {  	p0 =	slt.u32 s13, $0x4DC;
	_ =	sdelay $0x2  }
0x1c: {  	s12 =	sadd.s32 $0x40, s12  }
0x1d: {  	[tilespmem:s12+$0xFFFFFFE0] =	vst v0  }
0x1e: {  	v0 =	vld [tilespmem:s14+$0xFFFFFFF0];
	_ =	sdelay $0x4  }
0x1f: {  	[tilespmem:s12+$0xFFFFFFF0] =	vst v0  }
0x20: {  	v0 =	vld [tilespmem:s14+$0x0];
	_ =	sdelay $0x4  }
0x21: {  	[tilespmem:s12+$0x0] =	vst v0  }
0x22: {  	v0 =	vld [tilespmem:s14+$0x10]  }
.Ltmp0:
0x23: {  	(pc) =	sbr.rel @p0 .LBB2_3-.Ltmp0, $2  }
0x24: {  	_ =	sdelay $0x2  }
0x25: {  	s14 =	sadd.s32 $0x40, s14;
	[tilespmem:s12+$0x10] =	vst v0  }
0x26: {  	v0 =	vld [tilespmem:$0x4E00]  }
0x27: {  	v1 =	vld [tilespmem:$0x4E10];
	_ =	sdelay $0x2  }
0x28: {  	s10 =	sadd.s32 $0x1, s10  }
0x29: {  	p0 =	sne.s32 s10, $0x19;
	[tilespmem:$0x9C20] =	vst v0  }
.Ltmp1:
0x2a: {  	s11 =	sadd.s32 s4, s11;
	[tilespmem:$0x9C30] =	vst v1;
	(pc) =	sbr.rel @p0 .LBB2_2-.Ltmp1, $4  }
0x2b: {  	[hbm4b:s11+s2] =	stream.linear.scatter [tilespmem:s8], [sflag:$0x1], $0x4E20, $0x38;
	[tilespmem:$0x9C40] =	vst v63  }
0x2c: {  	_ =	swait.ge [sflag:s7], $0x4E20  }
0x2d: {  	[sflag:s7] =	ssyncset.done $0x0  }
0x2e: {  	[sflag:s7] =	ssyncadd.s32 $0xFFFFB1E0  }
0x2f: {  	s9 =	sadd.s32 $0x1, s9  }
0x30: {  	p0 =	sne.s32 s9, s6  }
.Ltmp2:
0x31: {  	_ = 	snop;
	(pc) =	sbr.rel @p0 .LBB2_1-.Ltmp2, $1  }
0x32: {  	_ =	sdelay $0x3  }
0x33: {  	_ =	sfence.sel $0x180000  }
0x34: {  	[bflag:$0x0] =	sbarrier.arrive $0xFFFF  }
0x35: {  	p0 =	sne.s32 s1, $0x0;
	_ =	strace $0x9000004A  }
0x36: {  	s0 =	sadd.s32 @!p0 $0x100000, s0;
	[bflag:$0x2] =	sbarrier.arrive $0xFFFF  }
0x37: {  	[sflag:s0] =	ssyncadd.tile.s32 @!p0 $0x1;
	_ =	shalt  }
.Lfunc_end2:
_tile_overlayer_lowered:
.L_overlay_start_2:
0x38: {  	(tag) =	ssettag $0x2  }
0x39: {  	s0 =	rddreg [dreg:$0x0];
	s2 =	stileid.u32  }
0x3a: {  	s1 =	rddreg [dreg:$0x1];
	p0 =	sne.s32 s2, $0x0  }
0x3b: {  	s3 =	rddreg [dreg:$0x2];
	[bflag:$0x3] =	sbarrier.arrive $0xFFFF;
	s2 =	simm.s32 @!p0 $0x1C01  }
0x3c: {  	[timem:s3], [sflag:s2] =	dma.local @!p0 [hbm:s0], s1  }
0x3d: {  	s0 =	simm.s32 @!p0 $0x1  }
0x3e: {  	_ =	swait.ge @!p0 [sflag:s0], s1  }
0x3f: {  	s1 =	ssub.s32 @!p0 $0x0, s1;
	[sflag:s0] =	ssyncset.done @!p0 $0x0  }
0x40: {  	[sflag:s0] =	ssyncadd.s32 @!p0 s1  }
0x41: {  	[bflag:$0x3] =	sbarrier.arrive $0xFFFF  }
0x42: {  	_ =	shalt  }

// kernel: kernel.7.cloned.1.call-start
scs
__scs_entry_jumppad:
0x0: {  	(pc) =	sbr.rel $0x88, $3  }
0x1: {  	(tag) =	ssettag $0x0;
	lr =	simm.s32 $0x1  }
0x2: {  	[smem:$0x3F9E] =	sst lr;
	_ =	strace $0xD0000000  }
0x3: {  	_ = 	snop  }
0x4: {  	_ = 	snop  }
0x5: {  	_ = 	snop  }
0x6: {  	_ = 	snop  }
0x7: {  	_ = 	snop  }
__scs_overlays_trampoline_lowered:
0x8: {  	[smem:$0x3FAD] =	sst s0  }
0x9: {  	[smem:$0x3FAE] =	sst s1  }
0xa: {  	[smem:$0x3FAF] =	sst s2  }
0xb: {  	[smem:$0x3FB0] =	sst s3  }
0xc: {  	[smem:$0x3FB1] =	sst s4  }
0xd: {  	[smem:$0x3FB2] =	sst s5  }
0xe: {  	[smem:$0x3FB3] =	sst s6  }
0xf: {  	[smem:$0x3FB4] =	sst s7  }
0x10: {  	[smem:$0x3FB5] =	sst s8  }
0x11: {  	[smem:$0x3FB6] =	sst s9;
	s0 =	simm.s32 @!p0 $0x0  }
0x12: {  	s1 =	sld [smem:$0x3F9C];
	s0 =	simm.s32 @p0 $0x1  }
0x13: {  	[smem:$0x3FB7] =	sst s0;
	s0 =	simm.s32 @!p1 $0x0  }
0x14: {  	s2 =	sld [smem:$0x3F9B];
	s0 =	simm.s32 @p1 $0x1  }
0x15: {  	[smem:$0x3FB8] =	sst s0;
	s0 =	simm.s32 @!p2 $0x0  }
0x16: {  	s3 =	sld [smem:$0x3FDB];
	s0 =	simm.s32 @p2 $0x1  }
0x17: {  	s4 =	simm.s32 $0x1BF5;
	[smem:$0x3FBA] =	sst s0  }
0x18: {  	s0 =	sld [smem:$0x3F9D];
	_ =	swait.ge [sflag:s4], $0x0  }
0x19: {  	s7 =	sld [smem:$0x3F9E]  }
0x1a: {  	s8 =	sadd.s32 $0xFFFFE003, lr  }
0x1b: {  	s9 =	sadd.s32 $0xFFFFFEF7, lr;
	s5 =	simm.s32 $0xFFFFFFFF;
	p2 =	slt.u32 s8, $0xFFFFF086  }
0x1c: {  	p1 =	slt.u32 s9, $0xF7A;
	s5 =	simm.s32 @!p2 $0x0  }
0x1d: {  	s5 =	simm.s32 @p1 $0x1;
	p0 =	seq.s32 s7, s2  }
0x1e: {  	s7 =	smul.u32 @!p0 $0xF7A, s2;
	p2 =	seq.s32 @!p0 s5, $0x0  }
0x1f: {  	s9 =	smul.u32 $0xF7A, s1;
	s8 =	simm.s32 @!p0 $0x1BF5;
	p2 =	por !p2, p0  }
0x20: {  	[sflag:s8] =	ssyncset.s32 @!p0 $0xFFFFF086;
	s6 =	sadd.s32 @!p0 s3, s7;
	s7 =	simm.s32 @!p0 $0x108  }
0x21: {  	s3 =	sadd.s32 s3, s9;
	s6 =	sadd.s32 @!p0 $0x88, s6;
	s7 =	simm.s32 @p2 $0x1082  }
0x22: {  	[simem:s7], [sflag:s8] =	dma.local @!p0 [hbm:s6], $0xF7A  }
0x23: {  	s9 =	sor.u32 $0xD0000000, s2;
	s6 =	simm.s32 $0x108;
	_ =	swait.ge @!p0 [sflag:s8], $0x0  }
0x24: {  	s3 =	sadd.s32 $0x88, s3;
	s6 =	simm.s32 @!p1 $0x1082;
	[sflag:s4] =	ssyncset.s32 $0xFFFFF086  }
0x25: {  	[simem:s6], [sflag:s4] =	dma.local [hbm:s3], $0xF7A  }
0x26: {  	[smem:$0x3F9E] =	sst s1;
	(tag) =	ssettag s2;
	_ =	strace s9  }
0x27: {  	s1 =	sld [smem:$0x3FAE]  }
0x28: {  	s2 =	sld [smem:$0x3FAF]  }
0x29: {  	s4 =	sld [smem:$0x3FB1]  }
0x2a: {  	p0 =	seq.s32 s5, $0x0;
	s5 =	sld [smem:$0x3FB2]  }
0x2b: {  	s6 =	sld [smem:$0x3FB3]  }
0x2c: {  	s7 =	sld [smem:$0x3FB4]  }
0x2d: {  	s3 =	simm.s32 $0x108;
	s8 =	sld [smem:$0x3FB5]  }
0x2e: {  	s3 =	simm.s32 @!p0 $0x1082;
	s9 =	sld [smem:$0x3FB6]  }
0x2f: {  	lr =	sadd.s32 s0, s3;
	s0 =	sld [smem:$0x3FAD]  }
0x30: {  	s3 =	sld [smem:$0x3FB0]  }
0x31: {  	[smem:$0x3FB9] =	sst s10  }
0x32: {  	s10 =	sld [smem:$0x3FB7];
	_ =	sdelay $0x3  }
0x33: {  	p0 =	seq.s32 s10, $0x1;
	s10 =	sld [smem:$0x3FB9];
	_ =	sdelay $0x3  }
0x34: {  	[smem:$0x3FB9] =	sst s10  }
0x35: {  	s10 =	sld [smem:$0x3FB8];
	_ =	sdelay $0x3  }
0x36: {  	p1 =	seq.s32 s10, $0x1;
	s10 =	sld [smem:$0x3FB9];
	_ =	sdelay $0x3  }
0x37: {  	[smem:$0x3FB9] =	sst s10  }
0x38: {  	s10 =	sld [smem:$0x3FBA]  }
0x39: {  	_ = 	snop;
	(pc) =	sbr.ind lr, $3  }
0x3a: {  	_ = 	snop  }
0x3b: {  	_ = 	snop  }
0x3c: {  	p2 =	seq.s32 s10, $0x1;
	s10 =	sld [smem:$0x3FB9]  }
0x3d: {  	_ =	shalt  }
0x3e: {  	_ =	shalt  }
0x3f: {  	_ =	shalt  }
0x40: {  	_ =	shalt  }
0x41: {  	_ =	shalt  }
0x42: {  	_ =	shalt  }
0x43: {  	_ =	shalt  }
0x44: {  	_ =	shalt  }
0x45: {  	_ =	shalt  }
0x46: {  	_ =	shalt  }
0x47: {  	_ =	shalt  }
0x48: {  	_ =	shalt  }
0x49: {  	_ =	shalt  }
0x4a: {  	_ =	shalt  }
0x4b: {  	_ =	shalt  }
0x4c: {  	_ =	shalt  }
0x4d: {  	_ =	shalt  }
0x4e: {  	_ =	shalt  }
0x4f: {  	_ =	shalt  }
0x50: {  	_ =	shalt  }
0x51: {  	_ =	shalt  }
0x52: {  	_ =	shalt  }
0x53: {  	_ =	shalt  }
0x54: {  	_ =	shalt  }
0x55: {  	_ =	shalt  }
0x56: {  	_ =	shalt  }
0x57: {  	_ =	shalt  }
0x58: {  	_ =	shalt  }
0x59: {  	_ =	shalt  }
0x5a: {  	_ =	shalt  }
0x5b: {  	_ =	shalt  }
0x5c: {  	_ =	shalt  }
0x5d: {  	_ =	shalt  }
0x5e: {  	_ =	shalt  }
0x5f: {  	_ =	shalt  }
0x60: {  	_ =	shalt  }
0x61: {  	_ =	shalt  }
0x62: {  	_ =	shalt  }
0x63: {  	_ =	shalt  }
0x64: {  	_ =	shalt  }
0x65: {  	_ =	shalt  }
0x66: {  	_ =	shalt  }
0x67: {  	_ =	shalt  }
0x68: {  	_ =	shalt  }
0x69: {  	_ =	shalt  }
0x6a: {  	_ =	shalt  }
0x6b: {  	_ =	shalt  }
0x6c: {  	_ =	shalt  }
0x6d: {  	_ =	shalt  }
0x6e: {  	_ =	shalt  }
0x6f: {  	_ =	shalt  }
0x70: {  	_ =	shalt  }
0x71: {  	_ =	shalt  }
0x72: {  	_ =	shalt  }
0x73: {  	_ =	shalt  }
0x74: {  	_ =	shalt  }
0x75: {  	_ =	shalt  }
0x76: {  	_ =	shalt  }
0x77: {  	_ =	shalt  }
0x78: {  	_ =	shalt  }
0x79: {  	_ =	shalt  }
0x7a: {  	_ =	shalt  }
0x7b: {  	_ =	shalt  }
0x7c: {  	_ =	shalt  }
0x7d: {  	_ =	shalt  }
0x7e: {  	_ =	shalt  }
0x7f: {  	_ =	shalt  }
0x80: {  	_ =	shalt  }
0x81: {  	_ =	shalt  }
0x82: {  	_ =	shalt  }
0x83: {  	_ =	shalt  }
0x84: {  	_ =	shalt  }
0x85: {  	_ =	shalt  }
0x86: {  	_ =	shalt  }
0x87: {  	_ =	shalt  }
.Lfunc_end0:
.L_simem_size_0:
called_computation.3_lowered:
.L_overlay_start_0:
0x88: {  	s2 =	sld [smem:$0x3FD9]  }
0x89: {  	s3 =	sld [smem:$0x3FFE];
	_ =	sdelay $0x1  }
0x8a: {  	s1 =	srdreg.scid  }
0x8b: {  	s0 =	sand.u32 $0x1, s1  }
0x8c: {  	s17 =	sshll.u32 s0, $0xA;
	s2 =	sadd.s32 s3, s2  }
0x8d: {  	s2 =	sadd.s32 s2, s17  }
0x8e: {  	[smem:$0x3FC5] =	sst s2  }
0x8f: {  	_ = 	snop  }
0x90: {  	s2 =	sld [smem:$0x3FC7]  }
0x91: {  	s18 =	sld [smem:$0x3FD0];
	(tm) =	ssettm $0x1  }
0x92: {  	s4 =	sld [smem:$0x3FFB];
	_ =	sdelay $0x3  }
0x93: {  	_ =	strace s4  }
0x94: {  	s4 =	sld [smem:$0x3FFC];
	_ =	sdelay $0x3  }
0x95: {  	_ =	strace s4  }
0x96: {  	s4 =	sld [smem:$0x3FFD];
	_ =	sdelay $0x3  }
0x97: {  	_ =	strace s4  }
0x98: {  	_ =	strace $0x8FFFFFFF  }
0x99: {  	s19 =	sld [smem:$0x3FDB];
	_ =	sdelay $0x1  }
0x9a: {  	s5 =	simm.s32 $_scs_section_size  }
0x9b: {  	s6 =	simm.s32 $_size__tile_overlayer_lowered;
	s7 =	simm.s32 $_tile_overlayer_lowered  }
0x9c: {  	s22 =	simm.s32 $0x1BFF;
	s21 =	sshll.u32 s7, $0x1;
	s4 =	sadd.s32 s5, s19  }
0x9d: {  	s8 =	simm.s32 $0x0;
	s20 =	sshll.u32 s6, $0x1;
	s6 =	sadd.s32 s21, s4  }
0x9e: {  	[timem:s8], [sflag:s22] =	dma.local [hbm:s6], s20  }
0x9f: {  	_ =	swait.ge [sflag:s22], s20  }
0xa0: {  	s5 =	ssub.s32 $0x0, s20;
	[sflag:s22] =	ssyncset.done $0x0  }
0xa1: {  	[sflag:s22] =	ssyncadd.s32 s5;
	_ =	sdelay $0x1  }
0xa2: {  	s23 =	simm.s32 $0x1B8B  }
0xa3: {  	_ =	swait.ge [sflag:s23], $0x1  }
0xa4: {  	[sflag:s23] =	ssyncset.done $0x0  }
0xa5: {  	s25 =	simm.s32 $0x1B8E;
	s24 =	sld [smem:$0x3FFE];
	[sflag:s23] =	ssyncadd.s32 $0xFFFFFFFF  }
0xa6: {  	s26 =	simm.s32 $execute0_lowered;
	[smem:$0x3FD2] =	sst s25  }
0xa7: {  	s6 =	sshll.u32 s26, $0x1;
	_ =	strace $0x8000004C;
	[dreg:$0x1] =	wrdreg $0xFFFFFFFF  }
0xa8: {  	s28 =	simm.s32 $_size_execute0_lowered;
	s4 =	sadd.s32 s4, s6;
	[dreg:$0x0] =	wrdreg $0x0  }
0xa9: {  	s6 =	sshll.u32 s28, $0x1;
	[dreg:$0x2] =	wrdreg s4  }
0xaa: {  	[dreg:$0x3] =	wrdreg s6  }
0xab: {  	[dreg:$0x4] =	wrdreg $0xC0  }
0xac: {  	_ =	task [dreg:s8], $0x5FFFF  }
0xad: {  	[dreg:$0x1] =	wrdreg $0xFFFFFFFF  }
0xae: {  	[dreg:$0x0] =	wrdreg $0x60  }
0xaf: {  	[dreg:$0x2] =	wrdreg s24  }
0xb0: {  	[dreg:$0x3] =	wrdreg s2  }
0xb1: {  	[dreg:$0x4] =	wrdreg s18  }
0xb2: {  	[dreg:$0x5] =	wrdreg $0x9  }
0xb3: {  	_ =	task.clear_ibuf [dreg:s8], $0x6FFFF;
	_ =	strace $0x9000004C  }
0xb4: {  	s29 =	simm.s32 $0x9;
	_ =	strace $0x8000004E  }
0xb5: {  	_ =	swait.ge [sflag:s29], $0x1  }
0xb6: {  	[sflag:s29] =	ssyncadd.s32 $0xFFFFFFFF  }
0xb7: {  	_ =	strace $0x9000004E  }
0xb8: {  	_ =	sfence  }
0xb9: {  	s30 =	sld [smem:$0x0];
	_ =	sdelay $0x2  }
0xba: {  	s31 =	sshll.u32 s1, $0xD;
	s1 =	sshrl.u32 s1, $0x2  }
0xbb: {  	s3 =	sand.u32 $0x4000, s31;
	s1 =	sadd.s32 s1, s30  }
0xbc: {  	s0 =	sor.u32 s3, s0;
	s1 =	sshll.u32 s1, $0x11  }
0xbd: {  	s0 =	sor.u32 s1, s0  }
0xbe: {  	s0 =	sadd.s32 $0x8F2B, s0  }
0xbf: {  	[sflag:s0] =	ssyncadd.remote.s32 $0x1  }
0xc0: {  	_ =	sfence.sel $0xFFFF  }
0xc1: {  	[dreg:$0x0] =	wrdreg $0xFFFFFFFF;
	(pc) =	sbr.abs _section_cstart, $3  }
0xc2: {  	[dreg:$0x1] =	wrdreg $0xFFFFFFFF  }
0xc3: {  	_ =	task.clear_ibuf [dreg:s8], $0x2FFFF;
	_ =	strace $0x9FFFFFFF  }
0xc4: {  	(tm) =	ssettm $0x7FFFFFFF  }
0xc5: {  	_ =	shalt  }
tec
execute0_lowered:
.L_overlay_start_1:
0x0: {  	(tag) =	ssettag $0x1  }
0x1: {  	s0 =	rddreg [dreg:$0x0];
	s1 =	srdreg.scid  }
0x2: {  	s2 =	rddreg [dreg:$0x1];
	s4 =	stileid.u32  }
0x3: {  	s3 =	rddreg [dreg:$0x2];
	s9 =	simm.s32 $0x5;
	s10 =	simm.s32 $0x80  }
0x4: {  	s12 =	simm.s32 $0x7D00;
	s13 =	simm.s32 $0x48;
	s14 =	simm.s32 $0x6C00  }
0x5: {  	s15 =	simm.s32 $0x7D80;
	s16 =	simm.s32 $0x1;
	s17 =	simm.s32 $0x7080  }
0x6: {  	v1 =	vlaneseq.u32;
	v6 =	vimm.s32 $0x1;
	v7 =	vimm.s32 $0x2;
	s18 =	simm.s32 $0x7DC8;
	s19 =	simm.s32 $0x7880;
	s20 =	simm.s32 $0x7E48  }
0x7: {  	v8 =	vimm.s32 $0x3;
	v9 =	vimm.s32 $0x4;
	v10 =	vimm.s32 $0x5;
	s21 =	simm.s32 $0x7E90;
	s22 =	simm.s32 $0x2;
	s1 =	sand.u32 $0x1, s1  }
0x8: {  	v11 =	vimm.s32 $0x6;
	v12 =	vimm.s32 $0x7;
	v13 =	vimm.s32 $0x8;
	s23 =	simm.s32 $0xB090;
	s4 =	sshll.u32 s4, $0x8;
	s5 =	sshll.u32 s1, $0x7  }
0x9: {  	v14 =	vimm.s32 $0x9;
	v15 =	vimm.s32 $0xA;
	v16 =	vimm.s32 $0xB;
	s24 =	simm.s32 $0x3;
	s25 =	simm.s32 $0x4;
	s4 =	sor.u32 s5, s4  }
0xa: {  	v17 =	vimm.s32 $0xC;
	v18 =	vimm.s32 $0xD;
	v0 =	vand.u32 $0x3, v1;
	s1 =	ssub.s32 $0x2, s1;
	s5 =	simm.s32 $0x0;
	s6 =	smul.u32 $0x19, s4  }
0xb: {  	v19 =	vimm.s32 $0xE;
	s26 =	simm.s32 $0x0;
	v1 =	vshrl.u32 v1, $0x2;
	v2 =	vmul.u32 $0xFFFFFFF8, v0;
	s7 =	sshrl.u32 s1, $0x1;
	[smem:$0x7FF] =	sst s5  }
0xc: {  	v20 =	vimm.s32 $0xF;
	v0 =	vimm.s32 $0x0;
	v3 =	vor.u32 $0x4, v1;
	s1 =	ssub.s32 s1, s7;
	_ =	strace $0x8000004D;
	s8 =	sadd.s32 s6, s0  }
0xd: {  	v4 =	vor.u32 $0x8, v1;
	v5 =	vor.u32 $0xC, v1;
	v2 =	vadd.s32 $0x18, v2;
	s6 =	sadd.s32 $0x1E9800, s0;
	s7 =	sadd.s32 $0x3D1E00, s8;
	s8 =	smax.u32 s1, $0x1  }
.LBB2_1:
0xe: {  	[tilespmem:s5], [sflag:$0x5] =	stream.linear.gather [hbm4b:s7+s5], $0x6400, $0x38;
	[tilespmem:$0xE290] =	vst v63  }
0xf: {  	_ =	swait.ge [sflag:s9], $0x6400  }
0x10: {  	[sflag:s9] =	ssyncset.done $0x0  }
0x11: {  	s0 =	simm.s32 $0x6400;
	[sflag:s9] =	ssyncadd.s32 $0xFFFF9C00  }
0x12: {  	[tilespmem:s0], [sflag:$0x1] =	stream.indirect.gather [hbm4b:s6+s10], $0x10, s5, s10, $0xb8;
	[tilespmem:$0xE290] =	vst v63  }
0x13: {  	_ = 	snop  }
0x14: {  	[tilespmem:s12], [sflag:$0x1] =	stream.indirect.gather [hbm4b:s2+s10], $0x1, s5, s10, $0xb8;
	[tilespmem:$0xE290] =	vst v63  }
0x15: {  	_ = 	snop  }
0x16: {  	[tilespmem:s14], [sflag:$0x1] =	stream.indirect.gather [hbm4b:s6+s13], $0x10, s10, s13, $0xb8;
	[tilespmem:$0xE290] =	vst v63  }
0x17: {  	s28 =	simm.s32 $0x0  }
0x18: {  	[tilespmem:s15], [sflag:$0x1] =	stream.indirect.gather [hbm4b:s2+s13], $0x1, s10, s13, $0xb8;
	[tilespmem:$0xE290] =	vst v63  }
.LBB2_2:
0x19: {  	_ =	swait.ge [sflag:s16], $0xC80  }
0x1a: {  	[sflag:s16] =	ssyncset.done $0x0  }
0x1b: {  	s29 =	sshllo.u32 s28, $0x1;
	[sflag:s16] =	ssyncadd.s32 $0xFFFFF380  }
0x1c: {  	s0 =	smul.u32 $0x320, s29;
	_ =	swait.ge [sflag:s16], $0xC8  }
0x1d: {  	[sflag:s16] =	ssyncset.done $0x0  }
0x1e: {  	s0 =	sshra.s32 s0, $0x2;
	[sflag:s16] =	ssyncadd.s32 $0xFFFFFF38  }
0x1f: {  	[tilespmem:s17], [sflag:$0x2] =	stream.indirect.gather [hbm4b:s6+s10], $0x10, s0, s10, $0xb8;
	[tilespmem:$0xE290] =	vst v63  }
0x20: {  	_ = 	snop  }
0x21: {  	[tilespmem:s18], [sflag:$0x2] =	stream.indirect.gather [hbm4b:s2+s10], $0x1, s0, s10, $0xb8;
	[tilespmem:$0xE290] =	vst v63  }
0x22: {  	s0 =	sadd.s32 $0x80, s0  }
0x23: {  	[tilespmem:s19], [sflag:$0x2] =	stream.indirect.gather [hbm4b:s6+s13], $0x10, s0, s13, $0xb8;
	[tilespmem:$0xE290] =	vst v63  }
0x24: {  	p0 =	seq.s32 s28, $0x0  }
0x25: {  	[tilespmem:s20], [sflag:$0x2] =	stream.indirect.gather [hbm4b:s2+s13], $0x1, s0, s13, $0xb8;
	[tilespmem:$0xE290] =	vst v63  }
0x26: {  	s0 =	simm.s32 @!p0 $0x3  }
0x27: {  	_ =	swait.ge @!p0 [sflag:s0], $0x3200  }
0x28: {  	s30 =	sshll.u32 s28, $0x1;
	s31 =	simm.s32 $0x0;
	[sflag:s0] =	ssyncset.done @!p0 $0x0  }
0x29: {  	s1 =	simm.s32 $0x8090;
	[sflag:s0] =	ssyncadd.s32 @!p0 $0xFFFFCE00;
	s0 =	simm.s32 $0x6480  }
.LBB2_3:
0x2a: {  	v22 =	vld [tilespmem:s0+$0xFFFFFF80];
	_ =	sdelay $0x1  }
0x2b: {  	s11 =	sshra.s32 s31, $0x2  }
0x2c: {  	v21 =	vld [tilespmem:s11+$0x7D00];
	_ =	sdelay $0x1  }
0x2d: {  	v23 =	vperm.xlane v22, v1  }
0x2e: {  	v24 =	vperm.xlane v22, v3  }
0x2f: {  	v26 =	vperm.xlane v22, v4;
	v22 =	vperm.xlane v22, v5;
	v23 =	vshll.u32 v23, v2  }
0x30: {  	v25 =	vperm.xlane v21, v0;
	v24 =	vshll.u32 v24, v2;
	v23 =	vshra.s32 v23, $0x18  }
0x31: {  	v22 =	vshll.u32 v22, v2;
	v24 =	vshra.s32 v24, $0x18;
	v23 =	vcvt.s32.f32 v23  }
0x32: {  	v26 =	vshll.u32 v26, v2;
	v22 =	vshra.s32 v22, $0x18;
	v24 =	vcvt.s32.f32 v24  }
0x33: {  	v26 =	vshra.s32 v26, $0x18;
	v22 =	vcvt.s32.f32 v22;
	v23 =	vmul.f32 v23, v25  }
0x34: {  	v26 =	vcvt.s32.f32 v26;
	v24 =	vmul.f32 v24, v25  }
0x35: {  	v22 =	vmul.f32 v22, v25;
	[tilespmem:s1+$0xFFFFFE00] =	vst v23  }
0x36: {  	v23 =	vmul.f32 v26, v25;
	[tilespmem:s1+$0xFFFFFE10] =	vst v24  }
0x37: {  	[tilespmem:s1+$0xFFFFFE30] =	vst v22  }
0x38: {  	[tilespmem:s1+$0xFFFFFE20] =	vst v23  }
0x39: {  	v22 =	vld [tilespmem:s0+$0xFFFFFF90];
	_ =	sdelay $0x4  }
0x3a: {  	v23 =	vperm.xlane v22, v1  }
0x3b: {  	v56 =	vperm.xlane v22, v3  }
0x3c: {  	v58 =	vperm.xlane v22, v4;
	v22 =	vperm.xlane v22, v5;
	v23 =	vshll.u32 v23, v2  }
0x3d: {  	v57 =	vperm.xlane v21, v6;
	v24 =	vshll.u32 v56, v2;
	v23 =	vshra.s32 v23, $0x18  }
0x3e: {  	v22 =	vshll.u32 v22, v2;
	v24 =	vshra.s32 v24, $0x18;
	v23 =	vcvt.s32.f32 v23  }
0x3f: {  	v26 =	vshll.u32 v58, v2;
	v22 =	vshra.s32 v22, $0x18;
	v24 =	vcvt.s32.f32 v24  }
0x40: {  	v26 =	vshra.s32 v26, $0x18;
	v22 =	vcvt.s32.f32 v22;
	v23 =	vmul.f32 v23, v57  }
0x41: {  	v26 =	vcvt.s32.f32 v26;
	v24 =	vmul.f32 v24, v57  }
0x42: {  	v22 =	vmul.f32 v22, v57;
	[tilespmem:s1+$0xFFFFFE40] =	vst v23  }
0x43: {  	v23 =	vmul.f32 v26, v57;
	[tilespmem:s1+$0xFFFFFE50] =	vst v24  }
0x44: {  	[tilespmem:s1+$0xFFFFFE70] =	vst v22  }
0x45: {  	[tilespmem:s1+$0xFFFFFE60] =	vst v23  }
0x46: {  	v22 =	vld [tilespmem:s0+$0xFFFFFFA0];
	_ =	sdelay $0x4  }
0x47: {  	v23 =	vperm.xlane v22, v1  }
0x48: {  	v59 =	vperm.xlane v22, v3  }
0x49: {  	v61 =	vperm.xlane v22, v4;
	v22 =	vperm.xlane v22, v5;
	v23 =	vshll.u32 v23, v2  }
0x4a: {  	v60 =	vperm.xlane v21, v7;
	v24 =	vshll.u32 v59, v2;
	v23 =	vshra.s32 v23, $0x18  }
0x4b: {  	v22 =	vshll.u32 v22, v2;
	v24 =	vshra.s32 v24, $0x18;
	v23 =	vcvt.s32.f32 v23  }
0x4c: {  	v26 =	vshll.u32 v61, v2;
	v22 =	vshra.s32 v22, $0x18;
	v24 =	vcvt.s32.f32 v24  }
0x4d: {  	v26 =	vshra.s32 v26, $0x18;
	v22 =	vcvt.s32.f32 v22;
	v23 =	vmul.f32 v23, v60  }
0x4e: {  	v26 =	vcvt.s32.f32 v26;
	v24 =	vmul.f32 v24, v60  }
0x4f: {  	v22 =	vmul.f32 v22, v60;
	[tilespmem:s1+$0xFFFFFE80] =	vst v23  }
0x50: {  	v23 =	vmul.f32 v26, v60;
	[tilespmem:s1+$0xFFFFFE90] =	vst v24  }
0x51: {  	[tilespmem:s1+$0xFFFFFEB0] =	vst v22  }
0x52: {  	[tilespmem:s1+$0xFFFFFEA0] =	vst v23  }
0x53: {  	v22 =	vld [tilespmem:s0+$0xFFFFFFB0];
	_ =	sdelay $0x4  }
0x54: {  	v23 =	vperm.xlane v22, v1  }
0x55: {  	v62 =	vperm.xlane v22, v3  }
0x56: {  	v28 =	vperm.xlane v22, v4;
	v22 =	vperm.xlane v22, v5;
	v23 =	vshll.u32 v23, v2  }
0x57: {  	v63 =	vperm.xlane v21, v8;
	v24 =	vshll.u32 v62, v2;
	v23 =	vshra.s32 v23, $0x18  }
0x58: {  	v22 =	vshll.u32 v22, v2;
	v24 =	vshra.s32 v24, $0x18;
	v23 =	vcvt.s32.f32 v23  }
0x59: {  	v26 =	vshll.u32 v28, v2;
	v22 =	vshra.s32 v22, $0x18;
	v24 =	vcvt.s32.f32 v24  }
0x5a: {  	v26 =	vshra.s32 v26, $0x18;
	v22 =	vcvt.s32.f32 v22;
	v23 =	vmul.f32 v23, v63  }
0x5b: {  	v26 =	vcvt.s32.f32 v26;
	v24 =	vmul.f32 v24, v63  }
0x5c: {  	v22 =	vmul.f32 v22, v63;
	[tilespmem:s1+$0xFFFFFEC0] =	vst v23  }
0x5d: {  	v23 =	vmul.f32 v26, v63;
	[tilespmem:s1+$0xFFFFFED0] =	vst v24  }
0x5e: {  	[tilespmem:s1+$0xFFFFFEF0] =	vst v22  }
0x5f: {  	[tilespmem:s1+$0xFFFFFEE0] =	vst v23  }
0x60: {  	v22 =	vld [tilespmem:s0+$0xFFFFFFC0];
	_ =	sdelay $0x4  }
0x61: {  	v23 =	vperm.xlane v22, v1  }
0x62: {  	v29 =	vperm.xlane v22, v3  }
0x63: {  	v31 =	vperm.xlane v22, v4;
	v22 =	vperm.xlane v22, v5;
	v23 =	vshll.u32 v23, v2  }
0x64: {  	v30 =	vperm.xlane v21, v9;
	v24 =	vshll.u32 v29, v2;
	v23 =	vshra.s32 v23, $0x18  }
0x65: {  	v22 =	vshll.u32 v22, v2;
	v24 =	vshra.s32 v24, $0x18;
	v23 =	vcvt.s32.f32 v23  }
0x66: {  	v26 =	vshll.u32 v31, v2;
	v22 =	vshra.s32 v22, $0x18;
	v24 =	vcvt.s32.f32 v24  }
0x67: {  	v26 =	vshra.s32 v26, $0x18;
	v22 =	vcvt.s32.f32 v22;
	v23 =	vmul.f32 v23, v30  }
0x68: {  	v26 =	vcvt.s32.f32 v26;
	v24 =	vmul.f32 v24, v30  }
0x69: {  	v22 =	vmul.f32 v22, v30;
	[tilespmem:s1+$0xFFFFFF00] =	vst v23  }
0x6a: {  	v23 =	vmul.f32 v26, v30;
	[tilespmem:s1+$0xFFFFFF10] =	vst v24  }
0x6b: {  	[tilespmem:s1+$0xFFFFFF30] =	vst v22  }
0x6c: {  	[tilespmem:s1+$0xFFFFFF20] =	vst v23  }
0x6d: {  	v22 =	vld [tilespmem:s0+$0xFFFFFFD0];
	_ =	sdelay $0x4  }
0x6e: {  	v23 =	vperm.xlane v22, v1  }
0x6f: {  	v32 =	vperm.xlane v22, v3  }
0x70: {  	v34 =	vperm.xlane v22, v4;
	v22 =	vperm.xlane v22, v5;
	v23 =	vshll.u32 v23, v2  }
0x71: {  	v33 =	vperm.xlane v21, v10;
	v24 =	vshll.u32 v32, v2;
	v23 =	vshra.s32 v23, $0x18  }
0x72: {  	v22 =	vshll.u32 v22, v2;
	v24 =	vshra.s32 v24, $0x18;
	v23 =	vcvt.s32.f32 v23  }
0x73: {  	v26 =	vshll.u32 v34, v2;
	v22 =	vshra.s32 v22, $0x18;
	v24 =	vcvt.s32.f32 v24  }
0x74: {  	v26 =	vshra.s32 v26, $0x18;
	v22 =	vcvt.s32.f32 v22;
	v23 =	vmul.f32 v23, v33  }
0x75: {  	v26 =	vcvt.s32.f32 v26;
	v24 =	vmul.f32 v24, v33  }
0x76: {  	v22 =	vmul.f32 v22, v33;
	[tilespmem:s1+$0xFFFFFF40] =	vst v23  }
0x77: {  	v23 =	vmul.f32 v26, v33;
	[tilespmem:s1+$0xFFFFFF50] =	vst v24  }
0x78: {  	[tilespmem:s1+$0xFFFFFF70] =	vst v22  }
0x79: {  	[tilespmem:s1+$0xFFFFFF60] =	vst v23  }
0x7a: {  	v22 =	vld [tilespmem:s0+$0xFFFFFFE0];
	_ =	sdelay $0x4  }
0x7b: {  	v23 =	vperm.xlane v22, v1  }
0x7c: {  	v35 =	vperm.xlane v22, v3  }
0x7d: {  	v37 =	vperm.xlane v22, v4;
	v22 =	vperm.xlane v22, v5;
	v23 =	vshll.u32 v23, v2  }
0x7e: {  	v36 =	vperm.xlane v21, v11;
	v24 =	vshll.u32 v35, v2;
	v23 =	vshra.s32 v23, $0x18  }
0x7f: {  	v22 =	vshll.u32 v22, v2;
	v24 =	vshra.s32 v24, $0x18;
	v23 =	vcvt.s32.f32 v23  }
0x80: {  	v26 =	vshll.u32 v37, v2;
	v22 =	vshra.s32 v22, $0x18;
	v24 =	vcvt.s32.f32 v24  }
0x81: {  	v26 =	vshra.s32 v26, $0x18;
	v22 =	vcvt.s32.f32 v22;
	v23 =	vmul.f32 v23, v36  }
0x82: {  	v26 =	vcvt.s32.f32 v26;
	v24 =	vmul.f32 v24, v36  }
0x83: {  	v22 =	vmul.f32 v22, v36;
	[tilespmem:s1+$0xFFFFFF80] =	vst v23  }
0x84: {  	v23 =	vmul.f32 v26, v36;
	[tilespmem:s1+$0xFFFFFF90] =	vst v24  }
0x85: {  	[tilespmem:s1+$0xFFFFFFB0] =	vst v22  }
0x86: {  	[tilespmem:s1+$0xFFFFFFA0] =	vst v23  }
0x87: {  	v22 =	vld [tilespmem:s0+$0xFFFFFFF0];
	_ =	sdelay $0x4  }
0x88: {  	v23 =	vperm.xlane v22, v1  }
0x89: {  	v38 =	vperm.xlane v22, v3  }
0x8a: {  	v40 =	vperm.xlane v22, v4;
	v22 =	vperm.xlane v22, v5;
	v23 =	vshll.u32 v23, v2  }
0x8b: {  	v39 =	vperm.xlane v21, v12;
	v24 =	vshll.u32 v38, v2;
	v23 =	vshra.s32 v23, $0x18  }
0x8c: {  	v22 =	vshll.u32 v22, v2;
	v24 =	vshra.s32 v24, $0x18;
	v23 =	vcvt.s32.f32 v23  }
0x8d: {  	v26 =	vshll.u32 v40, v2;
	v22 =	vshra.s32 v22, $0x18;
	v24 =	vcvt.s32.f32 v24  }
0x8e: {  	v26 =	vshra.s32 v26, $0x18;
	v22 =	vcvt.s32.f32 v22;
	v23 =	vmul.f32 v23, v39  }
0x8f: {  	v26 =	vcvt.s32.f32 v26;
	v24 =	vmul.f32 v24, v39  }
0x90: {  	v22 =	vmul.f32 v22, v39;
	[tilespmem:s1+$0xFFFFFFC0] =	vst v23  }
0x91: {  	v23 =	vmul.f32 v26, v39;
	[tilespmem:s1+$0xFFFFFFD0] =	vst v24  }
0x92: {  	[tilespmem:s1+$0xFFFFFFF0] =	vst v22  }
0x93: {  	[tilespmem:s1+$0xFFFFFFE0] =	vst v23  }
0x94: {  	v22 =	vld [tilespmem:s0+$0x0];
	_ =	sdelay $0x4  }
0x95: {  	v23 =	vperm.xlane v22, v1  }
0x96: {  	v41 =	vperm.xlane v22, v3  }
0x97: {  	v43 =	vperm.xlane v22, v4;
	v22 =	vperm.xlane v22, v5;
	v23 =	vshll.u32 v23, v2  }
0x98: {  	v42 =	vperm.xlane v21, v13;
	v24 =	vshll.u32 v41, v2;
	v23 =	vshra.s32 v23, $0x18  }
0x99: {  	v22 =	vshll.u32 v22, v2;
	v24 =	vshra.s32 v24, $0x18;
	v23 =	vcvt.s32.f32 v23  }
0x9a: {  	v26 =	vshll.u32 v43, v2;
	v22 =	vshra.s32 v22, $0x18;
	v24 =	vcvt.s32.f32 v24  }
0x9b: {  	v26 =	vshra.s32 v26, $0x18;
	v22 =	vcvt.s32.f32 v22;
	v23 =	vmul.f32 v23, v42  }
0x9c: {  	v26 =	vcvt.s32.f32 v26;
	v24 =	vmul.f32 v24, v42  }
0x9d: {  	v22 =	vmul.f32 v22, v42;
	[tilespmem:s1+$0x0] =	vst v23  }
0x9e: {  	v23 =	vmul.f32 v26, v42;
	[tilespmem:s1+$0x10] =	vst v24  }
0x9f: {  	[tilespmem:s1+$0x30] =	vst v22  }
0xa0: {  	[tilespmem:s1+$0x20] =	vst v23  }
0xa1: {  	v22 =	vld [tilespmem:s0+$0x10];
	_ =	sdelay $0x4  }
0xa2: {  	v23 =	vperm.xlane v22, v1  }
0xa3: {  	v44 =	vperm.xlane v22, v3  }
0xa4: {  	v46 =	vperm.xlane v22, v4;
	v22 =	vperm.xlane v22, v5;
	v23 =	vshll.u32 v23, v2  }
0xa5: {  	v45 =	vperm.xlane v21, v14;
	v24 =	vshll.u32 v44, v2;
	v23 =	vshra.s32 v23, $0x18  }
0xa6: {  	v22 =	vshll.u32 v22, v2;
	v24 =	vshra.s32 v24, $0x18;
	v23 =	vcvt.s32.f32 v23  }
0xa7: {  	v26 =	vshll.u32 v46, v2;
	v22 =	vshra.s32 v22, $0x18;
	v24 =	vcvt.s32.f32 v24  }
0xa8: {  	v26 =	vshra.s32 v26, $0x18;
	v22 =	vcvt.s32.f32 v22;
	v23 =	vmul.f32 v23, v45  }
0xa9: {  	v26 =	vcvt.s32.f32 v26;
	v24 =	vmul.f32 v24, v45  }
0xaa: {  	v22 =	vmul.f32 v22, v45;
	[tilespmem:s1+$0x40] =	vst v23  }
0xab: {  	v23 =	vmul.f32 v26, v45;
	[tilespmem:s1+$0x50] =	vst v24  }
0xac: {  	[tilespmem:s1+$0x70] =	vst v22  }
0xad: {  	[tilespmem:s1+$0x60] =	vst v23  }
0xae: {  	v22 =	vld [tilespmem:s0+$0x20];
	_ =	sdelay $0x4  }
0xaf: {  	v23 =	vperm.xlane v22, v1  }
0xb0: {  	v47 =	vperm.xlane v22, v3  }
0xb1: {  	v49 =	vperm.xlane v22, v4;
	v22 =	vperm.xlane v22, v5;
	v23 =	vshll.u32 v23, v2  }
0xb2: {  	v48 =	vperm.xlane v21, v15;
	v24 =	vshll.u32 v47, v2;
	v23 =	vshra.s32 v23, $0x18  }
0xb3: {  	v22 =	vshll.u32 v22, v2;
	v24 =	vshra.s32 v24, $0x18;
	v23 =	vcvt.s32.f32 v23  }
0xb4: {  	v26 =	vshll.u32 v49, v2;
	v22 =	vshra.s32 v22, $0x18;
	v24 =	vcvt.s32.f32 v24  }
0xb5: {  	v26 =	vshra.s32 v26, $0x18;
	v22 =	vcvt.s32.f32 v22;
	v23 =	vmul.f32 v23, v48  }
0xb6: {  	v26 =	vcvt.s32.f32 v26;
	v24 =	vmul.f32 v24, v48  }
0xb7: {  	v22 =	vmul.f32 v22, v48;
	[tilespmem:s1+$0x80] =	vst v23  }
0xb8: {  	v23 =	vmul.f32 v26, v48;
	[tilespmem:s1+$0x90] =	vst v24  }
0xb9: {  	[tilespmem:s1+$0xB0] =	vst v22  }
0xba: {  	[tilespmem:s1+$0xA0] =	vst v23  }
0xbb: {  	v22 =	vld [tilespmem:s0+$0x30];
	_ =	sdelay $0x4  }
0xbc: {  	v23 =	vperm.xlane v22, v1  }
0xbd: {  	v50 =	vperm.xlane v22, v3  }
0xbe: {  	v52 =	vperm.xlane v22, v4;
	v22 =	vperm.xlane v22, v5;
	v23 =	vshll.u32 v23, v2  }
0xbf: {  	v51 =	vperm.xlane v21, v16;
	v24 =	vshll.u32 v50, v2;
	v23 =	vshra.s32 v23, $0x18  }
0xc0: {  	v22 =	vshll.u32 v22, v2;
	v24 =	vshra.s32 v24, $0x18;
	v23 =	vcvt.s32.f32 v23  }
0xc1: {  	v26 =	vshll.u32 v52, v2;
	v22 =	vshra.s32 v22, $0x18;
	v24 =	vcvt.s32.f32 v24  }
0xc2: {  	v26 =	vshra.s32 v26, $0x18;
	v22 =	vcvt.s32.f32 v22;
	v23 =	vmul.f32 v23, v51  }
0xc3: {  	v26 =	vcvt.s32.f32 v26;
	v24 =	vmul.f32 v24, v51  }
0xc4: {  	v22 =	vmul.f32 v22, v51;
	[tilespmem:s1+$0xC0] =	vst v23  }
0xc5: {  	v23 =	vmul.f32 v26, v51;
	[tilespmem:s1+$0xD0] =	vst v24  }
0xc6: {  	[tilespmem:s1+$0xF0] =	vst v22  }
0xc7: {  	[tilespmem:s1+$0xE0] =	vst v23  }
0xc8: {  	v22 =	vld [tilespmem:s0+$0x40];
	_ =	sdelay $0x4  }
0xc9: {  	v23 =	vperm.xlane v22, v1  }
0xca: {  	v53 =	vperm.xlane v22, v3  }
0xcb: {  	v55 =	vperm.xlane v22, v4;
	v22 =	vperm.xlane v22, v5;
	v23 =	vshll.u32 v23, v2  }
0xcc: {  	v54 =	vperm.xlane v21, v17;
	v24 =	vshll.u32 v53, v2;
	v23 =	vshra.s32 v23, $0x18  }
0xcd: {  	v22 =	vshll.u32 v22, v2;
	v24 =	vshra.s32 v24, $0x18;
	v23 =	vcvt.s32.f32 v23  }
0xce: {  	v26 =	vshll.u32 v55, v2;
	v22 =	vshra.s32 v22, $0x18;
	v24 =	vcvt.s32.f32 v24  }
0xcf: {  	v26 =	vshra.s32 v26, $0x18;
	v22 =	vcvt.s32.f32 v22;
	v23 =	vmul.f32 v23, v54  }
0xd0: {  	v26 =	vcvt.s32.f32 v26;
	v24 =	vmul.f32 v24, v54  }
0xd1: {  	v22 =	vmul.f32 v22, v54;
	[tilespmem:s1+$0x100] =	vst v23  }
0xd2: {  	v23 =	vmul.f32 v26, v54;
	[tilespmem:s1+$0x110] =	vst v24  }
0xd3: {  	[tilespmem:s1+$0x130] =	vst v22  }
0xd4: {  	[tilespmem:s1+$0x120] =	vst v23  }
0xd5: {  	v22 =	vld [tilespmem:s0+$0x50];
	_ =	sdelay $0x4  }
0xd6: {  	v23 =	vperm.xlane v22, v1  }
0xd7: {  	v56 =	vperm.xlane v22, v3  }
0xd8: {  	v58 =	vperm.xlane v22, v4;
	v22 =	vperm.xlane v22, v5;
	v23 =	vshll.u32 v23, v2  }
0xd9: {  	v57 =	vperm.xlane v21, v18;
	v24 =	vshll.u32 v56, v2;
	v23 =	vshra.s32 v23, $0x18  }
0xda: {  	v22 =	vshll.u32 v22, v2;
	v24 =	vshra.s32 v24, $0x18;
	v23 =	vcvt.s32.f32 v23  }
0xdb: {  	v26 =	vshll.u32 v58, v2;
	v22 =	vshra.s32 v22, $0x18;
	v24 =	vcvt.s32.f32 v24  }
0xdc: {  	v26 =	vshra.s32 v26, $0x18;
	v22 =	vcvt.s32.f32 v22;
	v23 =	vmul.f32 v23, v57  }
0xdd: {  	v26 =	vcvt.s32.f32 v26;
	v24 =	vmul.f32 v24, v57  }
0xde: {  	v22 =	vmul.f32 v22, v57;
	[tilespmem:s1+$0x140] =	vst v23  }
0xdf: {  	v23 =	vmul.f32 v26, v57;
	[tilespmem:s1+$0x150] =	vst v24  }
0xe0: {  	[tilespmem:s1+$0x170] =	vst v22  }
0xe1: {  	[tilespmem:s1+$0x160] =	vst v23  }
0xe2: {  	v22 =	vld [tilespmem:s0+$0x60];
	_ =	sdelay $0x4  }
0xe3: {  	v23 =	vperm.xlane v22, v1  }
0xe4: {  	v59 =	vperm.xlane v22, v3  }
0xe5: {  	v61 =	vperm.xlane v22, v4;
	v22 =	vperm.xlane v22, v5;
	v23 =	vshll.u32 v23, v2  }
0xe6: {  	v60 =	vperm.xlane v21, v19;
	v24 =	vshll.u32 v59, v2;
	v23 =	vshra.s32 v23, $0x18  }
0xe7: {  	v22 =	vshll.u32 v22, v2;
	v24 =	vshra.s32 v24, $0x18;
	v23 =	vcvt.s32.f32 v23  }
0xe8: {  	v26 =	vshll.u32 v61, v2;
	v22 =	vshra.s32 v22, $0x18;
	v24 =	vcvt.s32.f32 v24  }
0xe9: {  	v26 =	vshra.s32 v26, $0x18;
	v22 =	vcvt.s32.f32 v22;
	v23 =	vmul.f32 v23, v60  }
0xea: {  	v26 =	vcvt.s32.f32 v26;
	v24 =	vmul.f32 v24, v60  }
0xeb: {  	v22 =	vmul.f32 v22, v60;
	[tilespmem:s1+$0x180] =	vst v23  }
0xec: {  	v23 =	vmul.f32 v26, v60;
	[tilespmem:s1+$0x190] =	vst v24  }
0xed: {  	[tilespmem:s1+$0x1B0] =	vst v22  }
0xee: {  	[tilespmem:s1+$0x1A0] =	vst v23  }
0xef: {  	v22 =	vld [tilespmem:s0+$0x70];
	_ =	sdelay $0x4  }
0xf0: {  	v23 =	vperm.xlane v22, v1  }
0xf1: {  	v62 =	vperm.xlane v22, v3  }
0xf2: {  	v21 =	vperm.xlane v21, v20;
	v63 =	vperm.xlane v22, v4;
	v23 =	vshll.u32 v23, v2  }
0xf3: {  	v22 =	vperm.xlane v22, v5;
	v24 =	vshll.u32 v62, v2;
	v23 =	vshra.s32 v23, $0x18  }
0xf4: {  	v25 =	vshll.u32 v63, v2;
	v24 =	vshra.s32 v24, $0x18;
	v23 =	vcvt.s32.f32 v23  }
0xf5: {  	v22 =	vshll.u32 v22, v2;
	v25 =	vshra.s32 v25, $0x18;
	v24 =	vcvt.s32.f32 v24  }
0xf6: {  	p0 =	sne.s32 s31, $0x2C0;
	v22 =	vshra.s32 v22, $0x18;
	v25 =	vcvt.s32.f32 v25;
	v23 =	vmul.f32 v23, v21  }
.Ltmp0:
0xf7: {  	v22 =	vcvt.s32.f32 v22;
	v24 =	vmul.f32 v24, v21;
	(pc) =	sbr.rel @p0 .LBB2_3-.Ltmp0, $4  }
0xf8: {  	[tilespmem:s1+$0x1C0] =	vst v23;
	v23 =	vmul.f32 v25, v21  }
0xf9: {  	[tilespmem:s1+$0x1D0] =	vst v24;
	v21 =	vmul.f32 v22, v21  }
0xfa: {  	[tilespmem:s1+$0x1E0] =	vst v23  }
0xfb: {  	s31 =	sadd.s32 $0x40, s31;
	s0 =	sadd.s32 $0x100, s0;
	[tilespmem:s1+$0x1F0] =	vst v21;
	s1 =	sadd.s32 $0x400, s1  }
0xfc: {  	v22 =	vld [tilespmem:$0x7000]  }
0xfd: {  	v21 =	vld [tilespmem:$0x7DB8];
	_ =	sdelay $0x1  }
0xfe: {  	v27 =	vld [tilespmem:$0x7010];
	_ =	sdelay $0x1  }
0xff: {  	v31 =	vld [tilespmem:$0x7020];
	v23 =	vperm.xlane v22, v1  }
0x100: {  	v24 =	vperm.xlane v22, v3;
	v25 =	vperm.xlane v21, v13  }
0x101: {  	v26 =	vperm.xlane v22, v4;
	v22 =	vperm.xlane v22, v5  }
0x102: {  	v35 =	vld [tilespmem:$0x7030];
	v28 =	vperm.xlane v27, v1;
	v47 =	vperm.xlane v27, v3  }
0x103: {  	v29 =	vperm.xlane v21, v14;
	v30 =	vperm.xlane v27, v4  }
0x104: {  	v39 =	vld [tilespmem:$0x7040];
	v27 =	vperm.xlane v27, v5;
	v32 =	vperm.xlane v31, v1  }
0x105: {  	v48 =	vperm.xlane v31, v3;
	v33 =	vperm.xlane v21, v15  }
0x106: {  	v34 =	vperm.xlane v31, v4;
	v31 =	vperm.xlane v31, v5  }
0x107: {  	v43 =	vld [tilespmem:$0x7050];
	v36 =	vperm.xlane v35, v1;
	v49 =	vperm.xlane v35, v3  }
0x108: {  	v37 =	vperm.xlane v21, v16;
	v38 =	vperm.xlane v35, v4  }
0x109: {  	v63 =	vld [tilespmem:$0x7060];
	v35 =	vperm.xlane v35, v5;
	v40 =	vperm.xlane v39, v1  }
0x10a: {  	v50 =	vperm.xlane v39, v3;
	v41 =	vperm.xlane v21, v17  }
0x10b: {  	v42 =	vperm.xlane v39, v4;
	v39 =	vperm.xlane v39, v5  }
0x10c: {  	v57 =	vperm.xlane v43, v1;
	v58 =	vperm.xlane v43, v3  }
0x10d: {  	v59 =	vperm.xlane v21, v18;
	v60 =	vperm.xlane v43, v4  }
0x10e: {  	v62 =	vperm.xlane v43, v5;
	v43 =	vperm.xlane v63, v1  }
0x10f: {  	v44 =	vperm.xlane v63, v3;
	v45 =	vperm.xlane v21, v19  }
0x110: {  	v46 =	vperm.xlane v63, v4;
	v21 =	vperm.xlane v21, v20;
	v23 =	vshll.u32 v23, v2  }
0x111: {  	v24 =	vshll.u32 v24, v2;
	v26 =	vshll.u32 v26, v2;
	v22 =	vshll.u32 v22, v2  }
0x112: {  	v28 =	vshll.u32 v28, v2;
	v30 =	vshll.u32 v30, v2;
	v27 =	vshll.u32 v27, v2  }
0x113: {  	v32 =	vshll.u32 v32, v2;
	v34 =	vshll.u32 v34, v2;
	v31 =	vshll.u32 v31, v2  }
0x114: {  	v36 =	vshll.u32 v36, v2;
	v38 =	vshll.u32 v38, v2;
	v35 =	vshll.u32 v35, v2  }
0x115: {  	v51 =	vshll.u32 v42, v2;
	v39 =	vshll.u32 v39, v2;
	v23 =	vshra.s32 v23, $0x18  }
0x116: {  	v24 =	vshra.s32 v24, $0x18;
	v26 =	vshra.s32 v26, $0x18;
	v22 =	vshra.s32 v22, $0x18  }
0x117: {  	v28 =	vshra.s32 v28, $0x18;
	v30 =	vshra.s32 v30, $0x18;
	v27 =	vshra.s32 v27, $0x18  }
0x118: {  	v32 =	vshra.s32 v32, $0x18;
	v34 =	vshra.s32 v34, $0x18;
	v23 =	vcvt.s32.f32 v23  }
0x119: {  	v31 =	vshra.s32 v31, $0x18;
	v24 =	vcvt.s32.f32 v24;
	v26 =	vcvt.s32.f32 v26  }
0x11a: {  	v36 =	vshra.s32 v36, $0x18;
	v22 =	vcvt.s32.f32 v22;
	v28 =	vcvt.s32.f32 v28  }
0x11b: {  	v38 =	vshra.s32 v38, $0x18;
	v30 =	vcvt.s32.f32 v30;
	v27 =	vcvt.s32.f32 v27  }
0x11c: {  	v35 =	vshra.s32 v35, $0x18;
	v32 =	vcvt.s32.f32 v32;
	v34 =	vcvt.s32.f32 v34  }
0x11d: {  	v53 =	vshra.s32 v51, $0x18;
	v31 =	vcvt.s32.f32 v31;
	v36 =	vcvt.s32.f32 v36  }
0x11e: {  	v55 =	vshra.s32 v39, $0x18;
	v38 =	vcvt.s32.f32 v38;
	v35 =	vcvt.s32.f32 v35  }
0x11f: {  	v54 =	vcvt.s32.f32 v53;
	v56 =	vcvt.s32.f32 v55  }
0x120: {  	v23 =	vmul.f32 v23, v25;
	v24 =	vmul.f32 v24, v25  }
0x121: {  	v26 =	vmul.f32 v26, v25;
	v22 =	vmul.f32 v22, v25  }
0x122: {  	v28 =	vmul.f32 v28, v29;
	v30 =	vmul.f32 v30, v29  }
0x123: {  	v40 =	vshll.u32 v40, v2;
	v27 =	vmul.f32 v27, v29;
	v32 =	vmul.f32 v32, v33;
	[tilespmem:$0xAE90] =	vst v23  }
0x124: {  	v40 =	vshra.s32 v40, $0x18;
	v34 =	vmul.f32 v34, v33;
	v31 =	vmul.f32 v31, v33;
	[tilespmem:$0xAEA0] =	vst v24  }
0x125: {  	v25 =	vshll.u32 v47, v2;
	v36 =	vmul.f32 v36, v37;
	v38 =	vmul.f32 v38, v37;
	[tilespmem:$0xAEB0] =	vst v26  }
0x126: {  	v35 =	vmul.f32 v35, v37;
	v47 =	vperm.xlane v63, v5;
	v25 =	vshra.s32 v25, $0x18;
	[tilespmem:$0xAEC0] =	vst v22  }
0x127: {  	v25 =	vcvt.s32.f32 v25;
	v23 =	vcvt.s32.f32 v40;
	[tilespmem:$0xAED0] =	vst v28  }
0x128: {  	v26 =	vmul.f32 v54, v41;
	v24 =	vmul.f32 v56, v41;
	[tilespmem:$0xAEF0] =	vst v30  }
0x129: {  	v28 =	vshll.u32 v57, v2;
	[tilespmem:$0xAF40] =	vst v31;
	v31 =	vshll.u32 v43, v2;
	v30 =	vshll.u32 v44, v2  }
0x12a: {  	[tilespmem:$0xAF00] =	vst v27;
	v51 =	vshll.u32 v47, v2;
	v25 =	vmul.f32 v25, v29;
	v29 =	vshll.u32 v48, v2  }
0x12b: {  	[tilespmem:$0xAF10] =	vst v32;
	v61 =	vshra.s32 v28, $0x18;
	v28 =	vshll.u32 v62, v2;
	v29 =	vshra.s32 v29, $0x18  }
0x12c: {  	[tilespmem:$0xAF30] =	vst v34;
	v31 =	vshra.s32 v31, $0x18;
	v53 =	vshra.s32 v51, $0x18;
	v29 =	vcvt.s32.f32 v29  }
0x12d: {  	[tilespmem:$0xAF50] =	vst v36;
	v23 =	vmul.f32 v23, v41;
	v27 =	vcvt.s32.f32 v61;
	v28 =	vshra.s32 v28, $0x18  }
0x12e: {  	[tilespmem:$0xAF70] =	vst v38;
	v48 =	vld [tilespmem:$0x7070];
	v54 =	vcvt.s32.f32 v53;
	v29 =	vmul.f32 v29, v33;
	v33 =	vshll.u32 v49, v2  }
0x12f: {  	v28 =	vcvt.s32.f32 v28;
	[tilespmem:$0xAEE0] =	vst v25;
	v27 =	vmul.f32 v27, v59;
	v33 =	vshra.s32 v33, $0x18  }
0x130: {  	v25 =	vshll.u32 v58, v2;
	[tilespmem:$0xAF90] =	vst v23;
	v23 =	vcvt.s32.f32 v31;
	v33 =	vcvt.s32.f32 v33  }
0x131: {  	[tilespmem:$0xAFC0] =	vst v24;
	v24 =	vmul.f32 v54, v45;
	v25 =	vshra.s32 v25, $0x18;
	v28 =	vmul.f32 v28, v59  }
0x132: {  	[tilespmem:$0xAF80] =	vst v35;
	v25 =	vcvt.s32.f32 v25;
	v33 =	vmul.f32 v33, v37;
	v37 =	vshll.u32 v50, v2  }
0x133: {  	[tilespmem:$0xAFB0] =	vst v26;
	v23 =	vmul.f32 v23, v45;
	v55 =	vperm.xlane v48, v1;
	v37 =	vshra.s32 v37, $0x18  }
0x134: {  	v30 =	vshra.s32 v30, $0x18;
	[tilespmem:$0xAFD0] =	vst v27;
	v56 =	vperm.xlane v48, v3;
	v52 =	vcvt.s32.f32 v37  }
0x135: {  	v49 =	vshll.u32 v46, v2;
	[tilespmem:$0xB040] =	vst v24;
	v57 =	vperm.xlane v48, v4;
	v58 =	vperm.xlane v48, v5  }
0x136: {  	[tilespmem:$0xAF20] =	vst v29;
	v25 =	vmul.f32 v25, v59;
	v27 =	vshll.u32 v55, v2;
	v22 =	vmul.f32 v52, v41  }
0x137: {  	[tilespmem:$0xB010] =	vst v23;
	v61 =	vshll.u32 v58, v2;
	v50 =	vshra.s32 v49, $0x18;
	v41 =	vshll.u32 v60, v2  }
0x138: {  	v27 =	vshra.s32 v27, $0x18;
	v42 =	vshra.s32 v41, $0x18;
	[tilespmem:$0xAFA0] =	vst v22;
	v22 =	vcvt.s32.f32 v30  }
0x139: {  	[tilespmem:$0xAFE0] =	vst v25;
	v25 =	vshll.u32 v56, v2;
	v23 =	vcvt.s32.f32 v27;
	v29 =	vcvt.s32.f32 v42  }
0x13a: {  	[tilespmem:$0xB000] =	vst v28;
	v25 =	vshra.s32 v25, $0x18;
	v52 =	vcvt.s32.f32 v50;
	v22 =	vmul.f32 v22, v45  }
0x13b: {  	[tilespmem:$0xAF60] =	vst v33;
	v23 =	vmul.f32 v23, v21;
	v29 =	vmul.f32 v29, v59;
	v59 =	vshll.u32 v57, v2  }
0x13c: {  	v26 =	vmul.f32 v52, v45;
	v60 =	vshra.s32 v59, $0x18;
	[tilespmem:$0xB020] =	vst v22;
	v22 =	vcvt.s32.f32 v25  }
0x13d: {  	v62 =	vshra.s32 v61, $0x18;
	[tilespmem:$0xB050] =	vst v23;
	v25 =	vcvt.s32.f32 v60  }
0x13e: {  	v63 =	vcvt.s32.f32 v62;
	[tilespmem:$0xB030] =	vst v26;
	v22 =	vmul.f32 v22, v21  }
0x13f: {  	s0 =	sadd.s32 s4, s30;
	[tilespmem:$0xAFF0] =	vst v29;
	v23 =	vmul.f32 v25, v21  }
0x140: {  	s0 =	smul.u32 $0x640, s0;
	v21 =	vmul.f32 v63, v21;
	[tilespmem:$0xB060] =	vst v22  }
0x141: {  	[tilespmem:$0xB070] =	vst v23  }
0x142: {  	s0 =	sadd.s32 s3, s0;
	[tilespmem:$0xB080] =	vst v21  }
0x143: {  	[hbm4b:s0+s5] =	stream.linear.scatter [tilespmem:s21], [sflag:$0x3], $0x3200, $0x38;
	[tilespmem:$0xE290] =	vst v63  }
0x144: {  	_ =	swait.ge [sflag:s22], $0xC80  }
0x145: {  	p0 =	seq.s32 s28, $0x3F;
	[sflag:s22] =	ssyncset.done $0x0  }
0x146: {  	s0 =	smul.u32 @!p0 $0x640, s28;
	[sflag:s22] =	ssyncadd.s32 $0xFFFFF380  }
0x147: {  	_ =	swait.ge [sflag:s22], $0xC8  }
0x148: {  	s11 =	simm.s32 @!p0 $0x80;
	s0 =	sshra.s32 @!p0 s0, $0x2;
	[sflag:s22] =	ssyncset.done $0x0  }
0x149: {  	s30 =	simm.s32 @!p0 $0x6400;
	s1 =	sadd.s32 @!p0 $0x190, s0;
	[sflag:s22] =	ssyncadd.s32 $0xFFFFFF38  }
0x14a: {  	[tilespmem:s30], [sflag:$0x1] =	stream.indirect.gather @!p0 [hbm4b:s6+s11], $0x10, s1, s11, $0xb8;
	[tilespmem:$0xE290] =	vst v63  }
0x14b: {  	s30 =	simm.s32 @!p0 $0x7D00  }
0x14c: {  	[tilespmem:s30], [sflag:$0x1] =	stream.indirect.gather @!p0 [hbm4b:s2+s11], $0x1, s1, s11, $0xb8;
	[tilespmem:$0xE290] =	vst v63  }
0x14d: {  	s0 =	sadd.s32 @!p0 $0x210, s0;
	s1 =	simm.s32 @!p0 $0x48;
	s11 =	simm.s32 @!p0 $0x6C00  }
0x14e: {  	[tilespmem:s11], [sflag:$0x1] =	stream.indirect.gather @!p0 [hbm4b:s6+s1], $0x10, s0, s1, $0xb8;
	[tilespmem:$0xE290] =	vst v63  }
0x14f: {  	p1 =	seq.s32 @!p0 s28, $0x0;
	s11 =	simm.s32 @!p0 $0x7D80  }
0x150: {  	[tilespmem:s11], [sflag:$0x1] =	stream.indirect.gather @!p0 [hbm4b:s2+s1], $0x1, s0, s1, $0xb8;
	[tilespmem:$0xE290] =	vst v63  }
0x151: {  	p0 =	por p0, !p1  }
0x152: {  	_ =	swait.ge @p0 [sflag:s25], $0x3200  }
0x153: {  	s30 =	simm.s32 $0x0;
	[sflag:s25] =	ssyncset.done @p0 $0x0  }
0x154: {  	s1 =	simm.s32 $0xB290;
	s0 =	simm.s32 $0x7100;
	[sflag:s25] =	ssyncadd.s32 @p0 $0xFFFFCE00  }
.LBB2_5:
0x155: {  	v22 =	vld [tilespmem:s0+$0xFFFFFF80];
	_ =	sdelay $0x1  }
0x156: {  	s11 =	sshra.s32 s30, $0x2  }
0x157: {  	v21 =	vld [tilespmem:s11+$0x7DC8];
	_ =	sdelay $0x1  }
0x158: {  	v23 =	vperm.xlane v22, v1  }
0x159: {  	v24 =	vperm.xlane v22, v3  }
0x15a: {  	v26 =	vperm.xlane v22, v4;
	v22 =	vperm.xlane v22, v5;
	v23 =	vshll.u32 v23, v2  }
0x15b: {  	v25 =	vperm.xlane v21, v0;
	v24 =	vshll.u32 v24, v2;
	v23 =	vshra.s32 v23, $0x18  }
0x15c: {  	v22 =	vshll.u32 v22, v2;
	v24 =	vshra.s32 v24, $0x18;
	v23 =	vcvt.s32.f32 v23  }
0x15d: {  	v26 =	vshll.u32 v26, v2;
	v22 =	vshra.s32 v22, $0x18;
	v24 =	vcvt.s32.f32 v24  }
0x15e: {  	v26 =	vshra.s32 v26, $0x18;
	v22 =	vcvt.s32.f32 v22;
	v23 =	vmul.f32 v23, v25  }
0x15f: {  	v26 =	vcvt.s32.f32 v26;
	v24 =	vmul.f32 v24, v25  }
0x160: {  	v22 =	vmul.f32 v22, v25;
	[tilespmem:s1+$0xFFFFFE00] =	vst v23  }
0x161: {  	v23 =	vmul.f32 v26, v25;
	[tilespmem:s1+$0xFFFFFE10] =	vst v24  }
0x162: {  	[tilespmem:s1+$0xFFFFFE30] =	vst v22  }
0x163: {  	[tilespmem:s1+$0xFFFFFE20] =	vst v23  }
0x164: {  	v22 =	vld [tilespmem:s0+$0xFFFFFF90];
	_ =	sdelay $0x4  }
0x165: {  	v23 =	vperm.xlane v22, v1  }
0x166: {  	v56 =	vperm.xlane v22, v3  }
0x167: {  	v58 =	vperm.xlane v22, v4;
	v22 =	vperm.xlane v22, v5;
	v23 =	vshll.u32 v23, v2  }
0x168: {  	v57 =	vperm.xlane v21, v6;
	v24 =	vshll.u32 v56, v2;
	v23 =	vshra.s32 v23, $0x18  }
0x169: {  	v22 =	vshll.u32 v22, v2;
	v24 =	vshra.s32 v24, $0x18;
	v23 =	vcvt.s32.f32 v23  }
0x16a: {  	v26 =	vshll.u32 v58, v2;
	v22 =	vshra.s32 v22, $0x18;
	v24 =	vcvt.s32.f32 v24  }
0x16b: {  	v26 =	vshra.s32 v26, $0x18;
	v22 =	vcvt.s32.f32 v22;
	v23 =	vmul.f32 v23, v57  }
0x16c: {  	v26 =	vcvt.s32.f32 v26;
	v24 =	vmul.f32 v24, v57  }
0x16d: {  	v22 =	vmul.f32 v22, v57;
	[tilespmem:s1+$0xFFFFFE40] =	vst v23  }
0x16e: {  	v23 =	vmul.f32 v26, v57;
	[tilespmem:s1+$0xFFFFFE50] =	vst v24  }
0x16f: {  	[tilespmem:s1+$0xFFFFFE70] =	vst v22  }
0x170: {  	[tilespmem:s1+$0xFFFFFE60] =	vst v23  }
0x171: {  	v22 =	vld [tilespmem:s0+$0xFFFFFFA0];
	_ =	sdelay $0x4  }
0x172: {  	v23 =	vperm.xlane v22, v1  }
0x173: {  	v59 =	vperm.xlane v22, v3  }
0x174: {  	v61 =	vperm.xlane v22, v4;
	v22 =	vperm.xlane v22, v5;
	v23 =	vshll.u32 v23, v2  }
0x175: {  	v60 =	vperm.xlane v21, v7;
	v24 =	vshll.u32 v59, v2;
	v23 =	vshra.s32 v23, $0x18  }
0x176: {  	v22 =	vshll.u32 v22, v2;
	v24 =	vshra.s32 v24, $0x18;
	v23 =	vcvt.s32.f32 v23  }
0x177: {  	v26 =	vshll.u32 v61, v2;
	v22 =	vshra.s32 v22, $0x18;
	v24 =	vcvt.s32.f32 v24  }
0x178: {  	v26 =	vshra.s32 v26, $0x18;
	v22 =	vcvt.s32.f32 v22;
	v23 =	vmul.f32 v23, v60  }
0x179: {  	v26 =	vcvt.s32.f32 v26;
	v24 =	vmul.f32 v24, v60  }
0x17a: {  	v22 =	vmul.f32 v22, v60;
	[tilespmem:s1+$0xFFFFFE80] =	vst v23  }
0x17b: {  	v23 =	vmul.f32 v26, v60;
	[tilespmem:s1+$0xFFFFFE90] =	vst v24  }
0x17c: {  	[tilespmem:s1+$0xFFFFFEB0] =	vst v22  }
0x17d: {  	[tilespmem:s1+$0xFFFFFEA0] =	vst v23  }
0x17e: {  	v22 =	vld [tilespmem:s0+$0xFFFFFFB0];
	_ =	sdelay $0x4  }
0x17f: {  	v23 =	vperm.xlane v22, v1  }
0x180: {  	v62 =	vperm.xlane v22, v3  }
0x181: {  	v28 =	vperm.xlane v22, v4;
	v22 =	vperm.xlane v22, v5;
	v23 =	vshll.u32 v23, v2  }
0x182: {  	v63 =	vperm.xlane v21, v8;
	v24 =	vshll.u32 v62, v2;
	v23 =	vshra.s32 v23, $0x18  }
0x183: {  	v22 =	vshll.u32 v22, v2;
	v24 =	vshra.s32 v24, $0x18;
	v23 =	vcvt.s32.f32 v23  }
0x184: {  	v26 =	vshll.u32 v28, v2;
	v22 =	vshra.s32 v22, $0x18;
	v24 =	vcvt.s32.f32 v24  }
0x185: {  	v26 =	vshra.s32 v26, $0x18;
	v22 =	vcvt.s32.f32 v22;
	v23 =	vmul.f32 v23, v63  }
0x186: {  	v26 =	vcvt.s32.f32 v26;
	v24 =	vmul.f32 v24, v63  }
0x187: {  	v22 =	vmul.f32 v22, v63;
	[tilespmem:s1+$0xFFFFFEC0] =	vst v23  }
0x188: {  	v23 =	vmul.f32 v26, v63;
	[tilespmem:s1+$0xFFFFFED0] =	vst v24  }
0x189: {  	[tilespmem:s1+$0xFFFFFEF0] =	vst v22  }
0x18a: {  	[tilespmem:s1+$0xFFFFFEE0] =	vst v23  }
0x18b: {  	v22 =	vld [tilespmem:s0+$0xFFFFFFC0];
	_ =	sdelay $0x4  }
0x18c: {  	v23 =	vperm.xlane v22, v1  }
0x18d: {  	v29 =	vperm.xlane v22, v3  }
0x18e: {  	v31 =	vperm.xlane v22, v4;
	v22 =	vperm.xlane v22, v5;
	v23 =	vshll.u32 v23, v2  }
0x18f: {  	v30 =	vperm.xlane v21, v9;
	v24 =	vshll.u32 v29, v2;
	v23 =	vshra.s32 v23, $0x18  }
0x190: {  	v22 =	vshll.u32 v22, v2;
	v24 =	vshra.s32 v24, $0x18;
	v23 =	vcvt.s32.f32 v23  }
0x191: {  	v26 =	vshll.u32 v31, v2;
	v22 =	vshra.s32 v22, $0x18;
	v24 =	vcvt.s32.f32 v24  }
0x192: {  	v26 =	vshra.s32 v26, $0x18;
	v22 =	vcvt.s32.f32 v22;
	v23 =	vmul.f32 v23, v30  }
0x193: {  	v26 =	vcvt.s32.f32 v26;
	v24 =	vmul.f32 v24, v30  }
0x194: {  	v22 =	vmul.f32 v22, v30;
	[tilespmem:s1+$0xFFFFFF00] =	vst v23  }
0x195: {  	v23 =	vmul.f32 v26, v30;
	[tilespmem:s1+$0xFFFFFF10] =	vst v24  }
0x196: {  	[tilespmem:s1+$0xFFFFFF30] =	vst v22  }
0x197: {  	[tilespmem:s1+$0xFFFFFF20] =	vst v23  }
0x198: {  	v22 =	vld [tilespmem:s0+$0xFFFFFFD0];
	_ =	sdelay $0x4  }
0x199: {  	v23 =	vperm.xlane v22, v1  }
0x19a: {  	v32 =	vperm.xlane v22, v3  }
0x19b: {  	v34 =	vperm.xlane v22, v4;
	v22 =	vperm.xlane v22, v5;
	v23 =	vshll.u32 v23, v2  }
0x19c: {  	v33 =	vperm.xlane v21, v10;
	v24 =	vshll.u32 v32, v2;
	v23 =	vshra.s32 v23, $0x18  }
0x19d: {  	v22 =	vshll.u32 v22, v2;
	v24 =	vshra.s32 v24, $0x18;
	v23 =	vcvt.s32.f32 v23  }
0x19e: {  	v26 =	vshll.u32 v34, v2;
	v22 =	vshra.s32 v22, $0x18;
	v24 =	vcvt.s32.f32 v24  }
0x19f: {  	v26 =	vshra.s32 v26, $0x18;
	v22 =	vcvt.s32.f32 v22;
	v23 =	vmul.f32 v23, v33  }
0x1a0: {  	v26 =	vcvt.s32.f32 v26;
	v24 =	vmul.f32 v24, v33  }
0x1a1: {  	v22 =	vmul.f32 v22, v33;
	[tilespmem:s1+$0xFFFFFF40] =	vst v23  }
0x1a2: {  	v23 =	vmul.f32 v26, v33;
	[tilespmem:s1+$0xFFFFFF50] =	vst v24  }
0x1a3: {  	[tilespmem:s1+$0xFFFFFF70] =	vst v22  }
0x1a4: {  	[tilespmem:s1+$0xFFFFFF60] =	vst v23  }
0x1a5: {  	v22 =	vld [tilespmem:s0+$0xFFFFFFE0];
	_ =	sdelay $0x4  }
0x1a6: {  	v23 =	vperm.xlane v22, v1  }
0x1a7: {  	v35 =	vperm.xlane v22, v3  }
0x1a8: {  	v37 =	vperm.xlane v22, v4;
	v22 =	vperm.xlane v22, v5;
	v23 =	vshll.u32 v23, v2  }
0x1a9: {  	v36 =	vperm.xlane v21, v11;
	v24 =	vshll.u32 v35, v2;
	v23 =	vshra.s32 v23, $0x18  }
0x1aa: {  	v22 =	vshll.u32 v22, v2;
	v24 =	vshra.s32 v24, $0x18;
	v23 =	vcvt.s32.f32 v23  }
0x1ab: {  	v26 =	vshll.u32 v37, v2;
	v22 =	vshra.s32 v22, $0x18;
	v24 =	vcvt.s32.f32 v24  }
0x1ac: {  	v26 =	vshra.s32 v26, $0x18;
	v22 =	vcvt.s32.f32 v22;
	v23 =	vmul.f32 v23, v36  }
0x1ad: {  	v26 =	vcvt.s32.f32 v26;
	v24 =	vmul.f32 v24, v36  }
0x1ae: {  	v22 =	vmul.f32 v22, v36;
	[tilespmem:s1+$0xFFFFFF80] =	vst v23  }
0x1af: {  	v23 =	vmul.f32 v26, v36;
	[tilespmem:s1+$0xFFFFFF90] =	vst v24  }
0x1b0: {  	[tilespmem:s1+$0xFFFFFFB0] =	vst v22  }
0x1b1: {  	[tilespmem:s1+$0xFFFFFFA0] =	vst v23  }
0x1b2: {  	v22 =	vld [tilespmem:s0+$0xFFFFFFF0];
	_ =	sdelay $0x4  }
0x1b3: {  	v23 =	vperm.xlane v22, v1  }
0x1b4: {  	v38 =	vperm.xlane v22, v3  }
0x1b5: {  	v40 =	vperm.xlane v22, v4;
	v22 =	vperm.xlane v22, v5;
	v23 =	vshll.u32 v23, v2  }
0x1b6: {  	v39 =	vperm.xlane v21, v12;
	v24 =	vshll.u32 v38, v2;
	v23 =	vshra.s32 v23, $0x18  }
0x1b7: {  	v22 =	vshll.u32 v22, v2;
	v24 =	vshra.s32 v24, $0x18;
	v23 =	vcvt.s32.f32 v23  }
0x1b8: {  	v26 =	vshll.u32 v40, v2;
	v22 =	vshra.s32 v22, $0x18;
	v24 =	vcvt.s32.f32 v24  }
0x1b9: {  	v26 =	vshra.s32 v26, $0x18;
	v22 =	vcvt.s32.f32 v22;
	v23 =	vmul.f32 v23, v39  }
0x1ba: {  	v26 =	vcvt.s32.f32 v26;
	v24 =	vmul.f32 v24, v39  }
0x1bb: {  	v22 =	vmul.f32 v22, v39;
	[tilespmem:s1+$0xFFFFFFC0] =	vst v23  }
0x1bc: {  	v23 =	vmul.f32 v26, v39;
	[tilespmem:s1+$0xFFFFFFD0] =	vst v24  }
0x1bd: {  	[tilespmem:s1+$0xFFFFFFF0] =	vst v22  }
0x1be: {  	[tilespmem:s1+$0xFFFFFFE0] =	vst v23  }
0x1bf: {  	v22 =	vld [tilespmem:s0+$0x0];
	_ =	sdelay $0x4  }
0x1c0: {  	v23 =	vperm.xlane v22, v1  }
0x1c1: {  	v41 =	vperm.xlane v22, v3  }
0x1c2: {  	v43 =	vperm.xlane v22, v4;
	v22 =	vperm.xlane v22, v5;
	v23 =	vshll.u32 v23, v2  }
0x1c3: {  	v42 =	vperm.xlane v21, v13;
	v24 =	vshll.u32 v41, v2;
	v23 =	vshra.s32 v23, $0x18  }
0x1c4: {  	v22 =	vshll.u32 v22, v2;
	v24 =	vshra.s32 v24, $0x18;
	v23 =	vcvt.s32.f32 v23  }
0x1c5: {  	v26 =	vshll.u32 v43, v2;
	v22 =	vshra.s32 v22, $0x18;
	v24 =	vcvt.s32.f32 v24  }
0x1c6: {  	v26 =	vshra.s32 v26, $0x18;
	v22 =	vcvt.s32.f32 v22;
	v23 =	vmul.f32 v23, v42  }
0x1c7: {  	v26 =	vcvt.s32.f32 v26;
	v24 =	vmul.f32 v24, v42  }
0x1c8: {  	v22 =	vmul.f32 v22, v42;
	[tilespmem:s1+$0x0] =	vst v23  }
0x1c9: {  	v23 =	vmul.f32 v26, v42;
	[tilespmem:s1+$0x10] =	vst v24  }
0x1ca: {  	[tilespmem:s1+$0x30] =	vst v22  }
0x1cb: {  	[tilespmem:s1+$0x20] =	vst v23  }
0x1cc: {  	v22 =	vld [tilespmem:s0+$0x10];
	_ =	sdelay $0x4  }
0x1cd: {  	v23 =	vperm.xlane v22, v1  }
0x1ce: {  	v44 =	vperm.xlane v22, v3  }
0x1cf: {  	v46 =	vperm.xlane v22, v4;
	v22 =	vperm.xlane v22, v5;
	v23 =	vshll.u32 v23, v2  }
0x1d0: {  	v45 =	vperm.xlane v21, v14;
	v24 =	vshll.u32 v44, v2;
	v23 =	vshra.s32 v23, $0x18  }
0x1d1: {  	v22 =	vshll.u32 v22, v2;
	v24 =	vshra.s32 v24, $0x18;
	v23 =	vcvt.s32.f32 v23  }
0x1d2: {  	v26 =	vshll.u32 v46, v2;
	v22 =	vshra.s32 v22, $0x18;
	v24 =	vcvt.s32.f32 v24  }
0x1d3: {  	v26 =	vshra.s32 v26, $0x18;
	v22 =	vcvt.s32.f32 v22;
	v23 =	vmul.f32 v23, v45  }
0x1d4: {  	v26 =	vcvt.s32.f32 v26;
	v24 =	vmul.f32 v24, v45  }
0x1d5: {  	v22 =	vmul.f32 v22, v45;
	[tilespmem:s1+$0x40] =	vst v23  }
0x1d6: {  	v23 =	vmul.f32 v26, v45;
	[tilespmem:s1+$0x50] =	vst v24  }
0x1d7: {  	[tilespmem:s1+$0x70] =	vst v22  }
0x1d8: {  	[tilespmem:s1+$0x60] =	vst v23  }
0x1d9: {  	v22 =	vld [tilespmem:s0+$0x20];
	_ =	sdelay $0x4  }
0x1da: {  	v23 =	vperm.xlane v22, v1  }
0x1db: {  	v47 =	vperm.xlane v22, v3  }
0x1dc: {  	v49 =	vperm.xlane v22, v4;
	v22 =	vperm.xlane v22, v5;
	v23 =	vshll.u32 v23, v2  }
0x1dd: {  	v48 =	vperm.xlane v21, v15;
	v24 =	vshll.u32 v47, v2;
	v23 =	vshra.s32 v23, $0x18  }
0x1de: {  	v22 =	vshll.u32 v22, v2;
	v24 =	vshra.s32 v24, $0x18;
	v23 =	vcvt.s32.f32 v23  }
0x1df: {  	v26 =	vshll.u32 v49, v2;
	v22 =	vshra.s32 v22, $0x18;
	v24 =	vcvt.s32.f32 v24  }
0x1e0: {  	v26 =	vshra.s32 v26, $0x18;
	v22 =	vcvt.s32.f32 v22;
	v23 =	vmul.f32 v23, v48  }
0x1e1: {  	v26 =	vcvt.s32.f32 v26;
	v24 =	vmul.f32 v24, v48  }
0x1e2: {  	v22 =	vmul.f32 v22, v48;
	[tilespmem:s1+$0x80] =	vst v23  }
0x1e3: {  	v23 =	vmul.f32 v26, v48;
	[tilespmem:s1+$0x90] =	vst v24  }
0x1e4: {  	[tilespmem:s1+$0xB0] =	vst v22  }
0x1e5: {  	[tilespmem:s1+$0xA0] =	vst v23  }
0x1e6: {  	v22 =	vld [tilespmem:s0+$0x30];
	_ =	sdelay $0x4  }
0x1e7: {  	v23 =	vperm.xlane v22, v1  }
0x1e8: {  	v50 =	vperm.xlane v22, v3  }
0x1e9: {  	v52 =	vperm.xlane v22, v4;
	v22 =	vperm.xlane v22, v5;
	v23 =	vshll.u32 v23, v2  }
0x1ea: {  	v51 =	vperm.xlane v21, v16;
	v24 =	vshll.u32 v50, v2;
	v23 =	vshra.s32 v23, $0x18  }
0x1eb: {  	v22 =	vshll.u32 v22, v2;
	v24 =	vshra.s32 v24, $0x18;
	v23 =	vcvt.s32.f32 v23  }
0x1ec: {  	v26 =	vshll.u32 v52, v2;
	v22 =	vshra.s32 v22, $0x18;
	v24 =	vcvt.s32.f32 v24  }
0x1ed: {  	v26 =	vshra.s32 v26, $0x18;
	v22 =	vcvt.s32.f32 v22;
	v23 =	vmul.f32 v23, v51  }
0x1ee: {  	v26 =	vcvt.s32.f32 v26;
	v24 =	vmul.f32 v24, v51  }
0x1ef: {  	v22 =	vmul.f32 v22, v51;
	[tilespmem:s1+$0xC0] =	vst v23  }
0x1f0: {  	v23 =	vmul.f32 v26, v51;
	[tilespmem:s1+$0xD0] =	vst v24  }
0x1f1: {  	[tilespmem:s1+$0xF0] =	vst v22  }
0x1f2: {  	[tilespmem:s1+$0xE0] =	vst v23  }
0x1f3: {  	v22 =	vld [tilespmem:s0+$0x40];
	_ =	sdelay $0x4  }
0x1f4: {  	v23 =	vperm.xlane v22, v1  }
0x1f5: {  	v53 =	vperm.xlane v22, v3  }
0x1f6: {  	v55 =	vperm.xlane v22, v4;
	v22 =	vperm.xlane v22, v5;
	v23 =	vshll.u32 v23, v2  }
0x1f7: {  	v54 =	vperm.xlane v21, v17;
	v24 =	vshll.u32 v53, v2;
	v23 =	vshra.s32 v23, $0x18  }
0x1f8: {  	v22 =	vshll.u32 v22, v2;
	v24 =	vshra.s32 v24, $0x18;
	v23 =	vcvt.s32.f32 v23  }
0x1f9: {  	v26 =	vshll.u32 v55, v2;
	v22 =	vshra.s32 v22, $0x18;
	v24 =	vcvt.s32.f32 v24  }
0x1fa: {  	v26 =	vshra.s32 v26, $0x18;
	v22 =	vcvt.s32.f32 v22;
	v23 =	vmul.f32 v23, v54  }
0x1fb: {  	v26 =	vcvt.s32.f32 v26;
	v24 =	vmul.f32 v24, v54  }
0x1fc: {  	v22 =	vmul.f32 v22, v54;
	[tilespmem:s1+$0x100] =	vst v23  }
0x1fd: {  	v23 =	vmul.f32 v26, v54;
	[tilespmem:s1+$0x110] =	vst v24  }
0x1fe: {  	[tilespmem:s1+$0x130] =	vst v22  }
0x1ff: {  	[tilespmem:s1+$0x120] =	vst v23  }
0x200: {  	v22 =	vld [tilespmem:s0+$0x50];
	_ =	sdelay $0x4  }
0x201: {  	v23 =	vperm.xlane v22, v1  }
0x202: {  	v56 =	vperm.xlane v22, v3  }
0x203: {  	v58 =	vperm.xlane v22, v4;
	v22 =	vperm.xlane v22, v5;
	v23 =	vshll.u32 v23, v2  }
0x204: {  	v57 =	vperm.xlane v21, v18;
	v24 =	vshll.u32 v56, v2;
	v23 =	vshra.s32 v23, $0x18  }
0x205: {  	v22 =	vshll.u32 v22, v2;
	v24 =	vshra.s32 v24, $0x18;
	v23 =	vcvt.s32.f32 v23  }
0x206: {  	v26 =	vshll.u32 v58, v2;
	v22 =	vshra.s32 v22, $0x18;
	v24 =	vcvt.s32.f32 v24  }
0x207: {  	v26 =	vshra.s32 v26, $0x18;
	v22 =	vcvt.s32.f32 v22;
	v23 =	vmul.f32 v23, v57  }
0x208: {  	v26 =	vcvt.s32.f32 v26;
	v24 =	vmul.f32 v24, v57  }
0x209: {  	v22 =	vmul.f32 v22, v57;
	[tilespmem:s1+$0x140] =	vst v23  }
0x20a: {  	v23 =	vmul.f32 v26, v57;
	[tilespmem:s1+$0x150] =	vst v24  }
0x20b: {  	[tilespmem:s1+$0x170] =	vst v22  }
0x20c: {  	[tilespmem:s1+$0x160] =	vst v23  }
0x20d: {  	v22 =	vld [tilespmem:s0+$0x60];
	_ =	sdelay $0x4  }
0x20e: {  	v23 =	vperm.xlane v22, v1  }
0x20f: {  	v59 =	vperm.xlane v22, v3  }
0x210: {  	v61 =	vperm.xlane v22, v4;
	v22 =	vperm.xlane v22, v5;
	v23 =	vshll.u32 v23, v2  }
0x211: {  	v60 =	vperm.xlane v21, v19;
	v24 =	vshll.u32 v59, v2;
	v23 =	vshra.s32 v23, $0x18  }
0x212: {  	v22 =	vshll.u32 v22, v2;
	v24 =	vshra.s32 v24, $0x18;
	v23 =	vcvt.s32.f32 v23  }
0x213: {  	v26 =	vshll.u32 v61, v2;
	v22 =	vshra.s32 v22, $0x18;
	v24 =	vcvt.s32.f32 v24  }
0x214: {  	v26 =	vshra.s32 v26, $0x18;
	v22 =	vcvt.s32.f32 v22;
	v23 =	vmul.f32 v23, v60  }
0x215: {  	v26 =	vcvt.s32.f32 v26;
	v24 =	vmul.f32 v24, v60  }
0x216: {  	v22 =	vmul.f32 v22, v60;
	[tilespmem:s1+$0x180] =	vst v23  }
0x217: {  	v23 =	vmul.f32 v26, v60;
	[tilespmem:s1+$0x190] =	vst v24  }
0x218: {  	[tilespmem:s1+$0x1B0] =	vst v22  }
0x219: {  	[tilespmem:s1+$0x1A0] =	vst v23  }
0x21a: {  	v22 =	vld [tilespmem:s0+$0x70];
	_ =	sdelay $0x4  }
0x21b: {  	v23 =	vperm.xlane v22, v1  }
0x21c: {  	v62 =	vperm.xlane v22, v3  }
0x21d: {  	v21 =	vperm.xlane v21, v20;
	v63 =	vperm.xlane v22, v4;
	v23 =	vshll.u32 v23, v2  }
0x21e: {  	v22 =	vperm.xlane v22, v5;
	v24 =	vshll.u32 v62, v2;
	v23 =	vshra.s32 v23, $0x18  }
0x21f: {  	v25 =	vshll.u32 v63, v2;
	v24 =	vshra.s32 v24, $0x18;
	v23 =	vcvt.s32.f32 v23  }
0x220: {  	v22 =	vshll.u32 v22, v2;
	v25 =	vshra.s32 v25, $0x18;
	v24 =	vcvt.s32.f32 v24  }
0x221: {  	p0 =	sne.s32 s30, $0x2C0;
	v22 =	vshra.s32 v22, $0x18;
	v25 =	vcvt.s32.f32 v25;
	v23 =	vmul.f32 v23, v21  }
.Ltmp1:
0x222: {  	v22 =	vcvt.s32.f32 v22;
	v24 =	vmul.f32 v24, v21;
	(pc) =	sbr.rel @p0 .LBB2_5-.Ltmp1, $4  }
0x223: {  	[tilespmem:s1+$0x1C0] =	vst v23;
	v23 =	vmul.f32 v25, v21  }
0x224: {  	[tilespmem:s1+$0x1D0] =	vst v24;
	v21 =	vmul.f32 v22, v21  }
0x225: {  	[tilespmem:s1+$0x1E0] =	vst v23  }
0x226: {  	s30 =	sadd.s32 $0x40, s30;
	s0 =	sadd.s32 $0x100, s0;
	[tilespmem:s1+$0x1F0] =	vst v21;
	s1 =	sadd.s32 $0x400, s1  }
0x227: {  	v22 =	vld [tilespmem:$0x7C80]  }
0x228: {  	v21 =	vld [tilespmem:$0x7E80];
	_ =	sdelay $0x1  }
0x229: {  	v27 =	vld [tilespmem:$0x7C90];
	_ =	sdelay $0x1  }
0x22a: {  	v31 =	vld [tilespmem:$0x7CA0];
	v23 =	vperm.xlane v22, v1  }
0x22b: {  	v24 =	vperm.xlane v22, v3;
	v25 =	vperm.xlane v21, v13  }
0x22c: {  	v26 =	vperm.xlane v22, v4;
	v22 =	vperm.xlane v22, v5  }
0x22d: {  	v35 =	vld [tilespmem:$0x7CB0];
	v28 =	vperm.xlane v27, v1;
	v47 =	vperm.xlane v27, v3  }
0x22e: {  	v29 =	vperm.xlane v21, v14;
	v30 =	vperm.xlane v27, v4  }
0x22f: {  	v39 =	vld [tilespmem:$0x7CC0];
	v27 =	vperm.xlane v27, v5;
	v32 =	vperm.xlane v31, v1  }
0x230: {  	v48 =	vperm.xlane v31, v3;
	v33 =	vperm.xlane v21, v15  }
0x231: {  	v34 =	vperm.xlane v31, v4;
	v31 =	vperm.xlane v31, v5  }
0x232: {  	v43 =	vld [tilespmem:$0x7CD0];
	v36 =	vperm.xlane v35, v1;
	v49 =	vperm.xlane v35, v3  }
0x233: {  	v37 =	vperm.xlane v21, v16;
	v38 =	vperm.xlane v35, v4  }
0x234: {  	v63 =	vld [tilespmem:$0x7CE0];
	v35 =	vperm.xlane v35, v5;
	v40 =	vperm.xlane v39, v1  }
0x235: {  	v50 =	vperm.xlane v39, v3;
	v41 =	vperm.xlane v21, v17  }
0x236: {  	v42 =	vperm.xlane v39, v4;
	v39 =	vperm.xlane v39, v5  }
0x237: {  	v57 =	vperm.xlane v43, v1;
	v58 =	vperm.xlane v43, v3  }
0x238: {  	v59 =	vperm.xlane v21, v18;
	v60 =	vperm.xlane v43, v4  }
0x239: {  	v62 =	vperm.xlane v43, v5;
	v43 =	vperm.xlane v63, v1  }
0x23a: {  	v44 =	vperm.xlane v63, v3;
	v45 =	vperm.xlane v21, v19  }
0x23b: {  	v46 =	vperm.xlane v63, v4;
	v21 =	vperm.xlane v21, v20;
	v23 =	vshll.u32 v23, v2  }
0x23c: {  	v24 =	vshll.u32 v24, v2;
	v26 =	vshll.u32 v26, v2;
	v22 =	vshll.u32 v22, v2  }
0x23d: {  	v28 =	vshll.u32 v28, v2;
	v30 =	vshll.u32 v30, v2;
	v27 =	vshll.u32 v27, v2  }
0x23e: {  	v32 =	vshll.u32 v32, v2;
	v34 =	vshll.u32 v34, v2;
	v31 =	vshll.u32 v31, v2  }
0x23f: {  	v36 =	vshll.u32 v36, v2;
	v38 =	vshll.u32 v38, v2;
	v35 =	vshll.u32 v35, v2  }
0x240: {  	v51 =	vshll.u32 v42, v2;
	v39 =	vshll.u32 v39, v2;
	v23 =	vshra.s32 v23, $0x18  }
0x241: {  	v24 =	vshra.s32 v24, $0x18;
	v26 =	vshra.s32 v26, $0x18;
	v22 =	vshra.s32 v22, $0x18  }
0x242: {  	v28 =	vshra.s32 v28, $0x18;
	v30 =	vshra.s32 v30, $0x18;
	v27 =	vshra.s32 v27, $0x18  }
0x243: {  	v32 =	vshra.s32 v32, $0x18;
	v34 =	vshra.s32 v34, $0x18;
	v23 =	vcvt.s32.f32 v23  }
0x244: {  	v31 =	vshra.s32 v31, $0x18;
	v24 =	vcvt.s32.f32 v24;
	v26 =	vcvt.s32.f32 v26  }
0x245: {  	v36 =	vshra.s32 v36, $0x18;
	v22 =	vcvt.s32.f32 v22;
	v28 =	vcvt.s32.f32 v28  }
0x246: {  	v38 =	vshra.s32 v38, $0x18;
	v30 =	vcvt.s32.f32 v30;
	v27 =	vcvt.s32.f32 v27  }
0x247: {  	v35 =	vshra.s32 v35, $0x18;
	v32 =	vcvt.s32.f32 v32;
	v34 =	vcvt.s32.f32 v34  }
0x248: {  	v53 =	vshra.s32 v51, $0x18;
	v31 =	vcvt.s32.f32 v31;
	v36 =	vcvt.s32.f32 v36  }
0x249: {  	v55 =	vshra.s32 v39, $0x18;
	v38 =	vcvt.s32.f32 v38;
	v35 =	vcvt.s32.f32 v35  }
0x24a: {  	v54 =	vcvt.s32.f32 v53;
	v56 =	vcvt.s32.f32 v55  }
0x24b: {  	v23 =	vmul.f32 v23, v25;
	v24 =	vmul.f32 v24, v25  }
0x24c: {  	v26 =	vmul.f32 v26, v25;
	v22 =	vmul.f32 v22, v25  }
0x24d: {  	v28 =	vmul.f32 v28, v29;
	v30 =	vmul.f32 v30, v29  }
0x24e: {  	v40 =	vshll.u32 v40, v2;
	v27 =	vmul.f32 v27, v29;
	v32 =	vmul.f32 v32, v33;
	[tilespmem:$0xE090] =	vst v23  }
0x24f: {  	v40 =	vshra.s32 v40, $0x18;
	v34 =	vmul.f32 v34, v33;
	v31 =	vmul.f32 v31, v33;
	[tilespmem:$0xE0A0] =	vst v24  }
0x250: {  	v25 =	vshll.u32 v47, v2;
	v36 =	vmul.f32 v36, v37;
	v38 =	vmul.f32 v38, v37;
	[tilespmem:$0xE0B0] =	vst v26  }
0x251: {  	v35 =	vmul.f32 v35, v37;
	v47 =	vperm.xlane v63, v5;
	v25 =	vshra.s32 v25, $0x18;
	[tilespmem:$0xE0C0] =	vst v22  }
0x252: {  	v25 =	vcvt.s32.f32 v25;
	v23 =	vcvt.s32.f32 v40;
	[tilespmem:$0xE0D0] =	vst v28  }
0x253: {  	v26 =	vmul.f32 v54, v41;
	v24 =	vmul.f32 v56, v41;
	[tilespmem:$0xE0F0] =	vst v30  }
0x254: {  	v28 =	vshll.u32 v57, v2;
	[tilespmem:$0xE140] =	vst v31;
	v31 =	vshll.u32 v43, v2;
	v30 =	vshll.u32 v44, v2  }
0x255: {  	[tilespmem:$0xE100] =	vst v27;
	v51 =	vshll.u32 v47, v2;
	v25 =	vmul.f32 v25, v29;
	v29 =	vshll.u32 v48, v2  }
0x256: {  	[tilespmem:$0xE110] =	vst v32;
	v61 =	vshra.s32 v28, $0x18;
	v28 =	vshll.u32 v62, v2;
	v29 =	vshra.s32 v29, $0x18  }
0x257: {  	[tilespmem:$0xE130] =	vst v34;
	v31 =	vshra.s32 v31, $0x18;
	v53 =	vshra.s32 v51, $0x18;
	v29 =	vcvt.s32.f32 v29  }
0x258: {  	[tilespmem:$0xE150] =	vst v36;
	v23 =	vmul.f32 v23, v41;
	v27 =	vcvt.s32.f32 v61;
	v28 =	vshra.s32 v28, $0x18  }
0x259: {  	[tilespmem:$0xE170] =	vst v38;
	v48 =	vld [tilespmem:$0x7CF0];
	v54 =	vcvt.s32.f32 v53;
	v29 =	vmul.f32 v29, v33;
	v33 =	vshll.u32 v49, v2  }
0x25a: {  	v28 =	vcvt.s32.f32 v28;
	[tilespmem:$0xE0E0] =	vst v25;
	v27 =	vmul.f32 v27, v59;
	v33 =	vshra.s32 v33, $0x18  }
0x25b: {  	v25 =	vshll.u32 v58, v2;
	[tilespmem:$0xE190] =	vst v23;
	v23 =	vcvt.s32.f32 v31;
	v33 =	vcvt.s32.f32 v33  }
0x25c: {  	[tilespmem:$0xE1C0] =	vst v24;
	v24 =	vmul.f32 v54, v45;
	v25 =	vshra.s32 v25, $0x18;
	v28 =	vmul.f32 v28, v59  }
0x25d: {  	[tilespmem:$0xE180] =	vst v35;
	v25 =	vcvt.s32.f32 v25;
	v33 =	vmul.f32 v33, v37;
	v37 =	vshll.u32 v50, v2  }
0x25e: {  	[tilespmem:$0xE1B0] =	vst v26;
	v23 =	vmul.f32 v23, v45;
	v55 =	vperm.xlane v48, v1;
	v37 =	vshra.s32 v37, $0x18  }
0x25f: {  	v30 =	vshra.s32 v30, $0x18;
	[tilespmem:$0xE1D0] =	vst v27;
	v56 =	vperm.xlane v48, v3;
	v52 =	vcvt.s32.f32 v37  }
0x260: {  	v49 =	vshll.u32 v46, v2;
	[tilespmem:$0xE240] =	vst v24;
	v57 =	vperm.xlane v48, v4;
	v58 =	vperm.xlane v48, v5  }
0x261: {  	[tilespmem:$0xE120] =	vst v29;
	v25 =	vmul.f32 v25, v59;
	v27 =	vshll.u32 v55, v2;
	v22 =	vmul.f32 v52, v41  }
0x262: {  	[tilespmem:$0xE210] =	vst v23;
	v61 =	vshll.u32 v58, v2;
	v50 =	vshra.s32 v49, $0x18;
	v41 =	vshll.u32 v60, v2  }
0x263: {  	v27 =	vshra.s32 v27, $0x18;
	v42 =	vshra.s32 v41, $0x18;
	[tilespmem:$0xE1A0] =	vst v22;
	v22 =	vcvt.s32.f32 v30  }
0x264: {  	[tilespmem:$0xE1E0] =	vst v25;
	v25 =	vshll.u32 v56, v2;
	v23 =	vcvt.s32.f32 v27;
	v29 =	vcvt.s32.f32 v42  }
0x265: {  	[tilespmem:$0xE200] =	vst v28;
	v25 =	vshra.s32 v25, $0x18;
	v52 =	vcvt.s32.f32 v50;
	v22 =	vmul.f32 v22, v45  }
0x266: {  	[tilespmem:$0xE160] =	vst v33;
	v23 =	vmul.f32 v23, v21;
	v29 =	vmul.f32 v29, v59;
	v59 =	vshll.u32 v57, v2  }
0x267: {  	v26 =	vmul.f32 v52, v45;
	v60 =	vshra.s32 v59, $0x18;
	[tilespmem:$0xE220] =	vst v22;
	v22 =	vcvt.s32.f32 v25  }
0x268: {  	s28 =	sadd.s32 $0x1, s28;
	v62 =	vshra.s32 v61, $0x18;
	[tilespmem:$0xE250] =	vst v23;
	v25 =	vcvt.s32.f32 v60  }
0x269: {  	p0 =	sne.s32 s28, $0x40;
	v63 =	vcvt.s32.f32 v62;
	[tilespmem:$0xE230] =	vst v26;
	v22 =	vmul.f32 v22, v21  }
.Ltmp2:
0x26a: {  	s0 =	sadd.s32 s4, s29;
	[tilespmem:$0xE1F0] =	vst v29;
	v23 =	vmul.f32 v25, v21;
	(pc) =	sbr.rel @p0 .LBB2_2-.Ltmp2, $4  }
0x26b: {  	s0 =	smul.u32 $0x640, s0;
	v21 =	vmul.f32 v63, v21;
	[tilespmem:$0xE260] =	vst v22  }
0x26c: {  	[tilespmem:$0xE270] =	vst v23  }
0x26d: {  	s0 =	sadd.s32 s3, s0;
	[tilespmem:$0xE280] =	vst v21  }
0x26e: {  	[hbm4b:s0+s5] =	stream.linear.scatter [tilespmem:s23], [sflag:$0x4], $0x3200, $0x38;
	[tilespmem:$0xE290] =	vst v63  }
0x26f: {  	s26 =	sadd.s32 $0x1, s26  }
0x270: {  	_ =	swait.ge [sflag:s24], $0x3200;
	p0 =	sne.s32 s26, s8  }
.Ltmp3:
0x271: {  	[sflag:s24] =	ssyncset.done $0x0;
	(pc) =	sbr.rel @p0 .LBB2_1-.Ltmp3, $4  }
0x272: {  	[sflag:s24] =	ssyncadd.s32 $0xFFFFCE00  }
0x273: {  	_ =	swait.ge [sflag:s25], $0x3200  }
0x274: {  	[sflag:s25] =	ssyncset.done $0x0  }
0x275: {  	[sflag:s25] =	ssyncadd.s32 $0xFFFFCE00  }
0x276: {  	_ =	sfence.sel $0x180000  }
0x277: {  	[bflag:$0x0] =	sbarrier.arrive $0xFFFF  }
0x278: {  	_ =	strace $0x9000004D  }
0x279: {  	s0 =	stileid.u32;
	[bflag:$0x2] =	sbarrier.arrive $0xFFFF  }
0x27a: {  	p0 =	sne.s32 s0, $0x0;
	s0 =	rddreg [dreg:$0x3]  }
0x27b: {  	s0 =	sadd.s32 @!p0 $0x100000, s0  }
0x27c: {  	[sflag:s0] =	ssyncadd.tile.s32 @!p0 $0x1;
	_ =	shalt  }
.Lfunc_end2:
_tile_overlayer_lowered:
.L_overlay_start_2:
0x27d: {  	(tag) =	ssettag $0x2  }
0x27e: {  	s0 =	rddreg [dreg:$0x0];
	s2 =	stileid.u32  }
0x27f: {  	s1 =	rddreg [dreg:$0x1];
	p0 =	sne.s32 s2, $0x0  }
0x280: {  	s3 =	rddreg [dreg:$0x2];
	[bflag:$0x3] =	sbarrier.arrive $0xFFFF;
	s2 =	simm.s32 @!p0 $0x1C05  }
0x281: {  	[timem:s3], [sflag:s2] =	dma.local @!p0 [hbm:s0], s1  }
0x282: {  	s0 =	simm.s32 @!p0 $0x5  }
0x283: {  	_ =	swait.ge @!p0 [sflag:s0], s1  }
0x284: {  	s1 =	ssub.s32 @!p0 $0x0, s1;
	[sflag:s0] =	ssyncset.done @!p0 $0x0  }
0x285: {  	[sflag:s0] =	ssyncadd.s32 @!p0 s1  }
0x286: {  	[bflag:$0x3] =	sbarrier.arrive $0xFFFF  }
0x287: {  	_ =	shalt  }

// kernel: sparse-core-data-format-call.1.cloned.1.call-start
scs
called_computation.1_lowered:
.L_overlay_start_0:
0x0: {  	s2 =	sld [smem:$0x3FD9]  }
0x1: {  	s3 =	sld [smem:$0x3FFE];
	_ =	sdelay $0x1  }
0x2: {  	s1 =	srdreg.scid  }
0x3: {  	s0 =	sand.u32 $0x1, s1  }
0x4: {  	s18 =	sshll.u32 s0, $0xA;
	s2 =	sadd.s32 s3, s2  }
0x5: {  	s2 =	sadd.s32 s2, s18  }
0x6: {  	[smem:$0x3FC5] =	sst s2  }
0x7: {  	_ = 	snop  }
0x8: {  	s2 =	sld [smem:$0x3FD0];
	(tm) =	ssettm $0x1  }
0x9: {  	s19 =	sld [smem:$0x3FFB];
	_ =	sdelay $0x3  }
0xa: {  	_ =	strace s19  }
0xb: {  	s3 =	sld [smem:$0x3FFC];
	_ =	sdelay $0x3  }
0xc: {  	_ =	strace s3  }
0xd: {  	s3 =	sld [smem:$0x3FFD];
	_ =	sdelay $0x3  }
0xe: {  	_ =	strace s3  }
0xf: {  	_ =	strace $0x8FFFFFFF  }
0x10: {  	s20 =	sld [smem:$0x3FDB];
	_ =	sdelay $0x1  }
0x11: {  	s4 =	simm.s32 $_scs_section_size  }
0x12: {  	s5 =	simm.s32 $_size__tile_overlayer_lowered;
	s6 =	simm.s32 $_tile_overlayer_lowered  }
0x13: {  	s23 =	simm.s32 $0x1BFF;
	s22 =	sshll.u32 s6, $0x1;
	s3 =	sadd.s32 s4, s20  }
0x14: {  	s7 =	simm.s32 $0x0;
	s21 =	sshll.u32 s5, $0x1;
	s5 =	sadd.s32 s22, s3  }
0x15: {  	[timem:s7], [sflag:s23] =	dma.local [hbm:s5], s21  }
0x16: {  	_ =	swait.ge [sflag:s23], s21  }
0x17: {  	s4 =	ssub.s32 $0x0, s21;
	[sflag:s23] =	ssyncset.done $0x0  }
0x18: {  	[sflag:s23] =	ssyncadd.s32 s4;
	_ =	sdelay $0x1  }
0x19: {  	s24 =	simm.s32 $0x1B8B  }
0x1a: {  	_ =	swait.ge [sflag:s24], $0x1  }
0x1b: {  	[sflag:s24] =	ssyncset.done $0x0  }
0x1c: {  	s26 =	simm.s32 $0x1B8E;
	s25 =	sld [smem:$0x3FFE];
	[sflag:s24] =	ssyncadd.s32 $0xFFFFFFFF  }
0x1d: {  	s27 =	simm.s32 $execute0_lowered;
	[smem:$0x3FD2] =	sst s26  }
0x1e: {  	s5 =	sshll.u32 s27, $0x1;
	_ =	strace $0x80000046;
	[dreg:$0x1] =	wrdreg $0xFFFFFFFF  }
0x1f: {  	s28 =	simm.s32 $_size_execute0_lowered;
	s3 =	sadd.s32 s3, s5;
	[dreg:$0x0] =	wrdreg $0x0  }
0x20: {  	s5 =	sshll.u32 s28, $0x1;
	[dreg:$0x2] =	wrdreg s3  }
0x21: {  	[dreg:$0x3] =	wrdreg s5  }
0x22: {  	[dreg:$0x4] =	wrdreg $0xC0  }
0x23: {  	_ =	task [dreg:s7], $0x5FFFF  }
0x24: {  	[dreg:$0x1] =	wrdreg $0xFFFFFFFF  }
0x25: {  	[dreg:$0x0] =	wrdreg $0x60  }
0x26: {  	[dreg:$0x2] =	wrdreg s2  }
0x27: {  	[dreg:$0x3] =	wrdreg s25  }
0x28: {  	[dreg:$0x4] =	wrdreg $0x9  }
0x29: {  	_ =	task.clear_ibuf [dreg:s7], $0x5FFFF;
	_ =	strace $0x90000046  }
0x2a: {  	s29 =	simm.s32 $0x9;
	_ =	strace $0x80000048  }
0x2b: {  	_ =	swait.ge [sflag:s29], $0x1  }
0x2c: {  	[sflag:s29] =	ssyncadd.s32 $0xFFFFFFFF  }
0x2d: {  	_ =	strace $0x90000048  }
0x2e: {  	_ =	sfence  }
0x2f: {  	s30 =	sld [smem:$0x0];
	_ =	sdelay $0x2  }
0x30: {  	s31 =	sshll.u32 s1, $0xD;
	s1 =	sshrl.u32 s1, $0x2  }
0x31: {  	s3 =	sand.u32 $0x4000, s31;
	s1 =	sadd.s32 s1, s30  }
0x32: {  	s0 =	sor.u32 s3, s0;
	s1 =	sshll.u32 s1, $0x11  }
0x33: {  	s0 =	sor.u32 s1, s0  }
0x34: {  	s0 =	sadd.s32 $0x8F2B, s0  }
0x35: {  	[sflag:s0] =	ssyncadd.remote.s32 $0x1  }
0x36: {  	_ =	sfence.sel $0xFFFF  }
0x37: {  	[dreg:$0x0] =	wrdreg $0xFFFFFFFF;
	(pc) =	sbr.abs _section_cstart, $3  }
0x38: {  	[dreg:$0x1] =	wrdreg $0xFFFFFFFF  }
0x39: {  	_ =	task.clear_ibuf [dreg:s7], $0x2FFFF;
	_ =	strace $0x9FFFFFFF  }
0x3a: {  	(tm) =	ssettm $0x7FFFFFFF  }
0x3b: {  	_ =	shalt  }
tec
execute0_lowered:
.L_overlay_start_1:
0x0: {  	(tag) =	ssettag $0x1  }
0x1: {  	s2 =	rddreg [dreg:$0x0]  }
0x2: {  	s0 =	srdreg.scid;
	s4 =	rddreg [dreg:$0x1]  }
0x3: {  	s1 =	stileid.u32;
	s5 =	simm.s32 $0x1;
	s0 =	sshll.u32 s0, $0x4  }
0x4: {  	s7 =	simm.s32 $0x2;
	s8 =	simm.s32 $0x0;
	s3 =	sand.u32 $0x10, s0  }
.Ltmp0:
0x5: {  	s12 =	simm.s32 $0x0;
	s3 =	sor.u32 s1, s3;
	(pc) =	sbr.rel .LBB1_1-.Ltmp0, $4  }
0x6: {  	s10 =	simm.s32 $0x0;
	s11 =	simm.s32 $0x0;
	s3 =	sshll.u32 s3, $0x3  }
0x7: {  	s0 =	rddreg [dreg:$0x2];
	_ =	strace $0x80000047;
	s6 =	ssub.s32 $0x3D08, s3  }
0x8: {  	s4 =	sadd.s32 $0x1200, s4;
	[sflag:s5] =	ssyncpa.u1 $0x0;
	s6 =	sshrl.u32 s6, $0x8  }
0x9: {  	[sflag:s7] =	ssyncpa.u1 $0x0;
	s9 =	smov.u32 s3;
	s7 =	sor.u32 $0x2, s6  }
.LBB1_9:
0xa: {  	s14 =	sshll.u32 s10, $0x7  }
0xb: {  	s14 =	sadd.s32 s4, s14  }
0xc: {  	[hbm4b:s14+s8] =	stream.linear.scatter [tilespmem:s15], [sflag:$0x2], s13, $0x38;
	[tilespmem:$0x8000] =	vst v63  }
.LBB1_10:
0xd: {  	p0 =	slt.u32 s11, $0x2  }
0xe: {  	p1 =	sgt.s32 @!p0 s12, $0x3D01  }
0xf: {  	s13 =	smov.u32 s12;
	s14 =	sshra.s32 @!p0 s12, $0x1F;
	p1 =	por !p1, p0  }
0x10: {  	s12 =	sand.u32 @!p0 s14, s12;
	s13 =	simm.s32 @p1 $0x3D01  }
0x11: {  	s12 =	ssub.s32 @!p0 s13, s12  }
0x12: {  	s12 =	sadd.s32 @!p0 $0xFFFFC2FF, s12  }
0x13: {  	s13 =	sshll.u32 @!p0 s12, $0xC  }
0x14: {  	p1 =	sgt.s32 @!p0 s12, $0x7;
	s12 =	ssub.s32 @!p0 $0x8000, s13  }
0x15: {  	s14 =	sadd.s32 $0x100, s9;
	p1 =	por !p1, p0;
	s12 =	sshrl.u32 @!p0 s12, $0x2  }
0x16: {  	s12 =	simm.s32 @!p1 $0x0;
	p1 =	sgt.s32 s14, $0x3D08  }
0x17: {  	s14 =	smov.u32 @p1 s3;
	p1 =	sne.s32 s11, s7  }
.Ltmp1:
0x18: {  	_ = 	snop;
	(pc) =	sbr.rel @!p1 .LBB1_11-.Ltmp1, $4  }
0x19: {  	s13 =	simm.s32 @!p0 $0x2  }
0x1a: {  	_ =	swait.ge @!p0 [sflag:s13], s12;
	s15 =	ssub.s32 @!p0 $0x0, s12  }
0x1b: {  	s12 =	smov.u32 s10;
	s11 =	sadd.s32 $0x1, s11;
	[sflag:s13] =	ssyncset.done @!p0 $0x0  }
0x1c: {  	s10 =	smov.u32 s9;
	s9 =	smov.u32 s14;
	[sflag:s13] =	ssyncadd.s32 @!p0 s15  }
.LBB1_1:
0x1d: {  	p0 =	sgt.u32 s11, s6  }
0x1e: {  	p1 =	sgt.s32 @!p0 s9, $0x3D01  }
0x1f: {  	s13 =	smov.u32 s9;
	s14 =	sshra.s32 @!p0 s9, $0x1F;
	p1 =	por !p1, p0  }
0x20: {  	s14 =	sand.u32 @!p0 s14, s9;
	s13 =	simm.s32 @p1 $0x3D01  }
0x21: {  	s13 =	ssub.s32 @!p0 s13, s14  }
0x22: {  	s13 =	sadd.s32 @!p0 $0xFFFFC2FF, s13  }
0x23: {  	s15 =	sshll.u32 @!p0 s9, $0x7;
	s16 =	simm.s32 @!p0 $0x0;
	s14 =	sshll.u32 @!p0 s13, $0xC  }
0x24: {  	p1 =	sgt.s32 @!p0 s13, $0x7;
	s13 =	ssub.s32 @!p0 $0x8000, s14;
	s14 =	sxor.u32 @!p0 $0xFFFFFFFF, s11  }
0x25: {  	p1 =	por !p1, p0;
	s13 =	sshrl.u32 @!p0 s13, $0x2;
	s14 =	sshll.u32 @!p0 s14, $0xD  }
0x26: {  	s15 =	sadd.s32 @!p0 s2, s15;
	s13 =	simm.s32 @!p1 $0x0;
	s14 =	sand.u32 @!p0 $0x2000, s14  }
0x27: {  	[tilespmem:s14], [sflag:$0x1] =	stream.linear.gather @!p0 [hbm4b:s15+s16], s13, $0x38;
	[tilespmem:$0x8000] =	vst v63  }
0x28: {  	p0 =	seq.s32 s11, $0x0  }
0x29: {  	p1 =	sge.u32 @!p0 s11, s7  }
0x2a: {  	p0 =	por p0, p1  }
.Ltmp2:
0x2b: {  	_ = 	snop;
	(pc) =	sbr.rel @p0 .LBB1_10-.Ltmp2, $1  }
0x2c: {  	_ =	sdelay $0x3  }
0x2d: {  	p0 =	sgt.s32 s10, $0x3D01;
	s13 =	smov.u32 s10;
	s14 =	sshra.s32 s10, $0x1F  }
0x2e: {  	s13 =	simm.s32 @!p0 $0x3D01;
	s14 =	sand.u32 s14, s10  }
0x2f: {  	s13 =	ssub.s32 s13, s14  }
0x30: {  	s13 =	sadd.s32 $0xFFFFC2FF, s13  }
0x31: {  	s31 =	sshll.u32 s13, $0xC  }
0x32: {  	s14 =	ssub.s32 $0x8000, s31  }
0x33: {  	p0 =	sgt.s32 s13, $0x7;
	s13 =	sshrl.u32 s14, $0x2;
	s14 =	sadd.s32 $0x8, s10  }
0x34: {  	s13 =	simm.s32 @p0 $0x0;
	p0 =	slt.s32 s14, $0x3D09  }
0x35: {  	s14 =	simm.s32 @!p0 $0x3D09  }
0x36: {  	s14 =	ssub.s32 s14, s10  }
0x37: {  	p0 =	slt.s32 s14, $0x1  }
.Ltmp3:
0x38: {  	_ = 	snop;
	(pc) =	sbr.rel @p0 .LBB1_9-.Ltmp3, $4  }
0x39: {  	s16 =	sshll.u32 s11, $0xF  }
0x3a: {  	s16 =	sand.u32 $0x8000, s16;
	_ =	swait.ge [sflag:s5], s13  }
0x3b: {  	s16 =	sshrl.u32 s16, $0x2;
	s15 =	ssub.s32 $0x0, s13;
	[sflag:s5] =	ssyncset.done $0x0  }
0x3c: {  	[sflag:s5] =	ssyncadd.s32 s15;
	s15 =	sor.u32 $0x4000, s16  }
0x3d: {  	s17 =	simm.s32 $0x0  }
.LBB1_4:
0x3e: {  	s18 =	sshll.u32 s17, $0xC  }
0x3f: {  	s18 =	sshra.s32 s18, $0x2  }
0x40: {  	s19 =	sadd.s32 s18, s16  }
0x41: {  	s20 =	sadd.s32 $0x100, s19;
	v0 =	vmov s19  }
0x42: {  	s21 =	sadd.s32 $0x200, s19;
	v1 =	vmov s20  }
0x43: {  	s22 =	sadd.s32 $0x300, s19;
	v2 =	vmov s21  }
0x44: {  	p1 =	por $0x1, $0x1;
	s18 =	sadd.s32 s18, s15;
	v3 =	vmov s22;
	s20 =	simm.s32 $0x0  }
.LBB1_5:
0x45: {  	s19 =	sshll.u32 s20, $0x7  }
0x46: {  	s21 =	sand.u32 $0x3FFFFF80, s19  }
0x47: {  	p0 =	por p1, p1;
	s21 =	sadd.s32 s21, s18  }
0x48: {  	s22 =	sadd.s32 $0x80, s21;
	s23 =	sadd.s32 $0x100, s21;
	s24 =	sadd.s32 $0x180, s21;
	v4 =	vmov s21  }
0x49: {  	s20 =	sshll.u32 s20, $0x5;
	p1 =	por $0x1, $0x1;
	s21 =	simm.s32 $0x0;
	v5 =	vmov s22;
	v6 =	vmov s23;
	v7 =	vmov s24  }
.LBB1_6:
0x4a: {  	s22 =	sor.u32 s20, s21  }
0x4b: {  	v8 =	vld.idx.msk [tilespmem:v0+s22+$0x0 ss:$0x1], $0xffff  }
0x4c: {  	v9 =	vld.idx.msk [tilespmem:v1+s22+$0x0 ss:$0x1], $0xffff  }
0x4d: {  	v10 =	vld.idx.msk [tilespmem:v2+s22+$0x0 ss:$0x1], $0xffff;
	_ =	sdelay $0x1  }
0x4e: {  	v13 =	vld.idx.msk [tilespmem:v3+s22+$0x0 ss:$0x1], $0xffff  }
0x4f: {  	v24 =	vld.idx.msk [tilespmem:v0+s22+$0x10 ss:$0x1], $0xffff;
	v11 =	vshrl.u32 v8, $0x10;
	v12 =	vshrl.u32 v8, $0x8;
	v14 =	vshrl.u32 v8, $0x18  }
0x50: {  	v38 =	vld.idx.msk [tilespmem:v1+s22+$0x10 ss:$0x1], $0xffff;
	v8 =	vand.u32 $0xFF, v8;
	v15 =	vshrl.u32 v9, $0x10;
	v16 =	vshrl.u32 v9, $0x8  }
0x51: {  	v43 =	vld.idx.msk [tilespmem:v2+s22+$0x10 ss:$0x1], $0xffff;
	v17 =	vshrl.u32 v9, $0x18;
	v9 =	vand.u32 $0xFF, v9;
	v18 =	vshrl.u32 v10, $0x10  }
0x52: {  	v46 =	vld.idx.msk [tilespmem:v3+s22+$0x10 ss:$0x1], $0xffff;
	v19 =	vshrl.u32 v10, $0x8;
	v20 =	vshrl.u32 v10, $0x18;
	v10 =	vand.u32 $0xFF, v10  }
0x53: {  	v21 =	vshrl.u32 v13, $0x18;
	v22 =	vshrl.u32 v13, $0x10;
	v23 =	vshrl.u32 v13, $0x8  }
0x54: {  	v13 =	vand.u32 $0xFF, v13;
	v44 =	vshrl.u32 v24, $0x10;
	v45 =	vshrl.u32 v24, $0x8  }
0x55: {  	v47 =	vshrl.u32 v24, $0x18;
	v48 =	vand.u32 $0xFF, v24;
	v49 =	vshrl.u32 v38, $0x10  }
0x56: {  	v50 =	vshrl.u32 v38, $0x8;
	v51 =	vshrl.u32 v38, $0x18;
	v52 =	vshrl.u32 v43, $0x10  }
0x57: {  	v53 =	vshrl.u32 v43, $0x8;
	v54 =	vshrl.u32 v43, $0x18;
	v25 =	vshrl.u32 v46, $0x10  }
0x58: {  	v26 =	vand.u32 $0xFF, v46;
	v55 =	vshrl.u32 v46, $0x8;
	v11 =	vand.u32 $0xFF, v11  }
0x59: {  	v12 =	vand.u32 $0xFF, v12;
	v15 =	vand.u32 $0xFF, v15;
	v16 =	vand.u32 $0xFF, v16  }
0x5a: {  	v18 =	vand.u32 $0xFF, v18;
	v19 =	vand.u32 $0xFF, v19;
	v22 =	vand.u32 $0xFF, v22  }
0x5b: {  	v23 =	vand.u32 $0xFF, v23;
	v8 =	vpack.i.b32.b16 v10, v8;
	v9 =	vpack.i.b32.b16 v13, v9  }
0x5c: {  	s23 =	sshll.u32 s21, $0x2;
	v41 =	vpack.i.b32.b16 v20, v14;
	v42 =	vpack.i.b32.b16 v21, v17;
	v13 =	vand.u32 $0xFF, v44  }
0x5d: {  	s21 =	sor.u32 $0x80, s23;
	v20 =	vand.u32 $0xFF, v50;
	v14 =	vand.u32 $0xFF, v43;
	v25 =	vand.u32 $0xFF, v25  }
0x5e: {  	s31 =	sor.u32 s19, s21;
	v62 =	vpack.i.b32.b16 v54, v47;
	v8 =	vpack.i.b16.b8 v9, v8;
	v36 =	vpack.i.b32.b16 v19, v12  }
0x5f: {  	s22 =	sshra.s32 s31, $0x2;
	v37 =	vpack.i.b32.b16 v23, v16;
	v39 =	vpack.i.b32.b16 v18, v11;
	v40 =	vpack.i.b32.b16 v22, v15  }
0x60: {  	v56 =	vld.idx.msk [tilespmem:v0+s22+$0x0 ss:$0x1], $0xffff;
	v11 =	vpack.i.b16.b8 v42, v41;
	v15 =	vand.u32 $0xFF, v45;
	v19 =	vand.u32 $0xFF, v49  }
0x61: {  	v59 =	vld.idx.msk [tilespmem:v1+s22+$0x0 ss:$0x1], $0xffff;
	v12 =	vand.u32 $0xFF, v38;
	v22 =	vand.u32 $0xFF, v52;
	v23 =	vand.u32 $0xFF, v53  }
0x62: {  	v61 =	vld.idx.msk [tilespmem:v2+s22+$0x0 ss:$0x1], $0xffff;
	v14 =	vpack.i.b32.b16 v14, v48;
	v16 =	vshrl.u32 v46, $0x18;
	v18 =	vand.u32 $0xFF, v55  }
0x63: {  	v63 =	vld.idx.msk [tilespmem:v3+s22+$0x0 ss:$0x1], $0xffff;
	v9 =	vpack.i.b16.b8 v37, v36;
	v10 =	vpack.i.b16.b8 v40, v39;
	v12 =	vpack.i.b32.b16 v26, v12  }
0x64: {  	v57 =	vpack.i.b32.b16 v23, v15;
	v58 =	vpack.i.b32.b16 v18, v20;
	v13 =	vpack.i.b32.b16 v22, v13  }
0x65: {  	v60 =	vpack.i.b32.b16 v25, v19;
	v16 =	vpack.i.b32.b16 v16, v51;
	v25 =	vshrl.u32 v56, $0x10  }
0x66: {  	v27 =	vshrl.u32 v56, $0x8;
	v28 =	vshrl.u32 v56, $0x18;
	v29 =	vand.u32 $0xFF, v56  }
0x67: {  	v30 =	vshrl.u32 v59, $0x18;
	v31 =	vshrl.u32 v59, $0x10;
	v32 =	vshrl.u32 v59, $0x8  }
0x68: {  	s23 =	sshra.s32 s23, $0x2;
	v33 =	vand.u32 $0xFF, v61;
	v18 =	vand.u32 $0xFF, v59;
	v34 =	vand.u32 $0xFF, v63  }
0x69: {  	v35 =	vshrl.u32 v61, $0x10;
	[tilespmem:v4+s23+$0x0 ss:$0x1] =	vst.idx.msk $0xffff, v8;
	v8 =	vshrl.u32 v61, $0x18;
	v19 =	vshrl.u32 v61, $0x8  }
0x6a: {  	v37 =	vshrl.u32 v63, $0x8;
	v39 =	vshrl.u32 v63, $0x10;
	v40 =	vshrl.u32 v63, $0x18  }
0x6b: {  	v12 =	vpack.i.b16.b8 v12, v14;
	v14 =	vpack.i.b16.b8 v58, v57;
	v13 =	vpack.i.b16.b8 v60, v13  }
0x6c: {  	v15 =	vpack.i.b16.b8 v16, v62;
	v16 =	vand.u32 $0xFF, v25;
	v20 =	vand.u32 $0xFF, v27  }
0x6d: {  	[tilespmem:v7+s23+$0x0 ss:$0x1] =	vst.idx.msk $0xffff, v11;
	v24 =	vand.u32 $0xFF, v31;
	v22 =	vpack.i.b32.b16 v33, v29;
	v25 =	vand.u32 $0xFF, v32  }
0x6e: {  	v43 =	vld.idx.msk [tilespmem:v2+s22+$0x10 ss:$0x1], $0xffff;
	v18 =	vpack.i.b32.b16 v34, v18;
	v26 =	vand.u32 $0xFF, v35;
	[tilespmem:v5+s23+$0x0 ss:$0x1] =	vst.idx.msk $0xffff, v9;
	v36 =	vand.u32 $0xFF, v19  }
0x6f: {  	v38 =	vld.idx.msk [tilespmem:v0+s22+$0x10 ss:$0x1], $0xffff;
	[tilespmem:v6+s23+$0x0 ss:$0x1] =	vst.idx.msk $0xffff, v10;
	v19 =	vand.u32 $0xFF, v37;
	v10 =	vand.u32 $0xFF, v39;
	v8 =	vpack.i.b32.b16 v8, v28  }
0x70: {  	v42 =	vld.idx.msk [tilespmem:v1+s22+$0x10 ss:$0x1], $0xffff;
	v11 =	vpack.i.b32.b16 v40, v30;
	v18 =	vpack.i.b16.b8 v18, v22;
	v9 =	vpack.i.b32.b16 v36, v20  }
0x71: {  	v41 =	vpack.i.b32.b16 v19, v25;
	v16 =	vpack.i.b32.b16 v26, v16;
	v10 =	vpack.i.b32.b16 v10, v24  }
0x72: {  	v46 =	vld.idx.msk [tilespmem:v3+s22+$0x10 ss:$0x1], $0xffff;
	v8 =	vpack.i.b16.b8 v11, v8;
	v9 =	vpack.i.b16.b8 v41, v9;
	v10 =	vpack.i.b16.b8 v10, v16  }
0x73: {  	v53 =	vshrl.u32 v43, $0x18;
	v54 =	vshrl.u32 v43, $0x8;
	v55 =	vshrl.u32 v43, $0x10  }
0x74: {  	[tilespmem:v4+s23+$0x10 ss:$0x1] =	vst.idx.msk $0xffff, v12;
	v16 =	vand.u32 $0xFF, v43;
	v44 =	vshrl.u32 v38, $0x10;
	v45 =	vshrl.u32 v38, $0x8  }
0x75: {  	[tilespmem:v5+s23+$0x10 ss:$0x1] =	vst.idx.msk $0xffff, v14;
	v47 =	vshrl.u32 v38, $0x18;
	v48 =	vand.u32 $0xFF, v38;
	v49 =	vshrl.u32 v42, $0x10  }
0x76: {  	[tilespmem:v6+s23+$0x10 ss:$0x1] =	vst.idx.msk $0xffff, v13;
	v50 =	vshrl.u32 v42, $0x8;
	v51 =	vshrl.u32 v42, $0x18;
	v52 =	vand.u32 $0xFF, v42  }
0x77: {  	s21 =	sshrl.u32 s21, $0x2;
	[tilespmem:v7+s23+$0x10 ss:$0x1] =	vst.idx.msk $0xffff, v15;
	v22 =	vand.u32 $0xFF, v54;
	v56 =	vshrl.u32 v46, $0x10;
	v57 =	vshrl.u32 v46, $0x8  }
0x78: {  	[tilespmem:v5+s21+$0x0 ss:$0x1] =	vst.idx.msk $0xffff, v9;
	v58 =	vand.u32 $0xFF, v46;
	v9 =	vand.u32 $0xFF, v55;
	v11 =	vand.u32 $0xFF, v44  }
0x79: {  	[tilespmem:v4+s21+$0x0 ss:$0x1] =	vst.idx.msk $0xffff, v18;
	v12 =	vand.u32 $0xFF, v45;
	v20 =	vand.u32 $0xFF, v49;
	v21 =	vand.u32 $0xFF, v50  }
0x7a: {  	[tilespmem:v7+s21+$0x0 ss:$0x1] =	vst.idx.msk $0xffff, v8;
	v8 =	vand.u32 $0xFF, v57;
	v13 =	vpack.i.b32.b16 v16, v48;
	v59 =	vpack.i.b32.b16 v58, v52  }
0x7b: {  	p2 =	por p1, p1;
	[tilespmem:v6+s21+$0x0 ss:$0x1] =	vst.idx.msk $0xffff, v10;
	v10 =	vand.u32 $0xFF, v56;
	v12 =	vpack.i.b32.b16 v22, v12;
	v8 =	vpack.i.b32.b16 v8, v21  }
.Ltmp4:
0x7c: {  	v62 =	vpack.i.b32.b16 v53, v47;
	v13 =	vpack.i.b16.b8 v59, v13;
	v8 =	vpack.i.b16.b8 v8, v12;
	(pc) =	sbr.rel @p2 .LBB1_6-.Ltmp4, $4  }
0x7d: {  	v60 =	vshrl.u32 v46, $0x18;
	v61 =	vpack.i.b32.b16 v10, v20;
	[tilespmem:v5+s21+$0x10 ss:$0x1] =	vst.idx.msk $0xffff, v8;
	v8 =	vpack.i.b32.b16 v9, v11  }
0x7e: {  	v63 =	vpack.i.b32.b16 v60, v51;
	[tilespmem:v4+s21+$0x10 ss:$0x1] =	vst.idx.msk $0xffff, v13;
	v8 =	vpack.i.b16.b8 v61, v8  }
0x7f: {  	[tilespmem:v6+s21+$0x10 ss:$0x1] =	vst.idx.msk $0xffff, v8;
	v8 =	vpack.i.b16.b8 v63, v62  }
0x80: {  	p1 =	por $0x0, $0x0;
	[tilespmem:v7+s21+$0x10 ss:$0x1] =	vst.idx.msk $0xffff, v8;
	s21 =	simm.s32 $0x40  }
.Ltmp5:
0x81: {  	(pc) =	sbr.rel @p0 .LBB1_5-.Ltmp5, $2  }
0x82: {  	_ =	sdelay $0x2  }
0x83: {  	s20 =	simm.s32 $0x4;
	p1 =	por $0x0, $0x0  }
0x84: {  	s17 =	sadd.s32 $0x1, s17  }
0x85: {  	p0 =	sne.s32 s17, s14  }
.Ltmp6:
0x86: {  	_ = 	snop;
	(pc) =	sbr.rel @p0 .LBB1_4-.Ltmp6, $4  }
.Ltmp7:
0x87: {  	_ = 	snop;
	(pc) =	sbr.rel @!p0 .LBB1_9-.Ltmp7, $4  }
0x88: {  	_ = 	snop  }
0x89: {  	_ = 	snop  }
0x8a: {  	_ = 	snop  }
0x8b: {  	_ = 	snop  }
.LBB1_11:
0x8c: {  	_ =	sfence.sel $0x180000  }
0x8d: {  	s2 =	simm.s32 $0x1;
	[bflag:$0x0] =	sbarrier.arrive $0xFFFF  }
0x8e: {  	s31 =	simm.s32 $0x2;
	[sflag:s2] =	ssyncpa.u1 $0x1  }
0x8f: {  	[sflag:s31] =	ssyncpa.u1 $0x1  }
0x90: {  	p0 =	sne.s32 s1, $0x0;
	_ =	strace $0x90000047  }
0x91: {  	s0 =	sadd.s32 @!p0 $0x100000, s0;
	[bflag:$0x2] =	sbarrier.arrive $0xFFFF  }
0x92: {  	[sflag:s0] =	ssyncadd.tile.s32 @!p0 $0x1;
	_ =	shalt  }
.Lfunc_end1:
_tile_overlayer_lowered:
.L_overlay_start_2:
0x93: {  	(tag) =	ssettag $0x2  }
0x94: {  	s0 =	rddreg [dreg:$0x0];
	s2 =	stileid.u32  }
0x95: {  	s1 =	rddreg [dreg:$0x1];
	p0 =	sne.s32 s2, $0x0  }
0x96: {  	s3 =	rddreg [dreg:$0x2];
	[bflag:$0x3] =	sbarrier.arrive $0xFFFF;
	s2 =	simm.s32 @!p0 $0x1C01  }
0x97: {  	[timem:s3], [sflag:s2] =	dma.local @!p0 [hbm:s0], s1  }
0x98: {  	s0 =	simm.s32 @!p0 $0x1  }
0x99: {  	_ =	swait.ge @!p0 [sflag:s0], s1  }
0x9a: {  	s1 =	ssub.s32 @!p0 $0x0, s1;
	[sflag:s0] =	ssyncset.done @!p0 $0x0  }
0x9b: {  	[sflag:s0] =	ssyncadd.s32 @!p0 s1  }
0x9c: {  	[bflag:$0x3] =	sbarrier.arrive $0xFFFF  }
0x9d: {  	_ =	shalt  }

// kernel: sparse-core-data-format-call.cloned.1.call-start
scs
called_computation_lowered:
.L_overlay_start_0:
0x0: {  	s2 =	sld [smem:$0x3FD9]  }
0x1: {  	s3 =	sld [smem:$0x3FFE];
	_ =	sdelay $0x1  }
0x2: {  	s1 =	srdreg.scid  }
0x3: {  	s0 =	sand.u32 $0x1, s1  }
0x4: {  	s18 =	sshll.u32 s0, $0xA;
	s2 =	sadd.s32 s3, s2  }
0x5: {  	s2 =	sadd.s32 s2, s18  }
0x6: {  	[smem:$0x3FC5] =	sst s2  }
0x7: {  	_ = 	snop  }
0x8: {  	s2 =	sld [smem:$0x3FD0];
	(tm) =	ssettm $0x1  }
0x9: {  	s19 =	sld [smem:$0x3FFB];
	_ =	sdelay $0x3  }
0xa: {  	_ =	strace s19  }
0xb: {  	s3 =	sld [smem:$0x3FFC];
	_ =	sdelay $0x3  }
0xc: {  	_ =	strace s3  }
0xd: {  	s3 =	sld [smem:$0x3FFD];
	_ =	sdelay $0x3  }
0xe: {  	_ =	strace s3  }
0xf: {  	_ =	strace $0x8FFFFFFF  }
0x10: {  	s20 =	sld [smem:$0x3FDB];
	_ =	sdelay $0x1  }
0x11: {  	s4 =	simm.s32 $_scs_section_size  }
0x12: {  	s5 =	simm.s32 $_size__tile_overlayer_lowered;
	s6 =	simm.s32 $_tile_overlayer_lowered  }
0x13: {  	s23 =	simm.s32 $0x1BFF;
	s22 =	sshll.u32 s6, $0x1;
	s3 =	sadd.s32 s4, s20  }
0x14: {  	s7 =	simm.s32 $0x0;
	s21 =	sshll.u32 s5, $0x1;
	s5 =	sadd.s32 s22, s3  }
0x15: {  	[timem:s7], [sflag:s23] =	dma.local [hbm:s5], s21  }
0x16: {  	_ =	swait.ge [sflag:s23], s21  }
0x17: {  	s4 =	ssub.s32 $0x0, s21;
	[sflag:s23] =	ssyncset.done $0x0  }
0x18: {  	[sflag:s23] =	ssyncadd.s32 s4;
	_ =	sdelay $0x1  }
0x19: {  	s24 =	simm.s32 $0x1B8B  }
0x1a: {  	_ =	swait.ge [sflag:s24], $0x1  }
0x1b: {  	[sflag:s24] =	ssyncset.done $0x0  }
0x1c: {  	s26 =	simm.s32 $0x1B8E;
	s25 =	sld [smem:$0x3FFE];
	[sflag:s24] =	ssyncadd.s32 $0xFFFFFFFF  }
0x1d: {  	s27 =	simm.s32 $execute0_lowered;
	[smem:$0x3FD2] =	sst s26  }
0x1e: {  	s5 =	sshll.u32 s27, $0x1;
	_ =	strace $0x8000004F;
	[dreg:$0x1] =	wrdreg $0xFFFFFFFF  }
0x1f: {  	s28 =	simm.s32 $_size_execute0_lowered;
	s3 =	sadd.s32 s3, s5;
	[dreg:$0x0] =	wrdreg $0x0  }
0x20: {  	s5 =	sshll.u32 s28, $0x1;
	[dreg:$0x2] =	wrdreg s3  }
0x21: {  	[dreg:$0x3] =	wrdreg s5  }
0x22: {  	[dreg:$0x4] =	wrdreg $0xC0  }
0x23: {  	_ =	task [dreg:s7], $0x5FFFF  }
0x24: {  	[dreg:$0x1] =	wrdreg $0xFFFFFFFF  }
0x25: {  	[dreg:$0x0] =	wrdreg $0x60  }
0x26: {  	[dreg:$0x2] =	wrdreg s25  }
0x27: {  	[dreg:$0x3] =	wrdreg s2  }
0x28: {  	[dreg:$0x4] =	wrdreg $0x9  }
0x29: {  	_ =	task.clear_ibuf [dreg:s7], $0x5FFFF;
	_ =	strace $0x9000004F  }
0x2a: {  	s29 =	simm.s32 $0x9;
	_ =	strace $0x80000051  }
0x2b: {  	_ =	swait.ge [sflag:s29], $0x1  }
0x2c: {  	[sflag:s29] =	ssyncadd.s32 $0xFFFFFFFF  }
0x2d: {  	_ =	strace $0x90000051  }
0x2e: {  	_ =	sfence  }
0x2f: {  	s30 =	sld [smem:$0x0];
	_ =	sdelay $0x2  }
0x30: {  	s31 =	sshll.u32 s1, $0xD;
	s1 =	sshrl.u32 s1, $0x2  }
0x31: {  	s3 =	sand.u32 $0x4000, s31;
	s1 =	sadd.s32 s1, s30  }
0x32: {  	s0 =	sor.u32 s3, s0;
	s1 =	sshll.u32 s1, $0x11  }
0x33: {  	s0 =	sor.u32 s1, s0  }
0x34: {  	s0 =	sadd.s32 $0x8F2B, s0  }
0x35: {  	[sflag:s0] =	ssyncadd.remote.s32 $0x1  }
0x36: {  	_ =	sfence.sel $0xFFFF  }
0x37: {  	[dreg:$0x0] =	wrdreg $0xFFFFFFFF;
	(pc) =	sbr.abs _section_cstart, $3  }
0x38: {  	[dreg:$0x1] =	wrdreg $0xFFFFFFFF  }
0x39: {  	_ =	task.clear_ibuf [dreg:s7], $0x2FFFF;
	_ =	strace $0x9FFFFFFF  }
0x3a: {  	(tm) =	ssettm $0x7FFFFFFF  }
0x3b: {  	_ =	shalt  }
tec
execute0_lowered:
.L_overlay_start_1:
0x0: {  	(tag) =	ssettag $0x1  }
0x1: {  	s0 =	srdreg.scid  }
0x2: {  	s1 =	sshll.u32 s0, $0x4  }
0x3: {  	s0 =	stileid.u32;
	s1 =	sand.u32 $0x10, s1  }
0x4: {  	s1 =	sor.u32 s0, s1  }
0x5: {  	s6 =	rddreg [dreg:$0x0];
	s4 =	simm.s32 $0x1;
	s2 =	sshll.u32 s1, $0x7  }
0x6: {  	s7 =	simm.s32 $0x2;
	s12 =	simm.s32 $0x0;
	s1 =	ssub.s32 $0x1000, s2  }
0x7: {  	s8 =	simm.s32 $0x8000;
	s13 =	simm.s32 $0x0;
	s3 =	sand.u32 $0xF80, s1  }
0x8: {  	s9 =	simm.s32 $0x0;
	s5 =	sshrl.u32 s1, $0xC;
	p0 =	sne.s32 s3, $0x0  }
.Ltmp0:
0x9: {  	s1 =	rddreg [dreg:$0x2];
	s4 =	simm.s32 @!p0 $0x0;
	(pc) =	sbr.rel .LBB1_1-.Ltmp0, $4  }
0xa: {  	s11 =	simm.s32 $0x0;
	s3 =	rddreg [dreg:$0x1];
	s5 =	sadd.s32 s4, s5  }
0xb: {  	_ =	strace $0x80000050;
	s4 =	simm.s32 $0x1;
	s5 =	smul.u32 $0xC8, s5  }
0xc: {  	s6 =	sadd.s32 $0x1200, s6;
	s10 =	smov.u32 s2;
	[sflag:s4] =	ssyncpa.u1 $0x0  }
0xd: {  	p0 =	por $0x0, $0x0;
	[sflag:s7] =	ssyncpa.u1 $0x0;
	s7 =	sor.u32 $0x1, s5  }
.LBB1_4:
0xe: {  	s16 =	sshll.u32 s13, $0x3;
	s17 =	sand.u32 $0x78, s13  }
0xf: {  	s30 =	sand.u32 $0x7E00, s13;
	s12 =	sshll.u32 s12, $0xF;
	s16 =	sand.u32 $0xC00, s16  }
0x10: {  	[tilespmem:s15+$0x810 ss:$0x81] =	vst.msk $0xffff, v2;
	s31 =	sand.u32 $0x7, s13;
	s16 =	sor.u32 s17, s16;
	s17 =	sadd.s32 s3, s30  }
0x11: {  	[tilespmem:s15+$0x1020 ss:$0x81] =	vst.msk $0xffff, v0;
	s13 =	sshll.u32 s31, $0x12;
	s12 =	sadd.s32 s12, s17;
	s16 =	sshrl.u32 s16, $0x3  }
0x12: {  	[tilespmem:s15+$0x0 ss:$0x81] =	vst.msk $0xffff, v1;
	s13 =	sor.u32 $0x400, s13;
	s12 =	sadd.s32 s16, s12  }
0x13: {  	[hbm4b:s12+s13] =	stream.strided.scatter [tilespmem:s14], [sflag:$0x2], $0x2000, s8, s13, $0x20;
	[tilespmem:$0x8080] =	vst v63  }
.LBB1_5:
0x14: {  	s14 =	sadd.s32 $0x1, s9  }
0x15: {  	s12 =	sadd.s32 $0x1000, s10;
	s16 =	smov.u32 s10;
	p2 =	sgt.s32 s14, $0xC7  }
0x16: {  	s16 =	smov.u32 @p2 s12  }
0x17: {  	s14 =	simm.s32 @p2 $0x0;
	p2 =	sgt.s32 s16, $0xFFF  }
0x18: {  	s16 =	smov.u32 @p2 s2;
	p2 =	sne.s32 s11, s7  }
.Ltmp1:
0x19: {  	p1 =	slt.u32 s11, $0x2;
	(pc) =	sbr.rel @!p2 .LBB1_6-.Ltmp1, $4  }
0x1a: {  	s15 =	simm.s32 @!p1 $0x2  }
0x1b: {  	s13 =	smov.u32 s10;
	p0 =	por !p0, !p0;
	_ =	swait.ge @!p1 [sflag:s15], $0x2000  }
0x1c: {  	s12 =	smov.u32 s9;
	[sflag:s15] =	ssyncset.done @!p1 $0x0;
	s9 =	smov.u32 s14  }
0x1d: {  	s11 =	sadd.s32 $0x1, s11;
	[sflag:s15] =	ssyncadd.s32 @!p1 $0xFFFFE000;
	s10 =	smov.u32 s16  }
.LBB1_1:
0x1e: {  	p1 =	sge.u32 s11, s5  }
0x1f: {  	s14 =	sand.u32 @!p1 $0x1FFFFFF, s9  }
0x20: {  	s15 =	smulhi.u32 @!p1 $0x147AE15, s14;
	_ =	sdelay $0x1  }
0x21: {  	s15 =	smul.u32 @!p1 $0xC8, s15  }
0x22: {  	s16 =	sxor.u32 @!p1 $0xFFFFFFFF, s11;
	s17 =	smul.u32 @!p1 $0xC80, s10  }
0x23: {  	s31 =	sadd.s32 $0xFFFFFFFF, s11;
	s16 =	sshll.u32 @!p1 s16, $0xD;
	s14 =	ssub.s32 @!p1 s14, s15  }
0x24: {  	s15 =	sand.u32 @!p1 $0x2000, s16;
	s16 =	sadd.s32 @!p1 s6, s17;
	s14 =	sshll.u32 @!p1 s14, $0x4  }
0x25: {  	s17 =	simm.s32 @!p1 $0x6400;
	s14 =	sadd.s32 @!p1 s14, s16;
	s16 =	simm.s32 @!p1 $0x40  }
0x26: {  	[tilespmem:s15], [sflag:$0x1] =	stream.strided.gather @!p1 [hbm4b:s14+s16], $0x2000, s17, s16, $0x38;
	[tilespmem:$0x8080] =	vst v63  }
0x27: {  	p1 =	sge.u32 s31, s5  }
.Ltmp2:
0x28: {  	_ = 	snop;
	(pc) =	sbr.rel @p1 .LBB1_5-.Ltmp2, $1  }
0x29: {  	_ =	sdelay $0x3  }
0x2a: {  	s14 =	simm.s32 $0x1  }
0x2b: {  	_ =	swait.ge [sflag:s4], $0x2000;
	s14 =	simm.s32 @!p0 $0x0  }
0x2c: {  	[sflag:s4] =	ssyncset.done $0x0;
	s15 =	sshll.u32 s14, $0xD  }
0x2d: {  	[sflag:s4] =	ssyncadd.s32 $0xFFFFE000;
	s18 =	sor.u32 $0x20, s15  }
0x2e: {  	s14 =	smul.u32 $0x8100, s14;
	v3 =	vld [tilespmem:s18+$0x10]  }
0x2f: {  	s30 =	sand.u32 $0x1, s11;
	v2 =	vld [tilespmem:s18+$0xFFFFFFF0]  }
0x30: {  	s15 =	smul.u32 $0x8100, s30;
	s14 =	sshrl.u32 s14, $0x2;
	v0 =	vld [tilespmem:s18+$0x0]  }
0x31: {  	v1 =	vld [tilespmem:s18+$0xFFFFFFE0];
	s16 =	sor.u32 $0x4000, s14  }
0x32: {  	s31 =	sshrl.u32 s15, $0x2;
	s15 =	sadd.s32 $0x0, s16  }
0x33: {  	s17 =	simm.s32 $0x4;
	s18 =	sadd.s32 $0x40, s18;
	s14 =	sor.u32 $0x4000, s31;
	[tilespmem:s15+$0x1830 ss:$0x81] =	vst.msk $0xffff, v3  }
.LBB1_3:
0x34: {  	v3 =	vld [tilespmem:s18+$0x10];
	p1 =	sne.s32 s17, $0x1FC;
	[tilespmem:s15+$0x810 ss:$0x81] =	vst.msk $0xffff, v2;
	s19 =	smov.u32 s17;
	s17 =	sadd.s32 $0x4, s17  }
.Ltmp3:
0x35: {  	v2 =	vld [tilespmem:s18+$0xFFFFFFF0];
	[tilespmem:s15+$0x1020 ss:$0x81] =	vst.msk $0xffff, v0;
	(pc) =	sbr.rel @p1 .LBB1_3-.Ltmp3, $4  }
0x36: {  	v0 =	vld [tilespmem:s18+$0x0];
	[tilespmem:s15+$0x0 ss:$0x81] =	vst.msk $0xffff, v1  }
0x37: {  	s15 =	sshra.s32 s19, $0x2;
	v1 =	vld [tilespmem:s18+$0xFFFFFFE0]  }
0x38: {  	s15 =	sadd.s32 s15, s16  }
0x39: {  	s18 =	sadd.s32 $0x40, s18;
	[tilespmem:s15+$0x1830 ss:$0x81] =	vst.msk $0xffff, v3  }
.Ltmp4:
0x3a: {  	_ = 	snop;
	(pc) =	sbr.rel .LBB1_4-.Ltmp4, $1  }
0x3b: {  	_ =	sdelay $0x3  }
.LBB1_6:
0x3c: {  	_ =	sfence.sel $0x180000  }
0x3d: {  	s2 =	simm.s32 $0x1;
	[bflag:$0x0] =	sbarrier.arrive $0xFFFF  }
0x3e: {  	s31 =	simm.s32 $0x2;
	[sflag:s2] =	ssyncpa.u1 $0x1  }
0x3f: {  	[sflag:s31] =	ssyncpa.u1 $0x1  }
0x40: {  	p0 =	sne.s32 s0, $0x0;
	_ =	strace $0x90000050  }
0x41: {  	s0 =	sadd.s32 @!p0 $0x100000, s1;
	[bflag:$0x2] =	sbarrier.arrive $0xFFFF  }
0x42: {  	[sflag:s0] =	ssyncadd.tile.s32 @!p0 $0x1;
	_ =	shalt  }
.Lfunc_end1:
_tile_overlayer_lowered:
.L_overlay_start_2:
0x43: {  	(tag) =	ssettag $0x2  }
0x44: {  	s0 =	rddreg [dreg:$0x0];
	s2 =	stileid.u32  }
0x45: {  	s1 =	rddreg [dreg:$0x1];
	p0 =	sne.s32 s2, $0x0  }
0x46: {  	s3 =	rddreg [dreg:$0x2];
	[bflag:$0x3] =	sbarrier.arrive $0xFFFF;
	s2 =	simm.s32 @!p0 $0x1C01  }
0x47: {  	[timem:s3], [sflag:s2] =	dma.local @!p0 [hbm:s0], s1  }
0x48: {  	s0 =	simm.s32 @!p0 $0x1  }
0x49: {  	_ =	swait.ge @!p0 [sflag:s0], s1  }
0x4a: {  	s1 =	ssub.s32 @!p0 $0x0, s1;
	[sflag:s0] =	ssyncset.done @!p0 $0x0  }
0x4b: {  	[sflag:s0] =	ssyncadd.s32 @!p0 s1  }
0x4c: {  	[bflag:$0x3] =	sbarrier.arrive $0xFFFF  }
0x4d: {  	_ =	shalt  }

</sc_bundles>
